<compile_context>
chip_gen: v7x
topology: tpu7x:2x2x1
jax: 0.10.2.dev20260603
libtpu: 0.0.44.dev20260713+nightly
codegen_flags: <defaults>
</compile_context>

<pallas_src>
import functools

import jax
import jax.numpy as jnp
from jax import lax
from jax.experimental import pallas as pl
from jax.experimental.pallas import tpu as pltpu
from jax.experimental.pallas import tpu_sc as plsc

N_NODES = 10000
N_EDGES = 320000
D = 128
DH = D // 2
N_CLS = 40

NCORE = 2
NSUB = 16
NW = NCORE * NSUB
K = 128
NROWS_E = N_EDGES // K
NCHF = 79
NCHL = NROWS_E - (NW - 1) * NCHF
ROWS_PER_TILE = N_NODES // NSUB


def _tile_ids():
    c = lax.axis_index("c")
    s = lax.axis_index("s")
    return c, s, c * NSUB + s


def _load_idx(idx_hbm, idx_v, wid):
    base = wid * NCHF
    is_last = wid == NW - 1

    @pl.when(jnp.logical_not(is_last))
    def _():
        pltpu.sync_copy(idx_hbm.at[pl.ds(base, NCHF)], idx_v)

    @pl.when(is_last)
    def _():
        pltpu.sync_copy(idx_hbm.at[pl.ds(base, NCHL)],
                        idx_v.at[pl.ds(0, NCHL)])



def _sc_degree_body(dst_hbm, ones_hbm, z_hbm, out_hbm, dst_v, ones_v, acc):
    c, s, wid = _tile_ids()
    nch = jnp.where(wid == NW - 1, NCHL, NCHF)
    pltpu.sync_copy(z_hbm, acc.at[pl.ds(s * ROWS_PER_TILE, ROWS_PER_TILE)])
    pltpu.sync_copy(ones_hbm, ones_v)
    _load_idx(dst_hbm, dst_v, wid)
    plsc.subcore_barrier()

    def step(j, carry):
        pltpu.sync_copy(ones_v, acc.at[dst_v.at[j]], add=True)
        return carry

    lax.fori_loop(0, nch, step, 0)
    plsc.subcore_barrier()
    pltpu.sync_copy(acc.at[pl.ds(s * ROWS_PER_TILE, ROWS_PER_TILE)],
                    out_hbm.at[c, pl.ds(s * ROWS_PER_TILE, ROWS_PER_TILE)])


@functools.cache
def _get_sc_degree():
    mesh = plsc.VectorSubcoreMesh(core_axis_name="c", subcore_axis_name="s",
                                  num_cores=NCORE, num_subcores=NSUB)
    return pl.kernel(
        _sc_degree_body,
        out_type=jax.ShapeDtypeStruct((NCORE, N_NODES, 16), jnp.float32),
        mesh=mesh,
        compiler_params=pltpu.CompilerParams(use_tc_tiling_on_sc=False),
        scratch_types=[
            pltpu.VMEM((NCHF, K), jnp.int32),
            pltpu.VMEM((K, 16), jnp.float32),
            pltpu.VMEM_SHARED((N_NODES, 16), jnp.float32),
        ],
    )


NBUF = 4


def _sc_scatter_body(g_lo_hbm, g_hi_hbm, src_hbm, dst_hbm, z_hbm, out_hbm,
                     src_v, dst_v, rows0, rows1, rows2, rows3,
                     acc, sem0, sem1, sem2, sem3):
    c, s, wid = _tile_ids()
    nch = jnp.where(wid == NW - 1, NCHL, NCHF)
    _load_idx(src_hbm, src_v, wid)
    _load_idx(dst_hbm, dst_v, wid)
    ring = ((rows0, sem0), (rows1, sem1), (rows2, sem2), (rows3, sem3))

    for g_hbm, col0 in ((g_lo_hbm, 0), (g_hi_hbm, DH)):
        pltpu.sync_copy(z_hbm, acc.at[pl.ds(s * ROWS_PER_TILE, ROWS_PER_TILE)])
        plsc.subcore_barrier()

        for k, (rows, sem) in enumerate(ring):
            pltpu.async_copy(g_hbm.at[src_v.at[k]], rows, sem)

        def step(i, carry):
            jb = NBUF * i
            for k, (rows, sem) in enumerate(ring):
                j = jb + k

                def one(j=j, rows=rows, sem=sem):
                    pltpu.make_async_copy(g_hbm.at[src_v.at[j]], rows,
                                          sem).wait()
                    pltpu.sync_copy(rows, acc.at[dst_v.at[j]], add=True)

                    @pl.when(j + NBUF < nch)
                    def _():
                        pltpu.async_copy(g_hbm.at[src_v.at[j + NBUF]], rows,
                                         sem)

                if k == 0:
                    one()
                else:
                    pl.when(j < nch)(one)
            return carry

        lax.fori_loop(0, (nch + NBUF - 1) // NBUF, step, 0)
        plsc.subcore_barrier()
        pltpu.sync_copy(
            acc.at[pl.ds(s * ROWS_PER_TILE, ROWS_PER_TILE)],
            out_hbm.at[c, pl.ds(s * ROWS_PER_TILE, ROWS_PER_TILE),
                       pl.ds(col0, DH)])
        plsc.subcore_barrier()


@functools.cache
def _get_sc_scatter():
    mesh = plsc.VectorSubcoreMesh(core_axis_name="c", subcore_axis_name="s",
                                  num_cores=NCORE, num_subcores=NSUB)
    return pl.kernel(
        _sc_scatter_body,
        out_type=jax.ShapeDtypeStruct((NCORE, N_NODES, D), jnp.float32),
        mesh=mesh,
        compiler_params=pltpu.CompilerParams(use_tc_tiling_on_sc=False),
        scratch_types=[
            pltpu.VMEM((NCHF, K), jnp.int32),
            pltpu.VMEM((NCHF, K), jnp.int32),
            pltpu.VMEM((K, DH), jnp.float32),
            pltpu.VMEM((K, DH), jnp.float32),
            pltpu.VMEM((K, DH), jnp.float32),
            pltpu.VMEM((K, DH), jnp.float32),
            pltpu.VMEM_SHARED((N_NODES, DH), jnp.float32),
            pltpu.SemaphoreType.DMA,
            pltpu.SemaphoreType.DMA,
            pltpu.SemaphoreType.DMA,
            pltpu.SemaphoreType.DMA,
        ],
    )



_MB = 2000
_GRID = N_NODES // _MB


def _dinv_from(p):
    deg = p[0, :, 0:1] + p[1, :, 0:1] + 1.0
    return lax.rsqrt(deg)


def _tc_a_body(x_ref, w_ref, degp_ref, glo_ref, ghi_ref, h_ref):
    h = jnp.dot(x_ref[...], w_ref[...], preferred_element_type=jnp.float32)
    dinv = _dinv_from(degp_ref[...])
    g = h * dinv
    h_ref[...] = h
    glo_ref[...] = g[:, :DH]
    ghi_ref[...] = g[:, DH:]


def _tc_mid_body(accp_ref, h_ref, degp_ref, w_ref, b_ref,
                 glo_ref, ghi_ref, h2_ref):
    dinv = _dinv_from(degp_ref[...])
    a = accp_ref[0] + accp_ref[1]
    z = jnp.maximum(a * dinv + h_ref[...] * (dinv * dinv) + b_ref[...], 0.0)
    h2 = jnp.dot(z, w_ref[...], preferred_element_type=jnp.float32)
    g2 = h2 * dinv
    h2_ref[...] = h2
    glo_ref[...] = g2[:, :DH]
    ghi_ref[...] = g2[:, DH:]


def _tc_out_body(accp_ref, h_ref, degp_ref, w_ref, b_ref, b3_ref,
                 o_ref):
    dinv = _dinv_from(degp_ref[...])
    a = accp_ref[0] + accp_ref[1]
    z = jnp.maximum(a * dinv + h_ref[...] * (dinv * dinv) + b_ref[...], 0.0)
    o_ref[...] = (jnp.dot(z, w_ref[...], preferred_element_type=jnp.float32)
                  + b3_ref[...])


_spec_m = pl.BlockSpec((_MB, D), lambda i: (i, 0))
_spec_mh = pl.BlockSpec((_MB, DH), lambda i: (i, 0))
_spec_w = pl.BlockSpec((D, D), lambda i: (0, 0))
_spec_degp = pl.BlockSpec((2, _MB, 16), lambda i: (0, i, 0))
_spec_acc = pl.BlockSpec((2, _MB, D), lambda i: (0, i, 0))
_spec_b = pl.BlockSpec((1, D), lambda i: (0, 0))

_sds_m = jax.ShapeDtypeStruct((N_NODES, D), jnp.float32)
_sds_mh = jax.ShapeDtypeStruct((N_NODES, DH), jnp.float32)

_tc_a = pl.pallas_call(
    _tc_a_body,
    grid=(_GRID,),
    in_specs=[_spec_m, _spec_w, _spec_degp],
    out_specs=[_spec_mh, _spec_mh, _spec_m],
    out_shape=[_sds_mh, _sds_mh, _sds_m],
)

_tc_mid = pl.pallas_call(
    _tc_mid_body,
    grid=(_GRID,),
    in_specs=[_spec_acc, _spec_m, _spec_degp, _spec_w, _spec_b],
    out_specs=[_spec_mh, _spec_mh, _spec_m],
    out_shape=[_sds_mh, _sds_mh, _sds_m],
)

_tc_out = pl.pallas_call(
    _tc_out_body,
    grid=(_GRID,),
    in_specs=[_spec_acc, _spec_m, _spec_degp,
              pl.BlockSpec((D, N_CLS), lambda i: (0, 0)), _spec_b,
              pl.BlockSpec((1, N_CLS), lambda i: (0, 0))],
    out_specs=pl.BlockSpec((_MB, N_CLS), lambda i: (i, 0)),
    out_shape=jax.ShapeDtypeStruct((N_NODES, N_CLS), jnp.float32),
)



def kernel(x, edge_index, W1, b1, W2, b2, W3, b3):
    ei = edge_index.astype(jnp.int32)
    src2 = ei[0].reshape(NROWS_E, K)
    dst2 = ei[1].reshape(NROWS_E, K)

    zeros16 = jnp.zeros((ROWS_PER_TILE, 16), jnp.float32)
    ones16 = jnp.ones((K, 16), jnp.float32)
    zerosh = jnp.zeros((ROWS_PER_TILE, DH), jnp.float32)

    sc_degree = _get_sc_degree()
    sc_scatter = _get_sc_scatter()
    degp = sc_degree(dst2, ones16, zeros16)

    g1lo, g1hi, h1 = _tc_a(x, W1, degp)
    accp1 = sc_scatter(g1lo, g1hi, src2, dst2, zerosh)
    g2lo, g2hi, h2 = _tc_mid(accp1, h1, degp, W2, b1.reshape(1, D))
    accp2 = sc_scatter(g2lo, g2hi, src2, dst2, zerosh)
    return _tc_out(accp2, h2, degp, W3, b2.reshape(1, D),
                   b3.reshape(1, N_CLS))

# --- scband reference (transcript-rebuilt; emitter-appended) ---
"""Pipeline reference for scband-gpool-net-25348896981066 (READ-ONLY COPY).

The authoritative reference and input builder live on the scoring server;
editing this copy changes nothing except your own understanding.
"""

import jax, jax.numpy as jnp
import numpy as np

N_NODES = 10000
N_EDGES = 320000
D_IN = 128
D_HID = 128
N_CLS = 40


def setup_inputs(seed: int = 0) -> dict:
    key = jax.random.key(seed)
    k1, k2, k3, k4, k5 = jax.random.split(key, 5)
    x = jax.random.normal(k1, (N_NODES, D_IN), dtype=jnp.float32)
    edge_index = jax.random.randint(k2, (2, N_EDGES), 0, N_NODES, dtype=jnp.int64)
    # GCNConv layer 1 params (glorot-ish init)
    W1 = jax.random.normal(k3, (D_IN, D_HID), dtype=jnp.float32) * (1.0 / np.sqrt(D_IN))
    b1 = jnp.zeros((D_HID,), dtype=jnp.float32)
    # GCNConv layer 2 params
    W2 = jax.random.normal(k4, (D_HID, D_HID), dtype=jnp.float32) * (1.0 / np.sqrt(D_HID))
    b2 = jnp.zeros((D_HID,), dtype=jnp.float32)
    # final Linear params
    W3 = jax.random.normal(k5, (D_HID, N_CLS), dtype=jnp.float32) * (1.0 / np.sqrt(D_HID))
    b3 = jnp.zeros((N_CLS,), dtype=jnp.float32)
    return {"x": x, "edge_index": edge_index, "W1": W1, "b1": b1, "W2": W2, "b2": b2, "W3": W3, "b3": b3}


def _gcn_conv(x, edge_index, W, b):
    # Standard GCNConv: x' = D^{-1/2} (A + I) D^{-1/2} (X W) + b
    n = x.shape[0]
    h = x @ W
    loop = jnp.arange(n, dtype=edge_index.dtype)
    src = jnp.concatenate([edge_index[0], loop])
    dst = jnp.concatenate([edge_index[1], loop])
    ones = jnp.ones(src.shape[0], dtype=h.dtype)
    deg = jax.ops.segment_sum(ones, dst, num_segments=n)
    dinv = jnp.where(deg > 0, deg ** -0.5, 0.0)
    norm = dinv[src] * dinv[dst]
    msg = h[src] * norm[:, None]
    out = jax.ops.segment_sum(msg, dst, num_segments=n)
    return out + b


def reference(x, edge_index, W1, b1, W2, b2, W3, b3):
    h = _gcn_conv(x, edge_index, W1, b1)
    h = jax.nn.relu(h)
    h = _gcn_conv(h, edge_index, W2, b2)
    h = jax.nn.relu(h)
    out = h @ W3 + b3
    return out

if __name__ == "__main__":
    import jax
    _d = setup_inputs()
    print(jax.jit(kernel)(*tuple(_d.values())))

</pallas_src>

<mosaic_0001>
#map = affine_map<(d0, d1) -> (0, 0)>
#map1 = affine_map<(d0, d1) -> (0, 0, 0)>
module attributes {stable_mosaic.version = 14 : i64} {
  func.func @_sc_degree_body(%arg0: i32, %arg1: i32, %arg2: memref<2500x128xi32, #tpu.memory_space<hbm>>, %arg3: memref<128x16xf32, #tpu.memory_space<hbm>>, %arg4: memref<625x16xf32, #tpu.memory_space<hbm>>, %arg5: memref<2x10000x16xf32, #tpu.memory_space<hbm>>, %arg6: memref<79x128xi32, #tpu.memory_space<vmem>>, %arg7: memref<128x16xf32, #tpu.memory_space<vmem>>, %arg8: memref<10000x16xf32, #tpu.memory_space<vmem_shared>>) attributes {dimension_semantics = [#tpu.dimension_semantics<core_parallel>, #tpu.dimension_semantics<subcore_parallel>], iteration_bounds = array<i64: 2, 16>, scalar_prefetch = 0 : i64, scratch_operands = 3 : i64, tpu.core_type = #tpu.core_type<sc_vector_subcore>, window_params = [{transform_indices = #map}, {transform_indices = #map}, {transform_indices = #map}, {transform_indices = #map1}]} {
    %mul3A = arith.constant 16 : i32
    %mul3A_0 = arith.muli %arg0, %mul3A : i32
    %add3A = arith.addi %mul3A_0, %arg1 : i32
    %eq3A = arith.constant 31 : i32
    %eq3A_1 = arith.cmpi eq, %add3A, %eq3A : i32
    %jit3A = arith.constant 51 : i32
    %jit3A_2 = arith.constant 79 : i32
    %select_n3A = arith.select %eq3A_1, %jit3A, %jit3A_2 : i32
    %mul3A_3 = arith.constant 625 : i32
    %mul3A_4 = arith.muli %arg1, %mul3A_3 : i32
    "tpu.region"() ({
      %run_scoped3A = tpu.sem_alloc : memref<!tpu.dma_semaphore, #tpu.memory_space<semaphore_mem>>
      %dma_start3A = arith.constant 0 : i32
      %dma_start3A_28 = tpu.memref_slice %arg8[%mul3A_4, %dma_start3A] : memref<10000x16xf32, #tpu.memory_space<vmem_shared>> -> memref<625x16xf32, #tpu.memory_space<vmem_shared>>
      tpu.enqueue_dma source(%arg4 : memref<625x16xf32, #tpu.memory_space<hbm>>) target(%dma_start3A_28 : memref<625x16xf32, #tpu.memory_space<vmem_shared>>) target_semaphore(%run_scoped3A : memref<!tpu.dma_semaphore, #tpu.memory_space<semaphore_mem>>)
      %dma_wait3A = arith.constant 0 : i32
      %dma_wait3A_29 = tpu.memref_slice %arg8[%mul3A_4, %dma_wait3A] : memref<10000x16xf32, #tpu.memory_space<vmem_shared>> -> memref<625x16xf32, #tpu.memory_space<vmem_shared>>
      tpu.wait_dma2 semaphore(%run_scoped3A : memref<!tpu.dma_semaphore, #tpu.memory_space<semaphore_mem>>) src(%arg4 : memref<625x16xf32, #tpu.memory_space<hbm>>) dst(%dma_wait3A_29 : memref<625x16xf32, #tpu.memory_space<vmem_shared>>)
      tpu.yield
    }) : () -> ()
    "tpu.region"() ({
      %run_scoped3A = tpu.sem_alloc : memref<!tpu.dma_semaphore, #tpu.memory_space<semaphore_mem>>
      tpu.enqueue_dma source(%arg3 : memref<128x16xf32, #tpu.memory_space<hbm>>) target(%arg7 : memref<128x16xf32, #tpu.memory_space<vmem>>) target_semaphore(%run_scoped3A : memref<!tpu.dma_semaphore, #tpu.memory_space<semaphore_mem>>)
      tpu.wait_dma2 semaphore(%run_scoped3A : memref<!tpu.dma_semaphore, #tpu.memory_space<semaphore_mem>>) src(%arg3 : memref<128x16xf32, #tpu.memory_space<hbm>>) dst(%arg7 : memref<128x16xf32, #tpu.memory_space<vmem>>)
      tpu.yield
    }) : () -> ()
    %mul3A_5 = arith.constant 79 : i32
    %mul3A_6 = arith.muli %add3A, %mul3A_5 : i32
    %eq3A_7 = arith.constant 31 : i32
    %eq3A_8 = arith.cmpi eq, %add3A, %eq3A_7 : i32
    %not3A = arith.constant true
    %not3A_9 = arith.xori %eq3A_8, %not3A : i1
    %convert_element_type3A = arith.extui %not3A_9 : i1 to i32
    %cond3A = arith.constant 0 : i32
    %cond3A_10 = arith.cmpi ne, %convert_element_type3A, %cond3A : i32
    scf.if %cond3A_10 {
      "tpu.region"() ({
        %run_scoped3A = tpu.sem_alloc : memref<!tpu.dma_semaphore, #tpu.memory_space<semaphore_mem>>
        %dma_start3A = arith.constant 0 : i32
        %dma_start3A_28 = tpu.memref_slice %arg2[%mul3A_6, %dma_start3A] : memref<2500x128xi32, #tpu.memory_space<hbm>> -> memref<79x128xi32, #tpu.memory_space<hbm>>
        %dma_start3A_29 = arith.constant 0 : i32
        %dma_start3A_30 = tpu.memref_slice %arg2[%mul3A_6, %dma_start3A_29] : memref<2500x128xi32, #tpu.memory_space<hbm>> -> memref<79x128xi32, #tpu.memory_space<hbm>>
        tpu.enqueue_dma source(%dma_start3A_30 : memref<79x128xi32, #tpu.memory_space<hbm>>) target(%arg6 : memref<79x128xi32, #tpu.memory_space<vmem>>) target_semaphore(%run_scoped3A : memref<!tpu.dma_semaphore, #tpu.memory_space<semaphore_mem>>)
        %dma_wait3A = arith.constant 0 : i32
        %dma_wait3A_31 = tpu.memref_slice %arg2[%mul3A_6, %dma_wait3A] : memref<2500x128xi32, #tpu.memory_space<hbm>> -> memref<79x128xi32, #tpu.memory_space<hbm>>
        %dma_wait3A_32 = arith.constant 0 : i32
        %dma_wait3A_33 = tpu.memref_slice %arg2[%mul3A_6, %dma_wait3A_32] : memref<2500x128xi32, #tpu.memory_space<hbm>> -> memref<79x128xi32, #tpu.memory_space<hbm>>
        tpu.wait_dma2 semaphore(%run_scoped3A : memref<!tpu.dma_semaphore, #tpu.memory_space<semaphore_mem>>) src(%dma_wait3A_33 : memref<79x128xi32, #tpu.memory_space<hbm>>) dst(%arg6 : memref<79x128xi32, #tpu.memory_space<vmem>>)
        tpu.yield
      }) : () -> ()
    } else {
    }
    %convert_element_type3A_11 = arith.extui %eq3A_8 : i1 to i32
    %cond3A_12 = arith.constant 0 : i32
    %cond3A_13 = arith.cmpi ne, %convert_element_type3A_11, %cond3A_12 : i32
    scf.if %cond3A_13 {
      "tpu.region"() ({
        %run_scoped3A = tpu.sem_alloc : memref<!tpu.dma_semaphore, #tpu.memory_space<semaphore_mem>>
        %dma_start3A = arith.constant 0 : i32
        %dma_start3A_28 = arith.constant 0 : i32
        %dma_start3A_29 = tpu.memref_slice %arg6[%dma_start3A, %dma_start3A_28] : memref<79x128xi32, #tpu.memory_space<vmem>> -> memref<51x128xi32, #tpu.memory_space<vmem>>
        %dma_start3A_30 = arith.constant 0 : i32
        %dma_start3A_31 = tpu.memref_slice %arg2[%mul3A_6, %dma_start3A_30] : memref<2500x128xi32, #tpu.memory_space<hbm>> -> memref<51x128xi32, #tpu.memory_space<hbm>>
        %dma_start3A_32 = arith.constant 0 : i32
        %dma_start3A_33 = arith.constant 0 : i32
        %dma_start3A_34 = tpu.memref_slice %arg6[%dma_start3A_32, %dma_start3A_33] : memref<79x128xi32, #tpu.memory_space<vmem>> -> memref<51x128xi32, #tpu.memory_space<vmem>>
        %dma_start3A_35 = arith.constant 0 : i32
        %dma_start3A_36 = tpu.memref_slice %arg2[%mul3A_6, %dma_start3A_35] : memref<2500x128xi32, #tpu.memory_space<hbm>> -> memref<51x128xi32, #tpu.memory_space<hbm>>
        tpu.enqueue_dma source(%dma_start3A_36 : memref<51x128xi32, #tpu.memory_space<hbm>>) target(%dma_start3A_34 : memref<51x128xi32, #tpu.memory_space<vmem>>) target_semaphore(%run_scoped3A : memref<!tpu.dma_semaphore, #tpu.memory_space<semaphore_mem>>)
        %dma_wait3A = arith.constant 0 : i32
        %dma_wait3A_37 = arith.constant 0 : i32
        %dma_wait3A_38 = tpu.memref_slice %arg6[%dma_wait3A, %dma_wait3A_37] : memref<79x128xi32, #tpu.memory_space<vmem>> -> memref<51x128xi32, #tpu.memory_space<vmem>>
        %dma_wait3A_39 = arith.constant 0 : i32
        %dma_wait3A_40 = tpu.memref_slice %arg2[%mul3A_6, %dma_wait3A_39] : memref<2500x128xi32, #tpu.memory_space<hbm>> -> memref<51x128xi32, #tpu.memory_space<hbm>>
        %dma_wait3A_41 = arith.constant 0 : i32
        %dma_wait3A_42 = arith.constant 0 : i32
        %dma_wait3A_43 = tpu.memref_slice %arg6[%dma_wait3A_41, %dma_wait3A_42] : memref<79x128xi32, #tpu.memory_space<vmem>> -> memref<51x128xi32, #tpu.memory_space<vmem>>
        %dma_wait3A_44 = arith.constant 0 : i32
        %dma_wait3A_45 = tpu.memref_slice %arg2[%mul3A_6, %dma_wait3A_44] : memref<2500x128xi32, #tpu.memory_space<hbm>> -> memref<51x128xi32, #tpu.memory_space<hbm>>
        tpu.wait_dma2 semaphore(%run_scoped3A : memref<!tpu.dma_semaphore, #tpu.memory_space<semaphore_mem>>) src(%dma_wait3A_45 : memref<51x128xi32, #tpu.memory_space<hbm>>) dst(%dma_wait3A_43 : memref<51x128xi32, #tpu.memory_space<vmem>>)
        tpu.yield
      }) : () -> ()
    } else {
    }
    %barrier3A = arith.constant 0 : index
    tpu.barrier barrier_id(%barrier3A)
    %while3A = arith.constant 0 : i32
    %while3A_14 = arith.constant 0 : i32
    %while3A_15 = arith.subi %select_n3A, %while3A_14 : i32
    %while3A_16 = arith.addi %while3A_14, %while3A_15 : i32
    %while3A_17 = arith.constant 1 : i32
    %while3A_18 = arith.divsi %while3A_15, %while3A_17 : i32
    %while3A_19 = arith.muli %while3A_18, %while3A_17 : i32
    %while3A_20 = arith.addi %while3A_14, %while3A_19 : i32
    %while3A_21 = arith.constant 1 : i32
    scf.for %while3A_28 = %while3A_14 to %while3A_20 step %while3A_21  : i32 {
      "tpu.region"() ({
        %run_scoped3A = tpu.sem_alloc : memref<!tpu.dma_semaphore, #tpu.memory_space<semaphore_mem>>
        %dma_start3A = arith.constant 0 : i32
        %dma_start3A_29 = tpu.memref_slice %arg6[%while3A_28, %dma_start3A] : memref<79x128xi32, #tpu.memory_space<vmem>> -> memref<1x128xi32, #tpu.memory_space<vmem>>
        %dma_start3A_30 = tpu.memref_squeeze %dma_start3A_29 : memref<1x128xi32, #tpu.memory_space<vmem>> -> memref<128xi32, #tpu.memory_space<vmem>>
        %dma_start3A_31 = arith.constant 0 : i32
        %dma_start3A_32 = arith.constant 0 : i32
        %dma_start3A_33 = tpu.memref_slice %arg8[%dma_start3A_31, %dma_start3A_32] : memref<10000x16xf32, #tpu.memory_space<vmem_shared>> -> memref<10000x16xf32, #tpu.memory_space<vmem_shared>>
        tpu.enqueue_indirect_dma source(%arg7 : memref<128x16xf32, #tpu.memory_space<vmem>>) target(%dma_start3A_33 : memref<10000x16xf32, #tpu.memory_space<vmem_shared>>) offsets(%dma_start3A_30 : memref<128xi32, #tpu.memory_space<vmem>>) semaphore(%run_scoped3A : memref<!tpu.dma_semaphore, #tpu.memory_space<semaphore_mem>>) {add = true}
        %dma_wait3A = arith.constant 0 : i32
        %dma_wait3A_34 = tpu.memref_slice %arg6[%while3A_28, %dma_wait3A] : memref<79x128xi32, #tpu.memory_space<vmem>> -> memref<1x128xi32, #tpu.memory_space<vmem>>
        %dma_wait3A_35 = tpu.memref_squeeze %dma_wait3A_34 : memref<1x128xi32, #tpu.memory_space<vmem>> -> memref<128xi32, #tpu.memory_space<vmem>>
        %dma_wait3A_36 = arith.constant 0 : i32
        %dma_wait3A_37 = arith.constant 0 : i32
        %dma_wait3A_38 = tpu.memref_slice %arg8[%dma_wait3A_36, %dma_wait3A_37] : memref<10000x16xf32, #tpu.memory_space<vmem_shared>> -> memref<10000x16xf32, #tpu.memory_space<vmem_shared>>
        tpu.wait_indirect_dma semaphore(%run_scoped3A : memref<!tpu.dma_semaphore, #tpu.memory_space<semaphore_mem>>) src(%arg7 : memref<128x16xf32, #tpu.memory_space<vmem>>) dst(%dma_wait3A_38 : memref<10000x16xf32, #tpu.memory_space<vmem_shared>>)
        tpu.yield
      }) : () -> ()
    }
    %while3A_22 = arith.constant 1 : i32
    scf.for %while3A_28 = %while3A_20 to %while3A_16 step %while3A_22  : i32 {
      "tpu.region"() ({
        %run_scoped3A = tpu.sem_alloc : memref<!tpu.dma_semaphore, #tpu.memory_space<semaphore_mem>>
        %dma_start3A = arith.constant 0 : i32
        %dma_start3A_29 = tpu.memref_slice %arg6[%while3A_28, %dma_start3A] : memref<79x128xi32, #tpu.memory_space<vmem>> -> memref<1x128xi32, #tpu.memory_space<vmem>>
        %dma_start3A_30 = tpu.memref_squeeze %dma_start3A_29 : memref<1x128xi32, #tpu.memory_space<vmem>> -> memref<128xi32, #tpu.memory_space<vmem>>
        %dma_start3A_31 = arith.constant 0 : i32
        %dma_start3A_32 = arith.constant 0 : i32
        %dma_start3A_33 = tpu.memref_slice %arg8[%dma_start3A_31, %dma_start3A_32] : memref<10000x16xf32, #tpu.memory_space<vmem_shared>> -> memref<10000x16xf32, #tpu.memory_space<vmem_shared>>
        tpu.enqueue_indirect_dma source(%arg7 : memref<128x16xf32, #tpu.memory_space<vmem>>) target(%dma_start3A_33 : memref<10000x16xf32, #tpu.memory_space<vmem_shared>>) offsets(%dma_start3A_30 : memref<128xi32, #tpu.memory_space<vmem>>) semaphore(%run_scoped3A : memref<!tpu.dma_semaphore, #tpu.memory_space<semaphore_mem>>) {add = true}
        %dma_wait3A = arith.constant 0 : i32
        %dma_wait3A_34 = tpu.memref_slice %arg6[%while3A_28, %dma_wait3A] : memref<79x128xi32, #tpu.memory_space<vmem>> -> memref<1x128xi32, #tpu.memory_space<vmem>>
        %dma_wait3A_35 = tpu.memref_squeeze %dma_wait3A_34 : memref<1x128xi32, #tpu.memory_space<vmem>> -> memref<128xi32, #tpu.memory_space<vmem>>
        %dma_wait3A_36 = arith.constant 0 : i32
        %dma_wait3A_37 = arith.constant 0 : i32
        %dma_wait3A_38 = tpu.memref_slice %arg8[%dma_wait3A_36, %dma_wait3A_37] : memref<10000x16xf32, #tpu.memory_space<vmem_shared>> -> memref<10000x16xf32, #tpu.memory_space<vmem_shared>>
        tpu.wait_indirect_dma semaphore(%run_scoped3A : memref<!tpu.dma_semaphore, #tpu.memory_space<semaphore_mem>>) src(%arg7 : memref<128x16xf32, #tpu.memory_space<vmem>>) dst(%dma_wait3A_38 : memref<10000x16xf32, #tpu.memory_space<vmem_shared>>)
        tpu.yield
      }) : () -> ()
    }
    %barrier3A_23 = arith.constant 0 : index
    tpu.barrier barrier_id(%barrier3A_23)
    %mul3A_24 = arith.constant 625 : i32
    %mul3A_25 = arith.muli %arg1, %mul3A_24 : i32
    %mul3A_26 = arith.constant 625 : i32
    %mul3A_27 = arith.muli %arg1, %mul3A_26 : i32
    "tpu.region"() ({
      %run_scoped3A = tpu.sem_alloc : memref<!tpu.dma_semaphore, #tpu.memory_space<semaphore_mem>>
      %dma_start3A = arith.constant 0 : i32
      %dma_start3A_28 = tpu.memref_slice %arg5[%arg0, %mul3A_27, %dma_start3A] : memref<2x10000x16xf32, #tpu.memory_space<hbm>> -> memref<1x625x16xf32, #tpu.memory_space<hbm>>
      %dma_start3A_29 = tpu.memref_squeeze %dma_start3A_28 : memref<1x625x16xf32, #tpu.memory_space<hbm>> -> memref<625x16xf32, #tpu.memory_space<hbm>>
      %dma_start3A_30 = arith.constant 0 : i32
      %dma_start3A_31 = tpu.memref_slice %arg8[%mul3A_25, %dma_start3A_30] : memref<10000x16xf32, #tpu.memory_space<vmem_shared>> -> memref<625x16xf32, #tpu.memory_space<vmem_shared>>
      tpu.enqueue_dma source(%dma_start3A_31 : memref<625x16xf32, #tpu.memory_space<vmem_shared>>) target(%dma_start3A_29 : memref<625x16xf32, #tpu.memory_space<hbm>>) target_semaphore(%run_scoped3A : memref<!tpu.dma_semaphore, #tpu.memory_space<semaphore_mem>>)
      %dma_wait3A = arith.constant 0 : i32
      %dma_wait3A_32 = tpu.memref_slice %arg5[%arg0, %mul3A_27, %dma_wait3A] : memref<2x10000x16xf32, #tpu.memory_space<hbm>> -> memref<1x625x16xf32, #tpu.memory_space<hbm>>
      %dma_wait3A_33 = tpu.memref_squeeze %dma_wait3A_32 : memref<1x625x16xf32, #tpu.memory_space<hbm>> -> memref<625x16xf32, #tpu.memory_space<hbm>>
      %dma_wait3A_34 = arith.constant 0 : i32
      %dma_wait3A_35 = tpu.memref_slice %arg8[%mul3A_25, %dma_wait3A_34] : memref<10000x16xf32, #tpu.memory_space<vmem_shared>> -> memref<625x16xf32, #tpu.memory_space<vmem_shared>>
      tpu.wait_dma2 semaphore(%run_scoped3A : memref<!tpu.dma_semaphore, #tpu.memory_space<semaphore_mem>>) src(%dma_wait3A_35 : memref<625x16xf32, #tpu.memory_space<vmem_shared>>) dst(%dma_wait3A_33 : memref<625x16xf32, #tpu.memory_space<hbm>>)
      tpu.yield
    }) : () -> ()
    return
  }
}

#map = affine_map<(d0, d1) -> (0, 0)>
#map1 = affine_map<(d0, d1) -> (0, 0, 0)>
module attributes {stable_mosaic.version = 14 : i64} {
  func.func @_sc_scatter_body(%arg0: i32, %arg1: i32, %arg2: memref<10000x64xf32, #tpu.memory_space<hbm>>, %arg3: memref<10000x64xf32, #tpu.memory_space<hbm>>, %arg4: memref<2500x128xi32, #tpu.memory_space<hbm>>, %arg5: memref<2500x128xi32, #tpu.memory_space<hbm>>, %arg6: memref<625x64xf32, #tpu.memory_space<hbm>>, %arg7: memref<2x10000x128xf32, #tpu.memory_space<hbm>>, %arg8: memref<79x128xi32, #tpu.memory_space<vmem>>, %arg9: memref<79x128xi32, #tpu.memory_space<vmem>>, %arg10: memref<128x64xf32, #tpu.memory_space<vmem>>, %arg11: memref<128x64xf32, #tpu.memory_space<vmem>>, %arg12: memref<128x64xf32, #tpu.memory_space<vmem>>, %arg13: memref<128x64xf32, #tpu.memory_space<vmem>>, %arg14: memref<10000x64xf32, #tpu.memory_space<vmem_shared>>, %arg15: memref<!tpu.dma_semaphore, #tpu.memory_space<semaphore_mem>>, %arg16: memref<!tpu.dma_semaphore, #tpu.memory_space<semaphore_mem>>, %arg17: memref<!tpu.dma_semaphore, #tpu.memory_space<semaphore_mem>>, %arg18: memref<!tpu.dma_semaphore, #tpu.memory_space<semaphore_mem>>) attributes {dimension_semantics = [#tpu.dimension_semantics<core_parallel>, #tpu.dimension_semantics<subcore_parallel>], iteration_bounds = array<i64: 2, 16>, scalar_prefetch = 0 : i64, scratch_operands = 11 : i64, tpu.core_type = #tpu.core_type<sc_vector_subcore>, window_params = [{transform_indices = #map}, {transform_indices = #map}, {transform_indices = #map}, {transform_indices = #map}, {transform_indices = #map}, {transform_indices = #map1}]} {
    %mul3A = arith.constant 16 : i32
    %mul3A_0 = arith.muli %arg0, %mul3A : i32
    %add3A = arith.addi %mul3A_0, %arg1 : i32
    %eq3A = arith.constant 31 : i32
    %eq3A_1 = arith.cmpi eq, %add3A, %eq3A : i32
    %jit3A = arith.constant 51 : i32
    %jit3A_2 = arith.constant 79 : i32
    %select_n3A = arith.select %eq3A_1, %jit3A, %jit3A_2 : i32
    %mul3A_3 = arith.constant 79 : i32
    %mul3A_4 = arith.muli %add3A, %mul3A_3 : i32
    %eq3A_5 = arith.constant 31 : i32
    %eq3A_6 = arith.cmpi eq, %add3A, %eq3A_5 : i32
    %not3A = arith.constant true
    %not3A_7 = arith.xori %eq3A_6, %not3A : i1
    %convert_element_type3A = arith.extui %not3A_7 : i1 to i32
    %cond3A = arith.constant 0 : i32
    %cond3A_8 = arith.cmpi ne, %convert_element_type3A, %cond3A : i32
    scf.if %cond3A_8 {
      "tpu.region"() ({
        %run_scoped3A = tpu.sem_alloc : memref<!tpu.dma_semaphore, #tpu.memory_space<semaphore_mem>>
        %dma_start3A_165 = arith.constant 0 : i32
        %dma_start3A_166 = tpu.memref_slice %arg4[%mul3A_4, %dma_start3A_165] : memref<2500x128xi32, #tpu.memory_space<hbm>> -> memref<79x128xi32, #tpu.memory_space<hbm>>
        %dma_start3A_167 = arith.constant 0 : i32
        %dma_start3A_168 = tpu.memref_slice %arg4[%mul3A_4, %dma_start3A_167] : memref<2500x128xi32, #tpu.memory_space<hbm>> -> memref<79x128xi32, #tpu.memory_space<hbm>>
        tpu.enqueue_dma source(%dma_start3A_168 : memref<79x128xi32, #tpu.memory_space<hbm>>) target(%arg8 : memref<79x128xi32, #tpu.memory_space<vmem>>) target_semaphore(%run_scoped3A : memref<!tpu.dma_semaphore, #tpu.memory_space<semaphore_mem>>)
        %dma_wait3A = arith.constant 0 : i32
        %dma_wait3A_169 = tpu.memref_slice %arg4[%mul3A_4, %dma_wait3A] : memref<2500x128xi32, #tpu.memory_space<hbm>> -> memref<79x128xi32, #tpu.memory_space<hbm>>
        %dma_wait3A_170 = arith.constant 0 : i32
        %dma_wait3A_171 = tpu.memref_slice %arg4[%mul3A_4, %dma_wait3A_170] : memref<2500x128xi32, #tpu.memory_space<hbm>> -> memref<79x128xi32, #tpu.memory_space<hbm>>
        tpu.wait_dma2 semaphore(%run_scoped3A : memref<!tpu.dma_semaphore, #tpu.memory_space<semaphore_mem>>) src(%dma_wait3A_171 : memref<79x128xi32, #tpu.memory_space<hbm>>) dst(%arg8 : memref<79x128xi32, #tpu.memory_space<vmem>>)
        tpu.yield
      }) : () -> ()
    } else {
    }
    %convert_element_type3A_9 = arith.extui %eq3A_6 : i1 to i32
    %cond3A_10 = arith.constant 0 : i32
    %cond3A_11 = arith.cmpi ne, %convert_element_type3A_9, %cond3A_10 : i32
    scf.if %cond3A_11 {
      "tpu.region"() ({
        %run_scoped3A = tpu.sem_alloc : memref<!tpu.dma_semaphore, #tpu.memory_space<semaphore_mem>>
        %dma_start3A_165 = arith.constant 0 : i32
        %dma_start3A_166 = arith.constant 0 : i32
        %dma_start3A_167 = tpu.memref_slice %arg8[%dma_start3A_165, %dma_start3A_166] : memref<79x128xi32, #tpu.memory_space<vmem>> -> memref<51x128xi32, #tpu.memory_space<vmem>>
        %dma_start3A_168 = arith.constant 0 : i32
        %dma_start3A_169 = tpu.memref_slice %arg4[%mul3A_4, %dma_start3A_168] : memref<2500x128xi32, #tpu.memory_space<hbm>> -> memref<51x128xi32, #tpu.memory_space<hbm>>
        %dma_start3A_170 = arith.constant 0 : i32
        %dma_start3A_171 = arith.constant 0 : i32
        %dma_start3A_172 = tpu.memref_slice %arg8[%dma_start3A_170, %dma_start3A_171] : memref<79x128xi32, #tpu.memory_space<vmem>> -> memref<51x128xi32, #tpu.memory_space<vmem>>
        %dma_start3A_173 = arith.constant 0 : i32
        %dma_start3A_174 = tpu.memref_slice %arg4[%mul3A_4, %dma_start3A_173] : memref<2500x128xi32, #tpu.memory_space<hbm>> -> memref<51x128xi32, #tpu.memory_space<hbm>>
        tpu.enqueue_dma source(%dma_start3A_174 : memref<51x128xi32, #tpu.memory_space<hbm>>) target(%dma_start3A_172 : memref<51x128xi32, #tpu.memory_space<vmem>>) target_semaphore(%run_scoped3A : memref<!tpu.dma_semaphore, #tpu.memory_space<semaphore_mem>>)
        %dma_wait3A = arith.constant 0 : i32
        %dma_wait3A_175 = arith.constant 0 : i32
        %dma_wait3A_176 = tpu.memref_slice %arg8[%dma_wait3A, %dma_wait3A_175] : memref<79x128xi32, #tpu.memory_space<vmem>> -> memref<51x128xi32, #tpu.memory_space<vmem>>
        %dma_wait3A_177 = arith.constant 0 : i32
        %dma_wait3A_178 = tpu.memref_slice %arg4[%mul3A_4, %dma_wait3A_177] : memref<2500x128xi32, #tpu.memory_space<hbm>> -> memref<51x128xi32, #tpu.memory_space<hbm>>
        %dma_wait3A_179 = arith.constant 0 : i32
        %dma_wait3A_180 = arith.constant 0 : i32
        %dma_wait3A_181 = tpu.memref_slice %arg8[%dma_wait3A_179, %dma_wait3A_180] : memref<79x128xi32, #tpu.memory_space<vmem>> -> memref<51x128xi32, #tpu.memory_space<vmem>>
        %dma_wait3A_182 = arith.constant 0 : i32
        %dma_wait3A_183 = tpu.memref_slice %arg4[%mul3A_4, %dma_wait3A_182] : memref<2500x128xi32, #tpu.memory_space<hbm>> -> memref<51x128xi32, #tpu.memory_space<hbm>>
        tpu.wait_dma2 semaphore(%run_scoped3A : memref<!tpu.dma_semaphore, #tpu.memory_space<semaphore_mem>>) src(%dma_wait3A_183 : memref<51x128xi32, #tpu.memory_space<hbm>>) dst(%dma_wait3A_181 : memref<51x128xi32, #tpu.memory_space<vmem>>)
        tpu.yield
      }) : () -> ()
    } else {
    }
    %mul3A_12 = arith.constant 79 : i32
    %mul3A_13 = arith.muli %add3A, %mul3A_12 : i32
    %eq3A_14 = arith.constant 31 : i32
    %eq3A_15 = arith.cmpi eq, %add3A, %eq3A_14 : i32
    %not3A_16 = arith.constant true
    %not3A_17 = arith.xori %eq3A_15, %not3A_16 : i1
    %convert_element_type3A_18 = arith.extui %not3A_17 : i1 to i32
    %cond3A_19 = arith.constant 0 : i32
    %cond3A_20 = arith.cmpi ne, %convert_element_type3A_18, %cond3A_19 : i32
    scf.if %cond3A_20 {
      "tpu.region"() ({
        %run_scoped3A = tpu.sem_alloc : memref<!tpu.dma_semaphore, #tpu.memory_space<semaphore_mem>>
        %dma_start3A_165 = arith.constant 0 : i32
        %dma_start3A_166 = tpu.memref_slice %arg5[%mul3A_13, %dma_start3A_165] : memref<2500x128xi32, #tpu.memory_space<hbm>> -> memref<79x128xi32, #tpu.memory_space<hbm>>
        %dma_start3A_167 = arith.constant 0 : i32
        %dma_start3A_168 = tpu.memref_slice %arg5[%mul3A_13, %dma_start3A_167] : memref<2500x128xi32, #tpu.memory_space<hbm>> -> memref<79x128xi32, #tpu.memory_space<hbm>>
        tpu.enqueue_dma source(%dma_start3A_168 : memref<79x128xi32, #tpu.memory_space<hbm>>) target(%arg9 : memref<79x128xi32, #tpu.memory_space<vmem>>) target_semaphore(%run_scoped3A : memref<!tpu.dma_semaphore, #tpu.memory_space<semaphore_mem>>)
        %dma_wait3A = arith.constant 0 : i32
        %dma_wait3A_169 = tpu.memref_slice %arg5[%mul3A_13, %dma_wait3A] : memref<2500x128xi32, #tpu.memory_space<hbm>> -> memref<79x128xi32, #tpu.memory_space<hbm>>
        %dma_wait3A_170 = arith.constant 0 : i32
        %dma_wait3A_171 = tpu.memref_slice %arg5[%mul3A_13, %dma_wait3A_170] : memref<2500x128xi32, #tpu.memory_space<hbm>> -> memref<79x128xi32, #tpu.memory_space<hbm>>
        tpu.wait_dma2 semaphore(%run_scoped3A : memref<!tpu.dma_semaphore, #tpu.memory_space<semaphore_mem>>) src(%dma_wait3A_171 : memref<79x128xi32, #tpu.memory_space<hbm>>) dst(%arg9 : memref<79x128xi32, #tpu.memory_space<vmem>>)
        tpu.yield
      }) : () -> ()
    } else {
    }
    %convert_element_type3A_21 = arith.extui %eq3A_15 : i1 to i32
    %cond3A_22 = arith.constant 0 : i32
    %cond3A_23 = arith.cmpi ne, %convert_element_type3A_21, %cond3A_22 : i32
    scf.if %cond3A_23 {
      "tpu.region"() ({
        %run_scoped3A = tpu.sem_alloc : memref<!tpu.dma_semaphore, #tpu.memory_space<semaphore_mem>>
        %dma_start3A_165 = arith.constant 0 : i32
        %dma_start3A_166 = arith.constant 0 : i32
        %dma_start3A_167 = tpu.memref_slice %arg9[%dma_start3A_165, %dma_start3A_166] : memref<79x128xi32, #tpu.memory_space<vmem>> -> memref<51x128xi32, #tpu.memory_space<vmem>>
        %dma_start3A_168 = arith.constant 0 : i32
        %dma_start3A_169 = tpu.memref_slice %arg5[%mul3A_13, %dma_start3A_168] : memref<2500x128xi32, #tpu.memory_space<hbm>> -> memref<51x128xi32, #tpu.memory_space<hbm>>
        %dma_start3A_170 = arith.constant 0 : i32
        %dma_start3A_171 = arith.constant 0 : i32
        %dma_start3A_172 = tpu.memref_slice %arg9[%dma_start3A_170, %dma_start3A_171] : memref<79x128xi32, #tpu.memory_space<vmem>> -> memref<51x128xi32, #tpu.memory_space<vmem>>
        %dma_start3A_173 = arith.constant 0 : i32
        %dma_start3A_174 = tpu.memref_slice %arg5[%mul3A_13, %dma_start3A_173] : memref<2500x128xi32, #tpu.memory_space<hbm>> -> memref<51x128xi32, #tpu.memory_space<hbm>>
        tpu.enqueue_dma source(%dma_start3A_174 : memref<51x128xi32, #tpu.memory_space<hbm>>) target(%dma_start3A_172 : memref<51x128xi32, #tpu.memory_space<vmem>>) target_semaphore(%run_scoped3A : memref<!tpu.dma_semaphore, #tpu.memory_space<semaphore_mem>>)
        %dma_wait3A = arith.constant 0 : i32
        %dma_wait3A_175 = arith.constant 0 : i32
        %dma_wait3A_176 = tpu.memref_slice %arg9[%dma_wait3A, %dma_wait3A_175] : memref<79x128xi32, #tpu.memory_space<vmem>> -> memref<51x128xi32, #tpu.memory_space<vmem>>
        %dma_wait3A_177 = arith.constant 0 : i32
        %dma_wait3A_178 = tpu.memref_slice %arg5[%mul3A_13, %dma_wait3A_177] : memref<2500x128xi32, #tpu.memory_space<hbm>> -> memref<51x128xi32, #tpu.memory_space<hbm>>
        %dma_wait3A_179 = arith.constant 0 : i32
        %dma_wait3A_180 = arith.constant 0 : i32
        %dma_wait3A_181 = tpu.memref_slice %arg9[%dma_wait3A_179, %dma_wait3A_180] : memref<79x128xi32, #tpu.memory_space<vmem>> -> memref<51x128xi32, #tpu.memory_space<vmem>>
        %dma_wait3A_182 = arith.constant 0 : i32
        %dma_wait3A_183 = tpu.memref_slice %arg5[%mul3A_13, %dma_wait3A_182] : memref<2500x128xi32, #tpu.memory_space<hbm>> -> memref<51x128xi32, #tpu.memory_space<hbm>>
        tpu.wait_dma2 semaphore(%run_scoped3A : memref<!tpu.dma_semaphore, #tpu.memory_space<semaphore_mem>>) src(%dma_wait3A_183 : memref<51x128xi32, #tpu.memory_space<hbm>>) dst(%dma_wait3A_181 : memref<51x128xi32, #tpu.memory_space<vmem>>)
        tpu.yield
      }) : () -> ()
    } else {
    }
    %mul3A_24 = arith.constant 625 : i32
    %mul3A_25 = arith.muli %arg1, %mul3A_24 : i32
    "tpu.region"() ({
      %run_scoped3A = tpu.sem_alloc : memref<!tpu.dma_semaphore, #tpu.memory_space<semaphore_mem>>
      %dma_start3A_165 = arith.constant 0 : i32
      %dma_start3A_166 = tpu.memref_slice %arg14[%mul3A_25, %dma_start3A_165] : memref<10000x64xf32, #tpu.memory_space<vmem_shared>> -> memref<625x64xf32, #tpu.memory_space<vmem_shared>>
      tpu.enqueue_dma source(%arg6 : memref<625x64xf32, #tpu.memory_space<hbm>>) target(%dma_start3A_166 : memref<625x64xf32, #tpu.memory_space<vmem_shared>>) target_semaphore(%run_scoped3A : memref<!tpu.dma_semaphore, #tpu.memory_space<semaphore_mem>>)
      %dma_wait3A = arith.constant 0 : i32
      %dma_wait3A_167 = tpu.memref_slice %arg14[%mul3A_25, %dma_wait3A] : memref<10000x64xf32, #tpu.memory_space<vmem_shared>> -> memref<625x64xf32, #tpu.memory_space<vmem_shared>>
      tpu.wait_dma2 semaphore(%run_scoped3A : memref<!tpu.dma_semaphore, #tpu.memory_space<semaphore_mem>>) src(%arg6 : memref<625x64xf32, #tpu.memory_space<hbm>>) dst(%dma_wait3A_167 : memref<625x64xf32, #tpu.memory_space<vmem_shared>>)
      tpu.yield
    }) : () -> ()
    %barrier3A = arith.constant 0 : index
    tpu.barrier barrier_id(%barrier3A)
    %dma_start3A = arith.constant 0 : i32
    %dma_start3A_26 = arith.constant 0 : i32
    %dma_start3A_27 = tpu.memref_slice %arg8[%dma_start3A, %dma_start3A_26] : memref<79x128xi32, #tpu.memory_space<vmem>> -> memref<1x128xi32, #tpu.memory_space<vmem>>
    %dma_start3A_28 = tpu.memref_squeeze %dma_start3A_27 : memref<1x128xi32, #tpu.memory_space<vmem>> -> memref<128xi32, #tpu.memory_space<vmem>>
    %dma_start3A_29 = arith.constant 0 : i32
    %dma_start3A_30 = arith.constant 0 : i32
    %dma_start3A_31 = tpu.memref_slice %arg2[%dma_start3A_29, %dma_start3A_30] : memref<10000x64xf32, #tpu.memory_space<hbm>> -> memref<10000x64xf32, #tpu.memory_space<hbm>>
    tpu.enqueue_indirect_dma source(%dma_start3A_31 : memref<10000x64xf32, #tpu.memory_space<hbm>>) target(%arg10 : memref<128x64xf32, #tpu.memory_space<vmem>>) offsets(%dma_start3A_28 : memref<128xi32, #tpu.memory_space<vmem>>) semaphore(%arg15 : memref<!tpu.dma_semaphore, #tpu.memory_space<semaphore_mem>>)
    %dma_start3A_32 = arith.constant 1 : i32
    %dma_start3A_33 = arith.constant 0 : i32
    %dma_start3A_34 = tpu.memref_slice %arg8[%dma_start3A_32, %dma_start3A_33] : memref<79x128xi32, #tpu.memory_space<vmem>> -> memref<1x128xi32, #tpu.memory_space<vmem>>
    %dma_start3A_35 = tpu.memref_squeeze %dma_start3A_34 : memref<1x128xi32, #tpu.memory_space<vmem>> -> memref<128xi32, #tpu.memory_space<vmem>>
    %dma_start3A_36 = arith.constant 0 : i32
    %dma_start3A_37 = arith.constant 0 : i32
    %dma_start3A_38 = tpu.memref_slice %arg2[%dma_start3A_36, %dma_start3A_37] : memref<10000x64xf32, #tpu.memory_space<hbm>> -> memref<10000x64xf32, #tpu.memory_space<hbm>>
    tpu.enqueue_indirect_dma source(%dma_start3A_38 : memref<10000x64xf32, #tpu.memory_space<hbm>>) target(%arg11 : memref<128x64xf32, #tpu.memory_space<vmem>>) offsets(%dma_start3A_35 : memref<128xi32, #tpu.memory_space<vmem>>) semaphore(%arg16 : memref<!tpu.dma_semaphore, #tpu.memory_space<semaphore_mem>>)
    %dma_start3A_39 = arith.constant 2 : i32
    %dma_start3A_40 = arith.constant 0 : i32
    %dma_start3A_41 = tpu.memref_slice %arg8[%dma_start3A_39, %dma_start3A_40] : memref<79x128xi32, #tpu.memory_space<vmem>> -> memref<1x128xi32, #tpu.memory_space<vmem>>
    %dma_start3A_42 = tpu.memref_squeeze %dma_start3A_41 : memref<1x128xi32, #tpu.memory_space<vmem>> -> memref<128xi32, #tpu.memory_space<vmem>>
    %dma_start3A_43 = arith.constant 0 : i32
    %dma_start3A_44 = arith.constant 0 : i32
    %dma_start3A_45 = tpu.memref_slice %arg2[%dma_start3A_43, %dma_start3A_44] : memref<10000x64xf32, #tpu.memory_space<hbm>> -> memref<10000x64xf32, #tpu.memory_space<hbm>>
    tpu.enqueue_indirect_dma source(%dma_start3A_45 : memref<10000x64xf32, #tpu.memory_space<hbm>>) target(%arg12 : memref<128x64xf32, #tpu.memory_space<vmem>>) offsets(%dma_start3A_42 : memref<128xi32, #tpu.memory_space<vmem>>) semaphore(%arg17 : memref<!tpu.dma_semaphore, #tpu.memory_space<semaphore_mem>>)
    %dma_start3A_46 = arith.constant 3 : i32
    %dma_start3A_47 = arith.constant 0 : i32
    %dma_start3A_48 = tpu.memref_slice %arg8[%dma_start3A_46, %dma_start3A_47] : memref<79x128xi32, #tpu.memory_space<vmem>> -> memref<1x128xi32, #tpu.memory_space<vmem>>
    %dma_start3A_49 = tpu.memref_squeeze %dma_start3A_48 : memref<1x128xi32, #tpu.memory_space<vmem>> -> memref<128xi32, #tpu.memory_space<vmem>>
    %dma_start3A_50 = arith.constant 0 : i32
    %dma_start3A_51 = arith.constant 0 : i32
    %dma_start3A_52 = tpu.memref_slice %arg2[%dma_start3A_50, %dma_start3A_51] : memref<10000x64xf32, #tpu.memory_space<hbm>> -> memref<10000x64xf32, #tpu.memory_space<hbm>>
    tpu.enqueue_indirect_dma source(%dma_start3A_52 : memref<10000x64xf32, #tpu.memory_space<hbm>>) target(%arg13 : memref<128x64xf32, #tpu.memory_space<vmem>>) offsets(%dma_start3A_49 : memref<128xi32, #tpu.memory_space<vmem>>) semaphore(%arg18 : memref<!tpu.dma_semaphore, #tpu.memory_space<semaphore_mem>>)
    %add3A_53 = arith.constant 4 : i32
    %add3A_54 = arith.addi %select_n3A, %add3A_53 : i32
    %sub3A = arith.constant 1 : i32
    %sub3A_55 = arith.subi %add3A_54, %sub3A : i32
    %jit3A_56 = arith.constant 4 : i32
    %div3A = arith.divsi %sub3A_55, %jit3A_56 : i32
    %sign3A = arith.constant 0 : i32
    %sign3A_57 = arith.cmpi sgt, %sub3A_55, %sign3A : i32
    %sign3A_58 = arith.extui %sign3A_57 : i1 to i32
    %sign3A_59 = arith.constant 0 : i32
    %sign3A_60 = arith.cmpi slt, %sub3A_55, %sign3A_59 : i32
    %sign3A_61 = arith.extui %sign3A_60 : i1 to i32
    %sign3A_62 = arith.subi %sign3A_58, %sign3A_61 : i32
    %sign3A_63 = arith.constant 0 : i32
    %sign3A_64 = arith.cmpi sgt, %jit3A_56, %sign3A_63 : i32
    %sign3A_65 = arith.extui %sign3A_64 : i1 to i32
    %sign3A_66 = arith.constant 0 : i32
    %sign3A_67 = arith.cmpi slt, %jit3A_56, %sign3A_66 : i32
    %sign3A_68 = arith.extui %sign3A_67 : i1 to i32
    %sign3A_69 = arith.subi %sign3A_65, %sign3A_68 : i32
    %ne3A = arith.cmpi ne, %sign3A_62, %sign3A_69 : i32
    %rem3A = arith.remsi %sub3A_55, %jit3A_56 : i32
    %ne3A_70 = arith.constant 0 : i32
    %ne3A_71 = arith.cmpi ne, %rem3A, %ne3A_70 : i32
    %and3A = arith.andi %ne3A, %ne3A_71 : i1
    %sub3A_72 = arith.constant 1 : i32
    %sub3A_73 = arith.subi %div3A, %sub3A_72 : i32
    %select_n3A_74 = arith.select %and3A, %sub3A_73, %div3A : i32
    %while3A = arith.constant 0 : i32
    %while3A_75 = arith.constant 0 : i32
    %while3A_76 = arith.subi %select_n3A_74, %while3A_75 : i32
    %while3A_77 = arith.addi %while3A_75, %while3A_76 : i32
    %while3A_78 = arith.constant 1 : i32
    %while3A_79 = arith.divsi %while3A_76, %while3A_78 : i32
    %while3A_80 = arith.muli %while3A_79, %while3A_78 : i32
    %while3A_81 = arith.addi %while3A_75, %while3A_80 : i32
    %while3A_82 = arith.constant 1 : i32
    scf.for %while3A_165 = %while3A_75 to %while3A_81 step %while3A_82  : i32 {
      %mul3A_166 = arith.constant 4 : i32
      %mul3A_167 = arith.muli %mul3A_166, %while3A_165 : i32
      %add3A_168 = arith.constant 0 : i32
      %add3A_169 = arith.addi %mul3A_167, %add3A_168 : i32
      %dma_wait3A = arith.constant 0 : i32
      %dma_wait3A_170 = tpu.memref_slice %arg8[%add3A_169, %dma_wait3A] : memref<79x128xi32, #tpu.memory_space<vmem>> -> memref<1x128xi32, #tpu.memory_space<vmem>>
      %dma_wait3A_171 = tpu.memref_squeeze %dma_wait3A_170 : memref<1x128xi32, #tpu.memory_space<vmem>> -> memref<128xi32, #tpu.memory_space<vmem>>
      %dma_wait3A_172 = arith.constant 0 : i32
      %dma_wait3A_173 = arith.constant 0 : i32
      %dma_wait3A_174 = tpu.memref_slice %arg2[%dma_wait3A_172, %dma_wait3A_173] : memref<10000x64xf32, #tpu.memory_space<hbm>> -> memref<10000x64xf32, #tpu.memory_space<hbm>>
      tpu.wait_indirect_dma semaphore(%arg15 : memref<!tpu.dma_semaphore, #tpu.memory_space<semaphore_mem>>) src(%dma_wait3A_174 : memref<10000x64xf32, #tpu.memory_space<hbm>>) dst(%arg10 : memref<128x64xf32, #tpu.memory_space<vmem>>)
      "tpu.region"() ({
        %run_scoped3A = tpu.sem_alloc : memref<!tpu.dma_semaphore, #tpu.memory_space<semaphore_mem>>
        %dma_start3A_198 = arith.constant 0 : i32
        %dma_start3A_199 = tpu.memref_slice %arg9[%add3A_169, %dma_start3A_198] : memref<79x128xi32, #tpu.memory_space<vmem>> -> memref<1x128xi32, #tpu.memory_space<vmem>>
        %dma_start3A_200 = tpu.memref_squeeze %dma_start3A_199 : memref<1x128xi32, #tpu.memory_space<vmem>> -> memref<128xi32, #tpu.memory_space<vmem>>
        %dma_start3A_201 = arith.constant 0 : i32
        %dma_start3A_202 = arith.constant 0 : i32
        %dma_start3A_203 = tpu.memref_slice %arg14[%dma_start3A_201, %dma_start3A_202] : memref<10000x64xf32, #tpu.memory_space<vmem_shared>> -> memref<10000x64xf32, #tpu.memory_space<vmem_shared>>
        tpu.enqueue_indirect_dma source(%arg10 : memref<128x64xf32, #tpu.memory_space<vmem>>) target(%dma_start3A_203 : memref<10000x64xf32, #tpu.memory_space<vmem_shared>>) offsets(%dma_start3A_200 : memref<128xi32, #tpu.memory_space<vmem>>) semaphore(%run_scoped3A : memref<!tpu.dma_semaphore, #tpu.memory_space<semaphore_mem>>) {add = true}
        %dma_wait3A_204 = arith.constant 0 : i32
        %dma_wait3A_205 = tpu.memref_slice %arg9[%add3A_169, %dma_wait3A_204] : memref<79x128xi32, #tpu.memory_space<vmem>> -> memref<1x128xi32, #tpu.memory_space<vmem>>
        %dma_wait3A_206 = tpu.memref_squeeze %dma_wait3A_205 : memref<1x128xi32, #tpu.memory_space<vmem>> -> memref<128xi32, #tpu.memory_space<vmem>>
        %dma_wait3A_207 = arith.constant 0 : i32
        %dma_wait3A_208 = arith.constant 0 : i32
        %dma_wait3A_209 = tpu.memref_slice %arg14[%dma_wait3A_207, %dma_wait3A_208] : memref<10000x64xf32, #tpu.memory_space<vmem_shared>> -> memref<10000x64xf32, #tpu.memory_space<vmem_shared>>
        tpu.wait_indirect_dma semaphore(%run_scoped3A : memref<!tpu.dma_semaphore, #tpu.memory_space<semaphore_mem>>) src(%arg10 : memref<128x64xf32, #tpu.memory_space<vmem>>) dst(%dma_wait3A_209 : memref<10000x64xf32, #tpu.memory_space<vmem_shared>>)
        tpu.yield
      }) : () -> ()
      %add3A_175 = arith.constant 4 : i32
      %add3A_176 = arith.addi %add3A_169, %add3A_175 : i32
      %lt3A = arith.cmpi slt, %add3A_176, %select_n3A : i32
      %convert_element_type3A_177 = arith.extui %lt3A : i1 to i32
      %cond3A_178 = arith.constant 0 : i32
      %cond3A_179 = arith.cmpi ne, %convert_element_type3A_177, %cond3A_178 : i32
      scf.if %cond3A_179 {
        %add3A_198 = arith.constant 4 : i32
        %add3A_199 = arith.addi %add3A_169, %add3A_198 : i32
        %dma_start3A_200 = arith.constant 0 : i32
        %dma_start3A_201 = tpu.memref_slice %arg8[%add3A_199, %dma_start3A_200] : memref<79x128xi32, #tpu.memory_space<vmem>> -> memref<1x128xi32, #tpu.memory_space<vmem>>
        %dma_start3A_202 = tpu.memref_squeeze %dma_start3A_201 : memref<1x128xi32, #tpu.memory_space<vmem>> -> memref<128xi32, #tpu.memory_space<vmem>>
        %dma_start3A_203 = arith.constant 0 : i32
        %dma_start3A_204 = arith.constant 0 : i32
        %dma_start3A_205 = tpu.memref_slice %arg2[%dma_start3A_203, %dma_start3A_204] : memref<10000x64xf32, #tpu.memory_space<hbm>> -> memref<10000x64xf32, #tpu.memory_space<hbm>>
        tpu.enqueue_indirect_dma source(%dma_start3A_205 : memref<10000x64xf32, #tpu.memory_space<hbm>>) target(%arg10 : memref<128x64xf32, #tpu.memory_space<vmem>>) offsets(%dma_start3A_202 : memref<128xi32, #tpu.memory_space<vmem>>) semaphore(%arg15 : memref<!tpu.dma_semaphore, #tpu.memory_space<semaphore_mem>>)
      } else {
      }
      %add3A_180 = arith.constant 1 : i32
      %add3A_181 = arith.addi %mul3A_167, %add3A_180 : i32
      %lt3A_182 = arith.cmpi slt, %add3A_181, %select_n3A : i32
      %convert_element_type3A_183 = arith.extui %lt3A_182 : i1 to i32
      %cond3A_184 = arith.constant 0 : i32
      %cond3A_185 = arith.cmpi ne, %convert_element_type3A_183, %cond3A_184 : i32
      scf.if %cond3A_185 {
        %dma_wait3A_198 = arith.constant 0 : i32
        %dma_wait3A_199 = tpu.memref_slice %arg8[%add3A_181, %dma_wait3A_198] : memref<79x128xi32, #tpu.memory_space<vmem>> -> memref<1x128xi32, #tpu.memory_space<vmem>>
        %dma_wait3A_200 = tpu.memref_squeeze %dma_wait3A_199 : memref<1x128xi32, #tpu.memory_space<vmem>> -> memref<128xi32, #tpu.memory_space<vmem>>
        %dma_wait3A_201 = arith.constant 0 : i32
        %dma_wait3A_202 = arith.constant 0 : i32
        %dma_wait3A_203 = tpu.memref_slice %arg2[%dma_wait3A_201, %dma_wait3A_202] : memref<10000x64xf32, #tpu.memory_space<hbm>> -> memref<10000x64xf32, #tpu.memory_space<hbm>>
        tpu.wait_indirect_dma semaphore(%arg16 : memref<!tpu.dma_semaphore, #tpu.memory_space<semaphore_mem>>) src(%dma_wait3A_203 : memref<10000x64xf32, #tpu.memory_space<hbm>>) dst(%arg11 : memref<128x64xf32, #tpu.memory_space<vmem>>)
        "tpu.region"() ({
          %run_scoped3A = tpu.sem_alloc : memref<!tpu.dma_semaphore, #tpu.memory_space<semaphore_mem>>
          %dma_start3A_210 = arith.constant 0 : i32
          %dma_start3A_211 = tpu.memref_slice %arg9[%add3A_181, %dma_start3A_210] : memref<79x128xi32, #tpu.memory_space<vmem>> -> memref<1x128xi32, #tpu.memory_space<vmem>>
          %dma_start3A_212 = tpu.memref_squeeze %dma_start3A_211 : memref<1x128xi32, #tpu.memory_space<vmem>> -> memref<128xi32, #tpu.memory_space<vmem>>
          %dma_start3A_213 = arith.constant 0 : i32
          %dma_start3A_214 = arith.constant 0 : i32
          %dma_start3A_215 = tpu.memref_slice %arg14[%dma_start3A_213, %dma_start3A_214] : memref<10000x64xf32, #tpu.memory_space<vmem_shared>> -> memref<10000x64xf32, #tpu.memory_space<vmem_shared>>
          tpu.enqueue_indirect_dma source(%arg11 : memref<128x64xf32, #tpu.memory_space<vmem>>) target(%dma_start3A_215 : memref<10000x64xf32, #tpu.memory_space<vmem_shared>>) offsets(%dma_start3A_212 : memref<128xi32, #tpu.memory_space<vmem>>) semaphore(%run_scoped3A : memref<!tpu.dma_semaphore, #tpu.memory_space<semaphore_mem>>) {add = true}
          %dma_wait3A_216 = arith.constant 0 : i32
          %dma_wait3A_217 = tpu.memref_slice %arg9[%add3A_181, %dma_wait3A_216] : memref<79x128xi32, #tpu.memory_space<vmem>> -> memref<1x128xi32, #tpu.memory_space<vmem>>
          %dma_wait3A_218 = tpu.memref_squeeze %dma_wait3A_217 : memref<1x128xi32, #tpu.memory_space<vmem>> -> memref<128xi32, #tpu.memory_space<vmem>>
          %dma_wait3A_219 = arith.constant 0 : i32
          %dma_wait3A_220 = arith.constant 0 : i32
          %dma_wait3A_221 = tpu.memref_slice %arg14[%dma_wait3A_219, %dma_wait3A_220] : memref<10000x64xf32, #tpu.memory_space<vmem_shared>> -> memref<10000x64xf32, #tpu.memory_space<vmem_shared>>
          tpu.wait_indirect_dma semaphore(%run_scoped3A : memref<!tpu.dma_semaphore, #tpu.memory_space<semaphore_mem>>) src(%arg11 : memref<128x64xf32, #tpu.memory_space<vmem>>) dst(%dma_wait3A_221 : memref<10000x64xf32, #tpu.memory_space<vmem_shared>>)
          tpu.yield
        }) : () -> ()
        %add3A_204 = arith.constant 4 : i32
        %add3A_205 = arith.addi %add3A_181, %add3A_204 : i32
        %lt3A_206 = arith.cmpi slt, %add3A_205, %select_n3A : i32
        %convert_element_type3A_207 = arith.extui %lt3A_206 : i1 to i32
        %cond3A_208 = arith.constant 0 : i32
        %cond3A_209 = arith.cmpi ne, %convert_element_type3A_207, %cond3A_208 : i32
        scf.if %cond3A_209 {
          %add3A_210 = arith.constant 4 : i32
          %add3A_211 = arith.addi %add3A_181, %add3A_210 : i32
          %dma_start3A_212 = arith.constant 0 : i32
          %dma_start3A_213 = tpu.memref_slice %arg8[%add3A_211, %dma_start3A_212] : memref<79x128xi32, #tpu.memory_space<vmem>> -> memref<1x128xi32, #tpu.memory_space<vmem>>
          %dma_start3A_214 = tpu.memref_squeeze %dma_start3A_213 : memref<1x128xi32, #tpu.memory_space<vmem>> -> memref<128xi32, #tpu.memory_space<vmem>>
          %dma_start3A_215 = arith.constant 0 : i32
          %dma_start3A_216 = arith.constant 0 : i32
          %dma_start3A_217 = tpu.memref_slice %arg2[%dma_start3A_215, %dma_start3A_216] : memref<10000x64xf32, #tpu.memory_space<hbm>> -> memref<10000x64xf32, #tpu.memory_space<hbm>>
          tpu.enqueue_indirect_dma source(%dma_start3A_217 : memref<10000x64xf32, #tpu.memory_space<hbm>>) target(%arg11 : memref<128x64xf32, #tpu.memory_space<vmem>>) offsets(%dma_start3A_214 : memref<128xi32, #tpu.memory_space<vmem>>) semaphore(%arg16 : memref<!tpu.dma_semaphore, #tpu.memory_space<semaphore_mem>>)
        } else {
        }
      } else {
      }
      %add3A_186 = arith.constant 2 : i32
      %add3A_187 = arith.addi %mul3A_167, %add3A_186 : i32
      %lt3A_188 = arith.cmpi slt, %add3A_187, %select_n3A : i32
      %convert_element_type3A_189 = arith.extui %lt3A_188 : i1 to i32
      %cond3A_190 = arith.constant 0 : i32
      %cond3A_191 = arith.cmpi ne, %convert_element_type3A_189, %cond3A_190 : i32
      scf.if %cond3A_191 {
        %dma_wait3A_198 = arith.constant 0 : i32
        %dma_wait3A_199 = tpu.memref_slice %arg8[%add3A_187, %dma_wait3A_198] : memref<79x128xi32, #tpu.memory_space<vmem>> -> memref<1x128xi32, #tpu.memory_space<vmem>>
        %dma_wait3A_200 = tpu.memref_squeeze %dma_wait3A_199 : memref<1x128xi32, #tpu.memory_space<vmem>> -> memref<128xi32, #tpu.memory_space<vmem>>
        %dma_wait3A_201 = arith.constant 0 : i32
        %dma_wait3A_202 = arith.constant 0 : i32
        %dma_wait3A_203 = tpu.memref_slice %arg2[%dma_wait3A_201, %dma_wait3A_202] : memref<10000x64xf32, #tpu.memory_space<hbm>> -> memref<10000x64xf32, #tpu.memory_space<hbm>>
        tpu.wait_indirect_dma semaphore(%arg17 : memref<!tpu.dma_semaphore, #tpu.memory_space<semaphore_mem>>) src(%dma_wait3A_203 : memref<10000x64xf32, #tpu.memory_space<hbm>>) dst(%arg12 : memref<128x64xf32, #tpu.memory_space<vmem>>)
        "tpu.region"() ({
          %run_scoped3A = tpu.sem_alloc : memref<!tpu.dma_semaphore, #tpu.memory_space<semaphore_mem>>
          %dma_start3A_210 = arith.constant 0 : i32
          %dma_start3A_211 = tpu.memref_slice %arg9[%add3A_187, %dma_start3A_210] : memref<79x128xi32, #tpu.memory_space<vmem>> -> memref<1x128xi32, #tpu.memory_space<vmem>>
          %dma_start3A_212 = tpu.memref_squeeze %dma_start3A_211 : memref<1x128xi32, #tpu.memory_space<vmem>> -> memref<128xi32, #tpu.memory_space<vmem>>
          %dma_start3A_213 = arith.constant 0 : i32
          %dma_start3A_214 = arith.constant 0 : i32
          %dma_start3A_215 = tpu.memref_slice %arg14[%dma_start3A_213, %dma_start3A_214] : memref<10000x64xf32, #tpu.memory_space<vmem_shared>> -> memref<10000x64xf32, #tpu.memory_space<vmem_shared>>
          tpu.enqueue_indirect_dma source(%arg12 : memref<128x64xf32, #tpu.memory_space<vmem>>) target(%dma_start3A_215 : memref<10000x64xf32, #tpu.memory_space<vmem_shared>>) offsets(%dma_start3A_212 : memref<128xi32, #tpu.memory_space<vmem>>) semaphore(%run_scoped3A : memref<!tpu.dma_semaphore, #tpu.memory_space<semaphore_mem>>) {add = true}
          %dma_wait3A_216 = arith.constant 0 : i32
          %dma_wait3A_217 = tpu.memref_slice %arg9[%add3A_187, %dma_wait3A_216] : memref<79x128xi32, #tpu.memory_space<vmem>> -> memref<1x128xi32, #tpu.memory_space<vmem>>
          %dma_wait3A_218 = tpu.memref_squeeze %dma_wait3A_217 : memref<1x128xi32, #tpu.memory_space<vmem>> -> memref<128xi32, #tpu.memory_space<vmem>>
          %dma_wait3A_219 = arith.constant 0 : i32
          %dma_wait3A_220 = arith.constant 0 : i32
          %dma_wait3A_221 = tpu.memref_slice %arg14[%dma_wait3A_219, %dma_wait3A_220] : memref<10000x64xf32, #tpu.memory_space<vmem_shared>> -> memref<10000x64xf32, #tpu.memory_space<vmem_shared>>
          tpu.wait_indirect_dma semaphore(%run_scoped3A : memref<!tpu.dma_semaphore, #tpu.memory_space<semaphore_mem>>) src(%arg12 : memref<128x64xf32, #tpu.memory_space<vmem>>) dst(%dma_wait3A_221 : memref<10000x64xf32, #tpu.memory_space<vmem_shared>>)
          tpu.yield
        }) : () -> ()
        %add3A_204 = arith.constant 4 : i32
        %add3A_205 = arith.addi %add3A_187, %add3A_204 : i32
        %lt3A_206 = arith.cmpi slt, %add3A_205, %select_n3A : i32
        %convert_element_type3A_207 = arith.extui %lt3A_206 : i1 to i32
        %cond3A_208 = arith.constant 0 : i32
        %cond3A_209 = arith.cmpi ne, %convert_element_type3A_207, %cond3A_208 : i32
        scf.if %cond3A_209 {
          %add3A_210 = arith.constant 4 : i32
          %add3A_211 = arith.addi %add3A_187, %add3A_210 : i32
          %dma_start3A_212 = arith.constant 0 : i32
          %dma_start3A_213 = tpu.memref_slice %arg8[%add3A_211, %dma_start3A_212] : memref<79x128xi32, #tpu.memory_space<vmem>> -> memref<1x128xi32, #tpu.memory_space<vmem>>
          %dma_start3A_214 = tpu.memref_squeeze %dma_start3A_213 : memref<1x128xi32, #tpu.memory_space<vmem>> -> memref<128xi32, #tpu.memory_space<vmem>>
          %dma_start3A_215 = arith.constant 0 : i32
          %dma_start3A_216 = arith.constant 0 : i32
          %dma_start3A_217 = tpu.memref_slice %arg2[%dma_start3A_215, %dma_start3A_216] : memref<10000x64xf32, #tpu.memory_space<hbm>> -> memref<10000x64xf32, #tpu.memory_space<hbm>>
          tpu.enqueue_indirect_dma source(%dma_start3A_217 : memref<10000x64xf32, #tpu.memory_space<hbm>>) target(%arg12 : memref<128x64xf32, #tpu.memory_space<vmem>>) offsets(%dma_start3A_214 : memref<128xi32, #tpu.memory_space<vmem>>) semaphore(%arg17 : memref<!tpu.dma_semaphore, #tpu.memory_space<semaphore_mem>>)
        } else {
        }
      } else {
      }
      %add3A_192 = arith.constant 3 : i32
      %add3A_193 = arith.addi %mul3A_167, %add3A_192 : i32
      %lt3A_194 = arith.cmpi slt, %add3A_193, %select_n3A : i32
      %convert_element_type3A_195 = arith.extui %lt3A_194 : i1 to i32
      %cond3A_196 = arith.constant 0 : i32
      %cond3A_197 = arith.cmpi ne, %convert_element_type3A_195, %cond3A_196 : i32
      scf.if %cond3A_197 {
        %dma_wait3A_198 = arith.constant 0 : i32
        %dma_wait3A_199 = tpu.memref_slice %arg8[%add3A_193, %dma_wait3A_198] : memref<79x128xi32, #tpu.memory_space<vmem>> -> memref<1x128xi32, #tpu.memory_space<vmem>>
        %dma_wait3A_200 = tpu.memref_squeeze %dma_wait3A_199 : memref<1x128xi32, #tpu.memory_space<vmem>> -> memref<128xi32, #tpu.memory_space<vmem>>
        %dma_wait3A_201 = arith.constant 0 : i32
        %dma_wait3A_202 = arith.constant 0 : i32
        %dma_wait3A_203 = tpu.memref_slice %arg2[%dma_wait3A_201, %dma_wait3A_202] : memref<10000x64xf32, #tpu.memory_space<hbm>> -> memref<10000x64xf32, #tpu.memory_space<hbm>>
        tpu.wait_indirect_dma semaphore(%arg18 : memref<!tpu.dma_semaphore, #tpu.memory_space<semaphore_mem>>) src(%dma_wait3A_203 : memref<10000x64xf32, #tpu.memory_space<hbm>>) dst(%arg13 : memref<128x64xf32, #tpu.memory_space<vmem>>)
        "tpu.region"() ({
          %run_scoped3A = tpu.sem_alloc : memref<!tpu.dma_semaphore, #tpu.memory_space<semaphore_mem>>
          %dma_start3A_210 = arith.constant 0 : i32
          %dma_start3A_211 = tpu.memref_slice %arg9[%add3A_193, %dma_start3A_210] : memref<79x128xi32, #tpu.memory_space<vmem>> -> memref<1x128xi32, #tpu.memory_space<vmem>>
          %dma_start3A_212 = tpu.memref_squeeze %dma_start3A_211 : memref<1x128xi32, #tpu.memory_space<vmem>> -> memref<128xi32, #tpu.memory_space<vmem>>
          %dma_start3A_213 = arith.constant 0 : i32
          %dma_start3A_214 = arith.constant 0 : i32
          %dma_start3A_215 = tpu.memref_slice %arg14[%dma_start3A_213, %dma_start3A_214] : memref<10000x64xf32, #tpu.memory_space<vmem_shared>> -> memref<10000x64xf32, #tpu.memory_space<vmem_shared>>
          tpu.enqueue_indirect_dma source(%arg13 : memref<128x64xf32, #tpu.memory_space<vmem>>) target(%dma_start3A_215 : memref<10000x64xf32, #tpu.memory_space<vmem_shared>>) offsets(%dma_start3A_212 : memref<128xi32, #tpu.memory_space<vmem>>) semaphore(%run_scoped3A : memref<!tpu.dma_semaphore, #tpu.memory_space<semaphore_mem>>) {add = true}
          %dma_wait3A_216 = arith.constant 0 : i32
          %dma_wait3A_217 = tpu.memref_slice %arg9[%add3A_193, %dma_wait3A_216] : memref<79x128xi32, #tpu.memory_space<vmem>> -> memref<1x128xi32, #tpu.memory_space<vmem>>
          %dma_wait3A_218 = tpu.memref_squeeze %dma_wait3A_217 : memref<1x128xi32, #tpu.memory_space<vmem>> -> memref<128xi32, #tpu.memory_space<vmem>>
          %dma_wait3A_219 = arith.constant 0 : i32
          %dma_wait3A_220 = arith.constant 0 : i32
          %dma_wait3A_221 = tpu.memref_slice %arg14[%dma_wait3A_219, %dma_wait3A_220] : memref<10000x64xf32, #tpu.memory_space<vmem_shared>> -> memref<10000x64xf32, #tpu.memory_space<vmem_shared>>
          tpu.wait_indirect_dma semaphore(%run_scoped3A : memref<!tpu.dma_semaphore, #tpu.memory_space<semaphore_mem>>) src(%arg13 : memref<128x64xf32, #tpu.memory_space<vmem>>) dst(%dma_wait3A_221 : memref<10000x64xf32, #tpu.memory_space<vmem_shared>>)
          tpu.yield
        }) : () -> ()
        %add3A_204 = arith.constant 4 : i32
        %add3A_205 = arith.addi %add3A_193, %add3A_204 : i32
        %lt3A_206 = arith.cmpi slt, %add3A_205, %select_n3A : i32
        %convert_element_type3A_207 = arith.extui %lt3A_206 : i1 to i32
        %cond3A_208 = arith.constant 0 : i32
        %cond3A_209 = arith.cmpi ne, %convert_element_type3A_207, %cond3A_208 : i32
        scf.if %cond3A_209 {
          %add3A_210 = arith.constant 4 : i32
          %add3A_211 = arith.addi %add3A_193, %add3A_210 : i32
          %dma_start3A_212 = arith.constant 0 : i32
          %dma_start3A_213 = tpu.memref_slice %arg8[%add3A_211, %dma_start3A_212] : memref<79x128xi32, #tpu.memory_space<vmem>> -> memref<1x128xi32, #tpu.memory_space<vmem>>
          %dma_start3A_214 = tpu.memref_squeeze %dma_start3A_213 : memref<1x128xi32, #tpu.memory_space<vmem>> -> memref<128xi32, #tpu.memory_space<vmem>>
          %dma_start3A_215 = arith.constant 0 : i32
          %dma_start3A_216 = arith.constant 0 : i32
          %dma_start3A_217 = tpu.memref_slice %arg2[%dma_start3A_215, %dma_start3A_216] : memref<10000x64xf32, #tpu.memory_space<hbm>> -> memref<10000x64xf32, #tpu.memory_space<hbm>>
          tpu.enqueue_indirect_dma source(%dma_start3A_217 : memref<10000x64xf32, #tpu.memory_space<hbm>>) target(%arg13 : memref<128x64xf32, #tpu.memory_space<vmem>>) offsets(%dma_start3A_214 : memref<128xi32, #tpu.memory_space<vmem>>) semaphore(%arg18 : memref<!tpu.dma_semaphore, #tpu.memory_space<semaphore_mem>>)
        } else {
        }
      } else {
      }
    }
    %while3A_83 = arith.constant 1 : i32
    scf.for %while3A_165 = %while3A_81 to %while3A_77 step %while3A_83  : i32 {
      %mul3A_166 = arith.constant 4 : i32
      %mul3A_167 = arith.muli %mul3A_166, %while3A_165 : i32
      %add3A_168 = arith.constant 0 : i32
      %add3A_169 = arith.addi %mul3A_167, %add3A_168 : i32
      %dma_wait3A = arith.constant 0 : i32
      %dma_wait3A_170 = tpu.memref_slice %arg8[%add3A_169, %dma_wait3A] : memref<79x128xi32, #tpu.memory_space<vmem>> -> memref<1x128xi32, #tpu.memory_space<vmem>>
      %dma_wait3A_171 = tpu.memref_squeeze %dma_wait3A_170 : memref<1x128xi32, #tpu.memory_space<vmem>> -> memref<128xi32, #tpu.memory_space<vmem>>
      %dma_wait3A_172 = arith.constant 0 : i32
      %dma_wait3A_173 = arith.constant 0 : i32
      %dma_wait3A_174 = tpu.memref_slice %arg2[%dma_wait3A_172, %dma_wait3A_173] : memref<10000x64xf32, #tpu.memory_space<hbm>> -> memref<10000x64xf32, #tpu.memory_space<hbm>>
      tpu.wait_indirect_dma semaphore(%arg15 : memref<!tpu.dma_semaphore, #tpu.memory_space<semaphore_mem>>) src(%dma_wait3A_174 : memref<10000x64xf32, #tpu.memory_space<hbm>>) dst(%arg10 : memref<128x64xf32, #tpu.memory_space<vmem>>)
      "tpu.region"() ({
        %run_scoped3A = tpu.sem_alloc : memref<!tpu.dma_semaphore, #tpu.memory_space<semaphore_mem>>
        %dma_start3A_198 = arith.constant 0 : i32
        %dma_start3A_199 = tpu.memref_slice %arg9[%add3A_169, %dma_start3A_198] : memref<79x128xi32, #tpu.memory_space<vmem>> -> memref<1x128xi32, #tpu.memory_space<vmem>>
        %dma_start3A_200 = tpu.memref_squeeze %dma_start3A_199 : memref<1x128xi32, #tpu.memory_space<vmem>> -> memref<128xi32, #tpu.memory_space<vmem>>
        %dma_start3A_201 = arith.constant 0 : i32
        %dma_start3A_202 = arith.constant 0 : i32
        %dma_start3A_203 = tpu.memref_slice %arg14[%dma_start3A_201, %dma_start3A_202] : memref<10000x64xf32, #tpu.memory_space<vmem_shared>> -> memref<10000x64xf32, #tpu.memory_space<vmem_shared>>
        tpu.enqueue_indirect_dma source(%arg10 : memref<128x64xf32, #tpu.memory_space<vmem>>) target(%dma_start3A_203 : memref<10000x64xf32, #tpu.memory_space<vmem_shared>>) offsets(%dma_start3A_200 : memref<128xi32, #tpu.memory_space<vmem>>) semaphore(%run_scoped3A : memref<!tpu.dma_semaphore, #tpu.memory_space<semaphore_mem>>) {add = true}
        %dma_wait3A_204 = arith.constant 0 : i32
        %dma_wait3A_205 = tpu.memref_slice %arg9[%add3A_169, %dma_wait3A_204] : memref<79x128xi32, #tpu.memory_space<vmem>> -> memref<1x128xi32, #tpu.memory_space<vmem>>
        %dma_wait3A_206 = tpu.memref_squeeze %dma_wait3A_205 : memref<1x128xi32, #tpu.memory_space<vmem>> -> memref<128xi32, #tpu.memory_space<vmem>>
        %dma_wait3A_207 = arith.constant 0 : i32
        %dma_wait3A_208 = arith.constant 0 : i32
        %dma_wait3A_209 = tpu.memref_slice %arg14[%dma_wait3A_207, %dma_wait3A_208] : memref<10000x64xf32, #tpu.memory_space<vmem_shared>> -> memref<10000x64xf32, #tpu.memory_space<vmem_shared>>
        tpu.wait_indirect_dma semaphore(%run_scoped3A : memref<!tpu.dma_semaphore, #tpu.memory_space<semaphore_mem>>) src(%arg10 : memref<128x64xf32, #tpu.memory_space<vmem>>) dst(%dma_wait3A_209 : memref<10000x64xf32, #tpu.memory_space<vmem_shared>>)
        tpu.yield
      }) : () -> ()
      %add3A_175 = arith.constant 4 : i32
      %add3A_176 = arith.addi %add3A_169, %add3A_175 : i32
      %lt3A = arith.cmpi slt, %add3A_176, %select_n3A : i32
      %convert_element_type3A_177 = arith.extui %lt3A : i1 to i32
      %cond3A_178 = arith.constant 0 : i32
      %cond3A_179 = arith.cmpi ne, %convert_element_type3A_177, %cond3A_178 : i32
      scf.if %cond3A_179 {
        %add3A_198 = arith.constant 4 : i32
        %add3A_199 = arith.addi %add3A_169, %add3A_198 : i32
        %dma_start3A_200 = arith.constant 0 : i32
        %dma_start3A_201 = tpu.memref_slice %arg8[%add3A_199, %dma_start3A_200] : memref<79x128xi32, #tpu.memory_space<vmem>> -> memref<1x128xi32, #tpu.memory_space<vmem>>
        %dma_start3A_202 = tpu.memref_squeeze %dma_start3A_201 : memref<1x128xi32, #tpu.memory_space<vmem>> -> memref<128xi32, #tpu.memory_space<vmem>>
        %dma_start3A_203 = arith.constant 0 : i32
        %dma_start3A_204 = arith.constant 0 : i32
        %dma_start3A_205 = tpu.memref_slice %arg2[%dma_start3A_203, %dma_start3A_204] : memref<10000x64xf32, #tpu.memory_space<hbm>> -> memref<10000x64xf32, #tpu.memory_space<hbm>>
        tpu.enqueue_indirect_dma source(%dma_start3A_205 : memref<10000x64xf32, #tpu.memory_space<hbm>>) target(%arg10 : memref<128x64xf32, #tpu.memory_space<vmem>>) offsets(%dma_start3A_202 : memref<128xi32, #tpu.memory_space<vmem>>) semaphore(%arg15 : memref<!tpu.dma_semaphore, #tpu.memory_space<semaphore_mem>>)
      } else {
      }
      %add3A_180 = arith.constant 1 : i32
      %add3A_181 = arith.addi %mul3A_167, %add3A_180 : i32
      %lt3A_182 = arith.cmpi slt, %add3A_181, %select_n3A : i32
      %convert_element_type3A_183 = arith.extui %lt3A_182 : i1 to i32
      %cond3A_184 = arith.constant 0 : i32
      %cond3A_185 = arith.cmpi ne, %convert_element_type3A_183, %cond3A_184 : i32
      scf.if %cond3A_185 {
        %dma_wait3A_198 = arith.constant 0 : i32
        %dma_wait3A_199 = tpu.memref_slice %arg8[%add3A_181, %dma_wait3A_198] : memref<79x128xi32, #tpu.memory_space<vmem>> -> memref<1x128xi32, #tpu.memory_space<vmem>>
        %dma_wait3A_200 = tpu.memref_squeeze %dma_wait3A_199 : memref<1x128xi32, #tpu.memory_space<vmem>> -> memref<128xi32, #tpu.memory_space<vmem>>
        %dma_wait3A_201 = arith.constant 0 : i32
        %dma_wait3A_202 = arith.constant 0 : i32
        %dma_wait3A_203 = tpu.memref_slice %arg2[%dma_wait3A_201, %dma_wait3A_202] : memref<10000x64xf32, #tpu.memory_space<hbm>> -> memref<10000x64xf32, #tpu.memory_space<hbm>>
        tpu.wait_indirect_dma semaphore(%arg16 : memref<!tpu.dma_semaphore, #tpu.memory_space<semaphore_mem>>) src(%dma_wait3A_203 : memref<10000x64xf32, #tpu.memory_space<hbm>>) dst(%arg11 : memref<128x64xf32, #tpu.memory_space<vmem>>)
        "tpu.region"() ({
          %run_scoped3A = tpu.sem_alloc : memref<!tpu.dma_semaphore, #tpu.memory_space<semaphore_mem>>
          %dma_start3A_210 = arith.constant 0 : i32
          %dma_start3A_211 = tpu.memref_slice %arg9[%add3A_181, %dma_start3A_210] : memref<79x128xi32, #tpu.memory_space<vmem>> -> memref<1x128xi32, #tpu.memory_space<vmem>>
          %dma_start3A_212 = tpu.memref_squeeze %dma_start3A_211 : memref<1x128xi32, #tpu.memory_space<vmem>> -> memref<128xi32, #tpu.memory_space<vmem>>
          %dma_start3A_213 = arith.constant 0 : i32
          %dma_start3A_214 = arith.constant 0 : i32
          %dma_start3A_215 = tpu.memref_slice %arg14[%dma_start3A_213, %dma_start3A_214] : memref<10000x64xf32, #tpu.memory_space<vmem_shared>> -> memref<10000x64xf32, #tpu.memory_space<vmem_shared>>
          tpu.enqueue_indirect_dma source(%arg11 : memref<128x64xf32, #tpu.memory_space<vmem>>) target(%dma_start3A_215 : memref<10000x64xf32, #tpu.memory_space<vmem_shared>>) offsets(%dma_start3A_212 : memref<128xi32, #tpu.memory_space<vmem>>) semaphore(%run_scoped3A : memref<!tpu.dma_semaphore, #tpu.memory_space<semaphore_mem>>) {add = true}
          %dma_wait3A_216 = arith.constant 0 : i32
          %dma_wait3A_217 = tpu.memref_slice %arg9[%add3A_181, %dma_wait3A_216] : memref<79x128xi32, #tpu.memory_space<vmem>> -> memref<1x128xi32, #tpu.memory_space<vmem>>
          %dma_wait3A_218 = tpu.memref_squeeze %dma_wait3A_217 : memref<1x128xi32, #tpu.memory_space<vmem>> -> memref<128xi32, #tpu.memory_space<vmem>>
          %dma_wait3A_219 = arith.constant 0 : i32
          %dma_wait3A_220 = arith.constant 0 : i32
          %dma_wait3A_221 = tpu.memref_slice %arg14[%dma_wait3A_219, %dma_wait3A_220] : memref<10000x64xf32, #tpu.memory_space<vmem_shared>> -> memref<10000x64xf32, #tpu.memory_space<vmem_shared>>
          tpu.wait_indirect_dma semaphore(%run_scoped3A : memref<!tpu.dma_semaphore, #tpu.memory_space<semaphore_mem>>) src(%arg11 : memref<128x64xf32, #tpu.memory_space<vmem>>) dst(%dma_wait3A_221 : memref<10000x64xf32, #tpu.memory_space<vmem_shared>>)
          tpu.yield
        }) : () -> ()
        %add3A_204 = arith.constant 4 : i32
        %add3A_205 = arith.addi %add3A_181, %add3A_204 : i32
        %lt3A_206 = arith.cmpi slt, %add3A_205, %select_n3A : i32
        %convert_element_type3A_207 = arith.extui %lt3A_206 : i1 to i32
        %cond3A_208 = arith.constant 0 : i32
        %cond3A_209 = arith.cmpi ne, %convert_element_type3A_207, %cond3A_208 : i32
        scf.if %cond3A_209 {
          %add3A_210 = arith.constant 4 : i32
          %add3A_211 = arith.addi %add3A_181, %add3A_210 : i32
          %dma_start3A_212 = arith.constant 0 : i32
          %dma_start3A_213 = tpu.memref_slice %arg8[%add3A_211, %dma_start3A_212] : memref<79x128xi32, #tpu.memory_space<vmem>> -> memref<1x128xi32, #tpu.memory_space<vmem>>
          %dma_start3A_214 = tpu.memref_squeeze %dma_start3A_213 : memref<1x128xi32, #tpu.memory_space<vmem>> -> memref<128xi32, #tpu.memory_space<vmem>>
          %dma_start3A_215 = arith.constant 0 : i32
          %dma_start3A_216 = arith.constant 0 : i32
          %dma_start3A_217 = tpu.memref_slice %arg2[%dma_start3A_215, %dma_start3A_216] : memref<10000x64xf32, #tpu.memory_space<hbm>> -> memref<10000x64xf32, #tpu.memory_space<hbm>>
          tpu.enqueue_indirect_dma source(%dma_start3A_217 : memref<10000x64xf32, #tpu.memory_space<hbm>>) target(%arg11 : memref<128x64xf32, #tpu.memory_space<vmem>>) offsets(%dma_start3A_214 : memref<128xi32, #tpu.memory_space<vmem>>) semaphore(%arg16 : memref<!tpu.dma_semaphore, #tpu.memory_space<semaphore_mem>>)
        } else {
        }
      } else {
      }
      %add3A_186 = arith.constant 2 : i32
      %add3A_187 = arith.addi %mul3A_167, %add3A_186 : i32
      %lt3A_188 = arith.cmpi slt, %add3A_187, %select_n3A : i32
      %convert_element_type3A_189 = arith.extui %lt3A_188 : i1 to i32
      %cond3A_190 = arith.constant 0 : i32
      %cond3A_191 = arith.cmpi ne, %convert_element_type3A_189, %cond3A_190 : i32
      scf.if %cond3A_191 {
        %dma_wait3A_198 = arith.constant 0 : i32
        %dma_wait3A_199 = tpu.memref_slice %arg8[%add3A_187, %dma_wait3A_198] : memref<79x128xi32, #tpu.memory_space<vmem>> -> memref<1x128xi32, #tpu.memory_space<vmem>>
        %dma_wait3A_200 = tpu.memref_squeeze %dma_wait3A_199 : memref<1x128xi32, #tpu.memory_space<vmem>> -> memref<128xi32, #tpu.memory_space<vmem>>
        %dma_wait3A_201 = arith.constant 0 : i32
        %dma_wait3A_202 = arith.constant 0 : i32
        %dma_wait3A_203 = tpu.memref_slice %arg2[%dma_wait3A_201, %dma_wait3A_202] : memref<10000x64xf32, #tpu.memory_space<hbm>> -> memref<10000x64xf32, #tpu.memory_space<hbm>>
        tpu.wait_indirect_dma semaphore(%arg17 : memref<!tpu.dma_semaphore, #tpu.memory_space<semaphore_mem>>) src(%dma_wait3A_203 : memref<10000x64xf32, #tpu.memory_space<hbm>>) dst(%arg12 : memref<128x64xf32, #tpu.memory_space<vmem>>)
        "tpu.region"() ({
          %run_scoped3A = tpu.sem_alloc : memref<!tpu.dma_semaphore, #tpu.memory_space<semaphore_mem>>
          %dma_start3A_210 = arith.constant 0 : i32
          %dma_start3A_211 = tpu.memref_slice %arg9[%add3A_187, %dma_start3A_210] : memref<79x128xi32, #tpu.memory_space<vmem>> -> memref<1x128xi32, #tpu.memory_space<vmem>>
          %dma_start3A_212 = tpu.memref_squeeze %dma_start3A_211 : memref<1x128xi32, #tpu.memory_space<vmem>> -> memref<128xi32, #tpu.memory_space<vmem>>
          %dma_start3A_213 = arith.constant 0 : i32
          %dma_start3A_214 = arith.constant 0 : i32
          %dma_start3A_215 = tpu.memref_slice %arg14[%dma_start3A_213, %dma_start3A_214] : memref<10000x64xf32, #tpu.memory_space<vmem_shared>> -> memref<10000x64xf32, #tpu.memory_space<vmem_shared>>
          tpu.enqueue_indirect_dma source(%arg12 : memref<128x64xf32, #tpu.memory_space<vmem>>) target(%dma_start3A_215 : memref<10000x64xf32, #tpu.memory_space<vmem_shared>>) offsets(%dma_start3A_212 : memref<128xi32, #tpu.memory_space<vmem>>) semaphore(%run_scoped3A : memref<!tpu.dma_semaphore, #tpu.memory_space<semaphore_mem>>) {add = true}
          %dma_wait3A_216 = arith.constant 0 : i32
          %dma_wait3A_217 = tpu.memref_slice %arg9[%add3A_187, %dma_wait3A_216] : memref<79x128xi32, #tpu.memory_space<vmem>> -> memref<1x128xi32, #tpu.memory_space<vmem>>
          %dma_wait3A_218 = tpu.memref_squeeze %dma_wait3A_217 : memref<1x128xi32, #tpu.memory_space<vmem>> -> memref<128xi32, #tpu.memory_space<vmem>>
          %dma_wait3A_219 = arith.constant 0 : i32
          %dma_wait3A_220 = arith.constant 0 : i32
          %dma_wait3A_221 = tpu.memref_slice %arg14[%dma_wait3A_219, %dma_wait3A_220] : memref<10000x64xf32, #tpu.memory_space<vmem_shared>> -> memref<10000x64xf32, #tpu.memory_space<vmem_shared>>
          tpu.wait_indirect_dma semaphore(%run_scoped3A : memref<!tpu.dma_semaphore, #tpu.memory_space<semaphore_mem>>) src(%arg12 : memref<128x64xf32, #tpu.memory_space<vmem>>) dst(%dma_wait3A_221 : memref<10000x64xf32, #tpu.memory_space<vmem_shared>>)
          tpu.yield
        }) : () -> ()
        %add3A_204 = arith.constant 4 : i32
        %add3A_205 = arith.addi %add3A_187, %add3A_204 : i32
        %lt3A_206 = arith.cmpi slt, %add3A_205, %select_n3A : i32
        %convert_element_type3A_207 = arith.extui %lt3A_206 : i1 to i32
        %cond3A_208 = arith.constant 0 : i32
        %cond3A_209 = arith.cmpi ne, %convert_element_type3A_207, %cond3A_208 : i32
        scf.if %cond3A_209 {
          %add3A_210 = arith.constant 4 : i32
          %add3A_211 = arith.addi %add3A_187, %add3A_210 : i32
          %dma_start3A_212 = arith.constant 0 : i32
          %dma_start3A_213 = tpu.memref_slice %arg8[%add3A_211, %dma_start3A_212] : memref<79x128xi32, #tpu.memory_space<vmem>> -> memref<1x128xi32, #tpu.memory_space<vmem>>
          %dma_start3A_214 = tpu.memref_squeeze %dma_start3A_213 : memref<1x128xi32, #tpu.memory_space<vmem>> -> memref<128xi32, #tpu.memory_space<vmem>>
          %dma_start3A_215 = arith.constant 0 : i32
          %dma_start3A_216 = arith.constant 0 : i32
          %dma_start3A_217 = tpu.memref_slice %arg2[%dma_start3A_215, %dma_start3A_216] : memref<10000x64xf32, #tpu.memory_space<hbm>> -> memref<10000x64xf32, #tpu.memory_space<hbm>>
          tpu.enqueue_indirect_dma source(%dma_start3A_217 : memref<10000x64xf32, #tpu.memory_space<hbm>>) target(%arg12 : memref<128x64xf32, #tpu.memory_space<vmem>>) offsets(%dma_start3A_214 : memref<128xi32, #tpu.memory_space<vmem>>) semaphore(%arg17 : memref<!tpu.dma_semaphore, #tpu.memory_space<semaphore_mem>>)
        } else {
        }
      } else {
      }
      %add3A_192 = arith.constant 3 : i32
      %add3A_193 = arith.addi %mul3A_167, %add3A_192 : i32
      %lt3A_194 = arith.cmpi slt, %add3A_193, %select_n3A : i32
      %convert_element_type3A_195 = arith.extui %lt3A_194 : i1 to i32
      %cond3A_196 = arith.constant 0 : i32
      %cond3A_197 = arith.cmpi ne, %convert_element_type3A_195, %cond3A_196 : i32
      scf.if %cond3A_197 {
        %dma_wait3A_198 = arith.constant 0 : i32
        %dma_wait3A_199 = tpu.memref_slice %arg8[%add3A_193, %dma_wait3A_198] : memref<79x128xi32, #tpu.memory_space<vmem>> -> memref<1x128xi32, #tpu.memory_space<vmem>>
        %dma_wait3A_200 = tpu.memref_squeeze %dma_wait3A_199 : memref<1x128xi32, #tpu.memory_space<vmem>> -> memref<128xi32, #tpu.memory_space<vmem>>
        %dma_wait3A_201 = arith.constant 0 : i32
        %dma_wait3A_202 = arith.constant 0 : i32
        %dma_wait3A_203 = tpu.memref_slice %arg2[%dma_wait3A_201, %dma_wait3A_202] : memref<10000x64xf32, #tpu.memory_space<hbm>> -> memref<10000x64xf32, #tpu.memory_space<hbm>>
        tpu.wait_indirect_dma semaphore(%arg18 : memref<!tpu.dma_semaphore, #tpu.memory_space<semaphore_mem>>) src(%dma_wait3A_203 : memref<10000x64xf32, #tpu.memory_space<hbm>>) dst(%arg13 : memref<128x64xf32, #tpu.memory_space<vmem>>)
        "tpu.region"() ({
          %run_scoped3A = tpu.sem_alloc : memref<!tpu.dma_semaphore, #tpu.memory_space<semaphore_mem>>
          %dma_start3A_210 = arith.constant 0 : i32
          %dma_start3A_211 = tpu.memref_slice %arg9[%add3A_193, %dma_start3A_210] : memref<79x128xi32, #tpu.memory_space<vmem>> -> memref<1x128xi32, #tpu.memory_space<vmem>>
          %dma_start3A_212 = tpu.memref_squeeze %dma_start3A_211 : memref<1x128xi32, #tpu.memory_space<vmem>> -> memref<128xi32, #tpu.memory_space<vmem>>
          %dma_start3A_213 = arith.constant 0 : i32
          %dma_start3A_214 = arith.constant 0 : i32
          %dma_start3A_215 = tpu.memref_slice %arg14[%dma_start3A_213, %dma_start3A_214] : memref<10000x64xf32, #tpu.memory_space<vmem_shared>> -> memref<10000x64xf32, #tpu.memory_space<vmem_shared>>
          tpu.enqueue_indirect_dma source(%arg13 : memref<128x64xf32, #tpu.memory_space<vmem>>) target(%dma_start3A_215 : memref<10000x64xf32, #tpu.memory_space<vmem_shared>>) offsets(%dma_start3A_212 : memref<128xi32, #tpu.memory_space<vmem>>) semaphore(%run_scoped3A : memref<!tpu.dma_semaphore, #tpu.memory_space<semaphore_mem>>) {add = true}
          %dma_wait3A_216 = arith.constant 0 : i32
          %dma_wait3A_217 = tpu.memref_slice %arg9[%add3A_193, %dma_wait3A_216] : memref<79x128xi32, #tpu.memory_space<vmem>> -> memref<1x128xi32, #tpu.memory_space<vmem>>
          %dma_wait3A_218 = tpu.memref_squeeze %dma_wait3A_217 : memref<1x128xi32, #tpu.memory_space<vmem>> -> memref<128xi32, #tpu.memory_space<vmem>>
          %dma_wait3A_219 = arith.constant 0 : i32
          %dma_wait3A_220 = arith.constant 0 : i32
          %dma_wait3A_221 = tpu.memref_slice %arg14[%dma_wait3A_219, %dma_wait3A_220] : memref<10000x64xf32, #tpu.memory_space<vmem_shared>> -> memref<10000x64xf32, #tpu.memory_space<vmem_shared>>
          tpu.wait_indirect_dma semaphore(%run_scoped3A : memref<!tpu.dma_semaphore, #tpu.memory_space<semaphore_mem>>) src(%arg13 : memref<128x64xf32, #tpu.memory_space<vmem>>) dst(%dma_wait3A_221 : memref<10000x64xf32, #tpu.memory_space<vmem_shared>>)
          tpu.yield
        }) : () -> ()
        %add3A_204 = arith.constant 4 : i32
        %add3A_205 = arith.addi %add3A_193, %add3A_204 : i32
        %lt3A_206 = arith.cmpi slt, %add3A_205, %select_n3A : i32
        %convert_element_type3A_207 = arith.extui %lt3A_206 : i1 to i32
        %cond3A_208 = arith.constant 0 : i32
        %cond3A_209 = arith.cmpi ne, %convert_element_type3A_207, %cond3A_208 : i32
        scf.if %cond3A_209 {
          %add3A_210 = arith.constant 4 : i32
          %add3A_211 = arith.addi %add3A_193, %add3A_210 : i32
          %dma_start3A_212 = arith.constant 0 : i32
          %dma_start3A_213 = tpu.memref_slice %arg8[%add3A_211, %dma_start3A_212] : memref<79x128xi32, #tpu.memory_space<vmem>> -> memref<1x128xi32, #tpu.memory_space<vmem>>
          %dma_start3A_214 = tpu.memref_squeeze %dma_start3A_213 : memref<1x128xi32, #tpu.memory_space<vmem>> -> memref<128xi32, #tpu.memory_space<vmem>>
          %dma_start3A_215 = arith.constant 0 : i32
          %dma_start3A_216 = arith.constant 0 : i32
          %dma_start3A_217 = tpu.memref_slice %arg2[%dma_start3A_215, %dma_start3A_216] : memref<10000x64xf32, #tpu.memory_space<hbm>> -> memref<10000x64xf32, #tpu.memory_space<hbm>>
          tpu.enqueue_indirect_dma source(%dma_start3A_217 : memref<10000x64xf32, #tpu.memory_space<hbm>>) target(%arg13 : memref<128x64xf32, #tpu.memory_space<vmem>>) offsets(%dma_start3A_214 : memref<128xi32, #tpu.memory_space<vmem>>) semaphore(%arg18 : memref<!tpu.dma_semaphore, #tpu.memory_space<semaphore_mem>>)
        } else {
        }
      } else {
      }
    }
    %barrier3A_84 = arith.constant 0 : index
    tpu.barrier barrier_id(%barrier3A_84)
    %mul3A_85 = arith.constant 625 : i32
    %mul3A_86 = arith.muli %arg1, %mul3A_85 : i32
    %mul3A_87 = arith.constant 625 : i32
    %mul3A_88 = arith.muli %arg1, %mul3A_87 : i32
    "tpu.region"() ({
      %run_scoped3A = tpu.sem_alloc : memref<!tpu.dma_semaphore, #tpu.memory_space<semaphore_mem>>
      %dma_start3A_165 = arith.constant 0 : i32
      %dma_start3A_166 = tpu.memref_slice %arg7[%arg0, %mul3A_88, %dma_start3A_165] : memref<2x10000x128xf32, #tpu.memory_space<hbm>> -> memref<1x625x64xf32, #tpu.memory_space<hbm>>
      %dma_start3A_167 = tpu.memref_squeeze %dma_start3A_166 : memref<1x625x64xf32, #tpu.memory_space<hbm>> -> memref<625x64xf32, #tpu.memory_space<hbm>>
      %dma_start3A_168 = arith.constant 0 : i32
      %dma_start3A_169 = tpu.memref_slice %arg14[%mul3A_86, %dma_start3A_168] : memref<10000x64xf32, #tpu.memory_space<vmem_shared>> -> memref<625x64xf32, #tpu.memory_space<vmem_shared>>
      tpu.enqueue_dma source(%dma_start3A_169 : memref<625x64xf32, #tpu.memory_space<vmem_shared>>) target(%dma_start3A_167 : memref<625x64xf32, #tpu.memory_space<hbm>>) target_semaphore(%run_scoped3A : memref<!tpu.dma_semaphore, #tpu.memory_space<semaphore_mem>>)
      %dma_wait3A = arith.constant 0 : i32
      %dma_wait3A_170 = tpu.memref_slice %arg7[%arg0, %mul3A_88, %dma_wait3A] : memref<2x10000x128xf32, #tpu.memory_space<hbm>> -> memref<1x625x64xf32, #tpu.memory_space<hbm>>
      %dma_wait3A_171 = tpu.memref_squeeze %dma_wait3A_170 : memref<1x625x64xf32, #tpu.memory_space<hbm>> -> memref<625x64xf32, #tpu.memory_space<hbm>>
      %dma_wait3A_172 = arith.constant 0 : i32
      %dma_wait3A_173 = tpu.memref_slice %arg14[%mul3A_86, %dma_wait3A_172] : memref<10000x64xf32, #tpu.memory_space<vmem_shared>> -> memref<625x64xf32, #tpu.memory_space<vmem_shared>>
      tpu.wait_dma2 semaphore(%run_scoped3A : memref<!tpu.dma_semaphore, #tpu.memory_space<semaphore_mem>>) src(%dma_wait3A_173 : memref<625x64xf32, #tpu.memory_space<vmem_shared>>) dst(%dma_wait3A_171 : memref<625x64xf32, #tpu.memory_space<hbm>>)
      tpu.yield
    }) : () -> ()
    %barrier3A_89 = arith.constant 0 : index
    tpu.barrier barrier_id(%barrier3A_89)
    %mul3A_90 = arith.constant 625 : i32
    %mul3A_91 = arith.muli %arg1, %mul3A_90 : i32
    "tpu.region"() ({
      %run_scoped3A = tpu.sem_alloc : memref<!tpu.dma_semaphore, #tpu.memory_space<semaphore_mem>>
      %dma_start3A_165 = arith.constant 0 : i32
      %dma_start3A_166 = tpu.memref_slice %arg14[%mul3A_91, %dma_start3A_165] : memref<10000x64xf32, #tpu.memory_space<vmem_shared>> -> memref<625x64xf32, #tpu.memory_space<vmem_shared>>
      tpu.enqueue_dma source(%arg6 : memref<625x64xf32, #tpu.memory_space<hbm>>) target(%dma_start3A_166 : memref<625x64xf32, #tpu.memory_space<vmem_shared>>) target_semaphore(%run_scoped3A : memref<!tpu.dma_semaphore, #tpu.memory_space<semaphore_mem>>)
      %dma_wait3A = arith.constant 0 : i32
      %dma_wait3A_167 = tpu.memref_slice %arg14[%mul3A_91, %dma_wait3A] : memref<10000x64xf32, #tpu.memory_space<vmem_shared>> -> memref<625x64xf32, #tpu.memory_space<vmem_shared>>
      tpu.wait_dma2 semaphore(%run_scoped3A : memref<!tpu.dma_semaphore, #tpu.memory_space<semaphore_mem>>) src(%arg6 : memref<625x64xf32, #tpu.memory_space<hbm>>) dst(%dma_wait3A_167 : memref<625x64xf32, #tpu.memory_space<vmem_shared>>)
      tpu.yield
    }) : () -> ()
    %barrier3A_92 = arith.constant 0 : index
    tpu.barrier barrier_id(%barrier3A_92)
    %dma_start3A_93 = arith.constant 0 : i32
    %dma_start3A_94 = arith.constant 0 : i32
    %dma_start3A_95 = tpu.memref_slice %arg8[%dma_start3A_93, %dma_start3A_94] : memref<79x128xi32, #tpu.memory_space<vmem>> -> memref<1x128xi32, #tpu.memory_space<vmem>>
    %dma_start3A_96 = tpu.memref_squeeze %dma_start3A_95 : memref<1x128xi32, #tpu.memory_space<vmem>> -> memref<128xi32, #tpu.memory_space<vmem>>
    %dma_start3A_97 = arith.constant 0 : i32
    %dma_start3A_98 = arith.constant 0 : i32
    %dma_start3A_99 = tpu.memref_slice %arg3[%dma_start3A_97, %dma_start3A_98] : memref<10000x64xf32, #tpu.memory_space<hbm>> -> memref<10000x64xf32, #tpu.memory_space<hbm>>
    tpu.enqueue_indirect_dma source(%dma_start3A_99 : memref<10000x64xf32, #tpu.memory_space<hbm>>) target(%arg10 : memref<128x64xf32, #tpu.memory_space<vmem>>) offsets(%dma_start3A_96 : memref<128xi32, #tpu.memory_space<vmem>>) semaphore(%arg15 : memref<!tpu.dma_semaphore, #tpu.memory_space<semaphore_mem>>)
    %dma_start3A_100 = arith.constant 1 : i32
    %dma_start3A_101 = arith.constant 0 : i32
    %dma_start3A_102 = tpu.memref_slice %arg8[%dma_start3A_100, %dma_start3A_101] : memref<79x128xi32, #tpu.memory_space<vmem>> -> memref<1x128xi32, #tpu.memory_space<vmem>>
    %dma_start3A_103 = tpu.memref_squeeze %dma_start3A_102 : memref<1x128xi32, #tpu.memory_space<vmem>> -> memref<128xi32, #tpu.memory_space<vmem>>
    %dma_start3A_104 = arith.constant 0 : i32
    %dma_start3A_105 = arith.constant 0 : i32
    %dma_start3A_106 = tpu.memref_slice %arg3[%dma_start3A_104, %dma_start3A_105] : memref<10000x64xf32, #tpu.memory_space<hbm>> -> memref<10000x64xf32, #tpu.memory_space<hbm>>
    tpu.enqueue_indirect_dma source(%dma_start3A_106 : memref<10000x64xf32, #tpu.memory_space<hbm>>) target(%arg11 : memref<128x64xf32, #tpu.memory_space<vmem>>) offsets(%dma_start3A_103 : memref<128xi32, #tpu.memory_space<vmem>>) semaphore(%arg16 : memref<!tpu.dma_semaphore, #tpu.memory_space<semaphore_mem>>)
    %dma_start3A_107 = arith.constant 2 : i32
    %dma_start3A_108 = arith.constant 0 : i32
    %dma_start3A_109 = tpu.memref_slice %arg8[%dma_start3A_107, %dma_start3A_108] : memref<79x128xi32, #tpu.memory_space<vmem>> -> memref<1x128xi32, #tpu.memory_space<vmem>>
    %dma_start3A_110 = tpu.memref_squeeze %dma_start3A_109 : memref<1x128xi32, #tpu.memory_space<vmem>> -> memref<128xi32, #tpu.memory_space<vmem>>
    %dma_start3A_111 = arith.constant 0 : i32
    %dma_start3A_112 = arith.constant 0 : i32
    %dma_start3A_113 = tpu.memref_slice %arg3[%dma_start3A_111, %dma_start3A_112] : memref<10000x64xf32, #tpu.memory_space<hbm>> -> memref<10000x64xf32, #tpu.memory_space<hbm>>
    tpu.enqueue_indirect_dma source(%dma_start3A_113 : memref<10000x64xf32, #tpu.memory_space<hbm>>) target(%arg12 : memref<128x64xf32, #tpu.memory_space<vmem>>) offsets(%dma_start3A_110 : memref<128xi32, #tpu.memory_space<vmem>>) semaphore(%arg17 : memref<!tpu.dma_semaphore, #tpu.memory_space<semaphore_mem>>)
    %dma_start3A_114 = arith.constant 3 : i32
    %dma_start3A_115 = arith.constant 0 : i32
    %dma_start3A_116 = tpu.memref_slice %arg8[%dma_start3A_114, %dma_start3A_115] : memref<79x128xi32, #tpu.memory_space<vmem>> -> memref<1x128xi32, #tpu.memory_space<vmem>>
    %dma_start3A_117 = tpu.memref_squeeze %dma_start3A_116 : memref<1x128xi32, #tpu.memory_space<vmem>> -> memref<128xi32, #tpu.memory_space<vmem>>
    %dma_start3A_118 = arith.constant 0 : i32
    %dma_start3A_119 = arith.constant 0 : i32
    %dma_start3A_120 = tpu.memref_slice %arg3[%dma_start3A_118, %dma_start3A_119] : memref<10000x64xf32, #tpu.memory_space<hbm>> -> memref<10000x64xf32, #tpu.memory_space<hbm>>
    tpu.enqueue_indirect_dma source(%dma_start3A_120 : memref<10000x64xf32, #tpu.memory_space<hbm>>) target(%arg13 : memref<128x64xf32, #tpu.memory_space<vmem>>) offsets(%dma_start3A_117 : memref<128xi32, #tpu.memory_space<vmem>>) semaphore(%arg18 : memref<!tpu.dma_semaphore, #tpu.memory_space<semaphore_mem>>)
    %add3A_121 = arith.constant 4 : i32
    %add3A_122 = arith.addi %select_n3A, %add3A_121 : i32
    %sub3A_123 = arith.constant 1 : i32
    %sub3A_124 = arith.subi %add3A_122, %sub3A_123 : i32
    %jit3A_125 = arith.constant 4 : i32
    %div3A_126 = arith.divsi %sub3A_124, %jit3A_125 : i32
    %sign3A_127 = arith.constant 0 : i32
    %sign3A_128 = arith.cmpi sgt, %sub3A_124, %sign3A_127 : i32
    %sign3A_129 = arith.extui %sign3A_128 : i1 to i32
    %sign3A_130 = arith.constant 0 : i32
    %sign3A_131 = arith.cmpi slt, %sub3A_124, %sign3A_130 : i32
    %sign3A_132 = arith.extui %sign3A_131 : i1 to i32
    %sign3A_133 = arith.subi %sign3A_129, %sign3A_132 : i32
    %sign3A_134 = arith.constant 0 : i32
    %sign3A_135 = arith.cmpi sgt, %jit3A_125, %sign3A_134 : i32
    %sign3A_136 = arith.extui %sign3A_135 : i1 to i32
    %sign3A_137 = arith.constant 0 : i32
    %sign3A_138 = arith.cmpi slt, %jit3A_125, %sign3A_137 : i32
    %sign3A_139 = arith.extui %sign3A_138 : i1 to i32
    %sign3A_140 = arith.subi %sign3A_136, %sign3A_139 : i32
    %ne3A_141 = arith.cmpi ne, %sign3A_133, %sign3A_140 : i32
    %rem3A_142 = arith.remsi %sub3A_124, %jit3A_125 : i32
    %ne3A_143 = arith.constant 0 : i32
    %ne3A_144 = arith.cmpi ne, %rem3A_142, %ne3A_143 : i32
    %and3A_145 = arith.andi %ne3A_141, %ne3A_144 : i1
    %sub3A_146 = arith.constant 1 : i32
    %sub3A_147 = arith.subi %div3A_126, %sub3A_146 : i32
    %select_n3A_148 = arith.select %and3A_145, %sub3A_147, %div3A_126 : i32
    %while3A_149 = arith.constant 0 : i32
    %while3A_150 = arith.constant 0 : i32
    %while3A_151 = arith.subi %select_n3A_148, %while3A_150 : i32
    %while3A_152 = arith.addi %while3A_150, %while3A_151 : i32
    %while3A_153 = arith.constant 1 : i32
    %while3A_154 = arith.divsi %while3A_151, %while3A_153 : i32
    %while3A_155 = arith.muli %while3A_154, %while3A_153 : i32
    %while3A_156 = arith.addi %while3A_150, %while3A_155 : i32
    %while3A_157 = arith.constant 1 : i32
    scf.for %while3A_165 = %while3A_150 to %while3A_156 step %while3A_157  : i32 {
      %mul3A_166 = arith.constant 4 : i32
      %mul3A_167 = arith.muli %mul3A_166, %while3A_165 : i32
      %add3A_168 = arith.constant 0 : i32
      %add3A_169 = arith.addi %mul3A_167, %add3A_168 : i32
      %dma_wait3A = arith.constant 0 : i32
      %dma_wait3A_170 = tpu.memref_slice %arg8[%add3A_169, %dma_wait3A] : memref<79x128xi32, #tpu.memory_space<vmem>> -> memref<1x128xi32, #tpu.memory_space<vmem>>
      %dma_wait3A_171 = tpu.memref_squeeze %dma_wait3A_170 : memref<1x128xi32, #tpu.memory_space<vmem>> -> memref<128xi32, #tpu.memory_space<vmem>>
      %dma_wait3A_172 = arith.constant 0 : i32
      %dma_wait3A_173 = arith.constant 0 : i32
      %dma_wait3A_174 = tpu.memref_slice %arg3[%dma_wait3A_172, %dma_wait3A_173] : memref<10000x64xf32, #tpu.memory_space<hbm>> -> memref<10000x64xf32, #tpu.memory_space<hbm>>
      tpu.wait_indirect_dma semaphore(%arg15 : memref<!tpu.dma_semaphore, #tpu.memory_space<semaphore_mem>>) src(%dma_wait3A_174 : memref<10000x64xf32, #tpu.memory_space<hbm>>) dst(%arg10 : memref<128x64xf32, #tpu.memory_space<vmem>>)
      "tpu.region"() ({
        %run_scoped3A = tpu.sem_alloc : memref<!tpu.dma_semaphore, #tpu.memory_space<semaphore_mem>>
        %dma_start3A_198 = arith.constant 0 : i32
        %dma_start3A_199 = tpu.memref_slice %arg9[%add3A_169, %dma_start3A_198] : memref<79x128xi32, #tpu.memory_space<vmem>> -> memref<1x128xi32, #tpu.memory_space<vmem>>
        %dma_start3A_200 = tpu.memref_squeeze %dma_start3A_199 : memref<1x128xi32, #tpu.memory_space<vmem>> -> memref<128xi32, #tpu.memory_space<vmem>>
        %dma_start3A_201 = arith.constant 0 : i32
        %dma_start3A_202 = arith.constant 0 : i32
        %dma_start3A_203 = tpu.memref_slice %arg14[%dma_start3A_201, %dma_start3A_202] : memref<10000x64xf32, #tpu.memory_space<vmem_shared>> -> memref<10000x64xf32, #tpu.memory_space<vmem_shared>>
        tpu.enqueue_indirect_dma source(%arg10 : memref<128x64xf32, #tpu.memory_space<vmem>>) target(%dma_start3A_203 : memref<10000x64xf32, #tpu.memory_space<vmem_shared>>) offsets(%dma_start3A_200 : memref<128xi32, #tpu.memory_space<vmem>>) semaphore(%run_scoped3A : memref<!tpu.dma_semaphore, #tpu.memory_space<semaphore_mem>>) {add = true}
        %dma_wait3A_204 = arith.constant 0 : i32
        %dma_wait3A_205 = tpu.memref_slice %arg9[%add3A_169, %dma_wait3A_204] : memref<79x128xi32, #tpu.memory_space<vmem>> -> memref<1x128xi32, #tpu.memory_space<vmem>>
        %dma_wait3A_206 = tpu.memref_squeeze %dma_wait3A_205 : memref<1x128xi32, #tpu.memory_space<vmem>> -> memref<128xi32, #tpu.memory_space<vmem>>
        %dma_wait3A_207 = arith.constant 0 : i32
        %dma_wait3A_208 = arith.constant 0 : i32
        %dma_wait3A_209 = tpu.memref_slice %arg14[%dma_wait3A_207, %dma_wait3A_208] : memref<10000x64xf32, #tpu.memory_space<vmem_shared>> -> memref<10000x64xf32, #tpu.memory_space<vmem_shared>>
        tpu.wait_indirect_dma semaphore(%run_scoped3A : memref<!tpu.dma_semaphore, #tpu.memory_space<semaphore_mem>>) src(%arg10 : memref<128x64xf32, #tpu.memory_space<vmem>>) dst(%dma_wait3A_209 : memref<10000x64xf32, #tpu.memory_space<vmem_shared>>)
        tpu.yield
      }) : () -> ()
      %add3A_175 = arith.constant 4 : i32
      %add3A_176 = arith.addi %add3A_169, %add3A_175 : i32
      %lt3A = arith.cmpi slt, %add3A_176, %select_n3A : i32
      %convert_element_type3A_177 = arith.extui %lt3A : i1 to i32
      %cond3A_178 = arith.constant 0 : i32
      %cond3A_179 = arith.cmpi ne, %convert_element_type3A_177, %cond3A_178 : i32
      scf.if %cond3A_179 {
        %add3A_198 = arith.constant 4 : i32
        %add3A_199 = arith.addi %add3A_169, %add3A_198 : i32
        %dma_start3A_200 = arith.constant 0 : i32
        %dma_start3A_201 = tpu.memref_slice %arg8[%add3A_199, %dma_start3A_200] : memref<79x128xi32, #tpu.memory_space<vmem>> -> memref<1x128xi32, #tpu.memory_space<vmem>>
        %dma_start3A_202 = tpu.memref_squeeze %dma_start3A_201 : memref<1x128xi32, #tpu.memory_space<vmem>> -> memref<128xi32, #tpu.memory_space<vmem>>
        %dma_start3A_203 = arith.constant 0 : i32
        %dma_start3A_204 = arith.constant 0 : i32
        %dma_start3A_205 = tpu.memref_slice %arg3[%dma_start3A_203, %dma_start3A_204] : memref<10000x64xf32, #tpu.memory_space<hbm>> -> memref<10000x64xf32, #tpu.memory_space<hbm>>
        tpu.enqueue_indirect_dma source(%dma_start3A_205 : memref<10000x64xf32, #tpu.memory_space<hbm>>) target(%arg10 : memref<128x64xf32, #tpu.memory_space<vmem>>) offsets(%dma_start3A_202 : memref<128xi32, #tpu.memory_space<vmem>>) semaphore(%arg15 : memref<!tpu.dma_semaphore, #tpu.memory_space<semaphore_mem>>)
      } else {
      }
      %add3A_180 = arith.constant 1 : i32
      %add3A_181 = arith.addi %mul3A_167, %add3A_180 : i32
      %lt3A_182 = arith.cmpi slt, %add3A_181, %select_n3A : i32
      %convert_element_type3A_183 = arith.extui %lt3A_182 : i1 to i32
      %cond3A_184 = arith.constant 0 : i32
      %cond3A_185 = arith.cmpi ne, %convert_element_type3A_183, %cond3A_184 : i32
      scf.if %cond3A_185 {
        %dma_wait3A_198 = arith.constant 0 : i32
        %dma_wait3A_199 = tpu.memref_slice %arg8[%add3A_181, %dma_wait3A_198] : memref<79x128xi32, #tpu.memory_space<vmem>> -> memref<1x128xi32, #tpu.memory_space<vmem>>
        %dma_wait3A_200 = tpu.memref_squeeze %dma_wait3A_199 : memref<1x128xi32, #tpu.memory_space<vmem>> -> memref<128xi32, #tpu.memory_space<vmem>>
        %dma_wait3A_201 = arith.constant 0 : i32
        %dma_wait3A_202 = arith.constant 0 : i32
        %dma_wait3A_203 = tpu.memref_slice %arg3[%dma_wait3A_201, %dma_wait3A_202] : memref<10000x64xf32, #tpu.memory_space<hbm>> -> memref<10000x64xf32, #tpu.memory_space<hbm>>
        tpu.wait_indirect_dma semaphore(%arg16 : memref<!tpu.dma_semaphore, #tpu.memory_space<semaphore_mem>>) src(%dma_wait3A_203 : memref<10000x64xf32, #tpu.memory_space<hbm>>) dst(%arg11 : memref<128x64xf32, #tpu.memory_space<vmem>>)
        "tpu.region"() ({
          %run_scoped3A = tpu.sem_alloc : memref<!tpu.dma_semaphore, #tpu.memory_space<semaphore_mem>>
          %dma_start3A_210 = arith.constant 0 : i32
          %dma_start3A_211 = tpu.memref_slice %arg9[%add3A_181, %dma_start3A_210] : memref<79x128xi32, #tpu.memory_space<vmem>> -> memref<1x128xi32, #tpu.memory_space<vmem>>
          %dma_start3A_212 = tpu.memref_squeeze %dma_start3A_211 : memref<1x128xi32, #tpu.memory_space<vmem>> -> memref<128xi32, #tpu.memory_space<vmem>>
          %dma_start3A_213 = arith.constant 0 : i32
          %dma_start3A_214 = arith.constant 0 : i32
          %dma_start3A_215 = tpu.memref_slice %arg14[%dma_start3A_213, %dma_start3A_214] : memref<10000x64xf32, #tpu.memory_space<vmem_shared>> -> memref<10000x64xf32, #tpu.memory_space<vmem_shared>>
          tpu.enqueue_indirect_dma source(%arg11 : memref<128x64xf32, #tpu.memory_space<vmem>>) target(%dma_start3A_215 : memref<10000x64xf32, #tpu.memory_space<vmem_shared>>) offsets(%dma_start3A_212 : memref<128xi32, #tpu.memory_space<vmem>>) semaphore(%run_scoped3A : memref<!tpu.dma_semaphore, #tpu.memory_space<semaphore_mem>>) {add = true}
          %dma_wait3A_216 = arith.constant 0 : i32
          %dma_wait3A_217 = tpu.memref_slice %arg9[%add3A_181, %dma_wait3A_216] : memref<79x128xi32, #tpu.memory_space<vmem>> -> memref<1x128xi32, #tpu.memory_space<vmem>>
          %dma_wait3A_218 = tpu.memref_squeeze %dma_wait3A_217 : memref<1x128xi32, #tpu.memory_space<vmem>> -> memref<128xi32, #tpu.memory_space<vmem>>
          %dma_wait3A_219 = arith.constant 0 : i32
          %dma_wait3A_220 = arith.constant 0 : i32
          %dma_wait3A_221 = tpu.memref_slice %arg14[%dma_wait3A_219, %dma_wait3A_220] : memref<10000x64xf32, #tpu.memory_space<vmem_shared>> -> memref<10000x64xf32, #tpu.memory_space<vmem_shared>>
          tpu.wait_indirect_dma semaphore(%run_scoped3A : memref<!tpu.dma_semaphore, #tpu.memory_space<semaphore_mem>>) src(%arg11 : memref<128x64xf32, #tpu.memory_space<vmem>>) dst(%dma_wait3A_221 : memref<10000x64xf32, #tpu.memory_space<vmem_shared>>)
          tpu.yield
        }) : () -> ()
        %add3A_204 = arith.constant 4 : i32
        %add3A_205 = arith.addi %add3A_181, %add3A_204 : i32
        %lt3A_206 = arith.cmpi slt, %add3A_205, %select_n3A : i32
        %convert_element_type3A_207 = arith.extui %lt3A_206 : i1 to i32
        %cond3A_208 = arith.constant 0 : i32
        %cond3A_209 = arith.cmpi ne, %convert_element_type3A_207, %cond3A_208 : i32
        scf.if %cond3A_209 {
          %add3A_210 = arith.constant 4 : i32
          %add3A_211 = arith.addi %add3A_181, %add3A_210 : i32
          %dma_start3A_212 = arith.constant 0 : i32
          %dma_start3A_213 = tpu.memref_slice %arg8[%add3A_211, %dma_start3A_212] : memref<79x128xi32, #tpu.memory_space<vmem>> -> memref<1x128xi32, #tpu.memory_space<vmem>>
          %dma_start3A_214 = tpu.memref_squeeze %dma_start3A_213 : memref<1x128xi32, #tpu.memory_space<vmem>> -> memref<128xi32, #tpu.memory_space<vmem>>
          %dma_start3A_215 = arith.constant 0 : i32
          %dma_start3A_216 = arith.constant 0 : i32
          %dma_start3A_217 = tpu.memref_slice %arg3[%dma_start3A_215, %dma_start3A_216] : memref<10000x64xf32, #tpu.memory_space<hbm>> -> memref<10000x64xf32, #tpu.memory_space<hbm>>
          tpu.enqueue_indirect_dma source(%dma_start3A_217 : memref<10000x64xf32, #tpu.memory_space<hbm>>) target(%arg11 : memref<128x64xf32, #tpu.memory_space<vmem>>) offsets(%dma_start3A_214 : memref<128xi32, #tpu.memory_space<vmem>>) semaphore(%arg16 : memref<!tpu.dma_semaphore, #tpu.memory_space<semaphore_mem>>)
        } else {
        }
      } else {
      }
      %add3A_186 = arith.constant 2 : i32
      %add3A_187 = arith.addi %mul3A_167, %add3A_186 : i32
      %lt3A_188 = arith.cmpi slt, %add3A_187, %select_n3A : i32
      %convert_element_type3A_189 = arith.extui %lt3A_188 : i1 to i32
      %cond3A_190 = arith.constant 0 : i32
      %cond3A_191 = arith.cmpi ne, %convert_element_type3A_189, %cond3A_190 : i32
      scf.if %cond3A_191 {
        %dma_wait3A_198 = arith.constant 0 : i32
        %dma_wait3A_199 = tpu.memref_slice %arg8[%add3A_187, %dma_wait3A_198] : memref<79x128xi32, #tpu.memory_space<vmem>> -> memref<1x128xi32, #tpu.memory_space<vmem>>
        %dma_wait3A_200 = tpu.memref_squeeze %dma_wait3A_199 : memref<1x128xi32, #tpu.memory_space<vmem>> -> memref<128xi32, #tpu.memory_space<vmem>>
        %dma_wait3A_201 = arith.constant 0 : i32
        %dma_wait3A_202 = arith.constant 0 : i32
        %dma_wait3A_203 = tpu.memref_slice %arg3[%dma_wait3A_201, %dma_wait3A_202] : memref<10000x64xf32, #tpu.memory_space<hbm>> -> memref<10000x64xf32, #tpu.memory_space<hbm>>
        tpu.wait_indirect_dma semaphore(%arg17 : memref<!tpu.dma_semaphore, #tpu.memory_space<semaphore_mem>>) src(%dma_wait3A_203 : memref<10000x64xf32, #tpu.memory_space<hbm>>) dst(%arg12 : memref<128x64xf32, #tpu.memory_space<vmem>>)
        "tpu.region"() ({
          %run_scoped3A = tpu.sem_alloc : memref<!tpu.dma_semaphore, #tpu.memory_space<semaphore_mem>>
          %dma_start3A_210 = arith.constant 0 : i32
          %dma_start3A_211 = tpu.memref_slice %arg9[%add3A_187, %dma_start3A_210] : memref<79x128xi32, #tpu.memory_space<vmem>> -> memref<1x128xi32, #tpu.memory_space<vmem>>
          %dma_start3A_212 = tpu.memref_squeeze %dma_start3A_211 : memref<1x128xi32, #tpu.memory_space<vmem>> -> memref<128xi32, #tpu.memory_space<vmem>>
          %dma_start3A_213 = arith.constant 0 : i32
          %dma_start3A_214 = arith.constant 0 : i32
          %dma_start3A_215 = tpu.memref_slice %arg14[%dma_start3A_213, %dma_start3A_214] : memref<10000x64xf32, #tpu.memory_space<vmem_shared>> -> memref<10000x64xf32, #tpu.memory_space<vmem_shared>>
          tpu.enqueue_indirect_dma source(%arg12 : memref<128x64xf32, #tpu.memory_space<vmem>>) target(%dma_start3A_215 : memref<10000x64xf32, #tpu.memory_space<vmem_shared>>) offsets(%dma_start3A_212 : memref<128xi32, #tpu.memory_space<vmem>>) semaphore(%run_scoped3A : memref<!tpu.dma_semaphore, #tpu.memory_space<semaphore_mem>>) {add = true}
          %dma_wait3A_216 = arith.constant 0 : i32
          %dma_wait3A_217 = tpu.memref_slice %arg9[%add3A_187, %dma_wait3A_216] : memref<79x128xi32, #tpu.memory_space<vmem>> -> memref<1x128xi32, #tpu.memory_space<vmem>>
          %dma_wait3A_218 = tpu.memref_squeeze %dma_wait3A_217 : memref<1x128xi32, #tpu.memory_space<vmem>> -> memref<128xi32, #tpu.memory_space<vmem>>
          %dma_wait3A_219 = arith.constant 0 : i32
          %dma_wait3A_220 = arith.constant 0 : i32
          %dma_wait3A_221 = tpu.memref_slice %arg14[%dma_wait3A_219, %dma_wait3A_220] : memref<10000x64xf32, #tpu.memory_space<vmem_shared>> -> memref<10000x64xf32, #tpu.memory_space<vmem_shared>>
          tpu.wait_indirect_dma semaphore(%run_scoped3A : memref<!tpu.dma_semaphore, #tpu.memory_space<semaphore_mem>>) src(%arg12 : memref<128x64xf32, #tpu.memory_space<vmem>>) dst(%dma_wait3A_221 : memref<10000x64xf32, #tpu.memory_space<vmem_shared>>)
          tpu.yield
        }) : () -> ()
        %add3A_204 = arith.constant 4 : i32
        %add3A_205 = arith.addi %add3A_187, %add3A_204 : i32
        %lt3A_206 = arith.cmpi slt, %add3A_205, %select_n3A : i32
        %convert_element_type3A_207 = arith.extui %lt3A_206 : i1 to i32
        %cond3A_208 = arith.constant 0 : i32
        %cond3A_209 = arith.cmpi ne, %convert_element_type3A_207, %cond3A_208 : i32
        scf.if %cond3A_209 {
          %add3A_210 = arith.constant 4 : i32
          %add3A_211 = arith.addi %add3A_187, %add3A_210 : i32
          %dma_start3A_212 = arith.constant 0 : i32
          %dma_start3A_213 = tpu.memref_slice %arg8[%add3A_211, %dma_start3A_212] : memref<79x128xi32, #tpu.memory_space<vmem>> -> memref<1x128xi32, #tpu.memory_space<vmem>>
          %dma_start3A_214 = tpu.memref_squeeze %dma_start3A_213 : memref<1x128xi32, #tpu.memory_space<vmem>> -> memref<128xi32, #tpu.memory_space<vmem>>
          %dma_start3A_215 = arith.constant 0 : i32
          %dma_start3A_216 = arith.constant 0 : i32
          %dma_start3A_217 = tpu.memref_slice %arg3[%dma_start3A_215, %dma_start3A_216] : memref<10000x64xf32, #tpu.memory_space<hbm>> -> memref<10000x64xf32, #tpu.memory_space<hbm>>
          tpu.enqueue_indirect_dma source(%dma_start3A_217 : memref<10000x64xf32, #tpu.memory_space<hbm>>) target(%arg12 : memref<128x64xf32, #tpu.memory_space<vmem>>) offsets(%dma_start3A_214 : memref<128xi32, #tpu.memory_space<vmem>>) semaphore(%arg17 : memref<!tpu.dma_semaphore, #tpu.memory_space<semaphore_mem>>)
        } else {
        }
      } else {
      }
      %add3A_192 = arith.constant 3 : i32
      %add3A_193 = arith.addi %mul3A_167, %add3A_192 : i32
      %lt3A_194 = arith.cmpi slt, %add3A_193, %select_n3A : i32
      %convert_element_type3A_195 = arith.extui %lt3A_194 : i1 to i32
      %cond3A_196 = arith.constant 0 : i32
      %cond3A_197 = arith.cmpi ne, %convert_element_type3A_195, %cond3A_196 : i32
      scf.if %cond3A_197 {
        %dma_wait3A_198 = arith.constant 0 : i32
        %dma_wait3A_199 = tpu.memref_slice %arg8[%add3A_193, %dma_wait3A_198] : memref<79x128xi32, #tpu.memory_space<vmem>> -> memref<1x128xi32, #tpu.memory_space<vmem>>
        %dma_wait3A_200 = tpu.memref_squeeze %dma_wait3A_199 : memref<1x128xi32, #tpu.memory_space<vmem>> -> memref<128xi32, #tpu.memory_space<vmem>>
        %dma_wait3A_201 = arith.constant 0 : i32
        %dma_wait3A_202 = arith.constant 0 : i32
        %dma_wait3A_203 = tpu.memref_slice %arg3[%dma_wait3A_201, %dma_wait3A_202] : memref<10000x64xf32, #tpu.memory_space<hbm>> -> memref<10000x64xf32, #tpu.memory_space<hbm>>
        tpu.wait_indirect_dma semaphore(%arg18 : memref<!tpu.dma_semaphore, #tpu.memory_space<semaphore_mem>>) src(%dma_wait3A_203 : memref<10000x64xf32, #tpu.memory_space<hbm>>) dst(%arg13 : memref<128x64xf32, #tpu.memory_space<vmem>>)
        "tpu.region"() ({
          %run_scoped3A = tpu.sem_alloc : memref<!tpu.dma_semaphore, #tpu.memory_space<semaphore_mem>>
          %dma_start3A_210 = arith.constant 0 : i32
          %dma_start3A_211 = tpu.memref_slice %arg9[%add3A_193, %dma_start3A_210] : memref<79x128xi32, #tpu.memory_space<vmem>> -> memref<1x128xi32, #tpu.memory_space<vmem>>
          %dma_start3A_212 = tpu.memref_squeeze %dma_start3A_211 : memref<1x128xi32, #tpu.memory_space<vmem>> -> memref<128xi32, #tpu.memory_space<vmem>>
          %dma_start3A_213 = arith.constant 0 : i32
          %dma_start3A_214 = arith.constant 0 : i32
          %dma_start3A_215 = tpu.memref_slice %arg14[%dma_start3A_213, %dma_start3A_214] : memref<10000x64xf32, #tpu.memory_space<vmem_shared>> -> memref<10000x64xf32, #tpu.memory_space<vmem_shared>>
          tpu.enqueue_indirect_dma source(%arg13 : memref<128x64xf32, #tpu.memory_space<vmem>>) target(%dma_start3A_215 : memref<10000x64xf32, #tpu.memory_space<vmem_shared>>) offsets(%dma_start3A_212 : memref<128xi32, #tpu.memory_space<vmem>>) semaphore(%run_scoped3A : memref<!tpu.dma_semaphore, #tpu.memory_space<semaphore_mem>>) {add = true}
          %dma_wait3A_216 = arith.constant 0 : i32
          %dma_wait3A_217 = tpu.memref_slice %arg9[%add3A_193, %dma_wait3A_216] : memref<79x128xi32, #tpu.memory_space<vmem>> -> memref<1x128xi32, #tpu.memory_space<vmem>>
          %dma_wait3A_218 = tpu.memref_squeeze %dma_wait3A_217 : memref<1x128xi32, #tpu.memory_space<vmem>> -> memref<128xi32, #tpu.memory_space<vmem>>
          %dma_wait3A_219 = arith.constant 0 : i32
          %dma_wait3A_220 = arith.constant 0 : i32
          %dma_wait3A_221 = tpu.memref_slice %arg14[%dma_wait3A_219, %dma_wait3A_220] : memref<10000x64xf32, #tpu.memory_space<vmem_shared>> -> memref<10000x64xf32, #tpu.memory_space<vmem_shared>>
          tpu.wait_indirect_dma semaphore(%run_scoped3A : memref<!tpu.dma_semaphore, #tpu.memory_space<semaphore_mem>>) src(%arg13 : memref<128x64xf32, #tpu.memory_space<vmem>>) dst(%dma_wait3A_221 : memref<10000x64xf32, #tpu.memory_space<vmem_shared>>)
          tpu.yield
        }) : () -> ()
        %add3A_204 = arith.constant 4 : i32
        %add3A_205 = arith.addi %add3A_193, %add3A_204 : i32
        %lt3A_206 = arith.cmpi slt, %add3A_205, %select_n3A : i32
        %convert_element_type3A_207 = arith.extui %lt3A_206 : i1 to i32
        %cond3A_208 = arith.constant 0 : i32
        %cond3A_209 = arith.cmpi ne, %convert_element_type3A_207, %cond3A_208 : i32
        scf.if %cond3A_209 {
          %add3A_210 = arith.constant 4 : i32
          %add3A_211 = arith.addi %add3A_193, %add3A_210 : i32
          %dma_start3A_212 = arith.constant 0 : i32
          %dma_start3A_213 = tpu.memref_slice %arg8[%add3A_211, %dma_start3A_212] : memref<79x128xi32, #tpu.memory_space<vmem>> -> memref<1x128xi32, #tpu.memory_space<vmem>>
          %dma_start3A_214 = tpu.memref_squeeze %dma_start3A_213 : memref<1x128xi32, #tpu.memory_space<vmem>> -> memref<128xi32, #tpu.memory_space<vmem>>
          %dma_start3A_215 = arith.constant 0 : i32
          %dma_start3A_216 = arith.constant 0 : i32
          %dma_start3A_217 = tpu.memref_slice %arg3[%dma_start3A_215, %dma_start3A_216] : memref<10000x64xf32, #tpu.memory_space<hbm>> -> memref<10000x64xf32, #tpu.memory_space<hbm>>
          tpu.enqueue_indirect_dma source(%dma_start3A_217 : memref<10000x64xf32, #tpu.memory_space<hbm>>) target(%arg13 : memref<128x64xf32, #tpu.memory_space<vmem>>) offsets(%dma_start3A_214 : memref<128xi32, #tpu.memory_space<vmem>>) semaphore(%arg18 : memref<!tpu.dma_semaphore, #tpu.memory_space<semaphore_mem>>)
        } else {
        }
      } else {
      }
    }
    %while3A_158 = arith.constant 1 : i32
    scf.for %while3A_165 = %while3A_156 to %while3A_152 step %while3A_158  : i32 {
      %mul3A_166 = arith.constant 4 : i32
      %mul3A_167 = arith.muli %mul3A_166, %while3A_165 : i32
      %add3A_168 = arith.constant 0 : i32
      %add3A_169 = arith.addi %mul3A_167, %add3A_168 : i32
      %dma_wait3A = arith.constant 0 : i32
      %dma_wait3A_170 = tpu.memref_slice %arg8[%add3A_169, %dma_wait3A] : memref<79x128xi32, #tpu.memory_space<vmem>> -> memref<1x128xi32, #tpu.memory_space<vmem>>
      %dma_wait3A_171 = tpu.memref_squeeze %dma_wait3A_170 : memref<1x128xi32, #tpu.memory_space<vmem>> -> memref<128xi32, #tpu.memory_space<vmem>>
      %dma_wait3A_172 = arith.constant 0 : i32
      %dma_wait3A_173 = arith.constant 0 : i32
      %dma_wait3A_174 = tpu.memref_slice %arg3[%dma_wait3A_172, %dma_wait3A_173] : memref<10000x64xf32, #tpu.memory_space<hbm>> -> memref<10000x64xf32, #tpu.memory_space<hbm>>
      tpu.wait_indirect_dma semaphore(%arg15 : memref<!tpu.dma_semaphore, #tpu.memory_space<semaphore_mem>>) src(%dma_wait3A_174 : memref<10000x64xf32, #tpu.memory_space<hbm>>) dst(%arg10 : memref<128x64xf32, #tpu.memory_space<vmem>>)
      "tpu.region"() ({
        %run_scoped3A = tpu.sem_alloc : memref<!tpu.dma_semaphore, #tpu.memory_space<semaphore_mem>>
        %dma_start3A_198 = arith.constant 0 : i32
        %dma_start3A_199 = tpu.memref_slice %arg9[%add3A_169, %dma_start3A_198] : memref<79x128xi32, #tpu.memory_space<vmem>> -> memref<1x128xi32, #tpu.memory_space<vmem>>
        %dma_start3A_200 = tpu.memref_squeeze %dma_start3A_199 : memref<1x128xi32, #tpu.memory_space<vmem>> -> memref<128xi32, #tpu.memory_space<vmem>>
        %dma_start3A_201 = arith.constant 0 : i32
        %dma_start3A_202 = arith.constant 0 : i32
        %dma_start3A_203 = tpu.memref_slice %arg14[%dma_start3A_201, %dma_start3A_202] : memref<10000x64xf32, #tpu.memory_space<vmem_shared>> -> memref<10000x64xf32, #tpu.memory_space<vmem_shared>>
        tpu.enqueue_indirect_dma source(%arg10 : memref<128x64xf32, #tpu.memory_space<vmem>>) target(%dma_start3A_203 : memref<10000x64xf32, #tpu.memory_space<vmem_shared>>) offsets(%dma_start3A_200 : memref<128xi32, #tpu.memory_space<vmem>>) semaphore(%run_scoped3A : memref<!tpu.dma_semaphore, #tpu.memory_space<semaphore_mem>>) {add = true}
        %dma_wait3A_204 = arith.constant 0 : i32
        %dma_wait3A_205 = tpu.memref_slice %arg9[%add3A_169, %dma_wait3A_204] : memref<79x128xi32, #tpu.memory_space<vmem>> -> memref<1x128xi32, #tpu.memory_space<vmem>>
        %dma_wait3A_206 = tpu.memref_squeeze %dma_wait3A_205 : memref<1x128xi32, #tpu.memory_space<vmem>> -> memref<128xi32, #tpu.memory_space<vmem>>
        %dma_wait3A_207 = arith.constant 0 : i32
        %dma_wait3A_208 = arith.constant 0 : i32
        %dma_wait3A_209 = tpu.memref_slice %arg14[%dma_wait3A_207, %dma_wait3A_208] : memref<10000x64xf32, #tpu.memory_space<vmem_shared>> -> memref<10000x64xf32, #tpu.memory_space<vmem_shared>>
        tpu.wait_indirect_dma semaphore(%run_scoped3A : memref<!tpu.dma_semaphore, #tpu.memory_space<semaphore_mem>>) src(%arg10 : memref<128x64xf32, #tpu.memory_space<vmem>>) dst(%dma_wait3A_209 : memref<10000x64xf32, #tpu.memory_space<vmem_shared>>)
        tpu.yield
      }) : () -> ()
      %add3A_175 = arith.constant 4 : i32
      %add3A_176 = arith.addi %add3A_169, %add3A_175 : i32
      %lt3A = arith.cmpi slt, %add3A_176, %select_n3A : i32
      %convert_element_type3A_177 = arith.extui %lt3A : i1 to i32
      %cond3A_178 = arith.constant 0 : i32
      %cond3A_179 = arith.cmpi ne, %convert_element_type3A_177, %cond3A_178 : i32
      scf.if %cond3A_179 {
        %add3A_198 = arith.constant 4 : i32
        %add3A_199 = arith.addi %add3A_169, %add3A_198 : i32
        %dma_start3A_200 = arith.constant 0 : i32
        %dma_start3A_201 = tpu.memref_slice %arg8[%add3A_199, %dma_start3A_200] : memref<79x128xi32, #tpu.memory_space<vmem>> -> memref<1x128xi32, #tpu.memory_space<vmem>>
        %dma_start3A_202 = tpu.memref_squeeze %dma_start3A_201 : memref<1x128xi32, #tpu.memory_space<vmem>> -> memref<128xi32, #tpu.memory_space<vmem>>
        %dma_start3A_203 = arith.constant 0 : i32
        %dma_start3A_204 = arith.constant 0 : i32
        %dma_start3A_205 = tpu.memref_slice %arg3[%dma_start3A_203, %dma_start3A_204] : memref<10000x64xf32, #tpu.memory_space<hbm>> -> memref<10000x64xf32, #tpu.memory_space<hbm>>
        tpu.enqueue_indirect_dma source(%dma_start3A_205 : memref<10000x64xf32, #tpu.memory_space<hbm>>) target(%arg10 : memref<128x64xf32, #tpu.memory_space<vmem>>) offsets(%dma_start3A_202 : memref<128xi32, #tpu.memory_space<vmem>>) semaphore(%arg15 : memref<!tpu.dma_semaphore, #tpu.memory_space<semaphore_mem>>)
      } else {
      }
      %add3A_180 = arith.constant 1 : i32
      %add3A_181 = arith.addi %mul3A_167, %add3A_180 : i32
      %lt3A_182 = arith.cmpi slt, %add3A_181, %select_n3A : i32
      %convert_element_type3A_183 = arith.extui %lt3A_182 : i1 to i32
      %cond3A_184 = arith.constant 0 : i32
      %cond3A_185 = arith.cmpi ne, %convert_element_type3A_183, %cond3A_184 : i32
      scf.if %cond3A_185 {
        %dma_wait3A_198 = arith.constant 0 : i32
        %dma_wait3A_199 = tpu.memref_slice %arg8[%add3A_181, %dma_wait3A_198] : memref<79x128xi32, #tpu.memory_space<vmem>> -> memref<1x128xi32, #tpu.memory_space<vmem>>
        %dma_wait3A_200 = tpu.memref_squeeze %dma_wait3A_199 : memref<1x128xi32, #tpu.memory_space<vmem>> -> memref<128xi32, #tpu.memory_space<vmem>>
        %dma_wait3A_201 = arith.constant 0 : i32
        %dma_wait3A_202 = arith.constant 0 : i32
        %dma_wait3A_203 = tpu.memref_slice %arg3[%dma_wait3A_201, %dma_wait3A_202] : memref<10000x64xf32, #tpu.memory_space<hbm>> -> memref<10000x64xf32, #tpu.memory_space<hbm>>
        tpu.wait_indirect_dma semaphore(%arg16 : memref<!tpu.dma_semaphore, #tpu.memory_space<semaphore_mem>>) src(%dma_wait3A_203 : memref<10000x64xf32, #tpu.memory_space<hbm>>) dst(%arg11 : memref<128x64xf32, #tpu.memory_space<vmem>>)
        "tpu.region"() ({
          %run_scoped3A = tpu.sem_alloc : memref<!tpu.dma_semaphore, #tpu.memory_space<semaphore_mem>>
          %dma_start3A_210 = arith.constant 0 : i32
          %dma_start3A_211 = tpu.memref_slice %arg9[%add3A_181, %dma_start3A_210] : memref<79x128xi32, #tpu.memory_space<vmem>> -> memref<1x128xi32, #tpu.memory_space<vmem>>
          %dma_start3A_212 = tpu.memref_squeeze %dma_start3A_211 : memref<1x128xi32, #tpu.memory_space<vmem>> -> memref<128xi32, #tpu.memory_space<vmem>>
          %dma_start3A_213 = arith.constant 0 : i32
          %dma_start3A_214 = arith.constant 0 : i32
          %dma_start3A_215 = tpu.memref_slice %arg14[%dma_start3A_213, %dma_start3A_214] : memref<10000x64xf32, #tpu.memory_space<vmem_shared>> -> memref<10000x64xf32, #tpu.memory_space<vmem_shared>>
          tpu.enqueue_indirect_dma source(%arg11 : memref<128x64xf32, #tpu.memory_space<vmem>>) target(%dma_start3A_215 : memref<10000x64xf32, #tpu.memory_space<vmem_shared>>) offsets(%dma_start3A_212 : memref<128xi32, #tpu.memory_space<vmem>>) semaphore(%run_scoped3A : memref<!tpu.dma_semaphore, #tpu.memory_space<semaphore_mem>>) {add = true}
          %dma_wait3A_216 = arith.constant 0 : i32
          %dma_wait3A_217 = tpu.memref_slice %arg9[%add3A_181, %dma_wait3A_216] : memref<79x128xi32, #tpu.memory_space<vmem>> -> memref<1x128xi32, #tpu.memory_space<vmem>>
          %dma_wait3A_218 = tpu.memref_squeeze %dma_wait3A_217 : memref<1x128xi32, #tpu.memory_space<vmem>> -> memref<128xi32, #tpu.memory_space<vmem>>
          %dma_wait3A_219 = arith.constant 0 : i32
          %dma_wait3A_220 = arith.constant 0 : i32
          %dma_wait3A_221 = tpu.memref_slice %arg14[%dma_wait3A_219, %dma_wait3A_220] : memref<10000x64xf32, #tpu.memory_space<vmem_shared>> -> memref<10000x64xf32, #tpu.memory_space<vmem_shared>>
          tpu.wait_indirect_dma semaphore(%run_scoped3A : memref<!tpu.dma_semaphore, #tpu.memory_space<semaphore_mem>>) src(%arg11 : memref<128x64xf32, #tpu.memory_space<vmem>>) dst(%dma_wait3A_221 : memref<10000x64xf32, #tpu.memory_space<vmem_shared>>)
          tpu.yield
        }) : () -> ()
        %add3A_204 = arith.constant 4 : i32
        %add3A_205 = arith.addi %add3A_181, %add3A_204 : i32
        %lt3A_206 = arith.cmpi slt, %add3A_205, %select_n3A : i32
        %convert_element_type3A_207 = arith.extui %lt3A_206 : i1 to i32
        %cond3A_208 = arith.constant 0 : i32
        %cond3A_209 = arith.cmpi ne, %convert_element_type3A_207, %cond3A_208 : i32
        scf.if %cond3A_209 {
          %add3A_210 = arith.constant 4 : i32
          %add3A_211 = arith.addi %add3A_181, %add3A_210 : i32
          %dma_start3A_212 = arith.constant 0 : i32
          %dma_start3A_213 = tpu.memref_slice %arg8[%add3A_211, %dma_start3A_212] : memref<79x128xi32, #tpu.memory_space<vmem>> -> memref<1x128xi32, #tpu.memory_space<vmem>>
          %dma_start3A_214 = tpu.memref_squeeze %dma_start3A_213 : memref<1x128xi32, #tpu.memory_space<vmem>> -> memref<128xi32, #tpu.memory_space<vmem>>
          %dma_start3A_215 = arith.constant 0 : i32
          %dma_start3A_216 = arith.constant 0 : i32
          %dma_start3A_217 = tpu.memref_slice %arg3[%dma_start3A_215, %dma_start3A_216] : memref<10000x64xf32, #tpu.memory_space<hbm>> -> memref<10000x64xf32, #tpu.memory_space<hbm>>
          tpu.enqueue_indirect_dma source(%dma_start3A_217 : memref<10000x64xf32, #tpu.memory_space<hbm>>) target(%arg11 : memref<128x64xf32, #tpu.memory_space<vmem>>) offsets(%dma_start3A_214 : memref<128xi32, #tpu.memory_space<vmem>>) semaphore(%arg16 : memref<!tpu.dma_semaphore, #tpu.memory_space<semaphore_mem>>)
        } else {
        }
      } else {
      }
      %add3A_186 = arith.constant 2 : i32
      %add3A_187 = arith.addi %mul3A_167, %add3A_186 : i32
      %lt3A_188 = arith.cmpi slt, %add3A_187, %select_n3A : i32
      %convert_element_type3A_189 = arith.extui %lt3A_188 : i1 to i32
      %cond3A_190 = arith.constant 0 : i32
      %cond3A_191 = arith.cmpi ne, %convert_element_type3A_189, %cond3A_190 : i32
      scf.if %cond3A_191 {
        %dma_wait3A_198 = arith.constant 0 : i32
        %dma_wait3A_199 = tpu.memref_slice %arg8[%add3A_187, %dma_wait3A_198] : memref<79x128xi32, #tpu.memory_space<vmem>> -> memref<1x128xi32, #tpu.memory_space<vmem>>
        %dma_wait3A_200 = tpu.memref_squeeze %dma_wait3A_199 : memref<1x128xi32, #tpu.memory_space<vmem>> -> memref<128xi32, #tpu.memory_space<vmem>>
        %dma_wait3A_201 = arith.constant 0 : i32
        %dma_wait3A_202 = arith.constant 0 : i32
        %dma_wait3A_203 = tpu.memref_slice %arg3[%dma_wait3A_201, %dma_wait3A_202] : memref<10000x64xf32, #tpu.memory_space<hbm>> -> memref<10000x64xf32, #tpu.memory_space<hbm>>
        tpu.wait_indirect_dma semaphore(%arg17 : memref<!tpu.dma_semaphore, #tpu.memory_space<semaphore_mem>>) src(%dma_wait3A_203 : memref<10000x64xf32, #tpu.memory_space<hbm>>) dst(%arg12 : memref<128x64xf32, #tpu.memory_space<vmem>>)
        "tpu.region"() ({
          %run_scoped3A = tpu.sem_alloc : memref<!tpu.dma_semaphore, #tpu.memory_space<semaphore_mem>>
          %dma_start3A_210 = arith.constant 0 : i32
          %dma_start3A_211 = tpu.memref_slice %arg9[%add3A_187, %dma_start3A_210] : memref<79x128xi32, #tpu.memory_space<vmem>> -> memref<1x128xi32, #tpu.memory_space<vmem>>
          %dma_start3A_212 = tpu.memref_squeeze %dma_start3A_211 : memref<1x128xi32, #tpu.memory_space<vmem>> -> memref<128xi32, #tpu.memory_space<vmem>>
          %dma_start3A_213 = arith.constant 0 : i32
          %dma_start3A_214 = arith.constant 0 : i32
          %dma_start3A_215 = tpu.memref_slice %arg14[%dma_start3A_213, %dma_start3A_214] : memref<10000x64xf32, #tpu.memory_space<vmem_shared>> -> memref<10000x64xf32, #tpu.memory_space<vmem_shared>>
          tpu.enqueue_indirect_dma source(%arg12 : memref<128x64xf32, #tpu.memory_space<vmem>>) target(%dma_start3A_215 : memref<10000x64xf32, #tpu.memory_space<vmem_shared>>) offsets(%dma_start3A_212 : memref<128xi32, #tpu.memory_space<vmem>>) semaphore(%run_scoped3A : memref<!tpu.dma_semaphore, #tpu.memory_space<semaphore_mem>>) {add = true}
          %dma_wait3A_216 = arith.constant 0 : i32
          %dma_wait3A_217 = tpu.memref_slice %arg9[%add3A_187, %dma_wait3A_216] : memref<79x128xi32, #tpu.memory_space<vmem>> -> memref<1x128xi32, #tpu.memory_space<vmem>>
          %dma_wait3A_218 = tpu.memref_squeeze %dma_wait3A_217 : memref<1x128xi32, #tpu.memory_space<vmem>> -> memref<128xi32, #tpu.memory_space<vmem>>
          %dma_wait3A_219 = arith.constant 0 : i32
          %dma_wait3A_220 = arith.constant 0 : i32
          %dma_wait3A_221 = tpu.memref_slice %arg14[%dma_wait3A_219, %dma_wait3A_220] : memref<10000x64xf32, #tpu.memory_space<vmem_shared>> -> memref<10000x64xf32, #tpu.memory_space<vmem_shared>>
          tpu.wait_indirect_dma semaphore(%run_scoped3A : memref<!tpu.dma_semaphore, #tpu.memory_space<semaphore_mem>>) src(%arg12 : memref<128x64xf32, #tpu.memory_space<vmem>>) dst(%dma_wait3A_221 : memref<10000x64xf32, #tpu.memory_space<vmem_shared>>)
          tpu.yield
        }) : () -> ()
        %add3A_204 = arith.constant 4 : i32
        %add3A_205 = arith.addi %add3A_187, %add3A_204 : i32
        %lt3A_206 = arith.cmpi slt, %add3A_205, %select_n3A : i32
        %convert_element_type3A_207 = arith.extui %lt3A_206 : i1 to i32
        %cond3A_208 = arith.constant 0 : i32
        %cond3A_209 = arith.cmpi ne, %convert_element_type3A_207, %cond3A_208 : i32
        scf.if %cond3A_209 {
          %add3A_210 = arith.constant 4 : i32
          %add3A_211 = arith.addi %add3A_187, %add3A_210 : i32
          %dma_start3A_212 = arith.constant 0 : i32
          %dma_start3A_213 = tpu.memref_slice %arg8[%add3A_211, %dma_start3A_212] : memref<79x128xi32, #tpu.memory_space<vmem>> -> memref<1x128xi32, #tpu.memory_space<vmem>>
          %dma_start3A_214 = tpu.memref_squeeze %dma_start3A_213 : memref<1x128xi32, #tpu.memory_space<vmem>> -> memref<128xi32, #tpu.memory_space<vmem>>
          %dma_start3A_215 = arith.constant 0 : i32
          %dma_start3A_216 = arith.constant 0 : i32
          %dma_start3A_217 = tpu.memref_slice %arg3[%dma_start3A_215, %dma_start3A_216] : memref<10000x64xf32, #tpu.memory_space<hbm>> -> memref<10000x64xf32, #tpu.memory_space<hbm>>
          tpu.enqueue_indirect_dma source(%dma_start3A_217 : memref<10000x64xf32, #tpu.memory_space<hbm>>) target(%arg12 : memref<128x64xf32, #tpu.memory_space<vmem>>) offsets(%dma_start3A_214 : memref<128xi32, #tpu.memory_space<vmem>>) semaphore(%arg17 : memref<!tpu.dma_semaphore, #tpu.memory_space<semaphore_mem>>)
        } else {
        }
      } else {
      }
      %add3A_192 = arith.constant 3 : i32
      %add3A_193 = arith.addi %mul3A_167, %add3A_192 : i32
      %lt3A_194 = arith.cmpi slt, %add3A_193, %select_n3A : i32
      %convert_element_type3A_195 = arith.extui %lt3A_194 : i1 to i32
      %cond3A_196 = arith.constant 0 : i32
      %cond3A_197 = arith.cmpi ne, %convert_element_type3A_195, %cond3A_196 : i32
      scf.if %cond3A_197 {
        %dma_wait3A_198 = arith.constant 0 : i32
        %dma_wait3A_199 = tpu.memref_slice %arg8[%add3A_193, %dma_wait3A_198] : memref<79x128xi32, #tpu.memory_space<vmem>> -> memref<1x128xi32, #tpu.memory_space<vmem>>
        %dma_wait3A_200 = tpu.memref_squeeze %dma_wait3A_199 : memref<1x128xi32, #tpu.memory_space<vmem>> -> memref<128xi32, #tpu.memory_space<vmem>>
        %dma_wait3A_201 = arith.constant 0 : i32
        %dma_wait3A_202 = arith.constant 0 : i32
        %dma_wait3A_203 = tpu.memref_slice %arg3[%dma_wait3A_201, %dma_wait3A_202] : memref<10000x64xf32, #tpu.memory_space<hbm>> -> memref<10000x64xf32, #tpu.memory_space<hbm>>
        tpu.wait_indirect_dma semaphore(%arg18 : memref<!tpu.dma_semaphore, #tpu.memory_space<semaphore_mem>>) src(%dma_wait3A_203 : memref<10000x64xf32, #tpu.memory_space<hbm>>) dst(%arg13 : memref<128x64xf32, #tpu.memory_space<vmem>>)
        "tpu.region"() ({
          %run_scoped3A = tpu.sem_alloc : memref<!tpu.dma_semaphore, #tpu.memory_space<semaphore_mem>>
          %dma_start3A_210 = arith.constant 0 : i32
          %dma_start3A_211 = tpu.memref_slice %arg9[%add3A_193, %dma_start3A_210] : memref<79x128xi32, #tpu.memory_space<vmem>> -> memref<1x128xi32, #tpu.memory_space<vmem>>
          %dma_start3A_212 = tpu.memref_squeeze %dma_start3A_211 : memref<1x128xi32, #tpu.memory_space<vmem>> -> memref<128xi32, #tpu.memory_space<vmem>>
          %dma_start3A_213 = arith.constant 0 : i32
          %dma_start3A_214 = arith.constant 0 : i32
          %dma_start3A_215 = tpu.memref_slice %arg14[%dma_start3A_213, %dma_start3A_214] : memref<10000x64xf32, #tpu.memory_space<vmem_shared>> -> memref<10000x64xf32, #tpu.memory_space<vmem_shared>>
          tpu.enqueue_indirect_dma source(%arg13 : memref<128x64xf32, #tpu.memory_space<vmem>>) target(%dma_start3A_215 : memref<10000x64xf32, #tpu.memory_space<vmem_shared>>) offsets(%dma_start3A_212 : memref<128xi32, #tpu.memory_space<vmem>>) semaphore(%run_scoped3A : memref<!tpu.dma_semaphore, #tpu.memory_space<semaphore_mem>>) {add = true}
          %dma_wait3A_216 = arith.constant 0 : i32
          %dma_wait3A_217 = tpu.memref_slice %arg9[%add3A_193, %dma_wait3A_216] : memref<79x128xi32, #tpu.memory_space<vmem>> -> memref<1x128xi32, #tpu.memory_space<vmem>>
          %dma_wait3A_218 = tpu.memref_squeeze %dma_wait3A_217 : memref<1x128xi32, #tpu.memory_space<vmem>> -> memref<128xi32, #tpu.memory_space<vmem>>
          %dma_wait3A_219 = arith.constant 0 : i32
          %dma_wait3A_220 = arith.constant 0 : i32
          %dma_wait3A_221 = tpu.memref_slice %arg14[%dma_wait3A_219, %dma_wait3A_220] : memref<10000x64xf32, #tpu.memory_space<vmem_shared>> -> memref<10000x64xf32, #tpu.memory_space<vmem_shared>>
          tpu.wait_indirect_dma semaphore(%run_scoped3A : memref<!tpu.dma_semaphore, #tpu.memory_space<semaphore_mem>>) src(%arg13 : memref<128x64xf32, #tpu.memory_space<vmem>>) dst(%dma_wait3A_221 : memref<10000x64xf32, #tpu.memory_space<vmem_shared>>)
          tpu.yield
        }) : () -> ()
        %add3A_204 = arith.constant 4 : i32
        %add3A_205 = arith.addi %add3A_193, %add3A_204 : i32
        %lt3A_206 = arith.cmpi slt, %add3A_205, %select_n3A : i32
        %convert_element_type3A_207 = arith.extui %lt3A_206 : i1 to i32
        %cond3A_208 = arith.constant 0 : i32
        %cond3A_209 = arith.cmpi ne, %convert_element_type3A_207, %cond3A_208 : i32
        scf.if %cond3A_209 {
          %add3A_210 = arith.constant 4 : i32
          %add3A_211 = arith.addi %add3A_193, %add3A_210 : i32
          %dma_start3A_212 = arith.constant 0 : i32
          %dma_start3A_213 = tpu.memref_slice %arg8[%add3A_211, %dma_start3A_212] : memref<79x128xi32, #tpu.memory_space<vmem>> -> memref<1x128xi32, #tpu.memory_space<vmem>>
          %dma_start3A_214 = tpu.memref_squeeze %dma_start3A_213 : memref<1x128xi32, #tpu.memory_space<vmem>> -> memref<128xi32, #tpu.memory_space<vmem>>
          %dma_start3A_215 = arith.constant 0 : i32
          %dma_start3A_216 = arith.constant 0 : i32
          %dma_start3A_217 = tpu.memref_slice %arg3[%dma_start3A_215, %dma_start3A_216] : memref<10000x64xf32, #tpu.memory_space<hbm>> -> memref<10000x64xf32, #tpu.memory_space<hbm>>
          tpu.enqueue_indirect_dma source(%dma_start3A_217 : memref<10000x64xf32, #tpu.memory_space<hbm>>) target(%arg13 : memref<128x64xf32, #tpu.memory_space<vmem>>) offsets(%dma_start3A_214 : memref<128xi32, #tpu.memory_space<vmem>>) semaphore(%arg18 : memref<!tpu.dma_semaphore, #tpu.memory_space<semaphore_mem>>)
        } else {
        }
      } else {
      }
    }
    %barrier3A_159 = arith.constant 0 : index
    tpu.barrier barrier_id(%barrier3A_159)
    %mul3A_160 = arith.constant 625 : i32
    %mul3A_161 = arith.muli %arg1, %mul3A_160 : i32
    %mul3A_162 = arith.constant 625 : i32
    %mul3A_163 = arith.muli %arg1, %mul3A_162 : i32
    "tpu.region"() ({
      %run_scoped3A = tpu.sem_alloc : memref<!tpu.dma_semaphore, #tpu.memory_space<semaphore_mem>>
      %dma_start3A_165 = arith.constant 64 : i32
      %dma_start3A_166 = tpu.memref_slice %arg7[%arg0, %mul3A_163, %dma_start3A_165] : memref<2x10000x128xf32, #tpu.memory_space<hbm>> -> memref<1x625x64xf32, #tpu.memory_space<hbm>>
      %dma_start3A_167 = tpu.memref_squeeze %dma_start3A_166 : memref<1x625x64xf32, #tpu.memory_space<hbm>> -> memref<625x64xf32, #tpu.memory_space<hbm>>
      %dma_start3A_168 = arith.constant 0 : i32
      %dma_start3A_169 = tpu.memref_slice %arg14[%mul3A_161, %dma_start3A_168] : memref<10000x64xf32, #tpu.memory_space<vmem_shared>> -> memref<625x64xf32, #tpu.memory_space<vmem_shared>>
      tpu.enqueue_dma source(%dma_start3A_169 : memref<625x64xf32, #tpu.memory_space<vmem_shared>>) target(%dma_start3A_167 : memref<625x64xf32, #tpu.memory_space<hbm>>) target_semaphore(%run_scoped3A : memref<!tpu.dma_semaphore, #tpu.memory_space<semaphore_mem>>)
      %dma_wait3A = arith.constant 64 : i32
      %dma_wait3A_170 = tpu.memref_slice %arg7[%arg0, %mul3A_163, %dma_wait3A] : memref<2x10000x128xf32, #tpu.memory_space<hbm>> -> memref<1x625x64xf32, #tpu.memory_space<hbm>>
      %dma_wait3A_171 = tpu.memref_squeeze %dma_wait3A_170 : memref<1x625x64xf32, #tpu.memory_space<hbm>> -> memref<625x64xf32, #tpu.memory_space<hbm>>
      %dma_wait3A_172 = arith.constant 0 : i32
      %dma_wait3A_173 = tpu.memref_slice %arg14[%mul3A_161, %dma_wait3A_172] : memref<10000x64xf32, #tpu.memory_space<vmem_shared>> -> memref<625x64xf32, #tpu.memory_space<vmem_shared>>
      tpu.wait_dma2 semaphore(%run_scoped3A : memref<!tpu.dma_semaphore, #tpu.memory_space<semaphore_mem>>) src(%dma_wait3A_173 : memref<625x64xf32, #tpu.memory_space<vmem_shared>>) dst(%dma_wait3A_171 : memref<625x64xf32, #tpu.memory_space<hbm>>)
      tpu.yield
    }) : () -> ()
    %barrier3A_164 = arith.constant 0 : index
    tpu.barrier barrier_id(%barrier3A_164)
    return
  }
}

#map = affine_map<(d0, d1) -> (0, 0)>
#map1 = affine_map<(d0, d1) -> (0, 0, 0)>
module attributes {stable_mosaic.version = 14 : i64} {
  func.func @_sc_scatter_body(%arg0: i32, %arg1: i32, %arg2: memref<10000x64xf32, #tpu.memory_space<hbm>>, %arg3: memref<10000x64xf32, #tpu.memory_space<hbm>>, %arg4: memref<2500x128xi32, #tpu.memory_space<hbm>>, %arg5: memref<2500x128xi32, #tpu.memory_space<hbm>>, %arg6: memref<625x64xf32, #tpu.memory_space<hbm>>, %arg7: memref<2x10000x128xf32, #tpu.memory_space<hbm>>, %arg8: memref<79x128xi32, #tpu.memory_space<vmem>>, %arg9: memref<79x128xi32, #tpu.memory_space<vmem>>, %arg10: memref<128x64xf32, #tpu.memory_space<vmem>>, %arg11: memref<128x64xf32, #tpu.memory_space<vmem>>, %arg12: memref<128x64xf32, #tpu.memory_space<vmem>>, %arg13: memref<128x64xf32, #tpu.memory_space<vmem>>, %arg14: memref<10000x64xf32, #tpu.memory_space<vmem_shared>>, %arg15: memref<!tpu.dma_semaphore, #tpu.memory_space<semaphore_mem>>, %arg16: memref<!tpu.dma_semaphore, #tpu.memory_space<semaphore_mem>>, %arg17: memref<!tpu.dma_semaphore, #tpu.memory_space<semaphore_mem>>, %arg18: memref<!tpu.dma_semaphore, #tpu.memory_space<semaphore_mem>>) attributes {dimension_semantics = [#tpu.dimension_semantics<core_parallel>, #tpu.dimension_semantics<subcore_parallel>], iteration_bounds = array<i64: 2, 16>, scalar_prefetch = 0 : i64, scratch_operands = 11 : i64, tpu.core_type = #tpu.core_type<sc_vector_subcore>, window_params = [{transform_indices = #map}, {transform_indices = #map}, {transform_indices = #map}, {transform_indices = #map}, {transform_indices = #map}, {transform_indices = #map1}]} {
    %mul3A = arith.constant 16 : i32
    %mul3A_0 = arith.muli %arg0, %mul3A : i32
    %add3A = arith.addi %mul3A_0, %arg1 : i32
    %eq3A = arith.constant 31 : i32
    %eq3A_1 = arith.cmpi eq, %add3A, %eq3A : i32
    %jit3A = arith.constant 51 : i32
    %jit3A_2 = arith.constant 79 : i32
    %select_n3A = arith.select %eq3A_1, %jit3A, %jit3A_2 : i32
    %mul3A_3 = arith.constant 79 : i32
    %mul3A_4 = arith.muli %add3A, %mul3A_3 : i32
    %eq3A_5 = arith.constant 31 : i32
    %eq3A_6 = arith.cmpi eq, %add3A, %eq3A_5 : i32
    %not3A = arith.constant true
    %not3A_7 = arith.xori %eq3A_6, %not3A : i1
    %convert_element_type3A = arith.extui %not3A_7 : i1 to i32
    %cond3A = arith.constant 0 : i32
    %cond3A_8 = arith.cmpi ne, %convert_element_type3A, %cond3A : i32
    scf.if %cond3A_8 {
      "tpu.region"() ({
        %run_scoped3A = tpu.sem_alloc : memref<!tpu.dma_semaphore, #tpu.memory_space<semaphore_mem>>
        %dma_start3A_165 = arith.constant 0 : i32
        %dma_start3A_166 = tpu.memref_slice %arg4[%mul3A_4, %dma_start3A_165] : memref<2500x128xi32, #tpu.memory_space<hbm>> -> memref<79x128xi32, #tpu.memory_space<hbm>>
        %dma_start3A_167 = arith.constant 0 : i32
        %dma_start3A_168 = tpu.memref_slice %arg4[%mul3A_4, %dma_start3A_167] : memref<2500x128xi32, #tpu.memory_space<hbm>> -> memref<79x128xi32, #tpu.memory_space<hbm>>
        tpu.enqueue_dma source(%dma_start3A_168 : memref<79x128xi32, #tpu.memory_space<hbm>>) target(%arg8 : memref<79x128xi32, #tpu.memory_space<vmem>>) target_semaphore(%run_scoped3A : memref<!tpu.dma_semaphore, #tpu.memory_space<semaphore_mem>>)
        %dma_wait3A = arith.constant 0 : i32
        %dma_wait3A_169 = tpu.memref_slice %arg4[%mul3A_4, %dma_wait3A] : memref<2500x128xi32, #tpu.memory_space<hbm>> -> memref<79x128xi32, #tpu.memory_space<hbm>>
        %dma_wait3A_170 = arith.constant 0 : i32
        %dma_wait3A_171 = tpu.memref_slice %arg4[%mul3A_4, %dma_wait3A_170] : memref<2500x128xi32, #tpu.memory_space<hbm>> -> memref<79x128xi32, #tpu.memory_space<hbm>>
        tpu.wait_dma2 semaphore(%run_scoped3A : memref<!tpu.dma_semaphore, #tpu.memory_space<semaphore_mem>>) src(%dma_wait3A_171 : memref<79x128xi32, #tpu.memory_space<hbm>>) dst(%arg8 : memref<79x128xi32, #tpu.memory_space<vmem>>)
        tpu.yield
      }) : () -> ()
    } else {
    }
    %convert_element_type3A_9 = arith.extui %eq3A_6 : i1 to i32
    %cond3A_10 = arith.constant 0 : i32
    %cond3A_11 = arith.cmpi ne, %convert_element_type3A_9, %cond3A_10 : i32
    scf.if %cond3A_11 {
      "tpu.region"() ({
        %run_scoped3A = tpu.sem_alloc : memref<!tpu.dma_semaphore, #tpu.memory_space<semaphore_mem>>
        %dma_start3A_165 = arith.constant 0 : i32
        %dma_start3A_166 = arith.constant 0 : i32
        %dma_start3A_167 = tpu.memref_slice %arg8[%dma_start3A_165, %dma_start3A_166] : memref<79x128xi32, #tpu.memory_space<vmem>> -> memref<51x128xi32, #tpu.memory_space<vmem>>
        %dma_start3A_168 = arith.constant 0 : i32
        %dma_start3A_169 = tpu.memref_slice %arg4[%mul3A_4, %dma_start3A_168] : memref<2500x128xi32, #tpu.memory_space<hbm>> -> memref<51x128xi32, #tpu.memory_space<hbm>>
        %dma_start3A_170 = arith.constant 0 : i32
        %dma_start3A_171 = arith.constant 0 : i32
        %dma_start3A_172 = tpu.memref_slice %arg8[%dma_start3A_170, %dma_start3A_171] : memref<79x128xi32, #tpu.memory_space<vmem>> -> memref<51x128xi32, #tpu.memory_space<vmem>>
        %dma_start3A_173 = arith.constant 0 : i32
        %dma_start3A_174 = tpu.memref_slice %arg4[%mul3A_4, %dma_start3A_173] : memref<2500x128xi32, #tpu.memory_space<hbm>> -> memref<51x128xi32, #tpu.memory_space<hbm>>
        tpu.enqueue_dma source(%dma_start3A_174 : memref<51x128xi32, #tpu.memory_space<hbm>>) target(%dma_start3A_172 : memref<51x128xi32, #tpu.memory_space<vmem>>) target_semaphore(%run_scoped3A : memref<!tpu.dma_semaphore, #tpu.memory_space<semaphore_mem>>)
        %dma_wait3A = arith.constant 0 : i32
        %dma_wait3A_175 = arith.constant 0 : i32
        %dma_wait3A_176 = tpu.memref_slice %arg8[%dma_wait3A, %dma_wait3A_175] : memref<79x128xi32, #tpu.memory_space<vmem>> -> memref<51x128xi32, #tpu.memory_space<vmem>>
        %dma_wait3A_177 = arith.constant 0 : i32
        %dma_wait3A_178 = tpu.memref_slice %arg4[%mul3A_4, %dma_wait3A_177] : memref<2500x128xi32, #tpu.memory_space<hbm>> -> memref<51x128xi32, #tpu.memory_space<hbm>>
        %dma_wait3A_179 = arith.constant 0 : i32
        %dma_wait3A_180 = arith.constant 0 : i32
        %dma_wait3A_181 = tpu.memref_slice %arg8[%dma_wait3A_179, %dma_wait3A_180] : memref<79x128xi32, #tpu.memory_space<vmem>> -> memref<51x128xi32, #tpu.memory_space<vmem>>
        %dma_wait3A_182 = arith.constant 0 : i32
        %dma_wait3A_183 = tpu.memref_slice %arg4[%mul3A_4, %dma_wait3A_182] : memref<2500x128xi32, #tpu.memory_space<hbm>> -> memref<51x128xi32, #tpu.memory_space<hbm>>
        tpu.wait_dma2 semaphore(%run_scoped3A : memref<!tpu.dma_semaphore, #tpu.memory_space<semaphore_mem>>) src(%dma_wait3A_183 : memref<51x128xi32, #tpu.memory_space<hbm>>) dst(%dma_wait3A_181 : memref<51x128xi32, #tpu.memory_space<vmem>>)
        tpu.yield
      }) : () -> ()
    } else {
    }
    %mul3A_12 = arith.constant 79 : i32
    %mul3A_13 = arith.muli %add3A, %mul3A_12 : i32
    %eq3A_14 = arith.constant 31 : i32
    %eq3A_15 = arith.cmpi eq, %add3A, %eq3A_14 : i32
    %not3A_16 = arith.constant true
    %not3A_17 = arith.xori %eq3A_15, %not3A_16 : i1
    %convert_element_type3A_18 = arith.extui %not3A_17 : i1 to i32
    %cond3A_19 = arith.constant 0 : i32
    %cond3A_20 = arith.cmpi ne, %convert_element_type3A_18, %cond3A_19 : i32
    scf.if %cond3A_20 {
      "tpu.region"() ({
        %run_scoped3A = tpu.sem_alloc : memref<!tpu.dma_semaphore, #tpu.memory_space<semaphore_mem>>
        %dma_start3A_165 = arith.constant 0 : i32
        %dma_start3A_166 = tpu.memref_slice %arg5[%mul3A_13, %dma_start3A_165] : memref<2500x128xi32, #tpu.memory_space<hbm>> -> memref<79x128xi32, #tpu.memory_space<hbm>>
        %dma_start3A_167 = arith.constant 0 : i32
        %dma_start3A_168 = tpu.memref_slice %arg5[%mul3A_13, %dma_start3A_167] : memref<2500x128xi32, #tpu.memory_space<hbm>> -> memref<79x128xi32, #tpu.memory_space<hbm>>
        tpu.enqueue_dma source(%dma_start3A_168 : memref<79x128xi32, #tpu.memory_space<hbm>>) target(%arg9 : memref<79x128xi32, #tpu.memory_space<vmem>>) target_semaphore(%run_scoped3A : memref<!tpu.dma_semaphore, #tpu.memory_space<semaphore_mem>>)
        %dma_wait3A = arith.constant 0 : i32
        %dma_wait3A_169 = tpu.memref_slice %arg5[%mul3A_13, %dma_wait3A] : memref<2500x128xi32, #tpu.memory_space<hbm>> -> memref<79x128xi32, #tpu.memory_space<hbm>>
        %dma_wait3A_170 = arith.constant 0 : i32
        %dma_wait3A_171 = tpu.memref_slice %arg5[%mul3A_13, %dma_wait3A_170] : memref<2500x128xi32, #tpu.memory_space<hbm>> -> memref<79x128xi32, #tpu.memory_space<hbm>>
        tpu.wait_dma2 semaphore(%run_scoped3A : memref<!tpu.dma_semaphore, #tpu.memory_space<semaphore_mem>>) src(%dma_wait3A_171 : memref<79x128xi32, #tpu.memory_space<hbm>>) dst(%arg9 : memref<79x128xi32, #tpu.memory_space<vmem>>)
        tpu.yield
      }) : () -> ()
    } else {
    }
    %convert_element_type3A_21 = arith.extui %eq3A_15 : i1 to i32
    %cond3A_22 = arith.constant 0 : i32
    %cond3A_23 = arith.cmpi ne, %convert_element_type3A_21, %cond3A_22 : i32
    scf.if %cond3A_23 {
      "tpu.region"() ({
        %run_scoped3A = tpu.sem_alloc : memref<!tpu.dma_semaphore, #tpu.memory_space<semaphore_mem>>
        %dma_start3A_165 = arith.constant 0 : i32
        %dma_start3A_166 = arith.constant 0 : i32
        %dma_start3A_167 = tpu.memref_slice %arg9[%dma_start3A_165, %dma_start3A_166] : memref<79x128xi32, #tpu.memory_space<vmem>> -> memref<51x128xi32, #tpu.memory_space<vmem>>
        %dma_start3A_168 = arith.constant 0 : i32
        %dma_start3A_169 = tpu.memref_slice %arg5[%mul3A_13, %dma_start3A_168] : memref<2500x128xi32, #tpu.memory_space<hbm>> -> memref<51x128xi32, #tpu.memory_space<hbm>>
        %dma_start3A_170 = arith.constant 0 : i32
        %dma_start3A_171 = arith.constant 0 : i32
        %dma_start3A_172 = tpu.memref_slice %arg9[%dma_start3A_170, %dma_start3A_171] : memref<79x128xi32, #tpu.memory_space<vmem>> -> memref<51x128xi32, #tpu.memory_space<vmem>>
        %dma_start3A_173 = arith.constant 0 : i32
        %dma_start3A_174 = tpu.memref_slice %arg5[%mul3A_13, %dma_start3A_173] : memref<2500x128xi32, #tpu.memory_space<hbm>> -> memref<51x128xi32, #tpu.memory_space<hbm>>
        tpu.enqueue_dma source(%dma_start3A_174 : memref<51x128xi32, #tpu.memory_space<hbm>>) target(%dma_start3A_172 : memref<51x128xi32, #tpu.memory_space<vmem>>) target_semaphore(%run_scoped3A : memref<!tpu.dma_semaphore, #tpu.memory_space<semaphore_mem>>)
        %dma_wait3A = arith.constant 0 : i32
        %dma_wait3A_175 = arith.constant 0 : i32
        %dma_wait3A_176 = tpu.memref_slice %arg9[%dma_wait3A, %dma_wait3A_175] : memref<79x128xi32, #tpu.memory_space<vmem>> -> memref<51x128xi32, #tpu.memory_space<vmem>>
        %dma_wait3A_177 = arith.constant 0 : i32
        %dma_wait3A_178 = tpu.memref_slice %arg5[%mul3A_13, %dma_wait3A_177] : memref<2500x128xi32, #tpu.memory_space<hbm>> -> memref<51x128xi32, #tpu.memory_space<hbm>>
        %dma_wait3A_179 = arith.constant 0 : i32
        %dma_wait3A_180 = arith.constant 0 : i32
        %dma_wait3A_181 = tpu.memref_slice %arg9[%dma_wait3A_179, %dma_wait3A_180] : memref<79x128xi32, #tpu.memory_space<vmem>> -> memref<51x128xi32, #tpu.memory_space<vmem>>
        %dma_wait3A_182 = arith.constant 0 : i32
        %dma_wait3A_183 = tpu.memref_slice %arg5[%mul3A_13, %dma_wait3A_182] : memref<2500x128xi32, #tpu.memory_space<hbm>> -> memref<51x128xi32, #tpu.memory_space<hbm>>
        tpu.wait_dma2 semaphore(%run_scoped3A : memref<!tpu.dma_semaphore, #tpu.memory_space<semaphore_mem>>) src(%dma_wait3A_183 : memref<51x128xi32, #tpu.memory_space<hbm>>) dst(%dma_wait3A_181 : memref<51x128xi32, #tpu.memory_space<vmem>>)
        tpu.yield
      }) : () -> ()
    } else {
    }
    %mul3A_24 = arith.constant 625 : i32
    %mul3A_25 = arith.muli %arg1, %mul3A_24 : i32
    "tpu.region"() ({
      %run_scoped3A = tpu.sem_alloc : memref<!tpu.dma_semaphore, #tpu.memory_space<semaphore_mem>>
      %dma_start3A_165 = arith.constant 0 : i32
      %dma_start3A_166 = tpu.memref_slice %arg14[%mul3A_25, %dma_start3A_165] : memref<10000x64xf32, #tpu.memory_space<vmem_shared>> -> memref<625x64xf32, #tpu.memory_space<vmem_shared>>
      tpu.enqueue_dma source(%arg6 : memref<625x64xf32, #tpu.memory_space<hbm>>) target(%dma_start3A_166 : memref<625x64xf32, #tpu.memory_space<vmem_shared>>) target_semaphore(%run_scoped3A : memref<!tpu.dma_semaphore, #tpu.memory_space<semaphore_mem>>)
      %dma_wait3A = arith.constant 0 : i32
      %dma_wait3A_167 = tpu.memref_slice %arg14[%mul3A_25, %dma_wait3A] : memref<10000x64xf32, #tpu.memory_space<vmem_shared>> -> memref<625x64xf32, #tpu.memory_space<vmem_shared>>
      tpu.wait_dma2 semaphore(%run_scoped3A : memref<!tpu.dma_semaphore, #tpu.memory_space<semaphore_mem>>) src(%arg6 : memref<625x64xf32, #tpu.memory_space<hbm>>) dst(%dma_wait3A_167 : memref<625x64xf32, #tpu.memory_space<vmem_shared>>)
      tpu.yield
    }) : () -> ()
    %barrier3A = arith.constant 0 : index
    tpu.barrier barrier_id(%barrier3A)
    %dma_start3A = arith.constant 0 : i32
    %dma_start3A_26 = arith.constant 0 : i32
    %dma_start3A_27 = tpu.memref_slice %arg8[%dma_start3A, %dma_start3A_26] : memref<79x128xi32, #tpu.memory_space<vmem>> -> memref<1x128xi32, #tpu.memory_space<vmem>>
    %dma_start3A_28 = tpu.memref_squeeze %dma_start3A_27 : memref<1x128xi32, #tpu.memory_space<vmem>> -> memref<128xi32, #tpu.memory_space<vmem>>
    %dma_start3A_29 = arith.constant 0 : i32
    %dma_start3A_30 = arith.constant 0 : i32
    %dma_start3A_31 = tpu.memref_slice %arg2[%dma_start3A_29, %dma_start3A_30] : memref<10000x64xf32, #tpu.memory_space<hbm>> -> memref<10000x64xf32, #tpu.memory_space<hbm>>
    tpu.enqueue_indirect_dma source(%dma_start3A_31 : memref<10000x64xf32, #tpu.memory_space<hbm>>) target(%arg10 : memref<128x64xf32, #tpu.memory_space<vmem>>) offsets(%dma_start3A_28 : memref<128xi32, #tpu.memory_space<vmem>>) semaphore(%arg15 : memref<!tpu.dma_semaphore, #tpu.memory_space<semaphore_mem>>)
    %dma_start3A_32 = arith.constant 1 : i32
    %dma_start3A_33 = arith.constant 0 : i32
    %dma_start3A_34 = tpu.memref_slice %arg8[%dma_start3A_32, %dma_start3A_33] : memref<79x128xi32, #tpu.memory_space<vmem>> -> memref<1x128xi32, #tpu.memory_space<vmem>>
    %dma_start3A_35 = tpu.memref_squeeze %dma_start3A_34 : memref<1x128xi32, #tpu.memory_space<vmem>> -> memref<128xi32, #tpu.memory_space<vmem>>
    %dma_start3A_36 = arith.constant 0 : i32
    %dma_start3A_37 = arith.constant 0 : i32
    %dma_start3A_38 = tpu.memref_slice %arg2[%dma_start3A_36, %dma_start3A_37] : memref<10000x64xf32, #tpu.memory_space<hbm>> -> memref<10000x64xf32, #tpu.memory_space<hbm>>
    tpu.enqueue_indirect_dma source(%dma_start3A_38 : memref<10000x64xf32, #tpu.memory_space<hbm>>) target(%arg11 : memref<128x64xf32, #tpu.memory_space<vmem>>) offsets(%dma_start3A_35 : memref<128xi32, #tpu.memory_space<vmem>>) semaphore(%arg16 : memref<!tpu.dma_semaphore, #tpu.memory_space<semaphore_mem>>)
    %dma_start3A_39 = arith.constant 2 : i32
    %dma_start3A_40 = arith.constant 0 : i32
    %dma_start3A_41 = tpu.memref_slice %arg8[%dma_start3A_39, %dma_start3A_40] : memref<79x128xi32, #tpu.memory_space<vmem>> -> memref<1x128xi32, #tpu.memory_space<vmem>>
    %dma_start3A_42 = tpu.memref_squeeze %dma_start3A_41 : memref<1x128xi32, #tpu.memory_space<vmem>> -> memref<128xi32, #tpu.memory_space<vmem>>
    %dma_start3A_43 = arith.constant 0 : i32
    %dma_start3A_44 = arith.constant 0 : i32
    %dma_start3A_45 = tpu.memref_slice %arg2[%dma_start3A_43, %dma_start3A_44] : memref<10000x64xf32, #tpu.memory_space<hbm>> -> memref<10000x64xf32, #tpu.memory_space<hbm>>
    tpu.enqueue_indirect_dma source(%dma_start3A_45 : memref<10000x64xf32, #tpu.memory_space<hbm>>) target(%arg12 : memref<128x64xf32, #tpu.memory_space<vmem>>) offsets(%dma_start3A_42 : memref<128xi32, #tpu.memory_space<vmem>>) semaphore(%arg17 : memref<!tpu.dma_semaphore, #tpu.memory_space<semaphore_mem>>)
    %dma_start3A_46 = arith.constant 3 : i32
    %dma_start3A_47 = arith.constant 0 : i32
    %dma_start3A_48 = tpu.memref_slice %arg8[%dma_start3A_46, %dma_start3A_47] : memref<79x128xi32, #tpu.memory_space<vmem>> -> memref<1x128xi32, #tpu.memory_space<vmem>>
    %dma_start3A_49 = tpu.memref_squeeze %dma_start3A_48 : memref<1x128xi32, #tpu.memory_space<vmem>> -> memref<128xi32, #tpu.memory_space<vmem>>
    %dma_start3A_50 = arith.constant 0 : i32
    %dma_start3A_51 = arith.constant 0 : i32
    %dma_start3A_52 = tpu.memref_slice %arg2[%dma_start3A_50, %dma_start3A_51] : memref<10000x64xf32, #tpu.memory_space<hbm>> -> memref<10000x64xf32, #tpu.memory_space<hbm>>
    tpu.enqueue_indirect_dma source(%dma_start3A_52 : memref<10000x64xf32, #tpu.memory_space<hbm>>) target(%arg13 : memref<128x64xf32, #tpu.memory_space<vmem>>) offsets(%dma_start3A_49 : memref<128xi32, #tpu.memory_space<vmem>>) semaphore(%arg18 : memref<!tpu.dma_semaphore, #tpu.memory_space<semaphore_mem>>)
    %add3A_53 = arith.constant 4 : i32
    %add3A_54 = arith.addi %select_n3A, %add3A_53 : i32
    %sub3A = arith.constant 1 : i32
    %sub3A_55 = arith.subi %add3A_54, %sub3A : i32
    %jit3A_56 = arith.constant 4 : i32
    %div3A = arith.divsi %sub3A_55, %jit3A_56 : i32
    %sign3A = arith.constant 0 : i32
    %sign3A_57 = arith.cmpi sgt, %sub3A_55, %sign3A : i32
    %sign3A_58 = arith.extui %sign3A_57 : i1 to i32
    %sign3A_59 = arith.constant 0 : i32
    %sign3A_60 = arith.cmpi slt, %sub3A_55, %sign3A_59 : i32
    %sign3A_61 = arith.extui %sign3A_60 : i1 to i32
    %sign3A_62 = arith.subi %sign3A_58, %sign3A_61 : i32
    %sign3A_63 = arith.constant 0 : i32
    %sign3A_64 = arith.cmpi sgt, %jit3A_56, %sign3A_63 : i32
    %sign3A_65 = arith.extui %sign3A_64 : i1 to i32
    %sign3A_66 = arith.constant 0 : i32
    %sign3A_67 = arith.cmpi slt, %jit3A_56, %sign3A_66 : i32
    %sign3A_68 = arith.extui %sign3A_67 : i1 to i32
    %sign3A_69 = arith.subi %sign3A_65, %sign3A_68 : i32
    %ne3A = arith.cmpi ne, %sign3A_62, %sign3A_69 : i32
    %rem3A = arith.remsi %sub3A_55, %jit3A_56 : i32
    %ne3A_70 = arith.constant 0 : i32
    %ne3A_71 = arith.cmpi ne, %rem3A, %ne3A_70 : i32
    %and3A = arith.andi %ne3A, %ne3A_71 : i1
    %sub3A_72 = arith.constant 1 : i32
    %sub3A_73 = arith.subi %div3A, %sub3A_72 : i32
    %select_n3A_74 = arith.select %and3A, %sub3A_73, %div3A : i32
    %while3A = arith.constant 0 : i32
    %while3A_75 = arith.constant 0 : i32
    %while3A_76 = arith.subi %select_n3A_74, %while3A_75 : i32
    %while3A_77 = arith.addi %while3A_75, %while3A_76 : i32
    %while3A_78 = arith.constant 1 : i32
    %while3A_79 = arith.divsi %while3A_76, %while3A_78 : i32
    %while3A_80 = arith.muli %while3A_79, %while3A_78 : i32
    %while3A_81 = arith.addi %while3A_75, %while3A_80 : i32
    %while3A_82 = arith.constant 1 : i32
    scf.for %while3A_165 = %while3A_75 to %while3A_81 step %while3A_82  : i32 {
      %mul3A_166 = arith.constant 4 : i32
      %mul3A_167 = arith.muli %mul3A_166, %while3A_165 : i32
      %add3A_168 = arith.constant 0 : i32
      %add3A_169 = arith.addi %mul3A_167, %add3A_168 : i32
      %dma_wait3A = arith.constant 0 : i32
      %dma_wait3A_170 = tpu.memref_slice %arg8[%add3A_169, %dma_wait3A] : memref<79x128xi32, #tpu.memory_space<vmem>> -> memref<1x128xi32, #tpu.memory_space<vmem>>
      %dma_wait3A_171 = tpu.memref_squeeze %dma_wait3A_170 : memref<1x128xi32, #tpu.memory_space<vmem>> -> memref<128xi32, #tpu.memory_space<vmem>>
      %dma_wait3A_172 = arith.constant 0 : i32
      %dma_wait3A_173 = arith.constant 0 : i32
      %dma_wait3A_174 = tpu.memref_slice %arg2[%dma_wait3A_172, %dma_wait3A_173] : memref<10000x64xf32, #tpu.memory_space<hbm>> -> memref<10000x64xf32, #tpu.memory_space<hbm>>
      tpu.wait_indirect_dma semaphore(%arg15 : memref<!tpu.dma_semaphore, #tpu.memory_space<semaphore_mem>>) src(%dma_wait3A_174 : memref<10000x64xf32, #tpu.memory_space<hbm>>) dst(%arg10 : memref<128x64xf32, #tpu.memory_space<vmem>>)
      "tpu.region"() ({
        %run_scoped3A = tpu.sem_alloc : memref<!tpu.dma_semaphore, #tpu.memory_space<semaphore_mem>>
        %dma_start3A_198 = arith.constant 0 : i32
        %dma_start3A_199 = tpu.memref_slice %arg9[%add3A_169, %dma_start3A_198] : memref<79x128xi32, #tpu.memory_space<vmem>> -> memref<1x128xi32, #tpu.memory_space<vmem>>
        %dma_start3A_200 = tpu.memref_squeeze %dma_start3A_199 : memref<1x128xi32, #tpu.memory_space<vmem>> -> memref<128xi32, #tpu.memory_space<vmem>>
        %dma_start3A_201 = arith.constant 0 : i32
        %dma_start3A_202 = arith.constant 0 : i32
        %dma_start3A_203 = tpu.memref_slice %arg14[%dma_start3A_201, %dma_start3A_202] : memref<10000x64xf32, #tpu.memory_space<vmem_shared>> -> memref<10000x64xf32, #tpu.memory_space<vmem_shared>>
        tpu.enqueue_indirect_dma source(%arg10 : memref<128x64xf32, #tpu.memory_space<vmem>>) target(%dma_start3A_203 : memref<10000x64xf32, #tpu.memory_space<vmem_shared>>) offsets(%dma_start3A_200 : memref<128xi32, #tpu.memory_space<vmem>>) semaphore(%run_scoped3A : memref<!tpu.dma_semaphore, #tpu.memory_space<semaphore_mem>>) {add = true}
        %dma_wait3A_204 = arith.constant 0 : i32
        %dma_wait3A_205 = tpu.memref_slice %arg9[%add3A_169, %dma_wait3A_204] : memref<79x128xi32, #tpu.memory_space<vmem>> -> memref<1x128xi32, #tpu.memory_space<vmem>>
        %dma_wait3A_206 = tpu.memref_squeeze %dma_wait3A_205 : memref<1x128xi32, #tpu.memory_space<vmem>> -> memref<128xi32, #tpu.memory_space<vmem>>
        %dma_wait3A_207 = arith.constant 0 : i32
        %dma_wait3A_208 = arith.constant 0 : i32
        %dma_wait3A_209 = tpu.memref_slice %arg14[%dma_wait3A_207, %dma_wait3A_208] : memref<10000x64xf32, #tpu.memory_space<vmem_shared>> -> memref<10000x64xf32, #tpu.memory_space<vmem_shared>>
        tpu.wait_indirect_dma semaphore(%run_scoped3A : memref<!tpu.dma_semaphore, #tpu.memory_space<semaphore_mem>>) src(%arg10 : memref<128x64xf32, #tpu.memory_space<vmem>>) dst(%dma_wait3A_209 : memref<10000x64xf32, #tpu.memory_space<vmem_shared>>)
        tpu.yield
      }) : () -> ()
      %add3A_175 = arith.constant 4 : i32
      %add3A_176 = arith.addi %add3A_169, %add3A_175 : i32
      %lt3A = arith.cmpi slt, %add3A_176, %select_n3A : i32
      %convert_element_type3A_177 = arith.extui %lt3A : i1 to i32
      %cond3A_178 = arith.constant 0 : i32
      %cond3A_179 = arith.cmpi ne, %convert_element_type3A_177, %cond3A_178 : i32
      scf.if %cond3A_179 {
        %add3A_198 = arith.constant 4 : i32
        %add3A_199 = arith.addi %add3A_169, %add3A_198 : i32
        %dma_start3A_200 = arith.constant 0 : i32
        %dma_start3A_201 = tpu.memref_slice %arg8[%add3A_199, %dma_start3A_200] : memref<79x128xi32, #tpu.memory_space<vmem>> -> memref<1x128xi32, #tpu.memory_space<vmem>>
        %dma_start3A_202 = tpu.memref_squeeze %dma_start3A_201 : memref<1x128xi32, #tpu.memory_space<vmem>> -> memref<128xi32, #tpu.memory_space<vmem>>
        %dma_start3A_203 = arith.constant 0 : i32
        %dma_start3A_204 = arith.constant 0 : i32
        %dma_start3A_205 = tpu.memref_slice %arg2[%dma_start3A_203, %dma_start3A_204] : memref<10000x64xf32, #tpu.memory_space<hbm>> -> memref<10000x64xf32, #tpu.memory_space<hbm>>
        tpu.enqueue_indirect_dma source(%dma_start3A_205 : memref<10000x64xf32, #tpu.memory_space<hbm>>) target(%arg10 : memref<128x64xf32, #tpu.memory_space<vmem>>) offsets(%dma_start3A_202 : memref<128xi32, #tpu.memory_space<vmem>>) semaphore(%arg15 : memref<!tpu.dma_semaphore, #tpu.memory_space<semaphore_mem>>)
      } else {
      }
      %add3A_180 = arith.constant 1 : i32
      %add3A_181 = arith.addi %mul3A_167, %add3A_180 : i32
      %lt3A_182 = arith.cmpi slt, %add3A_181, %select_n3A : i32
      %convert_element_type3A_183 = arith.extui %lt3A_182 : i1 to i32
      %cond3A_184 = arith.constant 0 : i32
      %cond3A_185 = arith.cmpi ne, %convert_element_type3A_183, %cond3A_184 : i32
      scf.if %cond3A_185 {
        %dma_wait3A_198 = arith.constant 0 : i32
        %dma_wait3A_199 = tpu.memref_slice %arg8[%add3A_181, %dma_wait3A_198] : memref<79x128xi32, #tpu.memory_space<vmem>> -> memref<1x128xi32, #tpu.memory_space<vmem>>
        %dma_wait3A_200 = tpu.memref_squeeze %dma_wait3A_199 : memref<1x128xi32, #tpu.memory_space<vmem>> -> memref<128xi32, #tpu.memory_space<vmem>>
        %dma_wait3A_201 = arith.constant 0 : i32
        %dma_wait3A_202 = arith.constant 0 : i32
        %dma_wait3A_203 = tpu.memref_slice %arg2[%dma_wait3A_201, %dma_wait3A_202] : memref<10000x64xf32, #tpu.memory_space<hbm>> -> memref<10000x64xf32, #tpu.memory_space<hbm>>
        tpu.wait_indirect_dma semaphore(%arg16 : memref<!tpu.dma_semaphore, #tpu.memory_space<semaphore_mem>>) src(%dma_wait3A_203 : memref<10000x64xf32, #tpu.memory_space<hbm>>) dst(%arg11 : memref<128x64xf32, #tpu.memory_space<vmem>>)
        "tpu.region"() ({
          %run_scoped3A = tpu.sem_alloc : memref<!tpu.dma_semaphore, #tpu.memory_space<semaphore_mem>>
          %dma_start3A_210 = arith.constant 0 : i32
          %dma_start3A_211 = tpu.memref_slice %arg9[%add3A_181, %dma_start3A_210] : memref<79x128xi32, #tpu.memory_space<vmem>> -> memref<1x128xi32, #tpu.memory_space<vmem>>
          %dma_start3A_212 = tpu.memref_squeeze %dma_start3A_211 : memref<1x128xi32, #tpu.memory_space<vmem>> -> memref<128xi32, #tpu.memory_space<vmem>>
          %dma_start3A_213 = arith.constant 0 : i32
          %dma_start3A_214 = arith.constant 0 : i32
          %dma_start3A_215 = tpu.memref_slice %arg14[%dma_start3A_213, %dma_start3A_214] : memref<10000x64xf32, #tpu.memory_space<vmem_shared>> -> memref<10000x64xf32, #tpu.memory_space<vmem_shared>>
          tpu.enqueue_indirect_dma source(%arg11 : memref<128x64xf32, #tpu.memory_space<vmem>>) target(%dma_start3A_215 : memref<10000x64xf32, #tpu.memory_space<vmem_shared>>) offsets(%dma_start3A_212 : memref<128xi32, #tpu.memory_space<vmem>>) semaphore(%run_scoped3A : memref<!tpu.dma_semaphore, #tpu.memory_space<semaphore_mem>>) {add = true}
          %dma_wait3A_216 = arith.constant 0 : i32
          %dma_wait3A_217 = tpu.memref_slice %arg9[%add3A_181, %dma_wait3A_216] : memref<79x128xi32, #tpu.memory_space<vmem>> -> memref<1x128xi32, #tpu.memory_space<vmem>>
          %dma_wait3A_218 = tpu.memref_squeeze %dma_wait3A_217 : memref<1x128xi32, #tpu.memory_space<vmem>> -> memref<128xi32, #tpu.memory_space<vmem>>
          %dma_wait3A_219 = arith.constant 0 : i32
          %dma_wait3A_220 = arith.constant 0 : i32
          %dma_wait3A_221 = tpu.memref_slice %arg14[%dma_wait3A_219, %dma_wait3A_220] : memref<10000x64xf32, #tpu.memory_space<vmem_shared>> -> memref<10000x64xf32, #tpu.memory_space<vmem_shared>>
          tpu.wait_indirect_dma semaphore(%run_scoped3A : memref<!tpu.dma_semaphore, #tpu.memory_space<semaphore_mem>>) src(%arg11 : memref<128x64xf32, #tpu.memory_space<vmem>>) dst(%dma_wait3A_221 : memref<10000x64xf32, #tpu.memory_space<vmem_shared>>)
          tpu.yield
        }) : () -> ()
        %add3A_204 = arith.constant 4 : i32
        %add3A_205 = arith.addi %add3A_181, %add3A_204 : i32
        %lt3A_206 = arith.cmpi slt, %add3A_205, %select_n3A : i32
        %convert_element_type3A_207 = arith.extui %lt3A_206 : i1 to i32
        %cond3A_208 = arith.constant 0 : i32
        %cond3A_209 = arith.cmpi ne, %convert_element_type3A_207, %cond3A_208 : i32
        scf.if %cond3A_209 {
          %add3A_210 = arith.constant 4 : i32
          %add3A_211 = arith.addi %add3A_181, %add3A_210 : i32
          %dma_start3A_212 = arith.constant 0 : i32
          %dma_start3A_213 = tpu.memref_slice %arg8[%add3A_211, %dma_start3A_212] : memref<79x128xi32, #tpu.memory_space<vmem>> -> memref<1x128xi32, #tpu.memory_space<vmem>>
          %dma_start3A_214 = tpu.memref_squeeze %dma_start3A_213 : memref<1x128xi32, #tpu.memory_space<vmem>> -> memref<128xi32, #tpu.memory_space<vmem>>
          %dma_start3A_215 = arith.constant 0 : i32
          %dma_start3A_216 = arith.constant 0 : i32
          %dma_start3A_217 = tpu.memref_slice %arg2[%dma_start3A_215, %dma_start3A_216] : memref<10000x64xf32, #tpu.memory_space<hbm>> -> memref<10000x64xf32, #tpu.memory_space<hbm>>
          tpu.enqueue_indirect_dma source(%dma_start3A_217 : memref<10000x64xf32, #tpu.memory_space<hbm>>) target(%arg11 : memref<128x64xf32, #tpu.memory_space<vmem>>) offsets(%dma_start3A_214 : memref<128xi32, #tpu.memory_space<vmem>>) semaphore(%arg16 : memref<!tpu.dma_semaphore, #tpu.memory_space<semaphore_mem>>)
        } else {
        }
      } else {
      }
      %add3A_186 = arith.constant 2 : i32
      %add3A_187 = arith.addi %mul3A_167, %add3A_186 : i32
      %lt3A_188 = arith.cmpi slt, %add3A_187, %select_n3A : i32
      %convert_element_type3A_189 = arith.extui %lt3A_188 : i1 to i32
      %cond3A_190 = arith.constant 0 : i32
      %cond3A_191 = arith.cmpi ne, %convert_element_type3A_189, %cond3A_190 : i32
      scf.if %cond3A_191 {
        %dma_wait3A_198 = arith.constant 0 : i32
        %dma_wait3A_199 = tpu.memref_slice %arg8[%add3A_187, %dma_wait3A_198] : memref<79x128xi32, #tpu.memory_space<vmem>> -> memref<1x128xi32, #tpu.memory_space<vmem>>
        %dma_wait3A_200 = tpu.memref_squeeze %dma_wait3A_199 : memref<1x128xi32, #tpu.memory_space<vmem>> -> memref<128xi32, #tpu.memory_space<vmem>>
        %dma_wait3A_201 = arith.constant 0 : i32
        %dma_wait3A_202 = arith.constant 0 : i32
        %dma_wait3A_203 = tpu.memref_slice %arg2[%dma_wait3A_201, %dma_wait3A_202] : memref<10000x64xf32, #tpu.memory_space<hbm>> -> memref<10000x64xf32, #tpu.memory_space<hbm>>
        tpu.wait_indirect_dma semaphore(%arg17 : memref<!tpu.dma_semaphore, #tpu.memory_space<semaphore_mem>>) src(%dma_wait3A_203 : memref<10000x64xf32, #tpu.memory_space<hbm>>) dst(%arg12 : memref<128x64xf32, #tpu.memory_space<vmem>>)
        "tpu.region"() ({
          %run_scoped3A = tpu.sem_alloc : memref<!tpu.dma_semaphore, #tpu.memory_space<semaphore_mem>>
          %dma_start3A_210 = arith.constant 0 : i32
          %dma_start3A_211 = tpu.memref_slice %arg9[%add3A_187, %dma_start3A_210] : memref<79x128xi32, #tpu.memory_space<vmem>> -> memref<1x128xi32, #tpu.memory_space<vmem>>
          %dma_start3A_212 = tpu.memref_squeeze %dma_start3A_211 : memref<1x128xi32, #tpu.memory_space<vmem>> -> memref<128xi32, #tpu.memory_space<vmem>>
          %dma_start3A_213 = arith.constant 0 : i32
          %dma_start3A_214 = arith.constant 0 : i32
          %dma_start3A_215 = tpu.memref_slice %arg14[%dma_start3A_213, %dma_start3A_214] : memref<10000x64xf32, #tpu.memory_space<vmem_shared>> -> memref<10000x64xf32, #tpu.memory_space<vmem_shared>>
          tpu.enqueue_indirect_dma source(%arg12 : memref<128x64xf32, #tpu.memory_space<vmem>>) target(%dma_start3A_215 : memref<10000x64xf32, #tpu.memory_space<vmem_shared>>) offsets(%dma_start3A_212 : memref<128xi32, #tpu.memory_space<vmem>>) semaphore(%run_scoped3A : memref<!tpu.dma_semaphore, #tpu.memory_space<semaphore_mem>>) {add = true}
          %dma_wait3A_216 = arith.constant 0 : i32
          %dma_wait3A_217 = tpu.memref_slice %arg9[%add3A_187, %dma_wait3A_216] : memref<79x128xi32, #tpu.memory_space<vmem>> -> memref<1x128xi32, #tpu.memory_space<vmem>>
          %dma_wait3A_218 = tpu.memref_squeeze %dma_wait3A_217 : memref<1x128xi32, #tpu.memory_space<vmem>> -> memref<128xi32, #tpu.memory_space<vmem>>
          %dma_wait3A_219 = arith.constant 0 : i32
          %dma_wait3A_220 = arith.constant 0 : i32
          %dma_wait3A_221 = tpu.memref_slice %arg14[%dma_wait3A_219, %dma_wait3A_220] : memref<10000x64xf32, #tpu.memory_space<vmem_shared>> -> memref<10000x64xf32, #tpu.memory_space<vmem_shared>>
          tpu.wait_indirect_dma semaphore(%run_scoped3A : memref<!tpu.dma_semaphore, #tpu.memory_space<semaphore_mem>>) src(%arg12 : memref<128x64xf32, #tpu.memory_space<vmem>>) dst(%dma_wait3A_221 : memref<10000x64xf32, #tpu.memory_space<vmem_shared>>)
          tpu.yield
        }) : () -> ()
        %add3A_204 = arith.constant 4 : i32
        %add3A_205 = arith.addi %add3A_187, %add3A_204 : i32
        %lt3A_206 = arith.cmpi slt, %add3A_205, %select_n3A : i32
        %convert_element_type3A_207 = arith.extui %lt3A_206 : i1 to i32
        %cond3A_208 = arith.constant 0 : i32
        %cond3A_209 = arith.cmpi ne, %convert_element_type3A_207, %cond3A_208 : i32
        scf.if %cond3A_209 {
          %add3A_210 = arith.constant 4 : i32
          %add3A_211 = arith.addi %add3A_187, %add3A_210 : i32
          %dma_start3A_212 = arith.constant 0 : i32
          %dma_start3A_213 = tpu.memref_slice %arg8[%add3A_211, %dma_start3A_212] : memref<79x128xi32, #tpu.memory_space<vmem>> -> memref<1x128xi32, #tpu.memory_space<vmem>>
          %dma_start3A_214 = tpu.memref_squeeze %dma_start3A_213 : memref<1x128xi32, #tpu.memory_space<vmem>> -> memref<128xi32, #tpu.memory_space<vmem>>
          %dma_start3A_215 = arith.constant 0 : i32
          %dma_start3A_216 = arith.constant 0 : i32
          %dma_start3A_217 = tpu.memref_slice %arg2[%dma_start3A_215, %dma_start3A_216] : memref<10000x64xf32, #tpu.memory_space<hbm>> -> memref<10000x64xf32, #tpu.memory_space<hbm>>
          tpu.enqueue_indirect_dma source(%dma_start3A_217 : memref<10000x64xf32, #tpu.memory_space<hbm>>) target(%arg12 : memref<128x64xf32, #tpu.memory_space<vmem>>) offsets(%dma_start3A_214 : memref<128xi32, #tpu.memory_space<vmem>>) semaphore(%arg17 : memref<!tpu.dma_semaphore, #tpu.memory_space<semaphore_mem>>)
        } else {
        }
      } else {
      }
      %add3A_192 = arith.constant 3 : i32
      %add3A_193 = arith.addi %mul3A_167, %add3A_192 : i32
      %lt3A_194 = arith.cmpi slt, %add3A_193, %select_n3A : i32
      %convert_element_type3A_195 = arith.extui %lt3A_194 : i1 to i32
      %cond3A_196 = arith.constant 0 : i32
      %cond3A_197 = arith.cmpi ne, %convert_element_type3A_195, %cond3A_196 : i32
      scf.if %cond3A_197 {
        %dma_wait3A_198 = arith.constant 0 : i32
        %dma_wait3A_199 = tpu.memref_slice %arg8[%add3A_193, %dma_wait3A_198] : memref<79x128xi32, #tpu.memory_space<vmem>> -> memref<1x128xi32, #tpu.memory_space<vmem>>
        %dma_wait3A_200 = tpu.memref_squeeze %dma_wait3A_199 : memref<1x128xi32, #tpu.memory_space<vmem>> -> memref<128xi32, #tpu.memory_space<vmem>>
        %dma_wait3A_201 = arith.constant 0 : i32
        %dma_wait3A_202 = arith.constant 0 : i32
        %dma_wait3A_203 = tpu.memref_slice %arg2[%dma_wait3A_201, %dma_wait3A_202] : memref<10000x64xf32, #tpu.memory_space<hbm>> -> memref<10000x64xf32, #tpu.memory_space<hbm>>
        tpu.wait_indirect_dma semaphore(%arg18 : memref<!tpu.dma_semaphore, #tpu.memory_space<semaphore_mem>>) src(%dma_wait3A_203 : memref<10000x64xf32, #tpu.memory_space<hbm>>) dst(%arg13 : memref<128x64xf32, #tpu.memory_space<vmem>>)
        "tpu.region"() ({
          %run_scoped3A = tpu.sem_alloc : memref<!tpu.dma_semaphore, #tpu.memory_space<semaphore_mem>>
          %dma_start3A_210 = arith.constant 0 : i32
          %dma_start3A_211 = tpu.memref_slice %arg9[%add3A_193, %dma_start3A_210] : memref<79x128xi32, #tpu.memory_space<vmem>> -> memref<1x128xi32, #tpu.memory_space<vmem>>
          %dma_start3A_212 = tpu.memref_squeeze %dma_start3A_211 : memref<1x128xi32, #tpu.memory_space<vmem>> -> memref<128xi32, #tpu.memory_space<vmem>>
          %dma_start3A_213 = arith.constant 0 : i32
          %dma_start3A_214 = arith.constant 0 : i32
          %dma_start3A_215 = tpu.memref_slice %arg14[%dma_start3A_213, %dma_start3A_214] : memref<10000x64xf32, #tpu.memory_space<vmem_shared>> -> memref<10000x64xf32, #tpu.memory_space<vmem_shared>>
          tpu.enqueue_indirect_dma source(%arg13 : memref<128x64xf32, #tpu.memory_space<vmem>>) target(%dma_start3A_215 : memref<10000x64xf32, #tpu.memory_space<vmem_shared>>) offsets(%dma_start3A_212 : memref<128xi32, #tpu.memory_space<vmem>>) semaphore(%run_scoped3A : memref<!tpu.dma_semaphore, #tpu.memory_space<semaphore_mem>>) {add = true}
          %dma_wait3A_216 = arith.constant 0 : i32
          %dma_wait3A_217 = tpu.memref_slice %arg9[%add3A_193, %dma_wait3A_216] : memref<79x128xi32, #tpu.memory_space<vmem>> -> memref<1x128xi32, #tpu.memory_space<vmem>>
          %dma_wait3A_218 = tpu.memref_squeeze %dma_wait3A_217 : memref<1x128xi32, #tpu.memory_space<vmem>> -> memref<128xi32, #tpu.memory_space<vmem>>
          %dma_wait3A_219 = arith.constant 0 : i32
          %dma_wait3A_220 = arith.constant 0 : i32
          %dma_wait3A_221 = tpu.memref_slice %arg14[%dma_wait3A_219, %dma_wait3A_220] : memref<10000x64xf32, #tpu.memory_space<vmem_shared>> -> memref<10000x64xf32, #tpu.memory_space<vmem_shared>>
          tpu.wait_indirect_dma semaphore(%run_scoped3A : memref<!tpu.dma_semaphore, #tpu.memory_space<semaphore_mem>>) src(%arg13 : memref<128x64xf32, #tpu.memory_space<vmem>>) dst(%dma_wait3A_221 : memref<10000x64xf32, #tpu.memory_space<vmem_shared>>)
          tpu.yield
        }) : () -> ()
        %add3A_204 = arith.constant 4 : i32
        %add3A_205 = arith.addi %add3A_193, %add3A_204 : i32
        %lt3A_206 = arith.cmpi slt, %add3A_205, %select_n3A : i32
        %convert_element_type3A_207 = arith.extui %lt3A_206 : i1 to i32
        %cond3A_208 = arith.constant 0 : i32
        %cond3A_209 = arith.cmpi ne, %convert_element_type3A_207, %cond3A_208 : i32
        scf.if %cond3A_209 {
          %add3A_210 = arith.constant 4 : i32
          %add3A_211 = arith.addi %add3A_193, %add3A_210 : i32
          %dma_start3A_212 = arith.constant 0 : i32
          %dma_start3A_213 = tpu.memref_slice %arg8[%add3A_211, %dma_start3A_212] : memref<79x128xi32, #tpu.memory_space<vmem>> -> memref<1x128xi32, #tpu.memory_space<vmem>>
          %dma_start3A_214 = tpu.memref_squeeze %dma_start3A_213 : memref<1x128xi32, #tpu.memory_space<vmem>> -> memref<128xi32, #tpu.memory_space<vmem>>
          %dma_start3A_215 = arith.constant 0 : i32
          %dma_start3A_216 = arith.constant 0 : i32
          %dma_start3A_217 = tpu.memref_slice %arg2[%dma_start3A_215, %dma_start3A_216] : memref<10000x64xf32, #tpu.memory_space<hbm>> -> memref<10000x64xf32, #tpu.memory_space<hbm>>
          tpu.enqueue_indirect_dma source(%dma_start3A_217 : memref<10000x64xf32, #tpu.memory_space<hbm>>) target(%arg13 : memref<128x64xf32, #tpu.memory_space<vmem>>) offsets(%dma_start3A_214 : memref<128xi32, #tpu.memory_space<vmem>>) semaphore(%arg18 : memref<!tpu.dma_semaphore, #tpu.memory_space<semaphore_mem>>)
        } else {
        }
      } else {
      }
    }
    %while3A_83 = arith.constant 1 : i32
    scf.for %while3A_165 = %while3A_81 to %while3A_77 step %while3A_83  : i32 {
      %mul3A_166 = arith.constant 4 : i32
      %mul3A_167 = arith.muli %mul3A_166, %while3A_165 : i32
      %add3A_168 = arith.constant 0 : i32
      %add3A_169 = arith.addi %mul3A_167, %add3A_168 : i32
      %dma_wait3A = arith.constant 0 : i32
      %dma_wait3A_170 = tpu.memref_slice %arg8[%add3A_169, %dma_wait3A] : memref<79x128xi32, #tpu.memory_space<vmem>> -> memref<1x128xi32, #tpu.memory_space<vmem>>
      %dma_wait3A_171 = tpu.memref_squeeze %dma_wait3A_170 : memref<1x128xi32, #tpu.memory_space<vmem>> -> memref<128xi32, #tpu.memory_space<vmem>>
      %dma_wait3A_172 = arith.constant 0 : i32
      %dma_wait3A_173 = arith.constant 0 : i32
      %dma_wait3A_174 = tpu.memref_slice %arg2[%dma_wait3A_172, %dma_wait3A_173] : memref<10000x64xf32, #tpu.memory_space<hbm>> -> memref<10000x64xf32, #tpu.memory_space<hbm>>
      tpu.wait_indirect_dma semaphore(%arg15 : memref<!tpu.dma_semaphore, #tpu.memory_space<semaphore_mem>>) src(%dma_wait3A_174 : memref<10000x64xf32, #tpu.memory_space<hbm>>) dst(%arg10 : memref<128x64xf32, #tpu.memory_space<vmem>>)
      "tpu.region"() ({
        %run_scoped3A = tpu.sem_alloc : memref<!tpu.dma_semaphore, #tpu.memory_space<semaphore_mem>>
        %dma_start3A_198 = arith.constant 0 : i32
        %dma_start3A_199 = tpu.memref_slice %arg9[%add3A_169, %dma_start3A_198] : memref<79x128xi32, #tpu.memory_space<vmem>> -> memref<1x128xi32, #tpu.memory_space<vmem>>
        %dma_start3A_200 = tpu.memref_squeeze %dma_start3A_199 : memref<1x128xi32, #tpu.memory_space<vmem>> -> memref<128xi32, #tpu.memory_space<vmem>>
        %dma_start3A_201 = arith.constant 0 : i32
        %dma_start3A_202 = arith.constant 0 : i32
        %dma_start3A_203 = tpu.memref_slice %arg14[%dma_start3A_201, %dma_start3A_202] : memref<10000x64xf32, #tpu.memory_space<vmem_shared>> -> memref<10000x64xf32, #tpu.memory_space<vmem_shared>>
        tpu.enqueue_indirect_dma source(%arg10 : memref<128x64xf32, #tpu.memory_space<vmem>>) target(%dma_start3A_203 : memref<10000x64xf32, #tpu.memory_space<vmem_shared>>) offsets(%dma_start3A_200 : memref<128xi32, #tpu.memory_space<vmem>>) semaphore(%run_scoped3A : memref<!tpu.dma_semaphore, #tpu.memory_space<semaphore_mem>>) {add = true}
        %dma_wait3A_204 = arith.constant 0 : i32
        %dma_wait3A_205 = tpu.memref_slice %arg9[%add3A_169, %dma_wait3A_204] : memref<79x128xi32, #tpu.memory_space<vmem>> -> memref<1x128xi32, #tpu.memory_space<vmem>>
        %dma_wait3A_206 = tpu.memref_squeeze %dma_wait3A_205 : memref<1x128xi32, #tpu.memory_space<vmem>> -> memref<128xi32, #tpu.memory_space<vmem>>
        %dma_wait3A_207 = arith.constant 0 : i32
        %dma_wait3A_208 = arith.constant 0 : i32
        %dma_wait3A_209 = tpu.memref_slice %arg14[%dma_wait3A_207, %dma_wait3A_208] : memref<10000x64xf32, #tpu.memory_space<vmem_shared>> -> memref<10000x64xf32, #tpu.memory_space<vmem_shared>>
        tpu.wait_indirect_dma semaphore(%run_scoped3A : memref<!tpu.dma_semaphore, #tpu.memory_space<semaphore_mem>>) src(%arg10 : memref<128x64xf32, #tpu.memory_space<vmem>>) dst(%dma_wait3A_209 : memref<10000x64xf32, #tpu.memory_space<vmem_shared>>)
        tpu.yield
      }) : () -> ()
      %add3A_175 = arith.constant 4 : i32
      %add3A_176 = arith.addi %add3A_169, %add3A_175 : i32
      %lt3A = arith.cmpi slt, %add3A_176, %select_n3A : i32
      %convert_element_type3A_177 = arith.extui %lt3A : i1 to i32
      %cond3A_178 = arith.constant 0 : i32
      %cond3A_179 = arith.cmpi ne, %convert_element_type3A_177, %cond3A_178 : i32
      scf.if %cond3A_179 {
        %add3A_198 = arith.constant 4 : i32
        %add3A_199 = arith.addi %add3A_169, %add3A_198 : i32
        %dma_start3A_200 = arith.constant 0 : i32
        %dma_start3A_201 = tpu.memref_slice %arg8[%add3A_199, %dma_start3A_200] : memref<79x128xi32, #tpu.memory_space<vmem>> -> memref<1x128xi32, #tpu.memory_space<vmem>>
        %dma_start3A_202 = tpu.memref_squeeze %dma_start3A_201 : memref<1x128xi32, #tpu.memory_space<vmem>> -> memref<128xi32, #tpu.memory_space<vmem>>
        %dma_start3A_203 = arith.constant 0 : i32
        %dma_start3A_204 = arith.constant 0 : i32
        %dma_start3A_205 = tpu.memref_slice %arg2[%dma_start3A_203, %dma_start3A_204] : memref<10000x64xf32, #tpu.memory_space<hbm>> -> memref<10000x64xf32, #tpu.memory_space<hbm>>
        tpu.enqueue_indirect_dma source(%dma_start3A_205 : memref<10000x64xf32, #tpu.memory_space<hbm>>) target(%arg10 : memref<128x64xf32, #tpu.memory_space<vmem>>) offsets(%dma_start3A_202 : memref<128xi32, #tpu.memory_space<vmem>>) semaphore(%arg15 : memref<!tpu.dma_semaphore, #tpu.memory_space<semaphore_mem>>)
      } else {
      }
      %add3A_180 = arith.constant 1 : i32
      %add3A_181 = arith.addi %mul3A_167, %add3A_180 : i32
      %lt3A_182 = arith.cmpi slt, %add3A_181, %select_n3A : i32
      %convert_element_type3A_183 = arith.extui %lt3A_182 : i1 to i32
      %cond3A_184 = arith.constant 0 : i32
      %cond3A_185 = arith.cmpi ne, %convert_element_type3A_183, %cond3A_184 : i32
      scf.if %cond3A_185 {
        %dma_wait3A_198 = arith.constant 0 : i32
        %dma_wait3A_199 = tpu.memref_slice %arg8[%add3A_181, %dma_wait3A_198] : memref<79x128xi32, #tpu.memory_space<vmem>> -> memref<1x128xi32, #tpu.memory_space<vmem>>
        %dma_wait3A_200 = tpu.memref_squeeze %dma_wait3A_199 : memref<1x128xi32, #tpu.memory_space<vmem>> -> memref<128xi32, #tpu.memory_space<vmem>>
        %dma_wait3A_201 = arith.constant 0 : i32
        %dma_wait3A_202 = arith.constant 0 : i32
        %dma_wait3A_203 = tpu.memref_slice %arg2[%dma_wait3A_201, %dma_wait3A_202] : memref<10000x64xf32, #tpu.memory_space<hbm>> -> memref<10000x64xf32, #tpu.memory_space<hbm>>
        tpu.wait_indirect_dma semaphore(%arg16 : memref<!tpu.dma_semaphore, #tpu.memory_space<semaphore_mem>>) src(%dma_wait3A_203 : memref<10000x64xf32, #tpu.memory_space<hbm>>) dst(%arg11 : memref<128x64xf32, #tpu.memory_space<vmem>>)
        "tpu.region"() ({
          %run_scoped3A = tpu.sem_alloc : memref<!tpu.dma_semaphore, #tpu.memory_space<semaphore_mem>>
          %dma_start3A_210 = arith.constant 0 : i32
          %dma_start3A_211 = tpu.memref_slice %arg9[%add3A_181, %dma_start3A_210] : memref<79x128xi32, #tpu.memory_space<vmem>> -> memref<1x128xi32, #tpu.memory_space<vmem>>
          %dma_start3A_212 = tpu.memref_squeeze %dma_start3A_211 : memref<1x128xi32, #tpu.memory_space<vmem>> -> memref<128xi32, #tpu.memory_space<vmem>>
          %dma_start3A_213 = arith.constant 0 : i32
          %dma_start3A_214 = arith.constant 0 : i32
          %dma_start3A_215 = tpu.memref_slice %arg14[%dma_start3A_213, %dma_start3A_214] : memref<10000x64xf32, #tpu.memory_space<vmem_shared>> -> memref<10000x64xf32, #tpu.memory_space<vmem_shared>>
          tpu.enqueue_indirect_dma source(%arg11 : memref<128x64xf32, #tpu.memory_space<vmem>>) target(%dma_start3A_215 : memref<10000x64xf32, #tpu.memory_space<vmem_shared>>) offsets(%dma_start3A_212 : memref<128xi32, #tpu.memory_space<vmem>>) semaphore(%run_scoped3A : memref<!tpu.dma_semaphore, #tpu.memory_space<semaphore_mem>>) {add = true}
          %dma_wait3A_216 = arith.constant 0 : i32
          %dma_wait3A_217 = tpu.memref_slice %arg9[%add3A_181, %dma_wait3A_216] : memref<79x128xi32, #tpu.memory_space<vmem>> -> memref<1x128xi32, #tpu.memory_space<vmem>>
          %dma_wait3A_218 = tpu.memref_squeeze %dma_wait3A_217 : memref<1x128xi32, #tpu.memory_space<vmem>> -> memref<128xi32, #tpu.memory_space<vmem>>
          %dma_wait3A_219 = arith.constant 0 : i32
          %dma_wait3A_220 = arith.constant 0 : i32
          %dma_wait3A_221 = tpu.memref_slice %arg14[%dma_wait3A_219, %dma_wait3A_220] : memref<10000x64xf32, #tpu.memory_space<vmem_shared>> -> memref<10000x64xf32, #tpu.memory_space<vmem_shared>>
          tpu.wait_indirect_dma semaphore(%run_scoped3A : memref<!tpu.dma_semaphore, #tpu.memory_space<semaphore_mem>>) src(%arg11 : memref<128x64xf32, #tpu.memory_space<vmem>>) dst(%dma_wait3A_221 : memref<10000x64xf32, #tpu.memory_space<vmem_shared>>)
          tpu.yield
        }) : () -> ()
        %add3A_204 = arith.constant 4 : i32
        %add3A_205 = arith.addi %add3A_181, %add3A_204 : i32
        %lt3A_206 = arith.cmpi slt, %add3A_205, %select_n3A : i32
        %convert_element_type3A_207 = arith.extui %lt3A_206 : i1 to i32
        %cond3A_208 = arith.constant 0 : i32
        %cond3A_209 = arith.cmpi ne, %convert_element_type3A_207, %cond3A_208 : i32
        scf.if %cond3A_209 {
          %add3A_210 = arith.constant 4 : i32
          %add3A_211 = arith.addi %add3A_181, %add3A_210 : i32
          %dma_start3A_212 = arith.constant 0 : i32
          %dma_start3A_213 = tpu.memref_slice %arg8[%add3A_211, %dma_start3A_212] : memref<79x128xi32, #tpu.memory_space<vmem>> -> memref<1x128xi32, #tpu.memory_space<vmem>>
          %dma_start3A_214 = tpu.memref_squeeze %dma_start3A_213 : memref<1x128xi32, #tpu.memory_space<vmem>> -> memref<128xi32, #tpu.memory_space<vmem>>
          %dma_start3A_215 = arith.constant 0 : i32
          %dma_start3A_216 = arith.constant 0 : i32
          %dma_start3A_217 = tpu.memref_slice %arg2[%dma_start3A_215, %dma_start3A_216] : memref<10000x64xf32, #tpu.memory_space<hbm>> -> memref<10000x64xf32, #tpu.memory_space<hbm>>
          tpu.enqueue_indirect_dma source(%dma_start3A_217 : memref<10000x64xf32, #tpu.memory_space<hbm>>) target(%arg11 : memref<128x64xf32, #tpu.memory_space<vmem>>) offsets(%dma_start3A_214 : memref<128xi32, #tpu.memory_space<vmem>>) semaphore(%arg16 : memref<!tpu.dma_semaphore, #tpu.memory_space<semaphore_mem>>)
        } else {
        }
      } else {
      }
      %add3A_186 = arith.constant 2 : i32
      %add3A_187 = arith.addi %mul3A_167, %add3A_186 : i32
      %lt3A_188 = arith.cmpi slt, %add3A_187, %select_n3A : i32
      %convert_element_type3A_189 = arith.extui %lt3A_188 : i1 to i32
      %cond3A_190 = arith.constant 0 : i32
      %cond3A_191 = arith.cmpi ne, %convert_element_type3A_189, %cond3A_190 : i32
      scf.if %cond3A_191 {
        %dma_wait3A_198 = arith.constant 0 : i32
        %dma_wait3A_199 = tpu.memref_slice %arg8[%add3A_187, %dma_wait3A_198] : memref<79x128xi32, #tpu.memory_space<vmem>> -> memref<1x128xi32, #tpu.memory_space<vmem>>
        %dma_wait3A_200 = tpu.memref_squeeze %dma_wait3A_199 : memref<1x128xi32, #tpu.memory_space<vmem>> -> memref<128xi32, #tpu.memory_space<vmem>>
        %dma_wait3A_201 = arith.constant 0 : i32
        %dma_wait3A_202 = arith.constant 0 : i32
        %dma_wait3A_203 = tpu.memref_slice %arg2[%dma_wait3A_201, %dma_wait3A_202] : memref<10000x64xf32, #tpu.memory_space<hbm>> -> memref<10000x64xf32, #tpu.memory_space<hbm>>
        tpu.wait_indirect_dma semaphore(%arg17 : memref<!tpu.dma_semaphore, #tpu.memory_space<semaphore_mem>>) src(%dma_wait3A_203 : memref<10000x64xf32, #tpu.memory_space<hbm>>) dst(%arg12 : memref<128x64xf32, #tpu.memory_space<vmem>>)
        "tpu.region"() ({
          %run_scoped3A = tpu.sem_alloc : memref<!tpu.dma_semaphore, #tpu.memory_space<semaphore_mem>>
          %dma_start3A_210 = arith.constant 0 : i32
          %dma_start3A_211 = tpu.memref_slice %arg9[%add3A_187, %dma_start3A_210] : memref<79x128xi32, #tpu.memory_space<vmem>> -> memref<1x128xi32, #tpu.memory_space<vmem>>
          %dma_start3A_212 = tpu.memref_squeeze %dma_start3A_211 : memref<1x128xi32, #tpu.memory_space<vmem>> -> memref<128xi32, #tpu.memory_space<vmem>>
          %dma_start3A_213 = arith.constant 0 : i32
          %dma_start3A_214 = arith.constant 0 : i32
          %dma_start3A_215 = tpu.memref_slice %arg14[%dma_start3A_213, %dma_start3A_214] : memref<10000x64xf32, #tpu.memory_space<vmem_shared>> -> memref<10000x64xf32, #tpu.memory_space<vmem_shared>>
          tpu.enqueue_indirect_dma source(%arg12 : memref<128x64xf32, #tpu.memory_space<vmem>>) target(%dma_start3A_215 : memref<10000x64xf32, #tpu.memory_space<vmem_shared>>) offsets(%dma_start3A_212 : memref<128xi32, #tpu.memory_space<vmem>>) semaphore(%run_scoped3A : memref<!tpu.dma_semaphore, #tpu.memory_space<semaphore_mem>>) {add = true}
          %dma_wait3A_216 = arith.constant 0 : i32
          %dma_wait3A_217 = tpu.memref_slice %arg9[%add3A_187, %dma_wait3A_216] : memref<79x128xi32, #tpu.memory_space<vmem>> -> memref<1x128xi32, #tpu.memory_space<vmem>>
          %dma_wait3A_218 = tpu.memref_squeeze %dma_wait3A_217 : memref<1x128xi32, #tpu.memory_space<vmem>> -> memref<128xi32, #tpu.memory_space<vmem>>
          %dma_wait3A_219 = arith.constant 0 : i32
          %dma_wait3A_220 = arith.constant 0 : i32
          %dma_wait3A_221 = tpu.memref_slice %arg14[%dma_wait3A_219, %dma_wait3A_220] : memref<10000x64xf32, #tpu.memory_space<vmem_shared>> -> memref<10000x64xf32, #tpu.memory_space<vmem_shared>>
          tpu.wait_indirect_dma semaphore(%run_scoped3A : memref<!tpu.dma_semaphore, #tpu.memory_space<semaphore_mem>>) src(%arg12 : memref<128x64xf32, #tpu.memory_space<vmem>>) dst(%dma_wait3A_221 : memref<10000x64xf32, #tpu.memory_space<vmem_shared>>)
          tpu.yield
        }) : () -> ()
        %add3A_204 = arith.constant 4 : i32
        %add3A_205 = arith.addi %add3A_187, %add3A_204 : i32
        %lt3A_206 = arith.cmpi slt, %add3A_205, %select_n3A : i32
        %convert_element_type3A_207 = arith.extui %lt3A_206 : i1 to i32
        %cond3A_208 = arith.constant 0 : i32
        %cond3A_209 = arith.cmpi ne, %convert_element_type3A_207, %cond3A_208 : i32
        scf.if %cond3A_209 {
          %add3A_210 = arith.constant 4 : i32
          %add3A_211 = arith.addi %add3A_187, %add3A_210 : i32
          %dma_start3A_212 = arith.constant 0 : i32
          %dma_start3A_213 = tpu.memref_slice %arg8[%add3A_211, %dma_start3A_212] : memref<79x128xi32, #tpu.memory_space<vmem>> -> memref<1x128xi32, #tpu.memory_space<vmem>>
          %dma_start3A_214 = tpu.memref_squeeze %dma_start3A_213 : memref<1x128xi32, #tpu.memory_space<vmem>> -> memref<128xi32, #tpu.memory_space<vmem>>
          %dma_start3A_215 = arith.constant 0 : i32
          %dma_start3A_216 = arith.constant 0 : i32
          %dma_start3A_217 = tpu.memref_slice %arg2[%dma_start3A_215, %dma_start3A_216] : memref<10000x64xf32, #tpu.memory_space<hbm>> -> memref<10000x64xf32, #tpu.memory_space<hbm>>
          tpu.enqueue_indirect_dma source(%dma_start3A_217 : memref<10000x64xf32, #tpu.memory_space<hbm>>) target(%arg12 : memref<128x64xf32, #tpu.memory_space<vmem>>) offsets(%dma_start3A_214 : memref<128xi32, #tpu.memory_space<vmem>>) semaphore(%arg17 : memref<!tpu.dma_semaphore, #tpu.memory_space<semaphore_mem>>)
        } else {
        }
      } else {
      }
      %add3A_192 = arith.constant 3 : i32
      %add3A_193 = arith.addi %mul3A_167, %add3A_192 : i32
      %lt3A_194 = arith.cmpi slt, %add3A_193, %select_n3A : i32
      %convert_element_type3A_195 = arith.extui %lt3A_194 : i1 to i32
      %cond3A_196 = arith.constant 0 : i32
      %cond3A_197 = arith.cmpi ne, %convert_element_type3A_195, %cond3A_196 : i32
      scf.if %cond3A_197 {
        %dma_wait3A_198 = arith.constant 0 : i32
        %dma_wait3A_199 = tpu.memref_slice %arg8[%add3A_193, %dma_wait3A_198] : memref<79x128xi32, #tpu.memory_space<vmem>> -> memref<1x128xi32, #tpu.memory_space<vmem>>
        %dma_wait3A_200 = tpu.memref_squeeze %dma_wait3A_199 : memref<1x128xi32, #tpu.memory_space<vmem>> -> memref<128xi32, #tpu.memory_space<vmem>>
        %dma_wait3A_201 = arith.constant 0 : i32
        %dma_wait3A_202 = arith.constant 0 : i32
        %dma_wait3A_203 = tpu.memref_slice %arg2[%dma_wait3A_201, %dma_wait3A_202] : memref<10000x64xf32, #tpu.memory_space<hbm>> -> memref<10000x64xf32, #tpu.memory_space<hbm>>
        tpu.wait_indirect_dma semaphore(%arg18 : memref<!tpu.dma_semaphore, #tpu.memory_space<semaphore_mem>>) src(%dma_wait3A_203 : memref<10000x64xf32, #tpu.memory_space<hbm>>) dst(%arg13 : memref<128x64xf32, #tpu.memory_space<vmem>>)
        "tpu.region"() ({
          %run_scoped3A = tpu.sem_alloc : memref<!tpu.dma_semaphore, #tpu.memory_space<semaphore_mem>>
          %dma_start3A_210 = arith.constant 0 : i32
          %dma_start3A_211 = tpu.memref_slice %arg9[%add3A_193, %dma_start3A_210] : memref<79x128xi32, #tpu.memory_space<vmem>> -> memref<1x128xi32, #tpu.memory_space<vmem>>
          %dma_start3A_212 = tpu.memref_squeeze %dma_start3A_211 : memref<1x128xi32, #tpu.memory_space<vmem>> -> memref<128xi32, #tpu.memory_space<vmem>>
          %dma_start3A_213 = arith.constant 0 : i32
          %dma_start3A_214 = arith.constant 0 : i32
          %dma_start3A_215 = tpu.memref_slice %arg14[%dma_start3A_213, %dma_start3A_214] : memref<10000x64xf32, #tpu.memory_space<vmem_shared>> -> memref<10000x64xf32, #tpu.memory_space<vmem_shared>>
          tpu.enqueue_indirect_dma source(%arg13 : memref<128x64xf32, #tpu.memory_space<vmem>>) target(%dma_start3A_215 : memref<10000x64xf32, #tpu.memory_space<vmem_shared>>) offsets(%dma_start3A_212 : memref<128xi32, #tpu.memory_space<vmem>>) semaphore(%run_scoped3A : memref<!tpu.dma_semaphore, #tpu.memory_space<semaphore_mem>>) {add = true}
          %dma_wait3A_216 = arith.constant 0 : i32
          %dma_wait3A_217 = tpu.memref_slice %arg9[%add3A_193, %dma_wait3A_216] : memref<79x128xi32, #tpu.memory_space<vmem>> -> memref<1x128xi32, #tpu.memory_space<vmem>>
          %dma_wait3A_218 = tpu.memref_squeeze %dma_wait3A_217 : memref<1x128xi32, #tpu.memory_space<vmem>> -> memref<128xi32, #tpu.memory_space<vmem>>
          %dma_wait3A_219 = arith.constant 0 : i32
          %dma_wait3A_220 = arith.constant 0 : i32
          %dma_wait3A_221 = tpu.memref_slice %arg14[%dma_wait3A_219, %dma_wait3A_220] : memref<10000x64xf32, #tpu.memory_space<vmem_shared>> -> memref<10000x64xf32, #tpu.memory_space<vmem_shared>>
          tpu.wait_indirect_dma semaphore(%run_scoped3A : memref<!tpu.dma_semaphore, #tpu.memory_space<semaphore_mem>>) src(%arg13 : memref<128x64xf32, #tpu.memory_space<vmem>>) dst(%dma_wait3A_221 : memref<10000x64xf32, #tpu.memory_space<vmem_shared>>)
          tpu.yield
        }) : () -> ()
        %add3A_204 = arith.constant 4 : i32
        %add3A_205 = arith.addi %add3A_193, %add3A_204 : i32
        %lt3A_206 = arith.cmpi slt, %add3A_205, %select_n3A : i32
        %convert_element_type3A_207 = arith.extui %lt3A_206 : i1 to i32
        %cond3A_208 = arith.constant 0 : i32
        %cond3A_209 = arith.cmpi ne, %convert_element_type3A_207, %cond3A_208 : i32
        scf.if %cond3A_209 {
          %add3A_210 = arith.constant 4 : i32
          %add3A_211 = arith.addi %add3A_193, %add3A_210 : i32
          %dma_start3A_212 = arith.constant 0 : i32
          %dma_start3A_213 = tpu.memref_slice %arg8[%add3A_211, %dma_start3A_212] : memref<79x128xi32, #tpu.memory_space<vmem>> -> memref<1x128xi32, #tpu.memory_space<vmem>>
          %dma_start3A_214 = tpu.memref_squeeze %dma_start3A_213 : memref<1x128xi32, #tpu.memory_space<vmem>> -> memref<128xi32, #tpu.memory_space<vmem>>
          %dma_start3A_215 = arith.constant 0 : i32
          %dma_start3A_216 = arith.constant 0 : i32
          %dma_start3A_217 = tpu.memref_slice %arg2[%dma_start3A_215, %dma_start3A_216] : memref<10000x64xf32, #tpu.memory_space<hbm>> -> memref<10000x64xf32, #tpu.memory_space<hbm>>
          tpu.enqueue_indirect_dma source(%dma_start3A_217 : memref<10000x64xf32, #tpu.memory_space<hbm>>) target(%arg13 : memref<128x64xf32, #tpu.memory_space<vmem>>) offsets(%dma_start3A_214 : memref<128xi32, #tpu.memory_space<vmem>>) semaphore(%arg18 : memref<!tpu.dma_semaphore, #tpu.memory_space<semaphore_mem>>)
        } else {
        }
      } else {
      }
    }
    %barrier3A_84 = arith.constant 0 : index
    tpu.barrier barrier_id(%barrier3A_84)
    %mul3A_85 = arith.constant 625 : i32
    %mul3A_86 = arith.muli %arg1, %mul3A_85 : i32
    %mul3A_87 = arith.constant 625 : i32
    %mul3A_88 = arith.muli %arg1, %mul3A_87 : i32
    "tpu.region"() ({
      %run_scoped3A = tpu.sem_alloc : memref<!tpu.dma_semaphore, #tpu.memory_space<semaphore_mem>>
      %dma_start3A_165 = arith.constant 0 : i32
      %dma_start3A_166 = tpu.memref_slice %arg7[%arg0, %mul3A_88, %dma_start3A_165] : memref<2x10000x128xf32, #tpu.memory_space<hbm>> -> memref<1x625x64xf32, #tpu.memory_space<hbm>>
      %dma_start3A_167 = tpu.memref_squeeze %dma_start3A_166 : memref<1x625x64xf32, #tpu.memory_space<hbm>> -> memref<625x64xf32, #tpu.memory_space<hbm>>
      %dma_start3A_168 = arith.constant 0 : i32
      %dma_start3A_169 = tpu.memref_slice %arg14[%mul3A_86, %dma_start3A_168] : memref<10000x64xf32, #tpu.memory_space<vmem_shared>> -> memref<625x64xf32, #tpu.memory_space<vmem_shared>>
      tpu.enqueue_dma source(%dma_start3A_169 : memref<625x64xf32, #tpu.memory_space<vmem_shared>>) target(%dma_start3A_167 : memref<625x64xf32, #tpu.memory_space<hbm>>) target_semaphore(%run_scoped3A : memref<!tpu.dma_semaphore, #tpu.memory_space<semaphore_mem>>)
      %dma_wait3A = arith.constant 0 : i32
      %dma_wait3A_170 = tpu.memref_slice %arg7[%arg0, %mul3A_88, %dma_wait3A] : memref<2x10000x128xf32, #tpu.memory_space<hbm>> -> memref<1x625x64xf32, #tpu.memory_space<hbm>>
      %dma_wait3A_171 = tpu.memref_squeeze %dma_wait3A_170 : memref<1x625x64xf32, #tpu.memory_space<hbm>> -> memref<625x64xf32, #tpu.memory_space<hbm>>
      %dma_wait3A_172 = arith.constant 0 : i32
      %dma_wait3A_173 = tpu.memref_slice %arg14[%mul3A_86, %dma_wait3A_172] : memref<10000x64xf32, #tpu.memory_space<vmem_shared>> -> memref<625x64xf32, #tpu.memory_space<vmem_shared>>
      tpu.wait_dma2 semaphore(%run_scoped3A : memref<!tpu.dma_semaphore, #tpu.memory_space<semaphore_mem>>) src(%dma_wait3A_173 : memref<625x64xf32, #tpu.memory_space<vmem_shared>>) dst(%dma_wait3A_171 : memref<625x64xf32, #tpu.memory_space<hbm>>)
      tpu.yield
    }) : () -> ()
    %barrier3A_89 = arith.constant 0 : index
    tpu.barrier barrier_id(%barrier3A_89)
    %mul3A_90 = arith.constant 625 : i32
    %mul3A_91 = arith.muli %arg1, %mul3A_90 : i32
    "tpu.region"() ({
      %run_scoped3A = tpu.sem_alloc : memref<!tpu.dma_semaphore, #tpu.memory_space<semaphore_mem>>
      %dma_start3A_165 = arith.constant 0 : i32
      %dma_start3A_166 = tpu.memref_slice %arg14[%mul3A_91, %dma_start3A_165] : memref<10000x64xf32, #tpu.memory_space<vmem_shared>> -> memref<625x64xf32, #tpu.memory_space<vmem_shared>>
      tpu.enqueue_dma source(%arg6 : memref<625x64xf32, #tpu.memory_space<hbm>>) target(%dma_start3A_166 : memref<625x64xf32, #tpu.memory_space<vmem_shared>>) target_semaphore(%run_scoped3A : memref<!tpu.dma_semaphore, #tpu.memory_space<semaphore_mem>>)
      %dma_wait3A = arith.constant 0 : i32
      %dma_wait3A_167 = tpu.memref_slice %arg14[%mul3A_91, %dma_wait3A] : memref<10000x64xf32, #tpu.memory_space<vmem_shared>> -> memref<625x64xf32, #tpu.memory_space<vmem_shared>>
      tpu.wait_dma2 semaphore(%run_scoped3A : memref<!tpu.dma_semaphore, #tpu.memory_space<semaphore_mem>>) src(%arg6 : memref<625x64xf32, #tpu.memory_space<hbm>>) dst(%dma_wait3A_167 : memref<625x64xf32, #tpu.memory_space<vmem_shared>>)
      tpu.yield
    }) : () -> ()
    %barrier3A_92 = arith.constant 0 : index
    tpu.barrier barrier_id(%barrier3A_92)
    %dma_start3A_93 = arith.constant 0 : i32
    %dma_start3A_94 = arith.constant 0 : i32
    %dma_start3A_95 = tpu.memref_slice %arg8[%dma_start3A_93, %dma_start3A_94] : memref<79x128xi32, #tpu.memory_space<vmem>> -> memref<1x128xi32, #tpu.memory_space<vmem>>
    %dma_start3A_96 = tpu.memref_squeeze %dma_start3A_95 : memref<1x128xi32, #tpu.memory_space<vmem>> -> memref<128xi32, #tpu.memory_space<vmem>>
    %dma_start3A_97 = arith.constant 0 : i32
    %dma_start3A_98 = arith.constant 0 : i32
    %dma_start3A_99 = tpu.memref_slice %arg3[%dma_start3A_97, %dma_start3A_98] : memref<10000x64xf32, #tpu.memory_space<hbm>> -> memref<10000x64xf32, #tpu.memory_space<hbm>>
    tpu.enqueue_indirect_dma source(%dma_start3A_99 : memref<10000x64xf32, #tpu.memory_space<hbm>>) target(%arg10 : memref<128x64xf32, #tpu.memory_space<vmem>>) offsets(%dma_start3A_96 : memref<128xi32, #tpu.memory_space<vmem>>) semaphore(%arg15 : memref<!tpu.dma_semaphore, #tpu.memory_space<semaphore_mem>>)
    %dma_start3A_100 = arith.constant 1 : i32
    %dma_start3A_101 = arith.constant 0 : i32
    %dma_start3A_102 = tpu.memref_slice %arg8[%dma_start3A_100, %dma_start3A_101] : memref<79x128xi32, #tpu.memory_space<vmem>> -> memref<1x128xi32, #tpu.memory_space<vmem>>
    %dma_start3A_103 = tpu.memref_squeeze %dma_start3A_102 : memref<1x128xi32, #tpu.memory_space<vmem>> -> memref<128xi32, #tpu.memory_space<vmem>>
    %dma_start3A_104 = arith.constant 0 : i32
    %dma_start3A_105 = arith.constant 0 : i32
    %dma_start3A_106 = tpu.memref_slice %arg3[%dma_start3A_104, %dma_start3A_105] : memref<10000x64xf32, #tpu.memory_space<hbm>> -> memref<10000x64xf32, #tpu.memory_space<hbm>>
    tpu.enqueue_indirect_dma source(%dma_start3A_106 : memref<10000x64xf32, #tpu.memory_space<hbm>>) target(%arg11 : memref<128x64xf32, #tpu.memory_space<vmem>>) offsets(%dma_start3A_103 : memref<128xi32, #tpu.memory_space<vmem>>) semaphore(%arg16 : memref<!tpu.dma_semaphore, #tpu.memory_space<semaphore_mem>>)
    %dma_start3A_107 = arith.constant 2 : i32
    %dma_start3A_108 = arith.constant 0 : i32
    %dma_start3A_109 = tpu.memref_slice %arg8[%dma_start3A_107, %dma_start3A_108] : memref<79x128xi32, #tpu.memory_space<vmem>> -> memref<1x128xi32, #tpu.memory_space<vmem>>
    %dma_start3A_110 = tpu.memref_squeeze %dma_start3A_109 : memref<1x128xi32, #tpu.memory_space<vmem>> -> memref<128xi32, #tpu.memory_space<vmem>>
    %dma_start3A_111 = arith.constant 0 : i32
    %dma_start3A_112 = arith.constant 0 : i32
    %dma_start3A_113 = tpu.memref_slice %arg3[%dma_start3A_111, %dma_start3A_112] : memref<10000x64xf32, #tpu.memory_space<hbm>> -> memref<10000x64xf32, #tpu.memory_space<hbm>>
    tpu.enqueue_indirect_dma source(%dma_start3A_113 : memref<10000x64xf32, #tpu.memory_space<hbm>>) target(%arg12 : memref<128x64xf32, #tpu.memory_space<vmem>>) offsets(%dma_start3A_110 : memref<128xi32, #tpu.memory_space<vmem>>) semaphore(%arg17 : memref<!tpu.dma_semaphore, #tpu.memory_space<semaphore_mem>>)
    %dma_start3A_114 = arith.constant 3 : i32
    %dma_start3A_115 = arith.constant 0 : i32
    %dma_start3A_116 = tpu.memref_slice %arg8[%dma_start3A_114, %dma_start3A_115] : memref<79x128xi32, #tpu.memory_space<vmem>> -> memref<1x128xi32, #tpu.memory_space<vmem>>
    %dma_start3A_117 = tpu.memref_squeeze %dma_start3A_116 : memref<1x128xi32, #tpu.memory_space<vmem>> -> memref<128xi32, #tpu.memory_space<vmem>>
    %dma_start3A_118 = arith.constant 0 : i32
    %dma_start3A_119 = arith.constant 0 : i32
    %dma_start3A_120 = tpu.memref_slice %arg3[%dma_start3A_118, %dma_start3A_119] : memref<10000x64xf32, #tpu.memory_space<hbm>> -> memref<10000x64xf32, #tpu.memory_space<hbm>>
    tpu.enqueue_indirect_dma source(%dma_start3A_120 : memref<10000x64xf32, #tpu.memory_space<hbm>>) target(%arg13 : memref<128x64xf32, #tpu.memory_space<vmem>>) offsets(%dma_start3A_117 : memref<128xi32, #tpu.memory_space<vmem>>) semaphore(%arg18 : memref<!tpu.dma_semaphore, #tpu.memory_space<semaphore_mem>>)
    %add3A_121 = arith.constant 4 : i32
    %add3A_122 = arith.addi %select_n3A, %add3A_121 : i32
    %sub3A_123 = arith.constant 1 : i32
    %sub3A_124 = arith.subi %add3A_122, %sub3A_123 : i32
    %jit3A_125 = arith.constant 4 : i32
    %div3A_126 = arith.divsi %sub3A_124, %jit3A_125 : i32
    %sign3A_127 = arith.constant 0 : i32
    %sign3A_128 = arith.cmpi sgt, %sub3A_124, %sign3A_127 : i32
    %sign3A_129 = arith.extui %sign3A_128 : i1 to i32
    %sign3A_130 = arith.constant 0 : i32
    %sign3A_131 = arith.cmpi slt, %sub3A_124, %sign3A_130 : i32
    %sign3A_132 = arith.extui %sign3A_131 : i1 to i32
    %sign3A_133 = arith.subi %sign3A_129, %sign3A_132 : i32
    %sign3A_134 = arith.constant 0 : i32
    %sign3A_135 = arith.cmpi sgt, %jit3A_125, %sign3A_134 : i32
    %sign3A_136 = arith.extui %sign3A_135 : i1 to i32
    %sign3A_137 = arith.constant 0 : i32
    %sign3A_138 = arith.cmpi slt, %jit3A_125, %sign3A_137 : i32
    %sign3A_139 = arith.extui %sign3A_138 : i1 to i32
    %sign3A_140 = arith.subi %sign3A_136, %sign3A_139 : i32
    %ne3A_141 = arith.cmpi ne, %sign3A_133, %sign3A_140 : i32
    %rem3A_142 = arith.remsi %sub3A_124, %jit3A_125 : i32
    %ne3A_143 = arith.constant 0 : i32
    %ne3A_144 = arith.cmpi ne, %rem3A_142, %ne3A_143 : i32
    %and3A_145 = arith.andi %ne3A_141, %ne3A_144 : i1
    %sub3A_146 = arith.constant 1 : i32
    %sub3A_147 = arith.subi %div3A_126, %sub3A_146 : i32
    %select_n3A_148 = arith.select %and3A_145, %sub3A_147, %div3A_126 : i32
    %while3A_149 = arith.constant 0 : i32
    %while3A_150 = arith.constant 0 : i32
    %while3A_151 = arith.subi %select_n3A_148, %while3A_150 : i32
    %while3A_152 = arith.addi %while3A_150, %while3A_151 : i32
    %while3A_153 = arith.constant 1 : i32
    %while3A_154 = arith.divsi %while3A_151, %while3A_153 : i32
    %while3A_155 = arith.muli %while3A_154, %while3A_153 : i32
    %while3A_156 = arith.addi %while3A_150, %while3A_155 : i32
    %while3A_157 = arith.constant 1 : i32
    scf.for %while3A_165 = %while3A_150 to %while3A_156 step %while3A_157  : i32 {
      %mul3A_166 = arith.constant 4 : i32
      %mul3A_167 = arith.muli %mul3A_166, %while3A_165 : i32
      %add3A_168 = arith.constant 0 : i32
      %add3A_169 = arith.addi %mul3A_167, %add3A_168 : i32
      %dma_wait3A = arith.constant 0 : i32
      %dma_wait3A_170 = tpu.memref_slice %arg8[%add3A_169, %dma_wait3A] : memref<79x128xi32, #tpu.memory_space<vmem>> -> memref<1x128xi32, #tpu.memory_space<vmem>>
      %dma_wait3A_171 = tpu.memref_squeeze %dma_wait3A_170 : memref<1x128xi32, #tpu.memory_space<vmem>> -> memref<128xi32, #tpu.memory_space<vmem>>
      %dma_wait3A_172 = arith.constant 0 : i32
      %dma_wait3A_173 = arith.constant 0 : i32
      %dma_wait3A_174 = tpu.memref_slice %arg3[%dma_wait3A_172, %dma_wait3A_173] : memref<10000x64xf32, #tpu.memory_space<hbm>> -> memref<10000x64xf32, #tpu.memory_space<hbm>>
      tpu.wait_indirect_dma semaphore(%arg15 : memref<!tpu.dma_semaphore, #tpu.memory_space<semaphore_mem>>) src(%dma_wait3A_174 : memref<10000x64xf32, #tpu.memory_space<hbm>>) dst(%arg10 : memref<128x64xf32, #tpu.memory_space<vmem>>)
      "tpu.region"() ({
        %run_scoped3A = tpu.sem_alloc : memref<!tpu.dma_semaphore, #tpu.memory_space<semaphore_mem>>
        %dma_start3A_198 = arith.constant 0 : i32
        %dma_start3A_199 = tpu.memref_slice %arg9[%add3A_169, %dma_start3A_198] : memref<79x128xi32, #tpu.memory_space<vmem>> -> memref<1x128xi32, #tpu.memory_space<vmem>>
        %dma_start3A_200 = tpu.memref_squeeze %dma_start3A_199 : memref<1x128xi32, #tpu.memory_space<vmem>> -> memref<128xi32, #tpu.memory_space<vmem>>
        %dma_start3A_201 = arith.constant 0 : i32
        %dma_start3A_202 = arith.constant 0 : i32
        %dma_start3A_203 = tpu.memref_slice %arg14[%dma_start3A_201, %dma_start3A_202] : memref<10000x64xf32, #tpu.memory_space<vmem_shared>> -> memref<10000x64xf32, #tpu.memory_space<vmem_shared>>
        tpu.enqueue_indirect_dma source(%arg10 : memref<128x64xf32, #tpu.memory_space<vmem>>) target(%dma_start3A_203 : memref<10000x64xf32, #tpu.memory_space<vmem_shared>>) offsets(%dma_start3A_200 : memref<128xi32, #tpu.memory_space<vmem>>) semaphore(%run_scoped3A : memref<!tpu.dma_semaphore, #tpu.memory_space<semaphore_mem>>) {add = true}
        %dma_wait3A_204 = arith.constant 0 : i32
        %dma_wait3A_205 = tpu.memref_slice %arg9[%add3A_169, %dma_wait3A_204] : memref<79x128xi32, #tpu.memory_space<vmem>> -> memref<1x128xi32, #tpu.memory_space<vmem>>
        %dma_wait3A_206 = tpu.memref_squeeze %dma_wait3A_205 : memref<1x128xi32, #tpu.memory_space<vmem>> -> memref<128xi32, #tpu.memory_space<vmem>>
        %dma_wait3A_207 = arith.constant 0 : i32
        %dma_wait3A_208 = arith.constant 0 : i32
        %dma_wait3A_209 = tpu.memref_slice %arg14[%dma_wait3A_207, %dma_wait3A_208] : memref<10000x64xf32, #tpu.memory_space<vmem_shared>> -> memref<10000x64xf32, #tpu.memory_space<vmem_shared>>
        tpu.wait_indirect_dma semaphore(%run_scoped3A : memref<!tpu.dma_semaphore, #tpu.memory_space<semaphore_mem>>) src(%arg10 : memref<128x64xf32, #tpu.memory_space<vmem>>) dst(%dma_wait3A_209 : memref<10000x64xf32, #tpu.memory_space<vmem_shared>>)
        tpu.yield
      }) : () -> ()
      %add3A_175 = arith.constant 4 : i32
      %add3A_176 = arith.addi %add3A_169, %add3A_175 : i32
      %lt3A = arith.cmpi slt, %add3A_176, %select_n3A : i32
      %convert_element_type3A_177 = arith.extui %lt3A : i1 to i32
      %cond3A_178 = arith.constant 0 : i32
      %cond3A_179 = arith.cmpi ne, %convert_element_type3A_177, %cond3A_178 : i32
      scf.if %cond3A_179 {
        %add3A_198 = arith.constant 4 : i32
        %add3A_199 = arith.addi %add3A_169, %add3A_198 : i32
        %dma_start3A_200 = arith.constant 0 : i32
        %dma_start3A_201 = tpu.memref_slice %arg8[%add3A_199, %dma_start3A_200] : memref<79x128xi32, #tpu.memory_space<vmem>> -> memref<1x128xi32, #tpu.memory_space<vmem>>
        %dma_start3A_202 = tpu.memref_squeeze %dma_start3A_201 : memref<1x128xi32, #tpu.memory_space<vmem>> -> memref<128xi32, #tpu.memory_space<vmem>>
        %dma_start3A_203 = arith.constant 0 : i32
        %dma_start3A_204 = arith.constant 0 : i32
        %dma_start3A_205 = tpu.memref_slice %arg3[%dma_start3A_203, %dma_start3A_204] : memref<10000x64xf32, #tpu.memory_space<hbm>> -> memref<10000x64xf32, #tpu.memory_space<hbm>>
        tpu.enqueue_indirect_dma source(%dma_start3A_205 : memref<10000x64xf32, #tpu.memory_space<hbm>>) target(%arg10 : memref<128x64xf32, #tpu.memory_space<vmem>>) offsets(%dma_start3A_202 : memref<128xi32, #tpu.memory_space<vmem>>) semaphore(%arg15 : memref<!tpu.dma_semaphore, #tpu.memory_space<semaphore_mem>>)
      } else {
      }
      %add3A_180 = arith.constant 1 : i32
      %add3A_181 = arith.addi %mul3A_167, %add3A_180 : i32
      %lt3A_182 = arith.cmpi slt, %add3A_181, %select_n3A : i32
      %convert_element_type3A_183 = arith.extui %lt3A_182 : i1 to i32
      %cond3A_184 = arith.constant 0 : i32
      %cond3A_185 = arith.cmpi ne, %convert_element_type3A_183, %cond3A_184 : i32
      scf.if %cond3A_185 {
        %dma_wait3A_198 = arith.constant 0 : i32
        %dma_wait3A_199 = tpu.memref_slice %arg8[%add3A_181, %dma_wait3A_198] : memref<79x128xi32, #tpu.memory_space<vmem>> -> memref<1x128xi32, #tpu.memory_space<vmem>>
        %dma_wait3A_200 = tpu.memref_squeeze %dma_wait3A_199 : memref<1x128xi32, #tpu.memory_space<vmem>> -> memref<128xi32, #tpu.memory_space<vmem>>
        %dma_wait3A_201 = arith.constant 0 : i32
        %dma_wait3A_202 = arith.constant 0 : i32
        %dma_wait3A_203 = tpu.memref_slice %arg3[%dma_wait3A_201, %dma_wait3A_202] : memref<10000x64xf32, #tpu.memory_space<hbm>> -> memref<10000x64xf32, #tpu.memory_space<hbm>>
        tpu.wait_indirect_dma semaphore(%arg16 : memref<!tpu.dma_semaphore, #tpu.memory_space<semaphore_mem>>) src(%dma_wait3A_203 : memref<10000x64xf32, #tpu.memory_space<hbm>>) dst(%arg11 : memref<128x64xf32, #tpu.memory_space<vmem>>)
        "tpu.region"() ({
          %run_scoped3A = tpu.sem_alloc : memref<!tpu.dma_semaphore, #tpu.memory_space<semaphore_mem>>
          %dma_start3A_210 = arith.constant 0 : i32
          %dma_start3A_211 = tpu.memref_slice %arg9[%add3A_181, %dma_start3A_210] : memref<79x128xi32, #tpu.memory_space<vmem>> -> memref<1x128xi32, #tpu.memory_space<vmem>>
          %dma_start3A_212 = tpu.memref_squeeze %dma_start3A_211 : memref<1x128xi32, #tpu.memory_space<vmem>> -> memref<128xi32, #tpu.memory_space<vmem>>
          %dma_start3A_213 = arith.constant 0 : i32
          %dma_start3A_214 = arith.constant 0 : i32
          %dma_start3A_215 = tpu.memref_slice %arg14[%dma_start3A_213, %dma_start3A_214] : memref<10000x64xf32, #tpu.memory_space<vmem_shared>> -> memref<10000x64xf32, #tpu.memory_space<vmem_shared>>
          tpu.enqueue_indirect_dma source(%arg11 : memref<128x64xf32, #tpu.memory_space<vmem>>) target(%dma_start3A_215 : memref<10000x64xf32, #tpu.memory_space<vmem_shared>>) offsets(%dma_start3A_212 : memref<128xi32, #tpu.memory_space<vmem>>) semaphore(%run_scoped3A : memref<!tpu.dma_semaphore, #tpu.memory_space<semaphore_mem>>) {add = true}
          %dma_wait3A_216 = arith.constant 0 : i32
          %dma_wait3A_217 = tpu.memref_slice %arg9[%add3A_181, %dma_wait3A_216] : memref<79x128xi32, #tpu.memory_space<vmem>> -> memref<1x128xi32, #tpu.memory_space<vmem>>
          %dma_wait3A_218 = tpu.memref_squeeze %dma_wait3A_217 : memref<1x128xi32, #tpu.memory_space<vmem>> -> memref<128xi32, #tpu.memory_space<vmem>>
          %dma_wait3A_219 = arith.constant 0 : i32
          %dma_wait3A_220 = arith.constant 0 : i32
          %dma_wait3A_221 = tpu.memref_slice %arg14[%dma_wait3A_219, %dma_wait3A_220] : memref<10000x64xf32, #tpu.memory_space<vmem_shared>> -> memref<10000x64xf32, #tpu.memory_space<vmem_shared>>
          tpu.wait_indirect_dma semaphore(%run_scoped3A : memref<!tpu.dma_semaphore, #tpu.memory_space<semaphore_mem>>) src(%arg11 : memref<128x64xf32, #tpu.memory_space<vmem>>) dst(%dma_wait3A_221 : memref<10000x64xf32, #tpu.memory_space<vmem_shared>>)
          tpu.yield
        }) : () -> ()
        %add3A_204 = arith.constant 4 : i32
        %add3A_205 = arith.addi %add3A_181, %add3A_204 : i32
        %lt3A_206 = arith.cmpi slt, %add3A_205, %select_n3A : i32
        %convert_element_type3A_207 = arith.extui %lt3A_206 : i1 to i32
        %cond3A_208 = arith.constant 0 : i32
        %cond3A_209 = arith.cmpi ne, %convert_element_type3A_207, %cond3A_208 : i32
        scf.if %cond3A_209 {
          %add3A_210 = arith.constant 4 : i32
          %add3A_211 = arith.addi %add3A_181, %add3A_210 : i32
          %dma_start3A_212 = arith.constant 0 : i32
          %dma_start3A_213 = tpu.memref_slice %arg8[%add3A_211, %dma_start3A_212] : memref<79x128xi32, #tpu.memory_space<vmem>> -> memref<1x128xi32, #tpu.memory_space<vmem>>
          %dma_start3A_214 = tpu.memref_squeeze %dma_start3A_213 : memref<1x128xi32, #tpu.memory_space<vmem>> -> memref<128xi32, #tpu.memory_space<vmem>>
          %dma_start3A_215 = arith.constant 0 : i32
          %dma_start3A_216 = arith.constant 0 : i32
          %dma_start3A_217 = tpu.memref_slice %arg3[%dma_start3A_215, %dma_start3A_216] : memref<10000x64xf32, #tpu.memory_space<hbm>> -> memref<10000x64xf32, #tpu.memory_space<hbm>>
          tpu.enqueue_indirect_dma source(%dma_start3A_217 : memref<10000x64xf32, #tpu.memory_space<hbm>>) target(%arg11 : memref<128x64xf32, #tpu.memory_space<vmem>>) offsets(%dma_start3A_214 : memref<128xi32, #tpu.memory_space<vmem>>) semaphore(%arg16 : memref<!tpu.dma_semaphore, #tpu.memory_space<semaphore_mem>>)
        } else {
        }
      } else {
      }
      %add3A_186 = arith.constant 2 : i32
      %add3A_187 = arith.addi %mul3A_167, %add3A_186 : i32
      %lt3A_188 = arith.cmpi slt, %add3A_187, %select_n3A : i32
      %convert_element_type3A_189 = arith.extui %lt3A_188 : i1 to i32
      %cond3A_190 = arith.constant 0 : i32
      %cond3A_191 = arith.cmpi ne, %convert_element_type3A_189, %cond3A_190 : i32
      scf.if %cond3A_191 {
        %dma_wait3A_198 = arith.constant 0 : i32
        %dma_wait3A_199 = tpu.memref_slice %arg8[%add3A_187, %dma_wait3A_198] : memref<79x128xi32, #tpu.memory_space<vmem>> -> memref<1x128xi32, #tpu.memory_space<vmem>>
        %dma_wait3A_200 = tpu.memref_squeeze %dma_wait3A_199 : memref<1x128xi32, #tpu.memory_space<vmem>> -> memref<128xi32, #tpu.memory_space<vmem>>
        %dma_wait3A_201 = arith.constant 0 : i32
        %dma_wait3A_202 = arith.constant 0 : i32
        %dma_wait3A_203 = tpu.memref_slice %arg3[%dma_wait3A_201, %dma_wait3A_202] : memref<10000x64xf32, #tpu.memory_space<hbm>> -> memref<10000x64xf32, #tpu.memory_space<hbm>>
        tpu.wait_indirect_dma semaphore(%arg17 : memref<!tpu.dma_semaphore, #tpu.memory_space<semaphore_mem>>) src(%dma_wait3A_203 : memref<10000x64xf32, #tpu.memory_space<hbm>>) dst(%arg12 : memref<128x64xf32, #tpu.memory_space<vmem>>)
        "tpu.region"() ({
          %run_scoped3A = tpu.sem_alloc : memref<!tpu.dma_semaphore, #tpu.memory_space<semaphore_mem>>
          %dma_start3A_210 = arith.constant 0 : i32
          %dma_start3A_211 = tpu.memref_slice %arg9[%add3A_187, %dma_start3A_210] : memref<79x128xi32, #tpu.memory_space<vmem>> -> memref<1x128xi32, #tpu.memory_space<vmem>>
          %dma_start3A_212 = tpu.memref_squeeze %dma_start3A_211 : memref<1x128xi32, #tpu.memory_space<vmem>> -> memref<128xi32, #tpu.memory_space<vmem>>
          %dma_start3A_213 = arith.constant 0 : i32
          %dma_start3A_214 = arith.constant 0 : i32
          %dma_start3A_215 = tpu.memref_slice %arg14[%dma_start3A_213, %dma_start3A_214] : memref<10000x64xf32, #tpu.memory_space<vmem_shared>> -> memref<10000x64xf32, #tpu.memory_space<vmem_shared>>
          tpu.enqueue_indirect_dma source(%arg12 : memref<128x64xf32, #tpu.memory_space<vmem>>) target(%dma_start3A_215 : memref<10000x64xf32, #tpu.memory_space<vmem_shared>>) offsets(%dma_start3A_212 : memref<128xi32, #tpu.memory_space<vmem>>) semaphore(%run_scoped3A : memref<!tpu.dma_semaphore, #tpu.memory_space<semaphore_mem>>) {add = true}
          %dma_wait3A_216 = arith.constant 0 : i32
          %dma_wait3A_217 = tpu.memref_slice %arg9[%add3A_187, %dma_wait3A_216] : memref<79x128xi32, #tpu.memory_space<vmem>> -> memref<1x128xi32, #tpu.memory_space<vmem>>
          %dma_wait3A_218 = tpu.memref_squeeze %dma_wait3A_217 : memref<1x128xi32, #tpu.memory_space<vmem>> -> memref<128xi32, #tpu.memory_space<vmem>>
          %dma_wait3A_219 = arith.constant 0 : i32
          %dma_wait3A_220 = arith.constant 0 : i32
          %dma_wait3A_221 = tpu.memref_slice %arg14[%dma_wait3A_219, %dma_wait3A_220] : memref<10000x64xf32, #tpu.memory_space<vmem_shared>> -> memref<10000x64xf32, #tpu.memory_space<vmem_shared>>
          tpu.wait_indirect_dma semaphore(%run_scoped3A : memref<!tpu.dma_semaphore, #tpu.memory_space<semaphore_mem>>) src(%arg12 : memref<128x64xf32, #tpu.memory_space<vmem>>) dst(%dma_wait3A_221 : memref<10000x64xf32, #tpu.memory_space<vmem_shared>>)
          tpu.yield
        }) : () -> ()
        %add3A_204 = arith.constant 4 : i32
        %add3A_205 = arith.addi %add3A_187, %add3A_204 : i32
        %lt3A_206 = arith.cmpi slt, %add3A_205, %select_n3A : i32
        %convert_element_type3A_207 = arith.extui %lt3A_206 : i1 to i32
        %cond3A_208 = arith.constant 0 : i32
        %cond3A_209 = arith.cmpi ne, %convert_element_type3A_207, %cond3A_208 : i32
        scf.if %cond3A_209 {
          %add3A_210 = arith.constant 4 : i32
          %add3A_211 = arith.addi %add3A_187, %add3A_210 : i32
          %dma_start3A_212 = arith.constant 0 : i32
          %dma_start3A_213 = tpu.memref_slice %arg8[%add3A_211, %dma_start3A_212] : memref<79x128xi32, #tpu.memory_space<vmem>> -> memref<1x128xi32, #tpu.memory_space<vmem>>
          %dma_start3A_214 = tpu.memref_squeeze %dma_start3A_213 : memref<1x128xi32, #tpu.memory_space<vmem>> -> memref<128xi32, #tpu.memory_space<vmem>>
          %dma_start3A_215 = arith.constant 0 : i32
          %dma_start3A_216 = arith.constant 0 : i32
          %dma_start3A_217 = tpu.memref_slice %arg3[%dma_start3A_215, %dma_start3A_216] : memref<10000x64xf32, #tpu.memory_space<hbm>> -> memref<10000x64xf32, #tpu.memory_space<hbm>>
          tpu.enqueue_indirect_dma source(%dma_start3A_217 : memref<10000x64xf32, #tpu.memory_space<hbm>>) target(%arg12 : memref<128x64xf32, #tpu.memory_space<vmem>>) offsets(%dma_start3A_214 : memref<128xi32, #tpu.memory_space<vmem>>) semaphore(%arg17 : memref<!tpu.dma_semaphore, #tpu.memory_space<semaphore_mem>>)
        } else {
        }
      } else {
      }
      %add3A_192 = arith.constant 3 : i32
      %add3A_193 = arith.addi %mul3A_167, %add3A_192 : i32
      %lt3A_194 = arith.cmpi slt, %add3A_193, %select_n3A : i32
      %convert_element_type3A_195 = arith.extui %lt3A_194 : i1 to i32
      %cond3A_196 = arith.constant 0 : i32
      %cond3A_197 = arith.cmpi ne, %convert_element_type3A_195, %cond3A_196 : i32
      scf.if %cond3A_197 {
        %dma_wait3A_198 = arith.constant 0 : i32
        %dma_wait3A_199 = tpu.memref_slice %arg8[%add3A_193, %dma_wait3A_198] : memref<79x128xi32, #tpu.memory_space<vmem>> -> memref<1x128xi32, #tpu.memory_space<vmem>>
        %dma_wait3A_200 = tpu.memref_squeeze %dma_wait3A_199 : memref<1x128xi32, #tpu.memory_space<vmem>> -> memref<128xi32, #tpu.memory_space<vmem>>
        %dma_wait3A_201 = arith.constant 0 : i32
        %dma_wait3A_202 = arith.constant 0 : i32
        %dma_wait3A_203 = tpu.memref_slice %arg3[%dma_wait3A_201, %dma_wait3A_202] : memref<10000x64xf32, #tpu.memory_space<hbm>> -> memref<10000x64xf32, #tpu.memory_space<hbm>>
        tpu.wait_indirect_dma semaphore(%arg18 : memref<!tpu.dma_semaphore, #tpu.memory_space<semaphore_mem>>) src(%dma_wait3A_203 : memref<10000x64xf32, #tpu.memory_space<hbm>>) dst(%arg13 : memref<128x64xf32, #tpu.memory_space<vmem>>)
        "tpu.region"() ({
          %run_scoped3A = tpu.sem_alloc : memref<!tpu.dma_semaphore, #tpu.memory_space<semaphore_mem>>
          %dma_start3A_210 = arith.constant 0 : i32
          %dma_start3A_211 = tpu.memref_slice %arg9[%add3A_193, %dma_start3A_210] : memref<79x128xi32, #tpu.memory_space<vmem>> -> memref<1x128xi32, #tpu.memory_space<vmem>>
          %dma_start3A_212 = tpu.memref_squeeze %dma_start3A_211 : memref<1x128xi32, #tpu.memory_space<vmem>> -> memref<128xi32, #tpu.memory_space<vmem>>
          %dma_start3A_213 = arith.constant 0 : i32
          %dma_start3A_214 = arith.constant 0 : i32
          %dma_start3A_215 = tpu.memref_slice %arg14[%dma_start3A_213, %dma_start3A_214] : memref<10000x64xf32, #tpu.memory_space<vmem_shared>> -> memref<10000x64xf32, #tpu.memory_space<vmem_shared>>
          tpu.enqueue_indirect_dma source(%arg13 : memref<128x64xf32, #tpu.memory_space<vmem>>) target(%dma_start3A_215 : memref<10000x64xf32, #tpu.memory_space<vmem_shared>>) offsets(%dma_start3A_212 : memref<128xi32, #tpu.memory_space<vmem>>) semaphore(%run_scoped3A : memref<!tpu.dma_semaphore, #tpu.memory_space<semaphore_mem>>) {add = true}
          %dma_wait3A_216 = arith.constant 0 : i32
          %dma_wait3A_217 = tpu.memref_slice %arg9[%add3A_193, %dma_wait3A_216] : memref<79x128xi32, #tpu.memory_space<vmem>> -> memref<1x128xi32, #tpu.memory_space<vmem>>
          %dma_wait3A_218 = tpu.memref_squeeze %dma_wait3A_217 : memref<1x128xi32, #tpu.memory_space<vmem>> -> memref<128xi32, #tpu.memory_space<vmem>>
          %dma_wait3A_219 = arith.constant 0 : i32
          %dma_wait3A_220 = arith.constant 0 : i32
          %dma_wait3A_221 = tpu.memref_slice %arg14[%dma_wait3A_219, %dma_wait3A_220] : memref<10000x64xf32, #tpu.memory_space<vmem_shared>> -> memref<10000x64xf32, #tpu.memory_space<vmem_shared>>
          tpu.wait_indirect_dma semaphore(%run_scoped3A : memref<!tpu.dma_semaphore, #tpu.memory_space<semaphore_mem>>) src(%arg13 : memref<128x64xf32, #tpu.memory_space<vmem>>) dst(%dma_wait3A_221 : memref<10000x64xf32, #tpu.memory_space<vmem_shared>>)
          tpu.yield
        }) : () -> ()
        %add3A_204 = arith.constant 4 : i32
        %add3A_205 = arith.addi %add3A_193, %add3A_204 : i32
        %lt3A_206 = arith.cmpi slt, %add3A_205, %select_n3A : i32
        %convert_element_type3A_207 = arith.extui %lt3A_206 : i1 to i32
        %cond3A_208 = arith.constant 0 : i32
        %cond3A_209 = arith.cmpi ne, %convert_element_type3A_207, %cond3A_208 : i32
        scf.if %cond3A_209 {
          %add3A_210 = arith.constant 4 : i32
          %add3A_211 = arith.addi %add3A_193, %add3A_210 : i32
          %dma_start3A_212 = arith.constant 0 : i32
          %dma_start3A_213 = tpu.memref_slice %arg8[%add3A_211, %dma_start3A_212] : memref<79x128xi32, #tpu.memory_space<vmem>> -> memref<1x128xi32, #tpu.memory_space<vmem>>
          %dma_start3A_214 = tpu.memref_squeeze %dma_start3A_213 : memref<1x128xi32, #tpu.memory_space<vmem>> -> memref<128xi32, #tpu.memory_space<vmem>>
          %dma_start3A_215 = arith.constant 0 : i32
          %dma_start3A_216 = arith.constant 0 : i32
          %dma_start3A_217 = tpu.memref_slice %arg3[%dma_start3A_215, %dma_start3A_216] : memref<10000x64xf32, #tpu.memory_space<hbm>> -> memref<10000x64xf32, #tpu.memory_space<hbm>>
          tpu.enqueue_indirect_dma source(%dma_start3A_217 : memref<10000x64xf32, #tpu.memory_space<hbm>>) target(%arg13 : memref<128x64xf32, #tpu.memory_space<vmem>>) offsets(%dma_start3A_214 : memref<128xi32, #tpu.memory_space<vmem>>) semaphore(%arg18 : memref<!tpu.dma_semaphore, #tpu.memory_space<semaphore_mem>>)
        } else {
        }
      } else {
      }
    }
    %while3A_158 = arith.constant 1 : i32
    scf.for %while3A_165 = %while3A_156 to %while3A_152 step %while3A_158  : i32 {
      %mul3A_166 = arith.constant 4 : i32
      %mul3A_167 = arith.muli %mul3A_166, %while3A_165 : i32
      %add3A_168 = arith.constant 0 : i32
      %add3A_169 = arith.addi %mul3A_167, %add3A_168 : i32
      %dma_wait3A = arith.constant 0 : i32
      %dma_wait3A_170 = tpu.memref_slice %arg8[%add3A_169, %dma_wait3A] : memref<79x128xi32, #tpu.memory_space<vmem>> -> memref<1x128xi32, #tpu.memory_space<vmem>>
      %dma_wait3A_171 = tpu.memref_squeeze %dma_wait3A_170 : memref<1x128xi32, #tpu.memory_space<vmem>> -> memref<128xi32, #tpu.memory_space<vmem>>
      %dma_wait3A_172 = arith.constant 0 : i32
      %dma_wait3A_173 = arith.constant 0 : i32
      %dma_wait3A_174 = tpu.memref_slice %arg3[%dma_wait3A_172, %dma_wait3A_173] : memref<10000x64xf32, #tpu.memory_space<hbm>> -> memref<10000x64xf32, #tpu.memory_space<hbm>>
      tpu.wait_indirect_dma semaphore(%arg15 : memref<!tpu.dma_semaphore, #tpu.memory_space<semaphore_mem>>) src(%dma_wait3A_174 : memref<10000x64xf32, #tpu.memory_space<hbm>>) dst(%arg10 : memref<128x64xf32, #tpu.memory_space<vmem>>)
      "tpu.region"() ({
        %run_scoped3A = tpu.sem_alloc : memref<!tpu.dma_semaphore, #tpu.memory_space<semaphore_mem>>
        %dma_start3A_198 = arith.constant 0 : i32
        %dma_start3A_199 = tpu.memref_slice %arg9[%add3A_169, %dma_start3A_198] : memref<79x128xi32, #tpu.memory_space<vmem>> -> memref<1x128xi32, #tpu.memory_space<vmem>>
        %dma_start3A_200 = tpu.memref_squeeze %dma_start3A_199 : memref<1x128xi32, #tpu.memory_space<vmem>> -> memref<128xi32, #tpu.memory_space<vmem>>
        %dma_start3A_201 = arith.constant 0 : i32
        %dma_start3A_202 = arith.constant 0 : i32
        %dma_start3A_203 = tpu.memref_slice %arg14[%dma_start3A_201, %dma_start3A_202] : memref<10000x64xf32, #tpu.memory_space<vmem_shared>> -> memref<10000x64xf32, #tpu.memory_space<vmem_shared>>
        tpu.enqueue_indirect_dma source(%arg10 : memref<128x64xf32, #tpu.memory_space<vmem>>) target(%dma_start3A_203 : memref<10000x64xf32, #tpu.memory_space<vmem_shared>>) offsets(%dma_start3A_200 : memref<128xi32, #tpu.memory_space<vmem>>) semaphore(%run_scoped3A : memref<!tpu.dma_semaphore, #tpu.memory_space<semaphore_mem>>) {add = true}
        %dma_wait3A_204 = arith.constant 0 : i32
        %dma_wait3A_205 = tpu.memref_slice %arg9[%add3A_169, %dma_wait3A_204] : memref<79x128xi32, #tpu.memory_space<vmem>> -> memref<1x128xi32, #tpu.memory_space<vmem>>
        %dma_wait3A_206 = tpu.memref_squeeze %dma_wait3A_205 : memref<1x128xi32, #tpu.memory_space<vmem>> -> memref<128xi32, #tpu.memory_space<vmem>>
        %dma_wait3A_207 = arith.constant 0 : i32
        %dma_wait3A_208 = arith.constant 0 : i32
        %dma_wait3A_209 = tpu.memref_slice %arg14[%dma_wait3A_207, %dma_wait3A_208] : memref<10000x64xf32, #tpu.memory_space<vmem_shared>> -> memref<10000x64xf32, #tpu.memory_space<vmem_shared>>
        tpu.wait_indirect_dma semaphore(%run_scoped3A : memref<!tpu.dma_semaphore, #tpu.memory_space<semaphore_mem>>) src(%arg10 : memref<128x64xf32, #tpu.memory_space<vmem>>) dst(%dma_wait3A_209 : memref<10000x64xf32, #tpu.memory_space<vmem_shared>>)
        tpu.yield
      }) : () -> ()
      %add3A_175 = arith.constant 4 : i32
      %add3A_176 = arith.addi %add3A_169, %add3A_175 : i32
      %lt3A = arith.cmpi slt, %add3A_176, %select_n3A : i32
      %convert_element_type3A_177 = arith.extui %lt3A : i1 to i32
      %cond3A_178 = arith.constant 0 : i32
      %cond3A_179 = arith.cmpi ne, %convert_element_type3A_177, %cond3A_178 : i32
      scf.if %cond3A_179 {
        %add3A_198 = arith.constant 4 : i32
        %add3A_199 = arith.addi %add3A_169, %add3A_198 : i32
        %dma_start3A_200 = arith.constant 0 : i32
        %dma_start3A_201 = tpu.memref_slice %arg8[%add3A_199, %dma_start3A_200] : memref<79x128xi32, #tpu.memory_space<vmem>> -> memref<1x128xi32, #tpu.memory_space<vmem>>
        %dma_start3A_202 = tpu.memref_squeeze %dma_start3A_201 : memref<1x128xi32, #tpu.memory_space<vmem>> -> memref<128xi32, #tpu.memory_space<vmem>>
        %dma_start3A_203 = arith.constant 0 : i32
        %dma_start3A_204 = arith.constant 0 : i32
        %dma_start3A_205 = tpu.memref_slice %arg3[%dma_start3A_203, %dma_start3A_204] : memref<10000x64xf32, #tpu.memory_space<hbm>> -> memref<10000x64xf32, #tpu.memory_space<hbm>>
        tpu.enqueue_indirect_dma source(%dma_start3A_205 : memref<10000x64xf32, #tpu.memory_space<hbm>>) target(%arg10 : memref<128x64xf32, #tpu.memory_space<vmem>>) offsets(%dma_start3A_202 : memref<128xi32, #tpu.memory_space<vmem>>) semaphore(%arg15 : memref<!tpu.dma_semaphore, #tpu.memory_space<semaphore_mem>>)
      } else {
      }
      %add3A_180 = arith.constant 1 : i32
      %add3A_181 = arith.addi %mul3A_167, %add3A_180 : i32
      %lt3A_182 = arith.cmpi slt, %add3A_181, %select_n3A : i32
      %convert_element_type3A_183 = arith.extui %lt3A_182 : i1 to i32
      %cond3A_184 = arith.constant 0 : i32
      %cond3A_185 = arith.cmpi ne, %convert_element_type3A_183, %cond3A_184 : i32
      scf.if %cond3A_185 {
        %dma_wait3A_198 = arith.constant 0 : i32
        %dma_wait3A_199 = tpu.memref_slice %arg8[%add3A_181, %dma_wait3A_198] : memref<79x128xi32, #tpu.memory_space<vmem>> -> memref<1x128xi32, #tpu.memory_space<vmem>>
        %dma_wait3A_200 = tpu.memref_squeeze %dma_wait3A_199 : memref<1x128xi32, #tpu.memory_space<vmem>> -> memref<128xi32, #tpu.memory_space<vmem>>
        %dma_wait3A_201 = arith.constant 0 : i32
        %dma_wait3A_202 = arith.constant 0 : i32
        %dma_wait3A_203 = tpu.memref_slice %arg3[%dma_wait3A_201, %dma_wait3A_202] : memref<10000x64xf32, #tpu.memory_space<hbm>> -> memref<10000x64xf32, #tpu.memory_space<hbm>>
        tpu.wait_indirect_dma semaphore(%arg16 : memref<!tpu.dma_semaphore, #tpu.memory_space<semaphore_mem>>) src(%dma_wait3A_203 : memref<10000x64xf32, #tpu.memory_space<hbm>>) dst(%arg11 : memref<128x64xf32, #tpu.memory_space<vmem>>)
        "tpu.region"() ({
          %run_scoped3A = tpu.sem_alloc : memref<!tpu.dma_semaphore, #tpu.memory_space<semaphore_mem>>
          %dma_start3A_210 = arith.constant 0 : i32
          %dma_start3A_211 = tpu.memref_slice %arg9[%add3A_181, %dma_start3A_210] : memref<79x128xi32, #tpu.memory_space<vmem>> -> memref<1x128xi32, #tpu.memory_space<vmem>>
          %dma_start3A_212 = tpu.memref_squeeze %dma_start3A_211 : memref<1x128xi32, #tpu.memory_space<vmem>> -> memref<128xi32, #tpu.memory_space<vmem>>
          %dma_start3A_213 = arith.constant 0 : i32
          %dma_start3A_214 = arith.constant 0 : i32
          %dma_start3A_215 = tpu.memref_slice %arg14[%dma_start3A_213, %dma_start3A_214] : memref<10000x64xf32, #tpu.memory_space<vmem_shared>> -> memref<10000x64xf32, #tpu.memory_space<vmem_shared>>
          tpu.enqueue_indirect_dma source(%arg11 : memref<128x64xf32, #tpu.memory_space<vmem>>) target(%dma_start3A_215 : memref<10000x64xf32, #tpu.memory_space<vmem_shared>>) offsets(%dma_start3A_212 : memref<128xi32, #tpu.memory_space<vmem>>) semaphore(%run_scoped3A : memref<!tpu.dma_semaphore, #tpu.memory_space<semaphore_mem>>) {add = true}
          %dma_wait3A_216 = arith.constant 0 : i32
          %dma_wait3A_217 = tpu.memref_slice %arg9[%add3A_181, %dma_wait3A_216] : memref<79x128xi32, #tpu.memory_space<vmem>> -> memref<1x128xi32, #tpu.memory_space<vmem>>
          %dma_wait3A_218 = tpu.memref_squeeze %dma_wait3A_217 : memref<1x128xi32, #tpu.memory_space<vmem>> -> memref<128xi32, #tpu.memory_space<vmem>>
          %dma_wait3A_219 = arith.constant 0 : i32
          %dma_wait3A_220 = arith.constant 0 : i32
          %dma_wait3A_221 = tpu.memref_slice %arg14[%dma_wait3A_219, %dma_wait3A_220] : memref<10000x64xf32, #tpu.memory_space<vmem_shared>> -> memref<10000x64xf32, #tpu.memory_space<vmem_shared>>
          tpu.wait_indirect_dma semaphore(%run_scoped3A : memref<!tpu.dma_semaphore, #tpu.memory_space<semaphore_mem>>) src(%arg11 : memref<128x64xf32, #tpu.memory_space<vmem>>) dst(%dma_wait3A_221 : memref<10000x64xf32, #tpu.memory_space<vmem_shared>>)
          tpu.yield
        }) : () -> ()
        %add3A_204 = arith.constant 4 : i32
        %add3A_205 = arith.addi %add3A_181, %add3A_204 : i32
        %lt3A_206 = arith.cmpi slt, %add3A_205, %select_n3A : i32
        %convert_element_type3A_207 = arith.extui %lt3A_206 : i1 to i32
        %cond3A_208 = arith.constant 0 : i32
        %cond3A_209 = arith.cmpi ne, %convert_element_type3A_207, %cond3A_208 : i32
        scf.if %cond3A_209 {
          %add3A_210 = arith.constant 4 : i32
          %add3A_211 = arith.addi %add3A_181, %add3A_210 : i32
          %dma_start3A_212 = arith.constant 0 : i32
          %dma_start3A_213 = tpu.memref_slice %arg8[%add3A_211, %dma_start3A_212] : memref<79x128xi32, #tpu.memory_space<vmem>> -> memref<1x128xi32, #tpu.memory_space<vmem>>
          %dma_start3A_214 = tpu.memref_squeeze %dma_start3A_213 : memref<1x128xi32, #tpu.memory_space<vmem>> -> memref<128xi32, #tpu.memory_space<vmem>>
          %dma_start3A_215 = arith.constant 0 : i32
          %dma_start3A_216 = arith.constant 0 : i32
          %dma_start3A_217 = tpu.memref_slice %arg3[%dma_start3A_215, %dma_start3A_216] : memref<10000x64xf32, #tpu.memory_space<hbm>> -> memref<10000x64xf32, #tpu.memory_space<hbm>>
          tpu.enqueue_indirect_dma source(%dma_start3A_217 : memref<10000x64xf32, #tpu.memory_space<hbm>>) target(%arg11 : memref<128x64xf32, #tpu.memory_space<vmem>>) offsets(%dma_start3A_214 : memref<128xi32, #tpu.memory_space<vmem>>) semaphore(%arg16 : memref<!tpu.dma_semaphore, #tpu.memory_space<semaphore_mem>>)
        } else {
        }
      } else {
      }
      %add3A_186 = arith.constant 2 : i32
      %add3A_187 = arith.addi %mul3A_167, %add3A_186 : i32
      %lt3A_188 = arith.cmpi slt, %add3A_187, %select_n3A : i32
      %convert_element_type3A_189 = arith.extui %lt3A_188 : i1 to i32
      %cond3A_190 = arith.constant 0 : i32
      %cond3A_191 = arith.cmpi ne, %convert_element_type3A_189, %cond3A_190 : i32
      scf.if %cond3A_191 {
        %dma_wait3A_198 = arith.constant 0 : i32
        %dma_wait3A_199 = tpu.memref_slice %arg8[%add3A_187, %dma_wait3A_198] : memref<79x128xi32, #tpu.memory_space<vmem>> -> memref<1x128xi32, #tpu.memory_space<vmem>>
        %dma_wait3A_200 = tpu.memref_squeeze %dma_wait3A_199 : memref<1x128xi32, #tpu.memory_space<vmem>> -> memref<128xi32, #tpu.memory_space<vmem>>
        %dma_wait3A_201 = arith.constant 0 : i32
        %dma_wait3A_202 = arith.constant 0 : i32
        %dma_wait3A_203 = tpu.memref_slice %arg3[%dma_wait3A_201, %dma_wait3A_202] : memref<10000x64xf32, #tpu.memory_space<hbm>> -> memref<10000x64xf32, #tpu.memory_space<hbm>>
        tpu.wait_indirect_dma semaphore(%arg17 : memref<!tpu.dma_semaphore, #tpu.memory_space<semaphore_mem>>) src(%dma_wait3A_203 : memref<10000x64xf32, #tpu.memory_space<hbm>>) dst(%arg12 : memref<128x64xf32, #tpu.memory_space<vmem>>)
        "tpu.region"() ({
          %run_scoped3A = tpu.sem_alloc : memref<!tpu.dma_semaphore, #tpu.memory_space<semaphore_mem>>
          %dma_start3A_210 = arith.constant 0 : i32
          %dma_start3A_211 = tpu.memref_slice %arg9[%add3A_187, %dma_start3A_210] : memref<79x128xi32, #tpu.memory_space<vmem>> -> memref<1x128xi32, #tpu.memory_space<vmem>>
          %dma_start3A_212 = tpu.memref_squeeze %dma_start3A_211 : memref<1x128xi32, #tpu.memory_space<vmem>> -> memref<128xi32, #tpu.memory_space<vmem>>
          %dma_start3A_213 = arith.constant 0 : i32
          %dma_start3A_214 = arith.constant 0 : i32
          %dma_start3A_215 = tpu.memref_slice %arg14[%dma_start3A_213, %dma_start3A_214] : memref<10000x64xf32, #tpu.memory_space<vmem_shared>> -> memref<10000x64xf32, #tpu.memory_space<vmem_shared>>
          tpu.enqueue_indirect_dma source(%arg12 : memref<128x64xf32, #tpu.memory_space<vmem>>) target(%dma_start3A_215 : memref<10000x64xf32, #tpu.memory_space<vmem_shared>>) offsets(%dma_start3A_212 : memref<128xi32, #tpu.memory_space<vmem>>) semaphore(%run_scoped3A : memref<!tpu.dma_semaphore, #tpu.memory_space<semaphore_mem>>) {add = true}
          %dma_wait3A_216 = arith.constant 0 : i32
          %dma_wait3A_217 = tpu.memref_slice %arg9[%add3A_187, %dma_wait3A_216] : memref<79x128xi32, #tpu.memory_space<vmem>> -> memref<1x128xi32, #tpu.memory_space<vmem>>
          %dma_wait3A_218 = tpu.memref_squeeze %dma_wait3A_217 : memref<1x128xi32, #tpu.memory_space<vmem>> -> memref<128xi32, #tpu.memory_space<vmem>>
          %dma_wait3A_219 = arith.constant 0 : i32
          %dma_wait3A_220 = arith.constant 0 : i32
          %dma_wait3A_221 = tpu.memref_slice %arg14[%dma_wait3A_219, %dma_wait3A_220] : memref<10000x64xf32, #tpu.memory_space<vmem_shared>> -> memref<10000x64xf32, #tpu.memory_space<vmem_shared>>
          tpu.wait_indirect_dma semaphore(%run_scoped3A : memref<!tpu.dma_semaphore, #tpu.memory_space<semaphore_mem>>) src(%arg12 : memref<128x64xf32, #tpu.memory_space<vmem>>) dst(%dma_wait3A_221 : memref<10000x64xf32, #tpu.memory_space<vmem_shared>>)
          tpu.yield
        }) : () -> ()
        %add3A_204 = arith.constant 4 : i32
        %add3A_205 = arith.addi %add3A_187, %add3A_204 : i32
        %lt3A_206 = arith.cmpi slt, %add3A_205, %select_n3A : i32
        %convert_element_type3A_207 = arith.extui %lt3A_206 : i1 to i32
        %cond3A_208 = arith.constant 0 : i32
        %cond3A_209 = arith.cmpi ne, %convert_element_type3A_207, %cond3A_208 : i32
        scf.if %cond3A_209 {
          %add3A_210 = arith.constant 4 : i32
          %add3A_211 = arith.addi %add3A_187, %add3A_210 : i32
          %dma_start3A_212 = arith.constant 0 : i32
          %dma_start3A_213 = tpu.memref_slice %arg8[%add3A_211, %dma_start3A_212] : memref<79x128xi32, #tpu.memory_space<vmem>> -> memref<1x128xi32, #tpu.memory_space<vmem>>
          %dma_start3A_214 = tpu.memref_squeeze %dma_start3A_213 : memref<1x128xi32, #tpu.memory_space<vmem>> -> memref<128xi32, #tpu.memory_space<vmem>>
          %dma_start3A_215 = arith.constant 0 : i32
          %dma_start3A_216 = arith.constant 0 : i32
          %dma_start3A_217 = tpu.memref_slice %arg3[%dma_start3A_215, %dma_start3A_216] : memref<10000x64xf32, #tpu.memory_space<hbm>> -> memref<10000x64xf32, #tpu.memory_space<hbm>>
          tpu.enqueue_indirect_dma source(%dma_start3A_217 : memref<10000x64xf32, #tpu.memory_space<hbm>>) target(%arg12 : memref<128x64xf32, #tpu.memory_space<vmem>>) offsets(%dma_start3A_214 : memref<128xi32, #tpu.memory_space<vmem>>) semaphore(%arg17 : memref<!tpu.dma_semaphore, #tpu.memory_space<semaphore_mem>>)
        } else {
        }
      } else {
      }
      %add3A_192 = arith.constant 3 : i32
      %add3A_193 = arith.addi %mul3A_167, %add3A_192 : i32
      %lt3A_194 = arith.cmpi slt, %add3A_193, %select_n3A : i32
      %convert_element_type3A_195 = arith.extui %lt3A_194 : i1 to i32
      %cond3A_196 = arith.constant 0 : i32
      %cond3A_197 = arith.cmpi ne, %convert_element_type3A_195, %cond3A_196 : i32
      scf.if %cond3A_197 {
        %dma_wait3A_198 = arith.constant 0 : i32
        %dma_wait3A_199 = tpu.memref_slice %arg8[%add3A_193, %dma_wait3A_198] : memref<79x128xi32, #tpu.memory_space<vmem>> -> memref<1x128xi32, #tpu.memory_space<vmem>>
        %dma_wait3A_200 = tpu.memref_squeeze %dma_wait3A_199 : memref<1x128xi32, #tpu.memory_space<vmem>> -> memref<128xi32, #tpu.memory_space<vmem>>
        %dma_wait3A_201 = arith.constant 0 : i32
        %dma_wait3A_202 = arith.constant 0 : i32
        %dma_wait3A_203 = tpu.memref_slice %arg3[%dma_wait3A_201, %dma_wait3A_202] : memref<10000x64xf32, #tpu.memory_space<hbm>> -> memref<10000x64xf32, #tpu.memory_space<hbm>>
        tpu.wait_indirect_dma semaphore(%arg18 : memref<!tpu.dma_semaphore, #tpu.memory_space<semaphore_mem>>) src(%dma_wait3A_203 : memref<10000x64xf32, #tpu.memory_space<hbm>>) dst(%arg13 : memref<128x64xf32, #tpu.memory_space<vmem>>)
        "tpu.region"() ({
          %run_scoped3A = tpu.sem_alloc : memref<!tpu.dma_semaphore, #tpu.memory_space<semaphore_mem>>
          %dma_start3A_210 = arith.constant 0 : i32
          %dma_start3A_211 = tpu.memref_slice %arg9[%add3A_193, %dma_start3A_210] : memref<79x128xi32, #tpu.memory_space<vmem>> -> memref<1x128xi32, #tpu.memory_space<vmem>>
          %dma_start3A_212 = tpu.memref_squeeze %dma_start3A_211 : memref<1x128xi32, #tpu.memory_space<vmem>> -> memref<128xi32, #tpu.memory_space<vmem>>
          %dma_start3A_213 = arith.constant 0 : i32
          %dma_start3A_214 = arith.constant 0 : i32
          %dma_start3A_215 = tpu.memref_slice %arg14[%dma_start3A_213, %dma_start3A_214] : memref<10000x64xf32, #tpu.memory_space<vmem_shared>> -> memref<10000x64xf32, #tpu.memory_space<vmem_shared>>
          tpu.enqueue_indirect_dma source(%arg13 : memref<128x64xf32, #tpu.memory_space<vmem>>) target(%dma_start3A_215 : memref<10000x64xf32, #tpu.memory_space<vmem_shared>>) offsets(%dma_start3A_212 : memref<128xi32, #tpu.memory_space<vmem>>) semaphore(%run_scoped3A : memref<!tpu.dma_semaphore, #tpu.memory_space<semaphore_mem>>) {add = true}
          %dma_wait3A_216 = arith.constant 0 : i32
          %dma_wait3A_217 = tpu.memref_slice %arg9[%add3A_193, %dma_wait3A_216] : memref<79x128xi32, #tpu.memory_space<vmem>> -> memref<1x128xi32, #tpu.memory_space<vmem>>
          %dma_wait3A_218 = tpu.memref_squeeze %dma_wait3A_217 : memref<1x128xi32, #tpu.memory_space<vmem>> -> memref<128xi32, #tpu.memory_space<vmem>>
          %dma_wait3A_219 = arith.constant 0 : i32
          %dma_wait3A_220 = arith.constant 0 : i32
          %dma_wait3A_221 = tpu.memref_slice %arg14[%dma_wait3A_219, %dma_wait3A_220] : memref<10000x64xf32, #tpu.memory_space<vmem_shared>> -> memref<10000x64xf32, #tpu.memory_space<vmem_shared>>
          tpu.wait_indirect_dma semaphore(%run_scoped3A : memref<!tpu.dma_semaphore, #tpu.memory_space<semaphore_mem>>) src(%arg13 : memref<128x64xf32, #tpu.memory_space<vmem>>) dst(%dma_wait3A_221 : memref<10000x64xf32, #tpu.memory_space<vmem_shared>>)
          tpu.yield
        }) : () -> ()
        %add3A_204 = arith.constant 4 : i32
        %add3A_205 = arith.addi %add3A_193, %add3A_204 : i32
        %lt3A_206 = arith.cmpi slt, %add3A_205, %select_n3A : i32
        %convert_element_type3A_207 = arith.extui %lt3A_206 : i1 to i32
        %cond3A_208 = arith.constant 0 : i32
        %cond3A_209 = arith.cmpi ne, %convert_element_type3A_207, %cond3A_208 : i32
        scf.if %cond3A_209 {
          %add3A_210 = arith.constant 4 : i32
          %add3A_211 = arith.addi %add3A_193, %add3A_210 : i32
          %dma_start3A_212 = arith.constant 0 : i32
          %dma_start3A_213 = tpu.memref_slice %arg8[%add3A_211, %dma_start3A_212] : memref<79x128xi32, #tpu.memory_space<vmem>> -> memref<1x128xi32, #tpu.memory_space<vmem>>
          %dma_start3A_214 = tpu.memref_squeeze %dma_start3A_213 : memref<1x128xi32, #tpu.memory_space<vmem>> -> memref<128xi32, #tpu.memory_space<vmem>>
          %dma_start3A_215 = arith.constant 0 : i32
          %dma_start3A_216 = arith.constant 0 : i32
          %dma_start3A_217 = tpu.memref_slice %arg3[%dma_start3A_215, %dma_start3A_216] : memref<10000x64xf32, #tpu.memory_space<hbm>> -> memref<10000x64xf32, #tpu.memory_space<hbm>>
          tpu.enqueue_indirect_dma source(%dma_start3A_217 : memref<10000x64xf32, #tpu.memory_space<hbm>>) target(%arg13 : memref<128x64xf32, #tpu.memory_space<vmem>>) offsets(%dma_start3A_214 : memref<128xi32, #tpu.memory_space<vmem>>) semaphore(%arg18 : memref<!tpu.dma_semaphore, #tpu.memory_space<semaphore_mem>>)
        } else {
        }
      } else {
      }
    }
    %barrier3A_159 = arith.constant 0 : index
    tpu.barrier barrier_id(%barrier3A_159)
    %mul3A_160 = arith.constant 625 : i32
    %mul3A_161 = arith.muli %arg1, %mul3A_160 : i32
    %mul3A_162 = arith.constant 625 : i32
    %mul3A_163 = arith.muli %arg1, %mul3A_162 : i32
    "tpu.region"() ({
      %run_scoped3A = tpu.sem_alloc : memref<!tpu.dma_semaphore, #tpu.memory_space<semaphore_mem>>
      %dma_start3A_165 = arith.constant 64 : i32
      %dma_start3A_166 = tpu.memref_slice %arg7[%arg0, %mul3A_163, %dma_start3A_165] : memref<2x10000x128xf32, #tpu.memory_space<hbm>> -> memref<1x625x64xf32, #tpu.memory_space<hbm>>
      %dma_start3A_167 = tpu.memref_squeeze %dma_start3A_166 : memref<1x625x64xf32, #tpu.memory_space<hbm>> -> memref<625x64xf32, #tpu.memory_space<hbm>>
      %dma_start3A_168 = arith.constant 0 : i32
      %dma_start3A_169 = tpu.memref_slice %arg14[%mul3A_161, %dma_start3A_168] : memref<10000x64xf32, #tpu.memory_space<vmem_shared>> -> memref<625x64xf32, #tpu.memory_space<vmem_shared>>
      tpu.enqueue_dma source(%dma_start3A_169 : memref<625x64xf32, #tpu.memory_space<vmem_shared>>) target(%dma_start3A_167 : memref<625x64xf32, #tpu.memory_space<hbm>>) target_semaphore(%run_scoped3A : memref<!tpu.dma_semaphore, #tpu.memory_space<semaphore_mem>>)
      %dma_wait3A = arith.constant 64 : i32
      %dma_wait3A_170 = tpu.memref_slice %arg7[%arg0, %mul3A_163, %dma_wait3A] : memref<2x10000x128xf32, #tpu.memory_space<hbm>> -> memref<1x625x64xf32, #tpu.memory_space<hbm>>
      %dma_wait3A_171 = tpu.memref_squeeze %dma_wait3A_170 : memref<1x625x64xf32, #tpu.memory_space<hbm>> -> memref<625x64xf32, #tpu.memory_space<hbm>>
      %dma_wait3A_172 = arith.constant 0 : i32
      %dma_wait3A_173 = tpu.memref_slice %arg14[%mul3A_161, %dma_wait3A_172] : memref<10000x64xf32, #tpu.memory_space<vmem_shared>> -> memref<625x64xf32, #tpu.memory_space<vmem_shared>>
      tpu.wait_dma2 semaphore(%run_scoped3A : memref<!tpu.dma_semaphore, #tpu.memory_space<semaphore_mem>>) src(%dma_wait3A_173 : memref<625x64xf32, #tpu.memory_space<vmem_shared>>) dst(%dma_wait3A_171 : memref<625x64xf32, #tpu.memory_space<hbm>>)
      tpu.yield
    }) : () -> ()
    %barrier3A_164 = arith.constant 0 : index
    tpu.barrier barrier_id(%barrier3A_164)
    return
  }
}

module attributes {stable_mosaic.version = 14 : i64} {
  func.func @_tc_a_body(%arg0: i32, %arg1: memref<2000x128xf32, #tpu.memory_space<vmem>>, %arg2: memref<128x128xf32, #tpu.memory_space<vmem>>, %arg3: memref<2x2000x16xf32, #tpu.memory_space<vmem>>, %arg4: memref<2000x64xf32, #tpu.memory_space<vmem>>, %arg5: memref<2000x64xf32, #tpu.memory_space<vmem>>, %arg6: memref<2000x128xf32, #tpu.memory_space<vmem>>) attributes {dimension_semantics = [#tpu.dimension_semantics<arbitrary>], iteration_bounds = array<i64: 5>, scalar_prefetch = 0 : i64, scratch_operands = 0 : i64, tpu.core_type = #tpu.core_type<tc>, window_params = [{transform_indices = @transform_0, window_bounds = array<i64: 2000, 128>}, {pipeline_mode = #tpu.pipeline_mode<synchronous>, transform_indices = @transform_1, window_bounds = array<i64: 128, 128>}, {transform_indices = @transform_2, window_bounds = array<i64: 2, 2000, 16>}, {transform_indices = @transform_3, window_bounds = array<i64: 2000, 64>}, {transform_indices = @transform_4, window_bounds = array<i64: 2000, 64>}, {transform_indices = @transform_5, window_bounds = array<i64: 2000, 128>}]} {
    %get3A = arith.constant 0 : index
    %get3A_0 = arith.constant 0 : index
    %get3A_1 = vector.load %arg1[%get3A, %get3A_0] : memref<2000x128xf32, #tpu.memory_space<vmem>>, vector<2000x128xf32>
    %get3A_2 = arith.constant 0 : index
    %get3A_3 = arith.constant 0 : index
    %get3A_4 = vector.load %arg2[%get3A_2, %get3A_3] : memref<128x128xf32, #tpu.memory_space<vmem>>, vector<128x128xf32>
    %dot_general3A = arith.constant dense<0.000000e+00> : vector<2000x128xf32>
    %dot_general3A_5 = tpu.matmul %get3A_1, %get3A_4, %dot_general3A {dimension_numbers = #tpu.dot_dimension_numbers<[1], [0], [0], [1], [0, 0, 1, 1], [], []>, transpose_lhs_hint = false} : vector<2000x128xf32>, vector<128x128xf32>, vector<2000x128xf32> -> vector<2000x128xf32>
    %get3A_6 = arith.constant 0 : index
    %get3A_7 = arith.constant 0 : index
    %get3A_8 = arith.constant 0 : index
    %get3A_9 = vector.load %arg3[%get3A_6, %get3A_7, %get3A_8] : memref<2x2000x16xf32, #tpu.memory_space<vmem>>, vector<2x2000x16xf32>
    %slice3A = vector.extract_strided_slice %get3A_9 {offsets = [0, 0, 0], sizes = [1, 2000, 1], strides = [1, 1, 1]} : vector<2x2000x16xf32> to vector<1x2000x1xf32>
    %squeeze3A = vector.shape_cast %slice3A : vector<1x2000x1xf32> to vector<2000x1xf32>
    %slice3A_10 = vector.extract_strided_slice %get3A_9 {offsets = [1, 0, 0], sizes = [1, 2000, 1], strides = [1, 1, 1]} : vector<2x2000x16xf32> to vector<1x2000x1xf32>
    %squeeze3A_11 = vector.shape_cast %slice3A_10 : vector<1x2000x1xf32> to vector<2000x1xf32>
    %add3A = arith.addf %squeeze3A, %squeeze3A_11 : vector<2000x1xf32>
    %add3A_12 = arith.constant 1.000000e+00 : f32
    %add3A_13 = vector.broadcast %add3A_12 : f32 to vector<2000x1xf32>
    %add3A_14 = arith.addf %add3A, %add3A_13 : vector<2000x1xf32>
    %rsqrt3A = math.rsqrt %add3A_14 : vector<2000x1xf32>
    %mul3A = vector.broadcast %rsqrt3A : vector<2000x1xf32> to vector<2000x128xf32>
    %mul3A_15 = arith.mulf %dot_general3A_5, %mul3A : vector<2000x128xf32>
    %swap3A = arith.constant 0 : index
    %swap3A_16 = arith.constant 0 : index
    %swap3A_17 = vector.load %arg6[%swap3A, %swap3A_16] : memref<2000x128xf32, #tpu.memory_space<vmem>>, vector<2000x128xf32>
    tpu.vector_store %arg6[%swap3A, %swap3A_16], %dot_general3A_5 {strides = array<i32>} : memref<2000x128xf32, #tpu.memory_space<vmem>>, vector<2000x128xf32>,
    %slice3A_18 = vector.extract_strided_slice %mul3A_15 {offsets = [0, 0], sizes = [2000, 64], strides = [1, 1]} : vector<2000x128xf32> to vector<2000x64xf32>
    %swap3A_19 = arith.constant 0 : index
    %swap3A_20 = arith.constant 0 : index
    %swap3A_21 = vector.load %arg4[%swap3A_19, %swap3A_20] : memref<2000x64xf32, #tpu.memory_space<vmem>>, vector<2000x64xf32>
    tpu.vector_store %arg4[%swap3A_19, %swap3A_20], %slice3A_18 {strides = array<i32>} : memref<2000x64xf32, #tpu.memory_space<vmem>>, vector<2000x64xf32>,
    %slice3A_22 = vector.extract_strided_slice %mul3A_15 {offsets = [0, 64], sizes = [2000, 64], strides = [1, 1]} : vector<2000x128xf32> to vector<2000x64xf32>
    %swap3A_23 = arith.constant 0 : index
    %swap3A_24 = arith.constant 0 : index
    %swap3A_25 = vector.load %arg5[%swap3A_23, %swap3A_24] : memref<2000x64xf32, #tpu.memory_space<vmem>>, vector<2000x64xf32>
    tpu.vector_store %arg5[%swap3A_23, %swap3A_24], %slice3A_22 {strides = array<i32>} : memref<2000x64xf32, #tpu.memory_space<vmem>>, vector<2000x64xf32>,
    return
  }
  func.func @transform_0(%arg0: i32) -> (i32, i32) {
    %c0_i32 = arith.constant 0 : i32
    %c0_i32_0 = arith.constant 0 : i32
    return %arg0, %c0_i32 : i32, i32
  }
  func.func @transform_1(%arg0: i32) -> (i32, i32) {
    %c0_i32 = arith.constant 0 : i32
    %c0_i32_0 = arith.constant 0 : i32
    %c0_i32_1 = arith.constant 0 : i32
    return %c0_i32, %c0_i32_0 : i32, i32
  }
  func.func @transform_2(%arg0: i32) -> (i32, i32, i32) {
    %c0_i32 = arith.constant 0 : i32
    %c0_i32_0 = arith.constant 0 : i32
    %c0_i32_1 = arith.constant 0 : i32
    return %c0_i32, %arg0, %c0_i32_0 : i32, i32, i32
  }
  func.func @transform_3(%arg0: i32) -> (i32, i32) {
    %c0_i32 = arith.constant 0 : i32
    %c0_i32_0 = arith.constant 0 : i32
    return %arg0, %c0_i32 : i32, i32
  }
  func.func @transform_4(%arg0: i32) -> (i32, i32) {
    %c0_i32 = arith.constant 0 : i32
    %c0_i32_0 = arith.constant 0 : i32
    return %arg0, %c0_i32 : i32, i32
  }
  func.func @transform_5(%arg0: i32) -> (i32, i32) {
    %c0_i32 = arith.constant 0 : i32
    %c0_i32_0 = arith.constant 0 : i32
    return %arg0, %c0_i32 : i32, i32
  }
}

module attributes {stable_mosaic.version = 14 : i64} {
  func.func @_tc_mid_body(%arg0: i32, %arg1: memref<2x2000x128xf32, #tpu.memory_space<vmem>>, %arg2: memref<2000x128xf32, #tpu.memory_space<vmem>>, %arg3: memref<2x2000x16xf32, #tpu.memory_space<vmem>>, %arg4: memref<128x128xf32, #tpu.memory_space<vmem>>, %arg5: memref<1x128xf32, #tpu.memory_space<vmem>>, %arg6: memref<2000x64xf32, #tpu.memory_space<vmem>>, %arg7: memref<2000x64xf32, #tpu.memory_space<vmem>>, %arg8: memref<2000x128xf32, #tpu.memory_space<vmem>>) attributes {dimension_semantics = [#tpu.dimension_semantics<arbitrary>], iteration_bounds = array<i64: 5>, scalar_prefetch = 0 : i64, scratch_operands = 0 : i64, tpu.core_type = #tpu.core_type<tc>, window_params = [{transform_indices = @transform_0, window_bounds = array<i64: 2, 2000, 128>}, {transform_indices = @transform_1, window_bounds = array<i64: 2000, 128>}, {transform_indices = @transform_2, window_bounds = array<i64: 2, 2000, 16>}, {pipeline_mode = #tpu.pipeline_mode<synchronous>, transform_indices = @transform_3, window_bounds = array<i64: 128, 128>}, {pipeline_mode = #tpu.pipeline_mode<synchronous>, transform_indices = @transform_4, window_bounds = array<i64: 1, 128>}, {transform_indices = @transform_5, window_bounds = array<i64: 2000, 64>}, {transform_indices = @transform_6, window_bounds = array<i64: 2000, 64>}, {transform_indices = @transform_7, window_bounds = array<i64: 2000, 128>}]} {
    %get3A = arith.constant 0 : index
    %get3A_0 = arith.constant 0 : index
    %get3A_1 = arith.constant 0 : index
    %get3A_2 = vector.load %arg3[%get3A, %get3A_0, %get3A_1] : memref<2x2000x16xf32, #tpu.memory_space<vmem>>, vector<2x2000x16xf32>
    %slice3A = vector.extract_strided_slice %get3A_2 {offsets = [0, 0, 0], sizes = [1, 2000, 1], strides = [1, 1, 1]} : vector<2x2000x16xf32> to vector<1x2000x1xf32>
    %squeeze3A = vector.shape_cast %slice3A : vector<1x2000x1xf32> to vector<2000x1xf32>
    %slice3A_3 = vector.extract_strided_slice %get3A_2 {offsets = [1, 0, 0], sizes = [1, 2000, 1], strides = [1, 1, 1]} : vector<2x2000x16xf32> to vector<1x2000x1xf32>
    %squeeze3A_4 = vector.shape_cast %slice3A_3 : vector<1x2000x1xf32> to vector<2000x1xf32>
    %add3A = arith.addf %squeeze3A, %squeeze3A_4 : vector<2000x1xf32>
    %add3A_5 = arith.constant 1.000000e+00 : f32
    %add3A_6 = vector.broadcast %add3A_5 : f32 to vector<2000x1xf32>
    %add3A_7 = arith.addf %add3A, %add3A_6 : vector<2000x1xf32>
    %rsqrt3A = math.rsqrt %add3A_7 : vector<2000x1xf32>
    %get3A_8 = arith.constant 0 : index
    %get3A_9 = arith.constant 0 : index
    %get3A_10 = arith.constant 0 : index
    %get3A_11 = vector.load %arg1[%get3A_8, %get3A_9, %get3A_10] : memref<2x2000x128xf32, #tpu.memory_space<vmem>>, vector<1x2000x128xf32>
    %get3A_12 = vector.shape_cast %get3A_11 : vector<1x2000x128xf32> to vector<2000x128xf32>
    %get3A_13 = arith.constant 1 : index
    %get3A_14 = arith.constant 0 : index
    %get3A_15 = arith.constant 0 : index
    %get3A_16 = vector.load %arg1[%get3A_13, %get3A_14, %get3A_15] : memref<2x2000x128xf32, #tpu.memory_space<vmem>>, vector<1x2000x128xf32>
    %get3A_17 = vector.shape_cast %get3A_16 : vector<1x2000x128xf32> to vector<2000x128xf32>
    %add3A_18 = arith.addf %get3A_12, %get3A_17 : vector<2000x128xf32>
    %mul3A = vector.broadcast %rsqrt3A : vector<2000x1xf32> to vector<2000x128xf32>
    %mul3A_19 = arith.mulf %add3A_18, %mul3A : vector<2000x128xf32>
    %get3A_20 = arith.constant 0 : index
    %get3A_21 = arith.constant 0 : index
    %get3A_22 = vector.load %arg2[%get3A_20, %get3A_21] : memref<2000x128xf32, #tpu.memory_space<vmem>>, vector<2000x128xf32>
    %mul3A_23 = arith.mulf %rsqrt3A, %rsqrt3A : vector<2000x1xf32>
    %mul3A_24 = vector.broadcast %mul3A_23 : vector<2000x1xf32> to vector<2000x128xf32>
    %mul3A_25 = arith.mulf %get3A_22, %mul3A_24 : vector<2000x128xf32>
    %add3A_26 = arith.addf %mul3A_19, %mul3A_25 : vector<2000x128xf32>
    %get3A_27 = arith.constant 0 : index
    %get3A_28 = arith.constant 0 : index
    %get3A_29 = vector.load %arg5[%get3A_27, %get3A_28] : memref<1x128xf32, #tpu.memory_space<vmem>>, vector<1x128xf32>
    %add3A_30 = vector.broadcast %get3A_29 : vector<1x128xf32> to vector<2000x128xf32>
    %add3A_31 = arith.addf %add3A_26, %add3A_30 : vector<2000x128xf32>
    %max3A = arith.constant 0.000000e+00 : f32
    %max3A_32 = vector.broadcast %max3A : f32 to vector<2000x128xf32>
    %max3A_33 = arith.maximumf %add3A_31, %max3A_32 : vector<2000x128xf32>
    %get3A_34 = arith.constant 0 : index
    %get3A_35 = arith.constant 0 : index
    %get3A_36 = vector.load %arg4[%get3A_34, %get3A_35] : memref<128x128xf32, #tpu.memory_space<vmem>>, vector<128x128xf32>
    %dot_general3A = arith.constant dense<0.000000e+00> : vector<2000x128xf32>
    %dot_general3A_37 = tpu.matmul %max3A_33, %get3A_36, %dot_general3A {dimension_numbers = #tpu.dot_dimension_numbers<[1], [0], [0], [1], [0, 0, 1, 1], [], []>, transpose_lhs_hint = false} : vector<2000x128xf32>, vector<128x128xf32>, vector<2000x128xf32> -> vector<2000x128xf32>
    %mul3A_38 = vector.broadcast %rsqrt3A : vector<2000x1xf32> to vector<2000x128xf32>
    %mul3A_39 = arith.mulf %dot_general3A_37, %mul3A_38 : vector<2000x128xf32>
    %swap3A = arith.constant 0 : index
    %swap3A_40 = arith.constant 0 : index
    %swap3A_41 = vector.load %arg8[%swap3A, %swap3A_40] : memref<2000x128xf32, #tpu.memory_space<vmem>>, vector<2000x128xf32>
    tpu.vector_store %arg8[%swap3A, %swap3A_40], %dot_general3A_37 {strides = array<i32>} : memref<2000x128xf32, #tpu.memory_space<vmem>>, vector<2000x128xf32>,
    %slice3A_42 = vector.extract_strided_slice %mul3A_39 {offsets = [0, 0], sizes = [2000, 64], strides = [1, 1]} : vector<2000x128xf32> to vector<2000x64xf32>
    %swap3A_43 = arith.constant 0 : index
    %swap3A_44 = arith.constant 0 : index
    %swap3A_45 = vector.load %arg6[%swap3A_43, %swap3A_44] : memref<2000x64xf32, #tpu.memory_space<vmem>>, vector<2000x64xf32>
    tpu.vector_store %arg6[%swap3A_43, %swap3A_44], %slice3A_42 {strides = array<i32>} : memref<2000x64xf32, #tpu.memory_space<vmem>>, vector<2000x64xf32>,
    %slice3A_46 = vector.extract_strided_slice %mul3A_39 {offsets = [0, 64], sizes = [2000, 64], strides = [1, 1]} : vector<2000x128xf32> to vector<2000x64xf32>
    %swap3A_47 = arith.constant 0 : index
    %swap3A_48 = arith.constant 0 : index
    %swap3A_49 = vector.load %arg7[%swap3A_47, %swap3A_48] : memref<2000x64xf32, #tpu.memory_space<vmem>>, vector<2000x64xf32>
    tpu.vector_store %arg7[%swap3A_47, %swap3A_48], %slice3A_46 {strides = array<i32>} : memref<2000x64xf32, #tpu.memory_space<vmem>>, vector<2000x64xf32>,
    return
  }
  func.func @transform_0(%arg0: i32) -> (i32, i32, i32) {
    %c0_i32 = arith.constant 0 : i32
    %c0_i32_0 = arith.constant 0 : i32
    %c0_i32_1 = arith.constant 0 : i32
    return %c0_i32, %arg0, %c0_i32_0 : i32, i32, i32
  }
  func.func @transform_1(%arg0: i32) -> (i32, i32) {
    %c0_i32 = arith.constant 0 : i32
    %c0_i32_0 = arith.constant 0 : i32
    return %arg0, %c0_i32 : i32, i32
  }
  func.func @transform_2(%arg0: i32) -> (i32, i32, i32) {
    %c0_i32 = arith.constant 0 : i32
    %c0_i32_0 = arith.constant 0 : i32
    %c0_i32_1 = arith.constant 0 : i32
    return %c0_i32, %arg0, %c0_i32_0 : i32, i32, i32
  }
  func.func @transform_3(%arg0: i32) -> (i32, i32) {
    %c0_i32 = arith.constant 0 : i32
    %c0_i32_0 = arith.constant 0 : i32
    %c0_i32_1 = arith.constant 0 : i32
    return %c0_i32, %c0_i32_0 : i32, i32
  }
  func.func @transform_4(%arg0: i32) -> (i32, i32) {
    %c0_i32 = arith.constant 0 : i32
    %c0_i32_0 = arith.constant 0 : i32
    %c0_i32_1 = arith.constant 0 : i32
    return %c0_i32, %c0_i32_0 : i32, i32
  }
  func.func @transform_5(%arg0: i32) -> (i32, i32) {
    %c0_i32 = arith.constant 0 : i32
    %c0_i32_0 = arith.constant 0 : i32
    return %arg0, %c0_i32 : i32, i32
  }
  func.func @transform_6(%arg0: i32) -> (i32, i32) {
    %c0_i32 = arith.constant 0 : i32
    %c0_i32_0 = arith.constant 0 : i32
    return %arg0, %c0_i32 : i32, i32
  }
  func.func @transform_7(%arg0: i32) -> (i32, i32) {
    %c0_i32 = arith.constant 0 : i32
    %c0_i32_0 = arith.constant 0 : i32
    return %arg0, %c0_i32 : i32, i32
  }
}

module attributes {stable_mosaic.version = 14 : i64} {
  func.func @_tc_out_body(%arg0: i32, %arg1: memref<2x2000x128xf32, #tpu.memory_space<vmem>>, %arg2: memref<2000x128xf32, #tpu.memory_space<vmem>>, %arg3: memref<2x2000x16xf32, #tpu.memory_space<vmem>>, %arg4: memref<128x40xf32, #tpu.memory_space<vmem>>, %arg5: memref<1x128xf32, #tpu.memory_space<vmem>>, %arg6: memref<1x40xf32, #tpu.memory_space<vmem>>, %arg7: memref<2000x40xf32, #tpu.memory_space<vmem>>) attributes {dimension_semantics = [#tpu.dimension_semantics<arbitrary>], iteration_bounds = array<i64: 5>, scalar_prefetch = 0 : i64, scratch_operands = 0 : i64, tpu.core_type = #tpu.core_type<tc>, window_params = [{transform_indices = @transform_0, window_bounds = array<i64: 2, 2000, 128>}, {transform_indices = @transform_1, window_bounds = array<i64: 2000, 128>}, {transform_indices = @transform_2, window_bounds = array<i64: 2, 2000, 16>}, {pipeline_mode = #tpu.pipeline_mode<synchronous>, transform_indices = @transform_3, window_bounds = array<i64: 128, 40>}, {pipeline_mode = #tpu.pipeline_mode<synchronous>, transform_indices = @transform_4, window_bounds = array<i64: 1, 128>}, {pipeline_mode = #tpu.pipeline_mode<synchronous>, transform_indices = @transform_5, window_bounds = array<i64: 1, 40>}, {transform_indices = @transform_6, window_bounds = array<i64: 2000, 40>}]} {
    %get3A = arith.constant 0 : index
    %get3A_0 = arith.constant 0 : index
    %get3A_1 = arith.constant 0 : index
    %get3A_2 = vector.load %arg3[%get3A, %get3A_0, %get3A_1] : memref<2x2000x16xf32, #tpu.memory_space<vmem>>, vector<2x2000x16xf32>
    %slice3A = vector.extract_strided_slice %get3A_2 {offsets = [0, 0, 0], sizes = [1, 2000, 1], strides = [1, 1, 1]} : vector<2x2000x16xf32> to vector<1x2000x1xf32>
    %squeeze3A = vector.shape_cast %slice3A : vector<1x2000x1xf32> to vector<2000x1xf32>
    %slice3A_3 = vector.extract_strided_slice %get3A_2 {offsets = [1, 0, 0], sizes = [1, 2000, 1], strides = [1, 1, 1]} : vector<2x2000x16xf32> to vector<1x2000x1xf32>
    %squeeze3A_4 = vector.shape_cast %slice3A_3 : vector<1x2000x1xf32> to vector<2000x1xf32>
    %add3A = arith.addf %squeeze3A, %squeeze3A_4 : vector<2000x1xf32>
    %add3A_5 = arith.constant 1.000000e+00 : f32
    %add3A_6 = vector.broadcast %add3A_5 : f32 to vector<2000x1xf32>
    %add3A_7 = arith.addf %add3A, %add3A_6 : vector<2000x1xf32>
    %rsqrt3A = math.rsqrt %add3A_7 : vector<2000x1xf32>
    %get3A_8 = arith.constant 0 : index
    %get3A_9 = arith.constant 0 : index
    %get3A_10 = arith.constant 0 : index
    %get3A_11 = vector.load %arg1[%get3A_8, %get3A_9, %get3A_10] : memref<2x2000x128xf32, #tpu.memory_space<vmem>>, vector<1x2000x128xf32>
    %get3A_12 = vector.shape_cast %get3A_11 : vector<1x2000x128xf32> to vector<2000x128xf32>
    %get3A_13 = arith.constant 1 : index
    %get3A_14 = arith.constant 0 : index
    %get3A_15 = arith.constant 0 : index
    %get3A_16 = vector.load %arg1[%get3A_13, %get3A_14, %get3A_15] : memref<2x2000x128xf32, #tpu.memory_space<vmem>>, vector<1x2000x128xf32>
    %get3A_17 = vector.shape_cast %get3A_16 : vector<1x2000x128xf32> to vector<2000x128xf32>
    %add3A_18 = arith.addf %get3A_12, %get3A_17 : vector<2000x128xf32>
    %mul3A = vector.broadcast %rsqrt3A : vector<2000x1xf32> to vector<2000x128xf32>
    %mul3A_19 = arith.mulf %add3A_18, %mul3A : vector<2000x128xf32>
    %get3A_20 = arith.constant 0 : index
    %get3A_21 = arith.constant 0 : index
    %get3A_22 = vector.load %arg2[%get3A_20, %get3A_21] : memref<2000x128xf32, #tpu.memory_space<vmem>>, vector<2000x128xf32>
    %mul3A_23 = arith.mulf %rsqrt3A, %rsqrt3A : vector<2000x1xf32>
    %mul3A_24 = vector.broadcast %mul3A_23 : vector<2000x1xf32> to vector<2000x128xf32>
    %mul3A_25 = arith.mulf %get3A_22, %mul3A_24 : vector<2000x128xf32>
    %add3A_26 = arith.addf %mul3A_19, %mul3A_25 : vector<2000x128xf32>
    %get3A_27 = arith.constant 0 : index
    %get3A_28 = arith.constant 0 : index
    %get3A_29 = vector.load %arg5[%get3A_27, %get3A_28] : memref<1x128xf32, #tpu.memory_space<vmem>>, vector<1x128xf32>
    %add3A_30 = vector.broadcast %get3A_29 : vector<1x128xf32> to vector<2000x128xf32>
    %add3A_31 = arith.addf %add3A_26, %add3A_30 : vector<2000x128xf32>
    %max3A = arith.constant 0.000000e+00 : f32
    %max3A_32 = vector.broadcast %max3A : f32 to vector<2000x128xf32>
    %max3A_33 = arith.maximumf %add3A_31, %max3A_32 : vector<2000x128xf32>
    %get3A_34 = arith.constant 0 : index
    %get3A_35 = arith.constant 0 : index
    %get3A_36 = vector.load %arg4[%get3A_34, %get3A_35] : memref<128x40xf32, #tpu.memory_space<vmem>>, vector<128x40xf32>
    %dot_general3A = arith.constant dense<0.000000e+00> : vector<2000x40xf32>
    %dot_general3A_37 = tpu.matmul %max3A_33, %get3A_36, %dot_general3A {dimension_numbers = #tpu.dot_dimension_numbers<[1], [0], [0], [1], [0, 0, 1, 1], [], []>, transpose_lhs_hint = false} : vector<2000x128xf32>, vector<128x40xf32>, vector<2000x40xf32> -> vector<2000x40xf32>
    %get3A_38 = arith.constant 0 : index
    %get3A_39 = arith.constant 0 : index
    %get3A_40 = vector.load %arg6[%get3A_38, %get3A_39] : memref<1x40xf32, #tpu.memory_space<vmem>>, vector<1x40xf32>
    %add3A_41 = vector.broadcast %get3A_40 : vector<1x40xf32> to vector<2000x40xf32>
    %add3A_42 = arith.addf %dot_general3A_37, %add3A_41 : vector<2000x40xf32>
    %swap3A = arith.constant 0 : index
    %swap3A_43 = arith.constant 0 : index
    %swap3A_44 = vector.load %arg7[%swap3A, %swap3A_43] : memref<2000x40xf32, #tpu.memory_space<vmem>>, vector<2000x40xf32>
    tpu.vector_store %arg7[%swap3A, %swap3A_43], %add3A_42 {strides = array<i32>} : memref<2000x40xf32, #tpu.memory_space<vmem>>, vector<2000x40xf32>,
    return
  }
  func.func @transform_0(%arg0: i32) -> (i32, i32, i32) {
    %c0_i32 = arith.constant 0 : i32
    %c0_i32_0 = arith.constant 0 : i32
    %c0_i32_1 = arith.constant 0 : i32
    return %c0_i32, %arg0, %c0_i32_0 : i32, i32, i32
  }
  func.func @transform_1(%arg0: i32) -> (i32, i32) {
    %c0_i32 = arith.constant 0 : i32
    %c0_i32_0 = arith.constant 0 : i32
    return %arg0, %c0_i32 : i32, i32
  }
  func.func @transform_2(%arg0: i32) -> (i32, i32, i32) {
    %c0_i32 = arith.constant 0 : i32
    %c0_i32_0 = arith.constant 0 : i32
    %c0_i32_1 = arith.constant 0 : i32
    return %c0_i32, %arg0, %c0_i32_0 : i32, i32, i32
  }
  func.func @transform_3(%arg0: i32) -> (i32, i32) {
    %c0_i32 = arith.constant 0 : i32
    %c0_i32_0 = arith.constant 0 : i32
    %c0_i32_1 = arith.constant 0 : i32
    return %c0_i32, %c0_i32_0 : i32, i32
  }
  func.func @transform_4(%arg0: i32) -> (i32, i32) {
    %c0_i32 = arith.constant 0 : i32
    %c0_i32_0 = arith.constant 0 : i32
    %c0_i32_1 = arith.constant 0 : i32
    return %c0_i32, %c0_i32_0 : i32, i32
  }
  func.func @transform_5(%arg0: i32) -> (i32, i32) {
    %c0_i32 = arith.constant 0 : i32
    %c0_i32_0 = arith.constant 0 : i32
    %c0_i32_1 = arith.constant 0 : i32
    return %c0_i32, %c0_i32_0 : i32, i32
  }
  func.func @transform_6(%arg0: i32) -> (i32, i32) {
    %c0_i32 = arith.constant 0 : i32
    %c0_i32_0 = arith.constant 0 : i32
    return %arg0, %c0_i32 : i32, i32
  }
}

</mosaic_0001>

<sc_bundles>
// kernel: kernel.11.cloned.1.call-start
scs
__scs_entry_jumppad:
0x0: {  	(pc) =	sbr.rel $0x88, $3  }
0x1: {  	(tag) =	ssettag $0x0;
	lr =	simm.s32 $0x1  }
0x2: {  	[smem:$0x3F99] =	sst lr;
	_ =	strace $0xD0000000  }
0x3: {  	_ = 	snop  }
0x4: {  	_ = 	snop  }
0x5: {  	_ = 	snop  }
0x6: {  	_ = 	snop  }
0x7: {  	_ = 	snop  }
__scs_overlays_trampoline_lowered:
0x8: {  	[smem:$0x3FA8] =	sst s0  }
0x9: {  	[smem:$0x3FA9] =	sst s1  }
0xa: {  	[smem:$0x3FAA] =	sst s2  }
0xb: {  	[smem:$0x3FAB] =	sst s3  }
0xc: {  	[smem:$0x3FAC] =	sst s4  }
0xd: {  	[smem:$0x3FAD] =	sst s5  }
0xe: {  	[smem:$0x3FAE] =	sst s6  }
0xf: {  	[smem:$0x3FAF] =	sst s7  }
0x10: {  	[smem:$0x3FB0] =	sst s8  }
0x11: {  	[smem:$0x3FB1] =	sst s9;
	s0 =	simm.s32 @!p0 $0x0  }
0x12: {  	s1 =	sld [smem:$0x3F97];
	s0 =	simm.s32 @p0 $0x1  }
0x13: {  	[smem:$0x3FB2] =	sst s0;
	s0 =	simm.s32 @!p1 $0x0  }
0x14: {  	s2 =	sld [smem:$0x3F96];
	s0 =	simm.s32 @p1 $0x1  }
0x15: {  	[smem:$0x3FB3] =	sst s0;
	s0 =	simm.s32 @!p2 $0x0  }
0x16: {  	s3 =	sld [smem:$0x3FDB];
	s0 =	simm.s32 @p2 $0x1  }
0x17: {  	s4 =	simm.s32 $0x1BF5;
	[smem:$0x3FB5] =	sst s0  }
0x18: {  	s0 =	sld [smem:$0x3F98];
	_ =	swait.ge [sflag:s4], $0x0  }
0x19: {  	s7 =	sld [smem:$0x3F99]  }
0x1a: {  	s8 =	sadd.s32 $0xFFFFE003, lr  }
0x1b: {  	s9 =	sadd.s32 $0xFFFFFEF7, lr;
	s5 =	simm.s32 $0xFFFFFFFF;
	p2 =	slt.u32 s8, $0xFFFFF086  }
0x1c: {  	p1 =	slt.u32 s9, $0xF7A;
	s5 =	simm.s32 @!p2 $0x0  }
0x1d: {  	s5 =	simm.s32 @p1 $0x1;
	p0 =	seq.s32 s7, s2  }
0x1e: {  	s7 =	smul.u32 @!p0 $0xF7A, s2;
	p2 =	seq.s32 @!p0 s5, $0x0  }
0x1f: {  	s9 =	smul.u32 $0xF7A, s1;
	s8 =	simm.s32 @!p0 $0x1BF5;
	p2 =	por !p2, p0  }
0x20: {  	[sflag:s8] =	ssyncset.s32 @!p0 $0xFFFFF086;
	s6 =	sadd.s32 @!p0 s3, s7;
	s7 =	simm.s32 @!p0 $0x108  }
0x21: {  	s3 =	sadd.s32 s3, s9;
	s6 =	sadd.s32 @!p0 $0x88, s6;
	s7 =	simm.s32 @p2 $0x1082  }
0x22: {  	[simem:s7], [sflag:s8] =	dma.local @!p0 [hbm:s6], $0xF7A  }
0x23: {  	s9 =	sor.u32 $0xD0000000, s2;
	s6 =	simm.s32 $0x108;
	_ =	swait.ge @!p0 [sflag:s8], $0x0  }
0x24: {  	s3 =	sadd.s32 $0x88, s3;
	s6 =	simm.s32 @!p1 $0x1082;
	[sflag:s4] =	ssyncset.s32 $0xFFFFF086  }
0x25: {  	[simem:s6], [sflag:s4] =	dma.local [hbm:s3], $0xF7A  }
0x26: {  	[smem:$0x3F99] =	sst s1;
	(tag) =	ssettag s2;
	_ =	strace s9  }
0x27: {  	s1 =	sld [smem:$0x3FA9]  }
0x28: {  	s2 =	sld [smem:$0x3FAA]  }
0x29: {  	s4 =	sld [smem:$0x3FAC]  }
0x2a: {  	p0 =	seq.s32 s5, $0x0;
	s5 =	sld [smem:$0x3FAD]  }
0x2b: {  	s6 =	sld [smem:$0x3FAE]  }
0x2c: {  	s7 =	sld [smem:$0x3FAF]  }
0x2d: {  	s3 =	simm.s32 $0x108;
	s8 =	sld [smem:$0x3FB0]  }
0x2e: {  	s3 =	simm.s32 @!p0 $0x1082;
	s9 =	sld [smem:$0x3FB1]  }
0x2f: {  	lr =	sadd.s32 s0, s3;
	s0 =	sld [smem:$0x3FA8]  }
0x30: {  	s3 =	sld [smem:$0x3FAB]  }
0x31: {  	[smem:$0x3FB4] =	sst s10  }
0x32: {  	s10 =	sld [smem:$0x3FB2];
	_ =	sdelay $0x3  }
0x33: {  	p0 =	seq.s32 s10, $0x1;
	s10 =	sld [smem:$0x3FB4];
	_ =	sdelay $0x3  }
0x34: {  	[smem:$0x3FB4] =	sst s10  }
0x35: {  	s10 =	sld [smem:$0x3FB3];
	_ =	sdelay $0x3  }
0x36: {  	p1 =	seq.s32 s10, $0x1;
	s10 =	sld [smem:$0x3FB4];
	_ =	sdelay $0x3  }
0x37: {  	[smem:$0x3FB4] =	sst s10  }
0x38: {  	s10 =	sld [smem:$0x3FB5]  }
0x39: {  	_ = 	snop;
	(pc) =	sbr.ind lr, $3  }
0x3a: {  	_ = 	snop  }
0x3b: {  	_ = 	snop  }
0x3c: {  	p2 =	seq.s32 s10, $0x1;
	s10 =	sld [smem:$0x3FB4]  }
0x3d: {  	_ =	shalt  }
0x3e: {  	_ =	shalt  }
0x3f: {  	_ =	shalt  }
0x40: {  	_ =	shalt  }
0x41: {  	_ =	shalt  }
0x42: {  	_ =	shalt  }
0x43: {  	_ =	shalt  }
0x44: {  	_ =	shalt  }
0x45: {  	_ =	shalt  }
0x46: {  	_ =	shalt  }
0x47: {  	_ =	shalt  }
0x48: {  	_ =	shalt  }
0x49: {  	_ =	shalt  }
0x4a: {  	_ =	shalt  }
0x4b: {  	_ =	shalt  }
0x4c: {  	_ =	shalt  }
0x4d: {  	_ =	shalt  }
0x4e: {  	_ =	shalt  }
0x4f: {  	_ =	shalt  }
0x50: {  	_ =	shalt  }
0x51: {  	_ =	shalt  }
0x52: {  	_ =	shalt  }
0x53: {  	_ =	shalt  }
0x54: {  	_ =	shalt  }
0x55: {  	_ =	shalt  }
0x56: {  	_ =	shalt  }
0x57: {  	_ =	shalt  }
0x58: {  	_ =	shalt  }
0x59: {  	_ =	shalt  }
0x5a: {  	_ =	shalt  }
0x5b: {  	_ =	shalt  }
0x5c: {  	_ =	shalt  }
0x5d: {  	_ =	shalt  }
0x5e: {  	_ =	shalt  }
0x5f: {  	_ =	shalt  }
0x60: {  	_ =	shalt  }
0x61: {  	_ =	shalt  }
0x62: {  	_ =	shalt  }
0x63: {  	_ =	shalt  }
0x64: {  	_ =	shalt  }
0x65: {  	_ =	shalt  }
0x66: {  	_ =	shalt  }
0x67: {  	_ =	shalt  }
0x68: {  	_ =	shalt  }
0x69: {  	_ =	shalt  }
0x6a: {  	_ =	shalt  }
0x6b: {  	_ =	shalt  }
0x6c: {  	_ =	shalt  }
0x6d: {  	_ =	shalt  }
0x6e: {  	_ =	shalt  }
0x6f: {  	_ =	shalt  }
0x70: {  	_ =	shalt  }
0x71: {  	_ =	shalt  }
0x72: {  	_ =	shalt  }
0x73: {  	_ =	shalt  }
0x74: {  	_ =	shalt  }
0x75: {  	_ =	shalt  }
0x76: {  	_ =	shalt  }
0x77: {  	_ =	shalt  }
0x78: {  	_ =	shalt  }
0x79: {  	_ =	shalt  }
0x7a: {  	_ =	shalt  }
0x7b: {  	_ =	shalt  }
0x7c: {  	_ =	shalt  }
0x7d: {  	_ =	shalt  }
0x7e: {  	_ =	shalt  }
0x7f: {  	_ =	shalt  }
0x80: {  	_ =	shalt  }
0x81: {  	_ =	shalt  }
0x82: {  	_ =	shalt  }
0x83: {  	_ =	shalt  }
0x84: {  	_ =	shalt  }
0x85: {  	_ =	shalt  }
0x86: {  	_ =	shalt  }
0x87: {  	_ =	shalt  }
.Lfunc_end0:
.L_simem_size_0:
called_computation.1_lowered:
.L_overlay_start_0:
0x88: {  	s2 =	sld [smem:$0x3FD9]  }
0x89: {  	s3 =	sld [smem:$0x3FFE];
	_ =	sdelay $0x1  }
0x8a: {  	s1 =	srdreg.scid  }
0x8b: {  	s0 =	sand.u32 $0x1, s1  }
0x8c: {  	s17 =	sshll.u32 s0, $0xA;
	s2 =	sadd.s32 s3, s2  }
0x8d: {  	s2 =	sadd.s32 s2, s17  }
0x8e: {  	[smem:$0x3FC0] =	sst s2  }
0x8f: {  	_ = 	snop  }
0x90: {  	s2 =	sld [smem:$0x3FD0];
	(tm) =	ssettm $0x1  }
0x91: {  	s18 =	sld [smem:$0x3FFB];
	_ =	sdelay $0x3  }
0x92: {  	_ =	strace s18  }
0x93: {  	s3 =	sld [smem:$0x3FFC];
	_ =	sdelay $0x3  }
0x94: {  	_ =	strace s3  }
0x95: {  	s3 =	sld [smem:$0x3FFD];
	_ =	sdelay $0x3  }
0x96: {  	_ =	strace s3  }
0x97: {  	_ =	strace $0x8FFFFFFF  }
0x98: {  	s19 =	sld [smem:$0x3FDB];
	_ =	sdelay $0x1  }
0x99: {  	s4 =	simm.s32 $_scs_section_size  }
0x9a: {  	s5 =	simm.s32 $_size__tile_overlayer_lowered;
	s6 =	simm.s32 $_tile_overlayer_lowered  }
0x9b: {  	s22 =	simm.s32 $0x1BFF;
	s21 =	sshll.u32 s6, $0x1;
	s3 =	sadd.s32 s4, s19  }
0x9c: {  	s7 =	simm.s32 $0x0;
	s20 =	sshll.u32 s5, $0x1;
	s5 =	sadd.s32 s21, s3  }
0x9d: {  	[timem:s7], [sflag:s22] =	dma.local [hbm:s5], s20  }
0x9e: {  	_ =	swait.ge [sflag:s22], s20  }
0x9f: {  	s4 =	ssub.s32 $0x0, s20;
	[sflag:s22] =	ssyncset.done $0x0  }
0xa0: {  	[sflag:s22] =	ssyncadd.s32 s4;
	_ =	sdelay $0x1  }
0xa1: {  	s23 =	simm.s32 $0x1B8B  }
0xa2: {  	_ =	swait.ge [sflag:s23], $0x1  }
0xa3: {  	[sflag:s23] =	ssyncset.done $0x0  }
0xa4: {  	s25 =	simm.s32 $0x1B8E;
	s24 =	sld [smem:$0x3FFE];
	[sflag:s23] =	ssyncadd.s32 $0xFFFFFFFF  }
0xa5: {  	s26 =	simm.s32 $execute0_lowered;
	[smem:$0x3FD2] =	sst s25  }
0xa6: {  	s5 =	sshll.u32 s26, $0x1;
	_ =	strace $0x80000049;
	[dreg:$0x1] =	wrdreg $0xFFFFFFFF  }
0xa7: {  	s28 =	simm.s32 $_size_execute0_lowered;
	s3 =	sadd.s32 s3, s5;
	[dreg:$0x0] =	wrdreg $0x0  }
0xa8: {  	s5 =	sshll.u32 s28, $0x1;
	[dreg:$0x2] =	wrdreg s3  }
0xa9: {  	[dreg:$0x3] =	wrdreg s5  }
0xaa: {  	[dreg:$0x4] =	wrdreg $0xC0  }
0xab: {  	_ =	task [dreg:s7], $0x5FFFF  }
0xac: {  	[dreg:$0x1] =	wrdreg $0xFFFFFFFF  }
0xad: {  	[dreg:$0x0] =	wrdreg $0x60  }
0xae: {  	[dreg:$0x2] =	wrdreg s24  }
0xaf: {  	[dreg:$0x3] =	wrdreg s2  }
0xb0: {  	[dreg:$0x4] =	wrdreg $0xCF000  }
0xb1: {  	[dreg:$0x5] =	wrdreg $0x9  }
0xb2: {  	_ =	task.clear_ibuf [dreg:s7], $0x6FFFF;
	_ =	strace $0x90000049  }
0xb3: {  	s29 =	simm.s32 $0x9;
	_ =	strace $0x8000004B  }
0xb4: {  	_ =	swait.ge [sflag:s29], $0x1  }
0xb5: {  	[sflag:s29] =	ssyncadd.s32 $0xFFFFFFFF  }
0xb6: {  	_ =	strace $0x9000004B  }
0xb7: {  	_ =	sfence  }
0xb8: {  	s30 =	sld [smem:$0x0];
	_ =	sdelay $0x2  }
0xb9: {  	s31 =	sshll.u32 s1, $0xD;
	s1 =	sshrl.u32 s1, $0x2  }
0xba: {  	s3 =	sand.u32 $0x4000, s31;
	s1 =	sadd.s32 s1, s30  }
0xbb: {  	s0 =	sor.u32 s3, s0;
	s1 =	sshll.u32 s1, $0x11  }
0xbc: {  	s0 =	sor.u32 s1, s0  }
0xbd: {  	s0 =	sadd.s32 $0x8F2B, s0  }
0xbe: {  	[sflag:s0] =	ssyncadd.remote.s32 $0x1  }
0xbf: {  	_ =	sfence.sel $0xFFFF  }
0xc0: {  	[dreg:$0x0] =	wrdreg $0xFFFFFFFF;
	(pc) =	sbr.abs _section_cstart, $3  }
0xc1: {  	[dreg:$0x1] =	wrdreg $0xFFFFFFFF  }
0xc2: {  	_ =	task.clear_ibuf [dreg:s7], $0x2FFFF;
	_ =	strace $0x9FFFFFFF  }
0xc3: {  	(tm) =	ssettm $0x7FFFFFFF  }
tec
execute0_lowered:
.L_overlay_start_1:
0x0: {  	(tag) =	ssettag $0x1  }
0x1: {  	s0 =	srdreg.scid;
	s1 =	rddreg [dreg:$0x0]  }
0x2: {  	s12 =	stileid.u32;
	s3 =	rddreg [dreg:$0x1]  }
0x3: {  	s4 =	simm.s32 $0x0;
	s18 =	simm.s32 $0x5;
	s19 =	simm.s32 $0x80  }
0x4: {  	s20 =	simm.s32 $0x4F00;
	s31 =	simm.s32 $0x100;
	s30 =	simm.s32 $0x0  }
0x5: {  	s0 =	sand.u32 $0x1, s0;
	[smem:$0x7FF] =	sst s4;
	s9 =	smul.u32 $0x13880, s12  }
0x6: {  	s4 =	sadd.s32 $0x77E00, s1;
	s5 =	sadd.s32 $0x64400, s1;
	s14 =	sadd.s32 $0xBC00, s1  }
0x7: {  	s21 =	smul.u32 $0x27100, s12;
	s29 =	sshll.u32 s12, $0x6;
	s2 =	sshll.u32 s0, $0x4  }
0x8: {  	s7 =	smul.u32 $0x138800, s0;
	s0 =	ssub.s32 $0x2, s0;
	s16 =	sor.u32 $0x1C05, s29  }
0x9: {  	s6 =	sor.u32 s12, s2;
	s2 =	rddreg [dreg:$0x2];
	_ =	strace $0x8000004A  }
0xa: {  	s11 =	sshrl.u32 s0, $0x1;
	[dreg:$0xb] =	wrdreg s14;
	s8 =	smul.u32 $0x4F0, s6  }
0xb: {  	s7 =	sadd.s32 s9, s7;
	p0 =	seq.s32 s6, $0x1F;
	s0 =	ssub.s32 s0, s11  }
0xc: {  	s6 =	sshrl.u32 s21, $0x2;
	s11 =	simm.s32 @!p0 $0x0;
	s0 =	smax.u32 s0, $0x1  }
0xd: {  	s9 =	sshrl.u32 s7, $0x3;
	s11 =	simm.s32 @p0 $0x1;
	[dreg:$0xa] =	wrdreg s0  }
0xe: {  	s10 =	sadd.s32 s8, s1;
	s8 =	sadd.s32 s3, s8;
	[smem:$0x7FD] =	sst s11  }
0xf: {  	s7 =	simm.s32 $0x33;
	s3 =	sadd.s32 $0x9910, s3;
	[dreg:$0x4] =	wrdreg s8  }
0x10: {  	s9 =	sadd.s32 s9, s1;
	s1 =	sadd.s32 $0xB710, s1;
	[dreg:$0x6] =	wrdreg s3  }
0x11: {  	s23 =	sadd.s32 s6, s2;
	s22 =	sadd.s32 $0x1E00, s10;
	[dreg:$0x7] =	wrdreg s1  }
0x12: {  	s7 =	simm.s32 @!p0 $0x4F;
	s25 =	sadd.s32 $0x8B800, s9;
	[dreg:$0x5] =	wrdreg s22  }
0x13: {  	s24 =	sshll.u32 s7, $0x9;
	s26 =	sadd.s32 $0x8B808, s9;
	[dreg:$0x8] =	wrdreg s25  }
0x14: {  	s17 =	sshrl.u32 s23, $0x3;
	[dreg:$0x9] =	wrdreg s26;
	s28 =	sadd.s32 $0x600, s24  }
0x15: {  	s22 =	simm.s32 $0x6F00;
	s26 =	simm.s32 $0x1;
	s15 =	sand.u32 $0x1F800, s28  }
.LBB2_1:
0x16: {  	s0 =	sld [smem:$0x7FD];
	_ =	sdelay $0x2  }
0x17: {  	p0 =	seq.s32 s0, $0x1  }
0x18: {  	s1 =	rddreg [dreg:$0x6];
	s0 =	simm.s32 @p0 $0x0  }
0x19: {  	[tilespmem:s0], [sflag:$0x5] =	stream.linear.gather @p0 [hbm4b:s1+s0], $0x1980, $0x38;
	[tilespmem:$0x16B40] =	vst v63  }
0x1a: {  	s1 =	simm.s32 @p0 $0x5  }
0x1b: {  	_ =	swait.ge @p0 [sflag:s1], $0x1980  }
0x1c: {  	[sflag:s1] =	ssyncset.done @p0 $0x0  }
0x1d: {  	s3 =	simm.s32 @p0 $0x2780;
	s6 =	rddreg [dreg:$0x7];
	[sflag:s1] =	ssyncadd.s32 @p0 $0xFFFFE680  }
0x1e: {  	[tilespmem:s3], [sflag:$0x5] =	stream.linear.gather @p0 [hbm4b:s6+s0], $0x1980, $0x38;
	[tilespmem:$0x16B40] =	vst v63  }
0x1f: {  	_ =	swait.ge @p0 [sflag:s1], $0x1980  }
0x20: {  	[sflag:s1] =	ssyncset.done @p0 $0x0  }
0x21: {  	s0 =	simm.s32 @!p0 $0x0;
	[sflag:s1] =	ssyncadd.s32 @p0 $0xFFFFE680;
	s1 =	rddreg [dreg:$0x4]  }
0x22: {  	[tilespmem:s0], [sflag:$0x5] =	stream.linear.gather @!p0 [hbm4b:s1+s0], $0x2780, $0x38;
	[tilespmem:$0x16B40] =	vst v63  }
0x23: {  	s1 =	simm.s32 @!p0 $0x5  }
0x24: {  	_ =	swait.ge @!p0 [sflag:s1], $0x2780  }
0x25: {  	[sflag:s1] =	ssyncset.done @!p0 $0x0  }
0x26: {  	s3 =	simm.s32 @!p0 $0x2780;
	s6 =	rddreg [dreg:$0x5];
	[sflag:s1] =	ssyncadd.s32 @!p0 $0xFFFFD880  }
0x27: {  	[tilespmem:s3], [sflag:$0x5] =	stream.linear.gather @!p0 [hbm4b:s6+s0], $0x2780, $0x38;
	[tilespmem:$0x16B40] =	vst v63  }
0x28: {  	_ =	swait.ge @!p0 [sflag:s1], $0x2780  }
0x29: {  	[sflag:s1] =	ssyncset.done @!p0 $0x0  }
0x2a: {  	[sflag:s1] =	ssyncadd.s32 @!p0 $0xFFFFD880  }
0x2b: {  	[spmem:s17], [sflag:s16] =	dma.local [hbm:s14], $0x1388  }
0x2c: {  	_ =	swait.ge [sflag:s18], $0x1388  }
0x2d: {  	s21 =	simm.s32 $0x0;
	[sflag:s18] =	ssyncset.done $0x0  }
0x2e: {  	s23 =	simm.s32 $0x180;
	s24 =	simm.s32 $0xAF00;
	[sflag:s18] =	ssyncadd.s32 $0xFFFFEC78  }
0x2f: {  	s25 =	simm.s32 $0x2780;
	p1 =	sle.u32 s7, $0x1;
	[bflag:$0x0] =	sbarrier.arrive $0xFFFF  }
0x30: {  	[tilespmem:s20], [sflag:$0x1] =	stream.indirect.gather [hbm4b:s4+s19], $0x40, s21, s19, $0xb8;
	[tilespmem:$0x16B40] =	vst v63  }
0x31: {  	p4 =	sle.u32 s7, $0x2;
	p3 =	sle.u32 s7, $0x3;
	p2 =	sne.s32 s15, $0x800  }
0x32: {  	[tilespmem:s22], [sflag:$0x2] =	stream.indirect.gather [hbm4b:s4+s19], $0x40, s19, s19, $0xb8;
	[tilespmem:$0x16B40] =	vst v63  }
0x33: {  	s9 =	simm.s32 @!p1 $0x5;
	s8 =	simm.s32 @!p1 $0x80;
	s22 =	simm.s32 $0x8F00  }
0x34: {  	[tilespmem:s22], [sflag:$0x3] =	stream.indirect.gather [hbm4b:s4+s19], $0x40, s31, s19, $0xb8;
	[tilespmem:$0x16B40] =	vst v63  }
0x35: {  	s13 =	simm.s32 @!p4 $0x3;
	p6 =	sle.u32 @!p3 s7, $0x7;
	p0 =	sle.u32 s7, $0x4  }
0x36: {  	[tilespmem:s24], [sflag:$0x4] =	stream.indirect.gather [hbm4b:s4+s19], $0x40, s23, s19, $0xb8;
	[tilespmem:$0x16B40] =	vst v63  }
0x37: {  	s10 =	simm.s32 @!p3 $0x5;
	s1 =	simm.s32 @!p0 $0x80;
	_ =	swait.ge [sflag:s26], $0x2000  }
0x38: {  	s0 =	simm.s32 @!p0 $0x200;
	s6 =	simm.s32 @!p0 $0x0;
	[sflag:s26] =	ssyncset.done $0x0  }
0x39: {  	s3 =	simm.s32 @!p0 $0x4F00;
	s6 =	simm.s32 @p0 $0x1;
	[sflag:s26] =	ssyncadd.s32 $0xFFFFE000  }
0x3a: {  	[spmem:s2] =	stream.indirect.scatter.add.f32 [tilespmem:s20], [sflag:$0x5], $0x40, s25, s19, $0xb8;
	[tilespmem:$0x16B40] =	vst v63  }
0x3b: {  	s21 =	simm.s32 @!p4 $0x5;
	_ =	swait.ge [sflag:s18], $0x2000;
	[dreg:$0xc] =	wrdreg s1  }
0x3c: {  	s31 =	simm.s32 $0x7;
	[dreg:$0xd] =	wrdreg s3;
	[sflag:s18] =	ssyncset.done $0x0  }
0x3d: {  	[smem:$0x7F9] =	sst s6;
	s6 =	simm.s32 @!p1 $0x6F00;
	[sflag:s18] =	ssyncadd.s32 $0xFFFFE000  }
0x3e: {  	[tilespmem:s3], [sflag:$0x1] =	stream.indirect.gather @!p0 [hbm4b:s4+s1], $0x40, s0, s1, $0xb8;
	[tilespmem:$0x16B40] =	vst v63  }
0x3f: {  	s3 =	simm.s32 @!p1 $0x2;
	s0 =	simm.s32 @!p1 $0x2800;
	p0 =	sle.u32 @!p1 s7, $0x5  }
0x40: {  	s1 =	simm.s32 @!p1 $0x80;
	_ =	swait.ge @!p1 [sflag:s3], $0x2000;
	[dreg:$0xe] =	wrdreg s8  }
0x41: {  	s8 =	simm.s32 @!p1 $0x6F00;
	p0 =	por p0, p1;
	[sflag:s3] =	ssyncset.done @!p1 $0x0  }
0x42: {  	[dreg:$0xf] =	wrdreg s8;
	s8 =	simm.s32 @!p1 $0x0;
	[sflag:s3] =	ssyncadd.s32 @!p1 $0xFFFFE000  }
0x43: {  	[spmem:s2] =	stream.indirect.scatter.add.f32 @!p1 [tilespmem:s6], [sflag:$0x5], $0x40, s0, s1, $0xb8;
	[tilespmem:$0x16B40] =	vst v63  }
0x44: {  	s24 =	simm.s32 @!p3 $0x4;
	s8 =	simm.s32 @p1 $0x1;
	s1 =	simm.s32 @!p0 $0x6F00  }
0x45: {  	s0 =	simm.s32 @!p0 $0x280;
	s6 =	simm.s32 @!p0 $0x80;
	_ =	swait.ge @!p1 [sflag:s9], $0x2000  }
0x46: {  	s25 =	smov.u32 s1;
	[smem:$0x7FA] =	sst s8;
	s8 =	simm.s32 @!p0 $0x0  }
0x47: {  	s28 =	smov.u32 s6;
	[sflag:s9] =	ssyncset.done @!p1 $0x0;
	s8 =	simm.s32 @p0 $0x1  }
0x48: {  	[sflag:s9] =	ssyncadd.s32 @!p1 $0xFFFFE000;
	p1 =	por p3, p3;
	[smem:$0x7FB] =	sst s8  }
0x49: {  	[tilespmem:s1], [sflag:$0x2] =	stream.indirect.gather @!p0 [hbm4b:s4+s6], $0x40, s0, s6, $0xb8;
	[tilespmem:$0x16B40] =	vst v63  }
0x4a: {  	s0 =	simm.s32 @!p4 $0x2880;
	p0 =	sle.u32 @!p4 s7, $0x6;
	_ =	swait.ge @!p4 [sflag:s13], $0x2000  }
0x4b: {  	s1 =	simm.s32 @!p4 $0x80;
	p0 =	por p0, p4;
	[sflag:s13] =	ssyncset.done @!p4 $0x0  }
0x4c: {  	s6 =	simm.s32 @!p4 $0x8F00;
	s8 =	simm.s32 @!p0 $0x0;
	[sflag:s13] =	ssyncadd.s32 @!p4 $0xFFFFE000  }
0x4d: {  	[spmem:s2] =	stream.indirect.scatter.add.f32 @!p4 [tilespmem:s6], [sflag:$0x5], $0x40, s0, s1, $0xb8;
	[tilespmem:$0x16B40] =	vst v63  }
0x4e: {  	s8 =	simm.s32 @p0 $0x1;
	s1 =	simm.s32 @!p0 $0x8F00;
	_ =	swait.ge @!p4 [sflag:s21], $0x2000  }
0x4f: {  	s0 =	simm.s32 @!p0 $0x300;
	s6 =	simm.s32 @!p0 $0x80;
	[sflag:s21] =	ssyncset.done @!p4 $0x0  }
0x50: {  	s29 =	smov.u32 s1;
	[smem:$0x7FC] =	sst s8;
	[sflag:s21] =	ssyncadd.s32 @!p4 $0xFFFFE000  }
0x51: {  	[tilespmem:s1], [sflag:$0x3] =	stream.indirect.gather @!p0 [hbm4b:s4+s6], $0x40, s0, s6, $0xb8;
	[tilespmem:$0x16B40] =	vst v63  }
.Ltmp0:
0x52: {  	s23 =	smov.u32 s6;
	_ =	swait.ge @!p3 [sflag:s24], $0x2000;
	(pc) =	sbr.rel @!p2 .LBB2_3-.Ltmp0, $4  }
0x53: {  	s8 =	simm.s32 @!p3 $0xAF00;
	s6 =	simm.s32 $0x800;
	[sflag:s24] =	ssyncset.done @!p3 $0x0  }
0x54: {  	s0 =	simm.s32 @!p3 $0x2900;
	s1 =	simm.s32 @!p3 $0x80;
	[sflag:s24] =	ssyncadd.s32 @!p3 $0xFFFFE000  }
0x55: {  	[spmem:s2] =	stream.indirect.scatter.add.f32 @!p3 [tilespmem:s8], [sflag:$0x5], $0x40, s0, s1, $0xb8;
	[tilespmem:$0x16B40] =	vst v63  }
0x56: {  	p0 =	por p6, p6;
	s1 =	simm.s32 @!p3 $0x5;
	s0 =	simm.s32 $0x0  }
.LBB2_2:
0x57: {  	_ =	swait.ge @!p1 [sflag:s10], $0x2000;
	p0 =	por p0, p1  }
0x58: {  	s11 =	smov.u32 s6;
	s6 =	sadd.s32 $0x800, s6;
	s8 =	smov.u32 s31  }
0x59: {  	[sflag:s10] =	ssyncset.done @!p1 $0x0;
	s0 =	sshra.s32 @!p0 s0, $0x2;
	s12 =	simm.s32 @!p0 $0x80  }
0x5a: {  	[sflag:s10] =	ssyncadd.s32 @!p1 $0xFFFFE000;
	s0 =	sadd.s32 @!p0 $0x380, s0;
	s10 =	simm.s32 @!p0 $0xAF00  }
0x5b: {  	[tilespmem:s10], [sflag:$0x4] =	stream.indirect.gather @!p0 [hbm4b:s4+s12], $0x40, s0, s12, $0xb8;
	[tilespmem:$0x16B40] =	vst v63  }
0x5c: {  	p5 =	sne.s32 s15, s6;
	s0 =	smov.u32 s11  }
0x5d: {  	_ =	swait.ge [sflag:s26], $0x2000  }
0x5e: {  	s10 =	sshra.s32 s0, $0x2;
	[sflag:s26] =	ssyncset.done $0x0  }
0x5f: {  	s11 =	sadd.s32 $0x1, s31;
	s10 =	sadd.s32 $0x2780, s10;
	[sflag:s26] =	ssyncadd.s32 $0xFFFFE000  }
0x60: {  	[spmem:s2] =	stream.indirect.scatter.add.f32 [tilespmem:s20], [sflag:$0x5], $0x40, s10, s19, $0xb8;
	[tilespmem:$0x16B40] =	vst v63  }
0x61: {  	p0 =	sge.u32 s11, s7;
	s10 =	sadd.s32 $0xFFFFFFFE, s31;
	_ =	swait.ge [sflag:s18], $0x2000  }
0x62: {  	s11 =	sshra.s32 @!p0 s0, $0x2;
	s12 =	simm.s32 @!p0 $0x80;
	[sflag:s18] =	ssyncset.done $0x0  }
0x63: {  	s14 =	simm.s32 @!p0 $0x4F00;
	s11 =	sadd.s32 @!p0 $0x200, s11;
	[sflag:s18] =	ssyncadd.s32 $0xFFFFE000  }
0x64: {  	[tilespmem:s14], [sflag:$0x1] =	stream.indirect.gather @!p0 [hbm4b:s4+s12], $0x40, s11, s12, $0xb8;
	[tilespmem:$0x16B40] =	vst v63  }
0x65: {  	s31 =	sadd.s32 $0x4, s31;
	p0 =	sge.u32 s10, s7;
	s10 =	sadd.s32 $0xFFFFFFFF, s8  }
0x66: {  	s11 =	simm.s32 @!p0 $0x2;
	s12 =	sshra.s32 @!p0 s0, $0x2;
	s14 =	sadd.s32 @!p0 $0x2, s8  }
0x67: {  	s12 =	sadd.s32 @!p0 $0x2800, s12;
	p1 =	sge.u32 @!p0 s14, s7;
	_ =	swait.ge @!p0 [sflag:s11], $0x2000  }
0x68: {  	s22 =	simm.s32 @!p0 $0x6F00;
	s14 =	simm.s32 @!p0 $0x80;
	[sflag:s11] =	ssyncset.done @!p0 $0x0  }
0x69: {  	p2 =	por p1, p0;
	[sflag:s11] =	ssyncadd.s32 @!p0 $0xFFFFE000;
	s11 =	simm.s32 @!p0 $0x5  }
0x6a: {  	[spmem:s2] =	stream.indirect.scatter.add.f32 @!p0 [tilespmem:s22], [sflag:$0x5], $0x40, s12, s14, $0xb8;
	[tilespmem:$0x16B40] =	vst v63  }
0x6b: {  	s12 =	sshra.s32 @!p2 s0, $0x2;
	s14 =	simm.s32 @!p2 $0x6F00;
	_ =	swait.ge @!p0 [sflag:s11], $0x2000  }
0x6c: {  	s22 =	simm.s32 @!p2 $0x80;
	s12 =	sadd.s32 @!p2 $0x280, s12;
	[sflag:s11] =	ssyncset.done @!p0 $0x0  }
0x6d: {  	p1 =	sge.u32 s8, s7;
	[sflag:s11] =	ssyncadd.s32 @!p0 $0xFFFFE000;
	p0 =	sge.u32 s10, s7  }
0x6e: {  	[tilespmem:s14], [sflag:$0x2] =	stream.indirect.gather @!p2 [hbm4b:s4+s22], $0x40, s12, s22, $0xb8;
	[tilespmem:$0x16B40] =	vst v63  }
0x6f: {  	s10 =	simm.s32 @!p0 $0x3;
	s11 =	sshra.s32 @!p0 s0, $0x2;
	s12 =	sadd.s32 @!p0 $0x3, s8  }
0x70: {  	s11 =	sadd.s32 @!p0 $0x2880, s11;
	p2 =	sge.u32 @!p0 s12, s7;
	_ =	swait.ge @!p0 [sflag:s10], $0x2000  }
0x71: {  	s14 =	simm.s32 @!p0 $0x8F00;
	s12 =	simm.s32 @!p0 $0x80;
	[sflag:s10] =	ssyncset.done @!p0 $0x0  }
0x72: {  	p2 =	por p2, p0;
	[sflag:s10] =	ssyncadd.s32 @!p0 $0xFFFFE000;
	s10 =	simm.s32 @!p0 $0x5  }
0x73: {  	[spmem:s2] =	stream.indirect.scatter.add.f32 @!p0 [tilespmem:s14], [sflag:$0x5], $0x40, s11, s12, $0xb8;
	[tilespmem:$0x16B40] =	vst v63  }
0x74: {  	s11 =	sshra.s32 @!p2 s0, $0x2;
	s12 =	simm.s32 @!p2 $0x8F00;
	_ =	swait.ge @!p0 [sflag:s10], $0x2000  }
0x75: {  	s14 =	simm.s32 @!p2 $0x80;
	s11 =	sadd.s32 @!p2 $0x300, s11;
	[sflag:s10] =	ssyncset.done @!p0 $0x0  }
0x76: {  	s22 =	sshra.s32 @!p1 s0, $0x2;
	[sflag:s10] =	ssyncadd.s32 @!p0 $0xFFFFE000;
	s10 =	simm.s32 @!p1 $0x4  }
0x77: {  	[tilespmem:s12], [sflag:$0x3] =	stream.indirect.gather @!p2 [hbm4b:s4+s14], $0x40, s11, s14, $0xb8;
	[tilespmem:$0x16B40] =	vst v63  }
.Ltmp1:
0x78: {  	_ = 	snop;
	(pc) =	sbr.rel @p5 .LBB2_2-.Ltmp1, $4  }
0x79: {  	s8 =	sadd.s32 @!p1 $0x4, s8;
	s11 =	sadd.s32 @!p1 $0x2900, s22;
	_ =	swait.ge @!p1 [sflag:s10], $0x2000  }
0x7a: {  	s12 =	simm.s32 @!p1 $0x80;
	s14 =	simm.s32 @!p1 $0xAF00;
	[sflag:s10] =	ssyncset.done @!p1 $0x0  }
0x7b: {  	p0 =	sge.u32 @!p1 s8, s7;
	[sflag:s10] =	ssyncadd.s32 @!p1 $0xFFFFE000;
	s10 =	simm.s32 @!p1 $0x5  }
0x7c: {  	[spmem:s2] =	stream.indirect.scatter.add.f32 @!p1 [tilespmem:s14], [sflag:$0x5], $0x40, s11, s12, $0xb8;
	[tilespmem:$0x16B40] =	vst v63  }
.LBB2_3:
0x7d: {  	_ =	swait.ge @!p1 [sflag:s10], $0x2000;
	p0 =	por p0, p1  }
0x7e: {  	[sflag:s10] =	ssyncset.done @!p1 $0x0;
	s0 =	sshra.s32 @!p0 s0, $0x2;
	s6 =	simm.s32 @!p0 $0x80  }
0x7f: {  	s8 =	simm.s32 @!p0 $0xAF00;
	[sflag:s10] =	ssyncadd.s32 @!p1 $0xFFFFE000;
	s0 =	sadd.s32 @!p0 $0x380, s0  }
0x80: {  	[tilespmem:s8], [sflag:$0x4] =	stream.indirect.gather @!p0 [hbm4b:s4+s6], $0x40, s0, s6, $0xb8;
	[tilespmem:$0x16B40] =	vst v63  }
0x81: {  	[bflag:$0x0] =	sbarrier.arrive $0xFFFF  }
0x82: {  	s14 =	simm.s32 $0x10;
	s22 =	simm.s32 $0x8;
	s12 =	rddreg [dreg:$0x8]  }
0x83: {  	[hbm:s12@s14], [sflag:s16] =	dma.strided [spmem:s17@s22], $0x1388, s26, $0x8   }
0x84: {  	_ =	swait.ge [sflag:s18], $0x1388  }
0x85: {  	[sflag:s18] =	ssyncset.done $0x0  }
0x86: {  	[sflag:s18] =	ssyncadd.s32 $0xFFFFEC78  }
0x87: {  	[bflag:$0x0] =	sbarrier.arrive $0xFFFF  }
0x88: {  	s14 =	rddreg [dreg:$0xb]  }
0x89: {  	[spmem:s17], [sflag:s16] =	dma.local [hbm:s14], $0x1388  }
0x8a: {  	_ =	swait.ge [sflag:s18], $0x1388  }
0x8b: {  	[sflag:s18] =	ssyncset.done $0x0  }
0x8c: {  	[sflag:s18] =	ssyncadd.s32 $0xFFFFEC78  }
0x8d: {  	s6 =	simm.s32 $0x0;
	[bflag:$0x0] =	sbarrier.arrive $0xFFFF  }
0x8e: {  	[tilespmem:s20], [sflag:$0x1] =	stream.indirect.gather [hbm4b:s5+s19], $0x40, s6, s19, $0xb8;
	[tilespmem:$0x16B40] =	vst v63  }
0x8f: {  	s22 =	simm.s32 $0x6F00  }
0x90: {  	[tilespmem:s22], [sflag:$0x2] =	stream.indirect.gather [hbm4b:s5+s19], $0x40, s19, s19, $0xb8;
	[tilespmem:$0x16B40] =	vst v63  }
0x91: {  	s31 =	simm.s32 $0x100;
	s10 =	simm.s32 $0x8F00  }
0x92: {  	[tilespmem:s10], [sflag:$0x3] =	stream.indirect.gather [hbm4b:s5+s19], $0x40, s31, s19, $0xb8;
	[tilespmem:$0x16B40] =	vst v63  }
0x93: {  	s11 =	simm.s32 $0x180;
	s12 =	simm.s32 $0xAF00  }
0x94: {  	[tilespmem:s12], [sflag:$0x4] =	stream.indirect.gather [hbm4b:s5+s19], $0x40, s11, s19, $0xb8;
	[tilespmem:$0x16B40] =	vst v63  }
0x95: {  	_ =	swait.ge [sflag:s26], $0x2000  }
0x96: {  	[sflag:s26] =	ssyncset.done $0x0  }
0x97: {  	s8 =	simm.s32 $0x2780;
	[sflag:s26] =	ssyncadd.s32 $0xFFFFE000  }
0x98: {  	[spmem:s2] =	stream.indirect.scatter.add.f32 [tilespmem:s20], [sflag:$0x5], $0x40, s8, s19, $0xb8;
	[tilespmem:$0x16B40] =	vst v63  }
0x99: {  	_ =	swait.ge [sflag:s18], $0x2000  }
0x9a: {  	s10 =	sld [smem:$0x7F9];
	_ =	sdelay $0x1  }
0x9b: {  	s8 =	rddreg [dreg:$0xc]  }
0x9c: {  	[sflag:s18] =	ssyncset.done $0x0;
	s11 =	sld [smem:$0x7FA];
	p0 =	seq.s32 s10, $0x1  }
0x9d: {  	[sflag:s18] =	ssyncadd.s32 $0xFFFFE000;
	s10 =	rddreg [dreg:$0xd];
	s0 =	simm.s32 @!p0 $0x200  }
0x9e: {  	[tilespmem:s10], [sflag:$0x1] =	stream.indirect.gather @!p0 [hbm4b:s5+s8], $0x40, s0, s8, $0xb8;
	[tilespmem:$0x16B40] =	vst v63  }
0x9f: {  	p0 =	seq.s32 s11, $0x1  }
0xa0: {  	_ =	swait.ge @!p0 [sflag:s3], $0x2000  }
0xa1: {  	[sflag:s3] =	ssyncset.done @!p0 $0x0;
	s8 =	rddreg [dreg:$0xf]  }
0xa2: {  	s0 =	simm.s32 @!p0 $0x2800;
	[sflag:s3] =	ssyncadd.s32 @!p0 $0xFFFFE000;
	s3 =	rddreg [dreg:$0xe]  }
0xa3: {  	[spmem:s2] =	stream.indirect.scatter.add.f32 @!p0 [tilespmem:s8], [sflag:$0x5], $0x40, s0, s3, $0xb8;
	[tilespmem:$0x16B40] =	vst v63  }
0xa4: {  	_ =	swait.ge @!p0 [sflag:s9], $0x2000  }
0xa5: {  	s12 =	sld [smem:$0x7FB];
	_ =	sdelay $0x1  }
0xa6: {  	[sflag:s9] =	ssyncset.done @!p0 $0x0  }
0xa7: {  	[sflag:s9] =	ssyncadd.s32 @!p0 $0xFFFFE000;
	p0 =	seq.s32 s12, $0x1  }
0xa8: {  	s0 =	simm.s32 @!p0 $0x280  }
0xa9: {  	[tilespmem:s25], [sflag:$0x2] =	stream.indirect.gather @!p0 [hbm4b:s5+s28], $0x40, s0, s28, $0xb8;
	[tilespmem:$0x16B40] =	vst v63  }
0xaa: {  	_ =	swait.ge @!p4 [sflag:s13], $0x2000  }
0xab: {  	s3 =	simm.s32 @!p4 $0x80;
	[sflag:s13] =	ssyncset.done @!p4 $0x0  }
0xac: {  	s8 =	simm.s32 @!p4 $0x8F00;
	s0 =	simm.s32 @!p4 $0x2880;
	[sflag:s13] =	ssyncadd.s32 @!p4 $0xFFFFE000  }
0xad: {  	[spmem:s2] =	stream.indirect.scatter.add.f32 @!p4 [tilespmem:s8], [sflag:$0x5], $0x40, s0, s3, $0xb8;
	[tilespmem:$0x16B40] =	vst v63  }
0xae: {  	_ =	swait.ge @!p4 [sflag:s21], $0x2000  }
0xaf: {  	s28 =	sld [smem:$0x7FC];
	_ =	sdelay $0x2  }
0xb0: {  	[sflag:s21] =	ssyncset.done @!p4 $0x0;
	p0 =	seq.s32 s28, $0x1  }
0xb1: {  	[sflag:s21] =	ssyncadd.s32 @!p4 $0xFFFFE000;
	s0 =	simm.s32 @!p0 $0x300  }
0xb2: {  	[tilespmem:s29], [sflag:$0x3] =	stream.indirect.gather @!p0 [hbm4b:s5+s23], $0x40, s0, s23, $0xb8;
	[tilespmem:$0x16B40] =	vst v63  }
0xb3: {  	p0 =	sne.s32 s15, $0x800  }
.Ltmp2:
0xb4: {  	_ =	swait.ge @!p3 [sflag:s24], $0x2000;
	(pc) =	sbr.rel @!p0 .LBB2_5-.Ltmp2, $4  }
0xb5: {  	s3 =	simm.s32 @!p3 $0x80;
	[sflag:s24] =	ssyncset.done @!p3 $0x0  }
0xb6: {  	s8 =	simm.s32 @!p3 $0xAF00;
	s0 =	simm.s32 @!p3 $0x2900;
	[sflag:s24] =	ssyncadd.s32 @!p3 $0xFFFFE000  }
0xb7: {  	[spmem:s2] =	stream.indirect.scatter.add.f32 @!p3 [tilespmem:s8], [sflag:$0x5], $0x40, s0, s3, $0xb8;
	[tilespmem:$0x16B40] =	vst v63  }
0xb8: {  	s0 =	simm.s32 $0x800;
	s3 =	simm.s32 $0x7  }
.LBB2_4:
0xb9: {  	_ =	swait.ge @!p3 [sflag:s1], $0x2000;
	p0 =	por p6, p3  }
0xba: {  	s9 =	smov.u32 s0;
	s0 =	sadd.s32 $0x800, s0;
	s8 =	smov.u32 s3  }
0xbb: {  	[sflag:s1] =	ssyncset.done @!p3 $0x0;
	s6 =	sshra.s32 @!p0 s6, $0x2;
	s10 =	simm.s32 @!p0 $0x80  }
0xbc: {  	[sflag:s1] =	ssyncadd.s32 @!p3 $0xFFFFE000;
	s1 =	sadd.s32 @!p0 $0x380, s6;
	s6 =	simm.s32 @!p0 $0xAF00  }
0xbd: {  	[tilespmem:s6], [sflag:$0x4] =	stream.indirect.gather @!p0 [hbm4b:s5+s10], $0x40, s1, s10, $0xb8;
	[tilespmem:$0x16B40] =	vst v63  }
0xbe: {  	p2 =	sne.s32 s15, s0;
	s6 =	smov.u32 s9  }
0xbf: {  	_ =	swait.ge [sflag:s26], $0x2000  }
0xc0: {  	s1 =	sshra.s32 s6, $0x2;
	[sflag:s26] =	ssyncset.done $0x0  }
0xc1: {  	s9 =	sadd.s32 $0x1, s3;
	s1 =	sadd.s32 $0x2780, s1;
	[sflag:s26] =	ssyncadd.s32 $0xFFFFE000  }
0xc2: {  	[spmem:s2] =	stream.indirect.scatter.add.f32 [tilespmem:s20], [sflag:$0x5], $0x40, s1, s19, $0xb8;
	[tilespmem:$0x16B40] =	vst v63  }
0xc3: {  	p0 =	sge.u32 s9, s7;
	s1 =	sadd.s32 $0xFFFFFFFE, s3;
	_ =	swait.ge [sflag:s18], $0x2000  }
0xc4: {  	s9 =	sshra.s32 @!p0 s6, $0x2;
	s10 =	simm.s32 @!p0 $0x80;
	[sflag:s18] =	ssyncset.done $0x0  }
0xc5: {  	s11 =	simm.s32 @!p0 $0x4F00;
	s9 =	sadd.s32 @!p0 $0x200, s9;
	[sflag:s18] =	ssyncadd.s32 $0xFFFFE000  }
0xc6: {  	[tilespmem:s11], [sflag:$0x1] =	stream.indirect.gather @!p0 [hbm4b:s5+s10], $0x40, s9, s10, $0xb8;
	[tilespmem:$0x16B40] =	vst v63  }
0xc7: {  	s3 =	sadd.s32 $0x4, s3;
	p0 =	sge.u32 s1, s7;
	s1 =	sadd.s32 $0xFFFFFFFF, s8  }
0xc8: {  	s9 =	simm.s32 @!p0 $0x2;
	s10 =	sshra.s32 @!p0 s6, $0x2;
	s11 =	sadd.s32 @!p0 $0x2, s8  }
0xc9: {  	s10 =	sadd.s32 @!p0 $0x2800, s10;
	p1 =	sge.u32 @!p0 s11, s7;
	_ =	swait.ge @!p0 [sflag:s9], $0x2000  }
0xca: {  	s12 =	simm.s32 @!p0 $0x6F00;
	s11 =	simm.s32 @!p0 $0x80;
	[sflag:s9] =	ssyncset.done @!p0 $0x0  }
0xcb: {  	p1 =	por p1, p0;
	[sflag:s9] =	ssyncadd.s32 @!p0 $0xFFFFE000;
	s9 =	simm.s32 @!p0 $0x5  }
0xcc: {  	[spmem:s2] =	stream.indirect.scatter.add.f32 @!p0 [tilespmem:s12], [sflag:$0x5], $0x40, s10, s11, $0xb8;
	[tilespmem:$0x16B40] =	vst v63  }
0xcd: {  	s10 =	sshra.s32 @!p1 s6, $0x2;
	s11 =	simm.s32 @!p1 $0x6F00;
	_ =	swait.ge @!p0 [sflag:s9], $0x2000  }
0xce: {  	s12 =	simm.s32 @!p1 $0x80;
	s10 =	sadd.s32 @!p1 $0x280, s10;
	[sflag:s9] =	ssyncset.done @!p0 $0x0  }
0xcf: {  	p3 =	sge.u32 s8, s7;
	[sflag:s9] =	ssyncadd.s32 @!p0 $0xFFFFE000;
	p0 =	sge.u32 s1, s7  }
0xd0: {  	[tilespmem:s11], [sflag:$0x2] =	stream.indirect.gather @!p1 [hbm4b:s5+s12], $0x40, s10, s12, $0xb8;
	[tilespmem:$0x16B40] =	vst v63  }
0xd1: {  	s1 =	simm.s32 @!p0 $0x3;
	s9 =	sshra.s32 @!p0 s6, $0x2;
	s10 =	sadd.s32 @!p0 $0x3, s8  }
0xd2: {  	s9 =	sadd.s32 @!p0 $0x2880, s9;
	p1 =	sge.u32 @!p0 s10, s7;
	_ =	swait.ge @!p0 [sflag:s1], $0x2000  }
0xd3: {  	s11 =	simm.s32 @!p0 $0x8F00;
	s10 =	simm.s32 @!p0 $0x80;
	[sflag:s1] =	ssyncset.done @!p0 $0x0  }
0xd4: {  	p1 =	por p1, p0;
	[sflag:s1] =	ssyncadd.s32 @!p0 $0xFFFFE000;
	s1 =	simm.s32 @!p0 $0x5  }
0xd5: {  	[spmem:s2] =	stream.indirect.scatter.add.f32 @!p0 [tilespmem:s11], [sflag:$0x5], $0x40, s9, s10, $0xb8;
	[tilespmem:$0x16B40] =	vst v63  }
0xd6: {  	s9 =	sshra.s32 @!p1 s6, $0x2;
	s10 =	simm.s32 @!p1 $0x8F00;
	_ =	swait.ge @!p0 [sflag:s1], $0x2000  }
0xd7: {  	s11 =	simm.s32 @!p1 $0x80;
	s9 =	sadd.s32 @!p1 $0x300, s9;
	[sflag:s1] =	ssyncset.done @!p0 $0x0  }
0xd8: {  	s12 =	sshra.s32 @!p3 s6, $0x2;
	[sflag:s1] =	ssyncadd.s32 @!p0 $0xFFFFE000;
	s1 =	simm.s32 @!p3 $0x4  }
0xd9: {  	[tilespmem:s10], [sflag:$0x3] =	stream.indirect.gather @!p1 [hbm4b:s5+s11], $0x40, s9, s11, $0xb8;
	[tilespmem:$0x16B40] =	vst v63  }
.Ltmp3:
0xda: {  	_ = 	snop;
	(pc) =	sbr.rel @p2 .LBB2_4-.Ltmp3, $4  }
0xdb: {  	s8 =	sadd.s32 @!p3 $0x4, s8;
	s9 =	sadd.s32 @!p3 $0x2900, s12;
	_ =	swait.ge @!p3 [sflag:s1], $0x2000  }
0xdc: {  	s10 =	simm.s32 @!p3 $0x80;
	s11 =	simm.s32 @!p3 $0xAF00;
	[sflag:s1] =	ssyncset.done @!p3 $0x0  }
0xdd: {  	p6 =	sge.u32 @!p3 s8, s7;
	[sflag:s1] =	ssyncadd.s32 @!p3 $0xFFFFE000;
	s1 =	simm.s32 @!p3 $0x5  }
0xde: {  	[spmem:s2] =	stream.indirect.scatter.add.f32 @!p3 [tilespmem:s11], [sflag:$0x5], $0x40, s9, s10, $0xb8;
	[tilespmem:$0x16B40] =	vst v63  }
.LBB2_5:
0xdf: {  	_ =	swait.ge @!p3 [sflag:s1], $0x2000;
	p0 =	por p6, p3  }
0xe0: {  	[sflag:s1] =	ssyncset.done @!p3 $0x0;
	s0 =	sshra.s32 @!p0 s6, $0x2;
	s3 =	simm.s32 @!p0 $0x80  }
0xe1: {  	[sflag:s1] =	ssyncadd.s32 @!p3 $0xFFFFE000;
	s0 =	sadd.s32 @!p0 $0x380, s0;
	s1 =	simm.s32 @!p0 $0xAF00  }
0xe2: {  	[tilespmem:s1], [sflag:$0x4] =	stream.indirect.gather @!p0 [hbm4b:s5+s3], $0x40, s0, s3, $0xb8;
	[tilespmem:$0x16B40] =	vst v63  }
0xe3: {  	[bflag:$0x0] =	sbarrier.arrive $0xFFFF  }
0xe4: {  	s25 =	simm.s32 $0x10;
	s28 =	simm.s32 $0x8;
	s24 =	rddreg [dreg:$0x9]  }
0xe5: {  	[hbm:s24@s25], [sflag:s16] =	dma.strided [spmem:s17@s28], $0x1388, s26, $0x8   }
0xe6: {  	_ =	swait.ge [sflag:s18], $0x1388  }
0xe7: {  	s30 =	sadd.s32 $0x1, s30;
	s29 =	rddreg [dreg:$0xa]  }
0xe8: {  	p0 =	sne.s32 s30, s29  }
.Ltmp4:
0xe9: {  	_ = 	snop;
	(pc) =	sbr.rel @p0 .LBB2_1-.Ltmp4, $3  }
0xea: {  	[sflag:s18] =	ssyncset.done $0x0  }
0xeb: {  	[sflag:s18] =	ssyncadd.s32 $0xFFFFEC78  }
0xec: {  	[bflag:$0x0] =	sbarrier.arrive $0xFFFF;
	_ =	sdelay $0x1  }
0xed: {  	_ =	sfence.sel $0x180000  }
0xee: {  	[bflag:$0x0] =	sbarrier.arrive $0xFFFF  }
0xef: {  	_ =	strace $0x9000004A  }
0xf0: {  	s0 =	stileid.u32;
	[bflag:$0x2] =	sbarrier.arrive $0xFFFF  }
0xf1: {  	p0 =	sne.s32 s0, $0x0;
	s0 =	rddreg [dreg:$0x3]  }
0xf2: {  	s0 =	sadd.s32 @!p0 $0x100000, s0  }
0xf3: {  	[sflag:s0] =	ssyncadd.tile.s32 @!p0 $0x1;
	_ =	shalt  }
.Lfunc_end2:
_tile_overlayer_lowered:
.L_overlay_start_2:
0xf4: {  	(tag) =	ssettag $0x2  }
0xf5: {  	s0 =	rddreg [dreg:$0x0];
	s2 =	stileid.u32  }
0xf6: {  	s1 =	rddreg [dreg:$0x1];
	p0 =	sne.s32 s2, $0x0  }
0xf7: {  	s3 =	rddreg [dreg:$0x2];
	[bflag:$0x3] =	sbarrier.arrive $0xFFFF;
	s2 =	simm.s32 @!p0 $0x1C05  }
0xf8: {  	[timem:s3], [sflag:s2] =	dma.local @!p0 [hbm:s0], s1  }
0xf9: {  	s0 =	simm.s32 @!p0 $0x5  }
0xfa: {  	_ =	swait.ge @!p0 [sflag:s0], s1  }
0xfb: {  	s1 =	ssub.s32 @!p0 $0x0, s1;
	[sflag:s0] =	ssyncset.done @!p0 $0x0  }
0xfc: {  	[sflag:s0] =	ssyncadd.s32 @!p0 s1  }
0xfd: {  	[bflag:$0x3] =	sbarrier.arrive $0xFFFF  }
0xfe: {  	_ =	shalt  }

// kernel: kernel.14.cloned.1.call-start
scs
__scs_entry_jumppad:
0x0: {  	(pc) =	sbr.rel $0x88, $3  }
0x1: {  	(tag) =	ssettag $0x0;
	lr =	simm.s32 $0x1  }
0x2: {  	[smem:$0x3F99] =	sst lr;
	_ =	strace $0xD0000000  }
0x3: {  	_ = 	snop  }
0x4: {  	_ = 	snop  }
0x5: {  	_ = 	snop  }
0x6: {  	_ = 	snop  }
0x7: {  	_ = 	snop  }
__scs_overlays_trampoline_lowered:
0x8: {  	[smem:$0x3FA8] =	sst s0  }
0x9: {  	[smem:$0x3FA9] =	sst s1  }
0xa: {  	[smem:$0x3FAA] =	sst s2  }
0xb: {  	[smem:$0x3FAB] =	sst s3  }
0xc: {  	[smem:$0x3FAC] =	sst s4  }
0xd: {  	[smem:$0x3FAD] =	sst s5  }
0xe: {  	[smem:$0x3FAE] =	sst s6  }
0xf: {  	[smem:$0x3FAF] =	sst s7  }
0x10: {  	[smem:$0x3FB0] =	sst s8  }
0x11: {  	[smem:$0x3FB1] =	sst s9;
	s0 =	simm.s32 @!p0 $0x0  }
0x12: {  	s1 =	sld [smem:$0x3F97];
	s0 =	simm.s32 @p0 $0x1  }
0x13: {  	[smem:$0x3FB2] =	sst s0;
	s0 =	simm.s32 @!p1 $0x0  }
0x14: {  	s2 =	sld [smem:$0x3F96];
	s0 =	simm.s32 @p1 $0x1  }
0x15: {  	[smem:$0x3FB3] =	sst s0;
	s0 =	simm.s32 @!p2 $0x0  }
0x16: {  	s3 =	sld [smem:$0x3FDB];
	s0 =	simm.s32 @p2 $0x1  }
0x17: {  	s4 =	simm.s32 $0x1BF5;
	[smem:$0x3FB5] =	sst s0  }
0x18: {  	s0 =	sld [smem:$0x3F98];
	_ =	swait.ge [sflag:s4], $0x0  }
0x19: {  	s7 =	sld [smem:$0x3F99]  }
0x1a: {  	s8 =	sadd.s32 $0xFFFFE003, lr  }
0x1b: {  	s9 =	sadd.s32 $0xFFFFFEF7, lr;
	s5 =	simm.s32 $0xFFFFFFFF;
	p2 =	slt.u32 s8, $0xFFFFF086  }
0x1c: {  	p1 =	slt.u32 s9, $0xF7A;
	s5 =	simm.s32 @!p2 $0x0  }
0x1d: {  	s5 =	simm.s32 @p1 $0x1;
	p0 =	seq.s32 s7, s2  }
0x1e: {  	s7 =	smul.u32 @!p0 $0xF7A, s2;
	p2 =	seq.s32 @!p0 s5, $0x0  }
0x1f: {  	s9 =	smul.u32 $0xF7A, s1;
	s8 =	simm.s32 @!p0 $0x1BF5;
	p2 =	por !p2, p0  }
0x20: {  	[sflag:s8] =	ssyncset.s32 @!p0 $0xFFFFF086;
	s6 =	sadd.s32 @!p0 s3, s7;
	s7 =	simm.s32 @!p0 $0x108  }
0x21: {  	s3 =	sadd.s32 s3, s9;
	s6 =	sadd.s32 @!p0 $0x88, s6;
	s7 =	simm.s32 @p2 $0x1082  }
0x22: {  	[simem:s7], [sflag:s8] =	dma.local @!p0 [hbm:s6], $0xF7A  }
0x23: {  	s9 =	sor.u32 $0xD0000000, s2;
	s6 =	simm.s32 $0x108;
	_ =	swait.ge @!p0 [sflag:s8], $0x0  }
0x24: {  	s3 =	sadd.s32 $0x88, s3;
	s6 =	simm.s32 @!p1 $0x1082;
	[sflag:s4] =	ssyncset.s32 $0xFFFFF086  }
0x25: {  	[simem:s6], [sflag:s4] =	dma.local [hbm:s3], $0xF7A  }
0x26: {  	[smem:$0x3F99] =	sst s1;
	(tag) =	ssettag s2;
	_ =	strace s9  }
0x27: {  	s1 =	sld [smem:$0x3FA9]  }
0x28: {  	s2 =	sld [smem:$0x3FAA]  }
0x29: {  	s4 =	sld [smem:$0x3FAC]  }
0x2a: {  	p0 =	seq.s32 s5, $0x0;
	s5 =	sld [smem:$0x3FAD]  }
0x2b: {  	s6 =	sld [smem:$0x3FAE]  }
0x2c: {  	s7 =	sld [smem:$0x3FAF]  }
0x2d: {  	s3 =	simm.s32 $0x108;
	s8 =	sld [smem:$0x3FB0]  }
0x2e: {  	s3 =	simm.s32 @!p0 $0x1082;
	s9 =	sld [smem:$0x3FB1]  }
0x2f: {  	lr =	sadd.s32 s0, s3;
	s0 =	sld [smem:$0x3FA8]  }
0x30: {  	s3 =	sld [smem:$0x3FAB]  }
0x31: {  	[smem:$0x3FB4] =	sst s10  }
0x32: {  	s10 =	sld [smem:$0x3FB2];
	_ =	sdelay $0x3  }
0x33: {  	p0 =	seq.s32 s10, $0x1;
	s10 =	sld [smem:$0x3FB4];
	_ =	sdelay $0x3  }
0x34: {  	[smem:$0x3FB4] =	sst s10  }
0x35: {  	s10 =	sld [smem:$0x3FB3];
	_ =	sdelay $0x3  }
0x36: {  	p1 =	seq.s32 s10, $0x1;
	s10 =	sld [smem:$0x3FB4];
	_ =	sdelay $0x3  }
0x37: {  	[smem:$0x3FB4] =	sst s10  }
0x38: {  	s10 =	sld [smem:$0x3FB5]  }
0x39: {  	_ = 	snop;
	(pc) =	sbr.ind lr, $3  }
0x3a: {  	_ = 	snop  }
0x3b: {  	_ = 	snop  }
0x3c: {  	p2 =	seq.s32 s10, $0x1;
	s10 =	sld [smem:$0x3FB4]  }
0x3d: {  	_ =	shalt  }
0x3e: {  	_ =	shalt  }
0x3f: {  	_ =	shalt  }
0x40: {  	_ =	shalt  }
0x41: {  	_ =	shalt  }
0x42: {  	_ =	shalt  }
0x43: {  	_ =	shalt  }
0x44: {  	_ =	shalt  }
0x45: {  	_ =	shalt  }
0x46: {  	_ =	shalt  }
0x47: {  	_ =	shalt  }
0x48: {  	_ =	shalt  }
0x49: {  	_ =	shalt  }
0x4a: {  	_ =	shalt  }
0x4b: {  	_ =	shalt  }
0x4c: {  	_ =	shalt  }
0x4d: {  	_ =	shalt  }
0x4e: {  	_ =	shalt  }
0x4f: {  	_ =	shalt  }
0x50: {  	_ =	shalt  }
0x51: {  	_ =	shalt  }
0x52: {  	_ =	shalt  }
0x53: {  	_ =	shalt  }
0x54: {  	_ =	shalt  }
0x55: {  	_ =	shalt  }
0x56: {  	_ =	shalt  }
0x57: {  	_ =	shalt  }
0x58: {  	_ =	shalt  }
0x59: {  	_ =	shalt  }
0x5a: {  	_ =	shalt  }
0x5b: {  	_ =	shalt  }
0x5c: {  	_ =	shalt  }
0x5d: {  	_ =	shalt  }
0x5e: {  	_ =	shalt  }
0x5f: {  	_ =	shalt  }
0x60: {  	_ =	shalt  }
0x61: {  	_ =	shalt  }
0x62: {  	_ =	shalt  }
0x63: {  	_ =	shalt  }
0x64: {  	_ =	shalt  }
0x65: {  	_ =	shalt  }
0x66: {  	_ =	shalt  }
0x67: {  	_ =	shalt  }
0x68: {  	_ =	shalt  }
0x69: {  	_ =	shalt  }
0x6a: {  	_ =	shalt  }
0x6b: {  	_ =	shalt  }
0x6c: {  	_ =	shalt  }
0x6d: {  	_ =	shalt  }
0x6e: {  	_ =	shalt  }
0x6f: {  	_ =	shalt  }
0x70: {  	_ =	shalt  }
0x71: {  	_ =	shalt  }
0x72: {  	_ =	shalt  }
0x73: {  	_ =	shalt  }
0x74: {  	_ =	shalt  }
0x75: {  	_ =	shalt  }
0x76: {  	_ =	shalt  }
0x77: {  	_ =	shalt  }
0x78: {  	_ =	shalt  }
0x79: {  	_ =	shalt  }
0x7a: {  	_ =	shalt  }
0x7b: {  	_ =	shalt  }
0x7c: {  	_ =	shalt  }
0x7d: {  	_ =	shalt  }
0x7e: {  	_ =	shalt  }
0x7f: {  	_ =	shalt  }
0x80: {  	_ =	shalt  }
0x81: {  	_ =	shalt  }
0x82: {  	_ =	shalt  }
0x83: {  	_ =	shalt  }
0x84: {  	_ =	shalt  }
0x85: {  	_ =	shalt  }
0x86: {  	_ =	shalt  }
0x87: {  	_ =	shalt  }
.Lfunc_end0:
.L_simem_size_0:
called_computation.2_lowered:
.L_overlay_start_0:
0x88: {  	s2 =	sld [smem:$0x3FD9]  }
0x89: {  	s3 =	sld [smem:$0x3FFE];
	_ =	sdelay $0x1  }
0x8a: {  	s1 =	srdreg.scid  }
0x8b: {  	s0 =	sand.u32 $0x1, s1  }
0x8c: {  	s17 =	sshll.u32 s0, $0xA;
	s2 =	sadd.s32 s3, s2  }
0x8d: {  	s2 =	sadd.s32 s2, s17  }
0x8e: {  	[smem:$0x3FC0] =	sst s2  }
0x8f: {  	_ = 	snop  }
0x90: {  	s2 =	sld [smem:$0x3FD0];
	(tm) =	ssettm $0x1  }
0x91: {  	s18 =	sld [smem:$0x3FFB];
	_ =	sdelay $0x3  }
0x92: {  	_ =	strace s18  }
0x93: {  	s3 =	sld [smem:$0x3FFC];
	_ =	sdelay $0x3  }
0x94: {  	_ =	strace s3  }
0x95: {  	s3 =	sld [smem:$0x3FFD];
	_ =	sdelay $0x3  }
0x96: {  	_ =	strace s3  }
0x97: {  	_ =	strace $0x8FFFFFFF  }
0x98: {  	s19 =	sld [smem:$0x3FDB];
	_ =	sdelay $0x1  }
0x99: {  	s4 =	simm.s32 $_scs_section_size  }
0x9a: {  	s5 =	simm.s32 $_size__tile_overlayer_lowered;
	s6 =	simm.s32 $_tile_overlayer_lowered  }
0x9b: {  	s22 =	simm.s32 $0x1BFF;
	s21 =	sshll.u32 s6, $0x1;
	s3 =	sadd.s32 s4, s19  }
0x9c: {  	s7 =	simm.s32 $0x0;
	s20 =	sshll.u32 s5, $0x1;
	s5 =	sadd.s32 s21, s3  }
0x9d: {  	[timem:s7], [sflag:s22] =	dma.local [hbm:s5], s20  }
0x9e: {  	_ =	swait.ge [sflag:s22], s20  }
0x9f: {  	s4 =	ssub.s32 $0x0, s20;
	[sflag:s22] =	ssyncset.done $0x0  }
0xa0: {  	[sflag:s22] =	ssyncadd.s32 s4;
	_ =	sdelay $0x1  }
0xa1: {  	s23 =	simm.s32 $0x1B8B  }
0xa2: {  	_ =	swait.ge [sflag:s23], $0x1  }
0xa3: {  	[sflag:s23] =	ssyncset.done $0x0  }
0xa4: {  	s25 =	simm.s32 $0x1B8E;
	s24 =	sld [smem:$0x3FFE];
	[sflag:s23] =	ssyncadd.s32 $0xFFFFFFFF  }
0xa5: {  	s26 =	simm.s32 $execute0_lowered;
	[smem:$0x3FD2] =	sst s25  }
0xa6: {  	s5 =	sshll.u32 s26, $0x1;
	_ =	strace $0x8000004C;
	[dreg:$0x1] =	wrdreg $0xFFFFFFFF  }
0xa7: {  	s28 =	simm.s32 $_size_execute0_lowered;
	s3 =	sadd.s32 s3, s5;
	[dreg:$0x0] =	wrdreg $0x0  }
0xa8: {  	s5 =	sshll.u32 s28, $0x1;
	[dreg:$0x2] =	wrdreg s3  }
0xa9: {  	[dreg:$0x3] =	wrdreg s5  }
0xaa: {  	[dreg:$0x4] =	wrdreg $0xC0  }
0xab: {  	_ =	task [dreg:s7], $0x5FFFF  }
0xac: {  	[dreg:$0x1] =	wrdreg $0xFFFFFFFF  }
0xad: {  	[dreg:$0x0] =	wrdreg $0x60  }
0xae: {  	[dreg:$0x2] =	wrdreg s24  }
0xaf: {  	[dreg:$0x3] =	wrdreg s2  }
0xb0: {  	[dreg:$0x4] =	wrdreg $0xCF000  }
0xb1: {  	[dreg:$0x5] =	wrdreg $0x9  }
0xb2: {  	_ =	task.clear_ibuf [dreg:s7], $0x6FFFF;
	_ =	strace $0x9000004C  }
0xb3: {  	s29 =	simm.s32 $0x9;
	_ =	strace $0x8000004E  }
0xb4: {  	_ =	swait.ge [sflag:s29], $0x1  }
0xb5: {  	[sflag:s29] =	ssyncadd.s32 $0xFFFFFFFF  }
0xb6: {  	_ =	strace $0x9000004E  }
0xb7: {  	_ =	sfence  }
0xb8: {  	s30 =	sld [smem:$0x0];
	_ =	sdelay $0x2  }
0xb9: {  	s31 =	sshll.u32 s1, $0xD;
	s1 =	sshrl.u32 s1, $0x2  }
0xba: {  	s3 =	sand.u32 $0x4000, s31;
	s1 =	sadd.s32 s1, s30  }
0xbb: {  	s0 =	sor.u32 s3, s0;
	s1 =	sshll.u32 s1, $0x11  }
0xbc: {  	s0 =	sor.u32 s1, s0  }
0xbd: {  	s0 =	sadd.s32 $0x8F2B, s0  }
0xbe: {  	[sflag:s0] =	ssyncadd.remote.s32 $0x1  }
0xbf: {  	_ =	sfence.sel $0xFFFF  }
0xc0: {  	[dreg:$0x0] =	wrdreg $0xFFFFFFFF;
	(pc) =	sbr.abs _section_cstart, $3  }
0xc1: {  	[dreg:$0x1] =	wrdreg $0xFFFFFFFF  }
0xc2: {  	_ =	task.clear_ibuf [dreg:s7], $0x2FFFF;
	_ =	strace $0x9FFFFFFF  }
0xc3: {  	(tm) =	ssettm $0x7FFFFFFF  }
tec
execute0_lowered:
.L_overlay_start_1:
0x0: {  	(tag) =	ssettag $0x1  }
0x1: {  	s0 =	srdreg.scid;
	s1 =	rddreg [dreg:$0x0]  }
0x2: {  	s12 =	stileid.u32;
	s3 =	rddreg [dreg:$0x1]  }
0x3: {  	s4 =	simm.s32 $0x0;
	s18 =	simm.s32 $0x5;
	s19 =	simm.s32 $0x80  }
0x4: {  	s20 =	simm.s32 $0x4F00;
	s31 =	simm.s32 $0x100;
	s30 =	simm.s32 $0x0  }
0x5: {  	s0 =	sand.u32 $0x1, s0;
	[smem:$0x7FF] =	sst s4;
	s9 =	smul.u32 $0x13880, s12  }
0x6: {  	s4 =	sadd.s32 $0x77E00, s1;
	s5 =	sadd.s32 $0x64400, s1;
	s14 =	sadd.s32 $0xBC00, s1  }
0x7: {  	s21 =	smul.u32 $0x27100, s12;
	s29 =	sshll.u32 s12, $0x6;
	s2 =	sshll.u32 s0, $0x4  }
0x8: {  	s7 =	smul.u32 $0x138800, s0;
	s0 =	ssub.s32 $0x2, s0;
	s16 =	sor.u32 $0x1C05, s29  }
0x9: {  	s6 =	sor.u32 s12, s2;
	s2 =	rddreg [dreg:$0x2];
	_ =	strace $0x8000004D  }
0xa: {  	s11 =	sshrl.u32 s0, $0x1;
	[dreg:$0xb] =	wrdreg s14;
	s8 =	smul.u32 $0x4F0, s6  }
0xb: {  	s7 =	sadd.s32 s9, s7;
	p0 =	seq.s32 s6, $0x1F;
	s0 =	ssub.s32 s0, s11  }
0xc: {  	s6 =	sshrl.u32 s21, $0x2;
	s11 =	simm.s32 @!p0 $0x0;
	s0 =	smax.u32 s0, $0x1  }
0xd: {  	s9 =	sshrl.u32 s7, $0x3;
	s11 =	simm.s32 @p0 $0x1;
	[dreg:$0xa] =	wrdreg s0  }
0xe: {  	s10 =	sadd.s32 s8, s1;
	s8 =	sadd.s32 s3, s8;
	[smem:$0x7FD] =	sst s11  }
0xf: {  	s7 =	simm.s32 $0x33;
	s3 =	sadd.s32 $0x9910, s3;
	[dreg:$0x4] =	wrdreg s8  }
0x10: {  	s9 =	sadd.s32 s9, s1;
	s1 =	sadd.s32 $0xB710, s1;
	[dreg:$0x6] =	wrdreg s3  }
0x11: {  	s23 =	sadd.s32 s6, s2;
	s22 =	sadd.s32 $0x1E00, s10;
	[dreg:$0x7] =	wrdreg s1  }
0x12: {  	s7 =	simm.s32 @!p0 $0x4F;
	s25 =	sadd.s32 $0x8B800, s9;
	[dreg:$0x5] =	wrdreg s22  }
0x13: {  	s24 =	sshll.u32 s7, $0x9;
	s26 =	sadd.s32 $0x8B808, s9;
	[dreg:$0x8] =	wrdreg s25  }
0x14: {  	s17 =	sshrl.u32 s23, $0x3;
	[dreg:$0x9] =	wrdreg s26;
	s28 =	sadd.s32 $0x600, s24  }
0x15: {  	s22 =	simm.s32 $0x6F00;
	s26 =	simm.s32 $0x1;
	s15 =	sand.u32 $0x1F800, s28  }
.LBB2_1:
0x16: {  	s0 =	sld [smem:$0x7FD];
	_ =	sdelay $0x2  }
0x17: {  	p0 =	seq.s32 s0, $0x1  }
0x18: {  	s1 =	rddreg [dreg:$0x6];
	s0 =	simm.s32 @p0 $0x0  }
0x19: {  	[tilespmem:s0], [sflag:$0x5] =	stream.linear.gather @p0 [hbm4b:s1+s0], $0x1980, $0x38;
	[tilespmem:$0x16B40] =	vst v63  }
0x1a: {  	s1 =	simm.s32 @p0 $0x5  }
0x1b: {  	_ =	swait.ge @p0 [sflag:s1], $0x1980  }
0x1c: {  	[sflag:s1] =	ssyncset.done @p0 $0x0  }
0x1d: {  	s3 =	simm.s32 @p0 $0x2780;
	s6 =	rddreg [dreg:$0x7];
	[sflag:s1] =	ssyncadd.s32 @p0 $0xFFFFE680  }
0x1e: {  	[tilespmem:s3], [sflag:$0x5] =	stream.linear.gather @p0 [hbm4b:s6+s0], $0x1980, $0x38;
	[tilespmem:$0x16B40] =	vst v63  }
0x1f: {  	_ =	swait.ge @p0 [sflag:s1], $0x1980  }
0x20: {  	[sflag:s1] =	ssyncset.done @p0 $0x0  }
0x21: {  	s0 =	simm.s32 @!p0 $0x0;
	[sflag:s1] =	ssyncadd.s32 @p0 $0xFFFFE680;
	s1 =	rddreg [dreg:$0x4]  }
0x22: {  	[tilespmem:s0], [sflag:$0x5] =	stream.linear.gather @!p0 [hbm4b:s1+s0], $0x2780, $0x38;
	[tilespmem:$0x16B40] =	vst v63  }
0x23: {  	s1 =	simm.s32 @!p0 $0x5  }
0x24: {  	_ =	swait.ge @!p0 [sflag:s1], $0x2780  }
0x25: {  	[sflag:s1] =	ssyncset.done @!p0 $0x0  }
0x26: {  	s3 =	simm.s32 @!p0 $0x2780;
	s6 =	rddreg [dreg:$0x5];
	[sflag:s1] =	ssyncadd.s32 @!p0 $0xFFFFD880  }
0x27: {  	[tilespmem:s3], [sflag:$0x5] =	stream.linear.gather @!p0 [hbm4b:s6+s0], $0x2780, $0x38;
	[tilespmem:$0x16B40] =	vst v63  }
0x28: {  	_ =	swait.ge @!p0 [sflag:s1], $0x2780  }
0x29: {  	[sflag:s1] =	ssyncset.done @!p0 $0x0  }
0x2a: {  	[sflag:s1] =	ssyncadd.s32 @!p0 $0xFFFFD880  }
0x2b: {  	[spmem:s17], [sflag:s16] =	dma.local [hbm:s14], $0x1388  }
0x2c: {  	_ =	swait.ge [sflag:s18], $0x1388  }
0x2d: {  	s21 =	simm.s32 $0x0;
	[sflag:s18] =	ssyncset.done $0x0  }
0x2e: {  	s23 =	simm.s32 $0x180;
	s24 =	simm.s32 $0xAF00;
	[sflag:s18] =	ssyncadd.s32 $0xFFFFEC78  }
0x2f: {  	s25 =	simm.s32 $0x2780;
	p1 =	sle.u32 s7, $0x1;
	[bflag:$0x0] =	sbarrier.arrive $0xFFFF  }
0x30: {  	[tilespmem:s20], [sflag:$0x1] =	stream.indirect.gather [hbm4b:s4+s19], $0x40, s21, s19, $0xb8;
	[tilespmem:$0x16B40] =	vst v63  }
0x31: {  	p4 =	sle.u32 s7, $0x2;
	p3 =	sle.u32 s7, $0x3;
	p2 =	sne.s32 s15, $0x800  }
0x32: {  	[tilespmem:s22], [sflag:$0x2] =	stream.indirect.gather [hbm4b:s4+s19], $0x40, s19, s19, $0xb8;
	[tilespmem:$0x16B40] =	vst v63  }
0x33: {  	s9 =	simm.s32 @!p1 $0x5;
	s8 =	simm.s32 @!p1 $0x80;
	s22 =	simm.s32 $0x8F00  }
0x34: {  	[tilespmem:s22], [sflag:$0x3] =	stream.indirect.gather [hbm4b:s4+s19], $0x40, s31, s19, $0xb8;
	[tilespmem:$0x16B40] =	vst v63  }
0x35: {  	s13 =	simm.s32 @!p4 $0x3;
	p6 =	sle.u32 @!p3 s7, $0x7;
	p0 =	sle.u32 s7, $0x4  }
0x36: {  	[tilespmem:s24], [sflag:$0x4] =	stream.indirect.gather [hbm4b:s4+s19], $0x40, s23, s19, $0xb8;
	[tilespmem:$0x16B40] =	vst v63  }
0x37: {  	s10 =	simm.s32 @!p3 $0x5;
	s1 =	simm.s32 @!p0 $0x80;
	_ =	swait.ge [sflag:s26], $0x2000  }
0x38: {  	s0 =	simm.s32 @!p0 $0x200;
	s6 =	simm.s32 @!p0 $0x0;
	[sflag:s26] =	ssyncset.done $0x0  }
0x39: {  	s3 =	simm.s32 @!p0 $0x4F00;
	s6 =	simm.s32 @p0 $0x1;
	[sflag:s26] =	ssyncadd.s32 $0xFFFFE000  }
0x3a: {  	[spmem:s2] =	stream.indirect.scatter.add.f32 [tilespmem:s20], [sflag:$0x5], $0x40, s25, s19, $0xb8;
	[tilespmem:$0x16B40] =	vst v63  }
0x3b: {  	s21 =	simm.s32 @!p4 $0x5;
	_ =	swait.ge [sflag:s18], $0x2000;
	[dreg:$0xc] =	wrdreg s1  }
0x3c: {  	s31 =	simm.s32 $0x7;
	[dreg:$0xd] =	wrdreg s3;
	[sflag:s18] =	ssyncset.done $0x0  }
0x3d: {  	[smem:$0x7F9] =	sst s6;
	s6 =	simm.s32 @!p1 $0x6F00;
	[sflag:s18] =	ssyncadd.s32 $0xFFFFE000  }
0x3e: {  	[tilespmem:s3], [sflag:$0x1] =	stream.indirect.gather @!p0 [hbm4b:s4+s1], $0x40, s0, s1, $0xb8;
	[tilespmem:$0x16B40] =	vst v63  }
0x3f: {  	s3 =	simm.s32 @!p1 $0x2;
	s0 =	simm.s32 @!p1 $0x2800;
	p0 =	sle.u32 @!p1 s7, $0x5  }
0x40: {  	s1 =	simm.s32 @!p1 $0x80;
	_ =	swait.ge @!p1 [sflag:s3], $0x2000;
	[dreg:$0xe] =	wrdreg s8  }
0x41: {  	s8 =	simm.s32 @!p1 $0x6F00;
	p0 =	por p0, p1;
	[sflag:s3] =	ssyncset.done @!p1 $0x0  }
0x42: {  	[dreg:$0xf] =	wrdreg s8;
	s8 =	simm.s32 @!p1 $0x0;
	[sflag:s3] =	ssyncadd.s32 @!p1 $0xFFFFE000  }
0x43: {  	[spmem:s2] =	stream.indirect.scatter.add.f32 @!p1 [tilespmem:s6], [sflag:$0x5], $0x40, s0, s1, $0xb8;
	[tilespmem:$0x16B40] =	vst v63  }
0x44: {  	s24 =	simm.s32 @!p3 $0x4;
	s8 =	simm.s32 @p1 $0x1;
	s1 =	simm.s32 @!p0 $0x6F00  }
0x45: {  	s0 =	simm.s32 @!p0 $0x280;
	s6 =	simm.s32 @!p0 $0x80;
	_ =	swait.ge @!p1 [sflag:s9], $0x2000  }
0x46: {  	s25 =	smov.u32 s1;
	[smem:$0x7FA] =	sst s8;
	s8 =	simm.s32 @!p0 $0x0  }
0x47: {  	s28 =	smov.u32 s6;
	[sflag:s9] =	ssyncset.done @!p1 $0x0;
	s8 =	simm.s32 @p0 $0x1  }
0x48: {  	[sflag:s9] =	ssyncadd.s32 @!p1 $0xFFFFE000;
	p1 =	por p3, p3;
	[smem:$0x7FB] =	sst s8  }
0x49: {  	[tilespmem:s1], [sflag:$0x2] =	stream.indirect.gather @!p0 [hbm4b:s4+s6], $0x40, s0, s6, $0xb8;
	[tilespmem:$0x16B40] =	vst v63  }
0x4a: {  	s0 =	simm.s32 @!p4 $0x2880;
	p0 =	sle.u32 @!p4 s7, $0x6;
	_ =	swait.ge @!p4 [sflag:s13], $0x2000  }
0x4b: {  	s1 =	simm.s32 @!p4 $0x80;
	p0 =	por p0, p4;
	[sflag:s13] =	ssyncset.done @!p4 $0x0  }
0x4c: {  	s6 =	simm.s32 @!p4 $0x8F00;
	s8 =	simm.s32 @!p0 $0x0;
	[sflag:s13] =	ssyncadd.s32 @!p4 $0xFFFFE000  }
0x4d: {  	[spmem:s2] =	stream.indirect.scatter.add.f32 @!p4 [tilespmem:s6], [sflag:$0x5], $0x40, s0, s1, $0xb8;
	[tilespmem:$0x16B40] =	vst v63  }
0x4e: {  	s8 =	simm.s32 @p0 $0x1;
	s1 =	simm.s32 @!p0 $0x8F00;
	_ =	swait.ge @!p4 [sflag:s21], $0x2000  }
0x4f: {  	s0 =	simm.s32 @!p0 $0x300;
	s6 =	simm.s32 @!p0 $0x80;
	[sflag:s21] =	ssyncset.done @!p4 $0x0  }
0x50: {  	s29 =	smov.u32 s1;
	[smem:$0x7FC] =	sst s8;
	[sflag:s21] =	ssyncadd.s32 @!p4 $0xFFFFE000  }
0x51: {  	[tilespmem:s1], [sflag:$0x3] =	stream.indirect.gather @!p0 [hbm4b:s4+s6], $0x40, s0, s6, $0xb8;
	[tilespmem:$0x16B40] =	vst v63  }
.Ltmp0:
0x52: {  	s23 =	smov.u32 s6;
	_ =	swait.ge @!p3 [sflag:s24], $0x2000;
	(pc) =	sbr.rel @!p2 .LBB2_3-.Ltmp0, $4  }
0x53: {  	s8 =	simm.s32 @!p3 $0xAF00;
	s6 =	simm.s32 $0x800;
	[sflag:s24] =	ssyncset.done @!p3 $0x0  }
0x54: {  	s0 =	simm.s32 @!p3 $0x2900;
	s1 =	simm.s32 @!p3 $0x80;
	[sflag:s24] =	ssyncadd.s32 @!p3 $0xFFFFE000  }
0x55: {  	[spmem:s2] =	stream.indirect.scatter.add.f32 @!p3 [tilespmem:s8], [sflag:$0x5], $0x40, s0, s1, $0xb8;
	[tilespmem:$0x16B40] =	vst v63  }
0x56: {  	p0 =	por p6, p6;
	s1 =	simm.s32 @!p3 $0x5;
	s0 =	simm.s32 $0x0  }
.LBB2_2:
0x57: {  	_ =	swait.ge @!p1 [sflag:s10], $0x2000;
	p0 =	por p0, p1  }
0x58: {  	s11 =	smov.u32 s6;
	s6 =	sadd.s32 $0x800, s6;
	s8 =	smov.u32 s31  }
0x59: {  	[sflag:s10] =	ssyncset.done @!p1 $0x0;
	s0 =	sshra.s32 @!p0 s0, $0x2;
	s12 =	simm.s32 @!p0 $0x80  }
0x5a: {  	[sflag:s10] =	ssyncadd.s32 @!p1 $0xFFFFE000;
	s0 =	sadd.s32 @!p0 $0x380, s0;
	s10 =	simm.s32 @!p0 $0xAF00  }
0x5b: {  	[tilespmem:s10], [sflag:$0x4] =	stream.indirect.gather @!p0 [hbm4b:s4+s12], $0x40, s0, s12, $0xb8;
	[tilespmem:$0x16B40] =	vst v63  }
0x5c: {  	p5 =	sne.s32 s15, s6;
	s0 =	smov.u32 s11  }
0x5d: {  	_ =	swait.ge [sflag:s26], $0x2000  }
0x5e: {  	s10 =	sshra.s32 s0, $0x2;
	[sflag:s26] =	ssyncset.done $0x0  }
0x5f: {  	s11 =	sadd.s32 $0x1, s31;
	s10 =	sadd.s32 $0x2780, s10;
	[sflag:s26] =	ssyncadd.s32 $0xFFFFE000  }
0x60: {  	[spmem:s2] =	stream.indirect.scatter.add.f32 [tilespmem:s20], [sflag:$0x5], $0x40, s10, s19, $0xb8;
	[tilespmem:$0x16B40] =	vst v63  }
0x61: {  	p0 =	sge.u32 s11, s7;
	s10 =	sadd.s32 $0xFFFFFFFE, s31;
	_ =	swait.ge [sflag:s18], $0x2000  }
0x62: {  	s11 =	sshra.s32 @!p0 s0, $0x2;
	s12 =	simm.s32 @!p0 $0x80;
	[sflag:s18] =	ssyncset.done $0x0  }
0x63: {  	s14 =	simm.s32 @!p0 $0x4F00;
	s11 =	sadd.s32 @!p0 $0x200, s11;
	[sflag:s18] =	ssyncadd.s32 $0xFFFFE000  }
0x64: {  	[tilespmem:s14], [sflag:$0x1] =	stream.indirect.gather @!p0 [hbm4b:s4+s12], $0x40, s11, s12, $0xb8;
	[tilespmem:$0x16B40] =	vst v63  }
0x65: {  	s31 =	sadd.s32 $0x4, s31;
	p0 =	sge.u32 s10, s7;
	s10 =	sadd.s32 $0xFFFFFFFF, s8  }
0x66: {  	s11 =	simm.s32 @!p0 $0x2;
	s12 =	sshra.s32 @!p0 s0, $0x2;
	s14 =	sadd.s32 @!p0 $0x2, s8  }
0x67: {  	s12 =	sadd.s32 @!p0 $0x2800, s12;
	p1 =	sge.u32 @!p0 s14, s7;
	_ =	swait.ge @!p0 [sflag:s11], $0x2000  }
0x68: {  	s22 =	simm.s32 @!p0 $0x6F00;
	s14 =	simm.s32 @!p0 $0x80;
	[sflag:s11] =	ssyncset.done @!p0 $0x0  }
0x69: {  	p2 =	por p1, p0;
	[sflag:s11] =	ssyncadd.s32 @!p0 $0xFFFFE000;
	s11 =	simm.s32 @!p0 $0x5  }
0x6a: {  	[spmem:s2] =	stream.indirect.scatter.add.f32 @!p0 [tilespmem:s22], [sflag:$0x5], $0x40, s12, s14, $0xb8;
	[tilespmem:$0x16B40] =	vst v63  }
0x6b: {  	s12 =	sshra.s32 @!p2 s0, $0x2;
	s14 =	simm.s32 @!p2 $0x6F00;
	_ =	swait.ge @!p0 [sflag:s11], $0x2000  }
0x6c: {  	s22 =	simm.s32 @!p2 $0x80;
	s12 =	sadd.s32 @!p2 $0x280, s12;
	[sflag:s11] =	ssyncset.done @!p0 $0x0  }
0x6d: {  	p1 =	sge.u32 s8, s7;
	[sflag:s11] =	ssyncadd.s32 @!p0 $0xFFFFE000;
	p0 =	sge.u32 s10, s7  }
0x6e: {  	[tilespmem:s14], [sflag:$0x2] =	stream.indirect.gather @!p2 [hbm4b:s4+s22], $0x40, s12, s22, $0xb8;
	[tilespmem:$0x16B40] =	vst v63  }
0x6f: {  	s10 =	simm.s32 @!p0 $0x3;
	s11 =	sshra.s32 @!p0 s0, $0x2;
	s12 =	sadd.s32 @!p0 $0x3, s8  }
0x70: {  	s11 =	sadd.s32 @!p0 $0x2880, s11;
	p2 =	sge.u32 @!p0 s12, s7;
	_ =	swait.ge @!p0 [sflag:s10], $0x2000  }
0x71: {  	s14 =	simm.s32 @!p0 $0x8F00;
	s12 =	simm.s32 @!p0 $0x80;
	[sflag:s10] =	ssyncset.done @!p0 $0x0  }
0x72: {  	p2 =	por p2, p0;
	[sflag:s10] =	ssyncadd.s32 @!p0 $0xFFFFE000;
	s10 =	simm.s32 @!p0 $0x5  }
0x73: {  	[spmem:s2] =	stream.indirect.scatter.add.f32 @!p0 [tilespmem:s14], [sflag:$0x5], $0x40, s11, s12, $0xb8;
	[tilespmem:$0x16B40] =	vst v63  }
0x74: {  	s11 =	sshra.s32 @!p2 s0, $0x2;
	s12 =	simm.s32 @!p2 $0x8F00;
	_ =	swait.ge @!p0 [sflag:s10], $0x2000  }
0x75: {  	s14 =	simm.s32 @!p2 $0x80;
	s11 =	sadd.s32 @!p2 $0x300, s11;
	[sflag:s10] =	ssyncset.done @!p0 $0x0  }
0x76: {  	s22 =	sshra.s32 @!p1 s0, $0x2;
	[sflag:s10] =	ssyncadd.s32 @!p0 $0xFFFFE000;
	s10 =	simm.s32 @!p1 $0x4  }
0x77: {  	[tilespmem:s12], [sflag:$0x3] =	stream.indirect.gather @!p2 [hbm4b:s4+s14], $0x40, s11, s14, $0xb8;
	[tilespmem:$0x16B40] =	vst v63  }
.Ltmp1:
0x78: {  	_ = 	snop;
	(pc) =	sbr.rel @p5 .LBB2_2-.Ltmp1, $4  }
0x79: {  	s8 =	sadd.s32 @!p1 $0x4, s8;
	s11 =	sadd.s32 @!p1 $0x2900, s22;
	_ =	swait.ge @!p1 [sflag:s10], $0x2000  }
0x7a: {  	s12 =	simm.s32 @!p1 $0x80;
	s14 =	simm.s32 @!p1 $0xAF00;
	[sflag:s10] =	ssyncset.done @!p1 $0x0  }
0x7b: {  	p0 =	sge.u32 @!p1 s8, s7;
	[sflag:s10] =	ssyncadd.s32 @!p1 $0xFFFFE000;
	s10 =	simm.s32 @!p1 $0x5  }
0x7c: {  	[spmem:s2] =	stream.indirect.scatter.add.f32 @!p1 [tilespmem:s14], [sflag:$0x5], $0x40, s11, s12, $0xb8;
	[tilespmem:$0x16B40] =	vst v63  }
.LBB2_3:
0x7d: {  	_ =	swait.ge @!p1 [sflag:s10], $0x2000;
	p0 =	por p0, p1  }
0x7e: {  	[sflag:s10] =	ssyncset.done @!p1 $0x0;
	s0 =	sshra.s32 @!p0 s0, $0x2;
	s6 =	simm.s32 @!p0 $0x80  }
0x7f: {  	s8 =	simm.s32 @!p0 $0xAF00;
	[sflag:s10] =	ssyncadd.s32 @!p1 $0xFFFFE000;
	s0 =	sadd.s32 @!p0 $0x380, s0  }
0x80: {  	[tilespmem:s8], [sflag:$0x4] =	stream.indirect.gather @!p0 [hbm4b:s4+s6], $0x40, s0, s6, $0xb8;
	[tilespmem:$0x16B40] =	vst v63  }
0x81: {  	[bflag:$0x0] =	sbarrier.arrive $0xFFFF  }
0x82: {  	s14 =	simm.s32 $0x10;
	s22 =	simm.s32 $0x8;
	s12 =	rddreg [dreg:$0x8]  }
0x83: {  	[hbm:s12@s14], [sflag:s16] =	dma.strided [spmem:s17@s22], $0x1388, s26, $0x8   }
0x84: {  	_ =	swait.ge [sflag:s18], $0x1388  }
0x85: {  	[sflag:s18] =	ssyncset.done $0x0  }
0x86: {  	[sflag:s18] =	ssyncadd.s32 $0xFFFFEC78  }
0x87: {  	[bflag:$0x0] =	sbarrier.arrive $0xFFFF  }
0x88: {  	s14 =	rddreg [dreg:$0xb]  }
0x89: {  	[spmem:s17], [sflag:s16] =	dma.local [hbm:s14], $0x1388  }
0x8a: {  	_ =	swait.ge [sflag:s18], $0x1388  }
0x8b: {  	[sflag:s18] =	ssyncset.done $0x0  }
0x8c: {  	[sflag:s18] =	ssyncadd.s32 $0xFFFFEC78  }
0x8d: {  	s6 =	simm.s32 $0x0;
	[bflag:$0x0] =	sbarrier.arrive $0xFFFF  }
0x8e: {  	[tilespmem:s20], [sflag:$0x1] =	stream.indirect.gather [hbm4b:s5+s19], $0x40, s6, s19, $0xb8;
	[tilespmem:$0x16B40] =	vst v63  }
0x8f: {  	s22 =	simm.s32 $0x6F00  }
0x90: {  	[tilespmem:s22], [sflag:$0x2] =	stream.indirect.gather [hbm4b:s5+s19], $0x40, s19, s19, $0xb8;
	[tilespmem:$0x16B40] =	vst v63  }
0x91: {  	s31 =	simm.s32 $0x100;
	s10 =	simm.s32 $0x8F00  }
0x92: {  	[tilespmem:s10], [sflag:$0x3] =	stream.indirect.gather [hbm4b:s5+s19], $0x40, s31, s19, $0xb8;
	[tilespmem:$0x16B40] =	vst v63  }
0x93: {  	s11 =	simm.s32 $0x180;
	s12 =	simm.s32 $0xAF00  }
0x94: {  	[tilespmem:s12], [sflag:$0x4] =	stream.indirect.gather [hbm4b:s5+s19], $0x40, s11, s19, $0xb8;
	[tilespmem:$0x16B40] =	vst v63  }
0x95: {  	_ =	swait.ge [sflag:s26], $0x2000  }
0x96: {  	[sflag:s26] =	ssyncset.done $0x0  }
0x97: {  	s8 =	simm.s32 $0x2780;
	[sflag:s26] =	ssyncadd.s32 $0xFFFFE000  }
0x98: {  	[spmem:s2] =	stream.indirect.scatter.add.f32 [tilespmem:s20], [sflag:$0x5], $0x40, s8, s19, $0xb8;
	[tilespmem:$0x16B40] =	vst v63  }
0x99: {  	_ =	swait.ge [sflag:s18], $0x2000  }
0x9a: {  	s10 =	sld [smem:$0x7F9];
	_ =	sdelay $0x1  }
0x9b: {  	s8 =	rddreg [dreg:$0xc]  }
0x9c: {  	[sflag:s18] =	ssyncset.done $0x0;
	s11 =	sld [smem:$0x7FA];
	p0 =	seq.s32 s10, $0x1  }
0x9d: {  	[sflag:s18] =	ssyncadd.s32 $0xFFFFE000;
	s10 =	rddreg [dreg:$0xd];
	s0 =	simm.s32 @!p0 $0x200  }
0x9e: {  	[tilespmem:s10], [sflag:$0x1] =	stream.indirect.gather @!p0 [hbm4b:s5+s8], $0x40, s0, s8, $0xb8;
	[tilespmem:$0x16B40] =	vst v63  }
0x9f: {  	p0 =	seq.s32 s11, $0x1  }
0xa0: {  	_ =	swait.ge @!p0 [sflag:s3], $0x2000  }
0xa1: {  	[sflag:s3] =	ssyncset.done @!p0 $0x0;
	s8 =	rddreg [dreg:$0xf]  }
0xa2: {  	s0 =	simm.s32 @!p0 $0x2800;
	[sflag:s3] =	ssyncadd.s32 @!p0 $0xFFFFE000;
	s3 =	rddreg [dreg:$0xe]  }
0xa3: {  	[spmem:s2] =	stream.indirect.scatter.add.f32 @!p0 [tilespmem:s8], [sflag:$0x5], $0x40, s0, s3, $0xb8;
	[tilespmem:$0x16B40] =	vst v63  }
0xa4: {  	_ =	swait.ge @!p0 [sflag:s9], $0x2000  }
0xa5: {  	s12 =	sld [smem:$0x7FB];
	_ =	sdelay $0x1  }
0xa6: {  	[sflag:s9] =	ssyncset.done @!p0 $0x0  }
0xa7: {  	[sflag:s9] =	ssyncadd.s32 @!p0 $0xFFFFE000;
	p0 =	seq.s32 s12, $0x1  }
0xa8: {  	s0 =	simm.s32 @!p0 $0x280  }
0xa9: {  	[tilespmem:s25], [sflag:$0x2] =	stream.indirect.gather @!p0 [hbm4b:s5+s28], $0x40, s0, s28, $0xb8;
	[tilespmem:$0x16B40] =	vst v63  }
0xaa: {  	_ =	swait.ge @!p4 [sflag:s13], $0x2000  }
0xab: {  	s3 =	simm.s32 @!p4 $0x80;
	[sflag:s13] =	ssyncset.done @!p4 $0x0  }
0xac: {  	s8 =	simm.s32 @!p4 $0x8F00;
	s0 =	simm.s32 @!p4 $0x2880;
	[sflag:s13] =	ssyncadd.s32 @!p4 $0xFFFFE000  }
0xad: {  	[spmem:s2] =	stream.indirect.scatter.add.f32 @!p4 [tilespmem:s8], [sflag:$0x5], $0x40, s0, s3, $0xb8;
	[tilespmem:$0x16B40] =	vst v63  }
0xae: {  	_ =	swait.ge @!p4 [sflag:s21], $0x2000  }
0xaf: {  	s28 =	sld [smem:$0x7FC];
	_ =	sdelay $0x2  }
0xb0: {  	[sflag:s21] =	ssyncset.done @!p4 $0x0;
	p0 =	seq.s32 s28, $0x1  }
0xb1: {  	[sflag:s21] =	ssyncadd.s32 @!p4 $0xFFFFE000;
	s0 =	simm.s32 @!p0 $0x300  }
0xb2: {  	[tilespmem:s29], [sflag:$0x3] =	stream.indirect.gather @!p0 [hbm4b:s5+s23], $0x40, s0, s23, $0xb8;
	[tilespmem:$0x16B40] =	vst v63  }
0xb3: {  	p0 =	sne.s32 s15, $0x800  }
.Ltmp2:
0xb4: {  	_ =	swait.ge @!p3 [sflag:s24], $0x2000;
	(pc) =	sbr.rel @!p0 .LBB2_5-.Ltmp2, $4  }
0xb5: {  	s3 =	simm.s32 @!p3 $0x80;
	[sflag:s24] =	ssyncset.done @!p3 $0x0  }
0xb6: {  	s8 =	simm.s32 @!p3 $0xAF00;
	s0 =	simm.s32 @!p3 $0x2900;
	[sflag:s24] =	ssyncadd.s32 @!p3 $0xFFFFE000  }
0xb7: {  	[spmem:s2] =	stream.indirect.scatter.add.f32 @!p3 [tilespmem:s8], [sflag:$0x5], $0x40, s0, s3, $0xb8;
	[tilespmem:$0x16B40] =	vst v63  }
0xb8: {  	s0 =	simm.s32 $0x800;
	s3 =	simm.s32 $0x7  }
.LBB2_4:
0xb9: {  	_ =	swait.ge @!p3 [sflag:s1], $0x2000;
	p0 =	por p6, p3  }
0xba: {  	s9 =	smov.u32 s0;
	s0 =	sadd.s32 $0x800, s0;
	s8 =	smov.u32 s3  }
0xbb: {  	[sflag:s1] =	ssyncset.done @!p3 $0x0;
	s6 =	sshra.s32 @!p0 s6, $0x2;
	s10 =	simm.s32 @!p0 $0x80  }
0xbc: {  	[sflag:s1] =	ssyncadd.s32 @!p3 $0xFFFFE000;
	s1 =	sadd.s32 @!p0 $0x380, s6;
	s6 =	simm.s32 @!p0 $0xAF00  }
0xbd: {  	[tilespmem:s6], [sflag:$0x4] =	stream.indirect.gather @!p0 [hbm4b:s5+s10], $0x40, s1, s10, $0xb8;
	[tilespmem:$0x16B40] =	vst v63  }
0xbe: {  	p2 =	sne.s32 s15, s0;
	s6 =	smov.u32 s9  }
0xbf: {  	_ =	swait.ge [sflag:s26], $0x2000  }
0xc0: {  	s1 =	sshra.s32 s6, $0x2;
	[sflag:s26] =	ssyncset.done $0x0  }
0xc1: {  	s9 =	sadd.s32 $0x1, s3;
	s1 =	sadd.s32 $0x2780, s1;
	[sflag:s26] =	ssyncadd.s32 $0xFFFFE000  }
0xc2: {  	[spmem:s2] =	stream.indirect.scatter.add.f32 [tilespmem:s20], [sflag:$0x5], $0x40, s1, s19, $0xb8;
	[tilespmem:$0x16B40] =	vst v63  }
0xc3: {  	p0 =	sge.u32 s9, s7;
	s1 =	sadd.s32 $0xFFFFFFFE, s3;
	_ =	swait.ge [sflag:s18], $0x2000  }
0xc4: {  	s9 =	sshra.s32 @!p0 s6, $0x2;
	s10 =	simm.s32 @!p0 $0x80;
	[sflag:s18] =	ssyncset.done $0x0  }
0xc5: {  	s11 =	simm.s32 @!p0 $0x4F00;
	s9 =	sadd.s32 @!p0 $0x200, s9;
	[sflag:s18] =	ssyncadd.s32 $0xFFFFE000  }
0xc6: {  	[tilespmem:s11], [sflag:$0x1] =	stream.indirect.gather @!p0 [hbm4b:s5+s10], $0x40, s9, s10, $0xb8;
	[tilespmem:$0x16B40] =	vst v63  }
0xc7: {  	s3 =	sadd.s32 $0x4, s3;
	p0 =	sge.u32 s1, s7;
	s1 =	sadd.s32 $0xFFFFFFFF, s8  }
0xc8: {  	s9 =	simm.s32 @!p0 $0x2;
	s10 =	sshra.s32 @!p0 s6, $0x2;
	s11 =	sadd.s32 @!p0 $0x2, s8  }
0xc9: {  	s10 =	sadd.s32 @!p0 $0x2800, s10;
	p1 =	sge.u32 @!p0 s11, s7;
	_ =	swait.ge @!p0 [sflag:s9], $0x2000  }
0xca: {  	s12 =	simm.s32 @!p0 $0x6F00;
	s11 =	simm.s32 @!p0 $0x80;
	[sflag:s9] =	ssyncset.done @!p0 $0x0  }
0xcb: {  	p1 =	por p1, p0;
	[sflag:s9] =	ssyncadd.s32 @!p0 $0xFFFFE000;
	s9 =	simm.s32 @!p0 $0x5  }
0xcc: {  	[spmem:s2] =	stream.indirect.scatter.add.f32 @!p0 [tilespmem:s12], [sflag:$0x5], $0x40, s10, s11, $0xb8;
	[tilespmem:$0x16B40] =	vst v63  }
0xcd: {  	s10 =	sshra.s32 @!p1 s6, $0x2;
	s11 =	simm.s32 @!p1 $0x6F00;
	_ =	swait.ge @!p0 [sflag:s9], $0x2000  }
0xce: {  	s12 =	simm.s32 @!p1 $0x80;
	s10 =	sadd.s32 @!p1 $0x280, s10;
	[sflag:s9] =	ssyncset.done @!p0 $0x0  }
0xcf: {  	p3 =	sge.u32 s8, s7;
	[sflag:s9] =	ssyncadd.s32 @!p0 $0xFFFFE000;
	p0 =	sge.u32 s1, s7  }
0xd0: {  	[tilespmem:s11], [sflag:$0x2] =	stream.indirect.gather @!p1 [hbm4b:s5+s12], $0x40, s10, s12, $0xb8;
	[tilespmem:$0x16B40] =	vst v63  }
0xd1: {  	s1 =	simm.s32 @!p0 $0x3;
	s9 =	sshra.s32 @!p0 s6, $0x2;
	s10 =	sadd.s32 @!p0 $0x3, s8  }
0xd2: {  	s9 =	sadd.s32 @!p0 $0x2880, s9;
	p1 =	sge.u32 @!p0 s10, s7;
	_ =	swait.ge @!p0 [sflag:s1], $0x2000  }
0xd3: {  	s11 =	simm.s32 @!p0 $0x8F00;
	s10 =	simm.s32 @!p0 $0x80;
	[sflag:s1] =	ssyncset.done @!p0 $0x0  }
0xd4: {  	p1 =	por p1, p0;
	[sflag:s1] =	ssyncadd.s32 @!p0 $0xFFFFE000;
	s1 =	simm.s32 @!p0 $0x5  }
0xd5: {  	[spmem:s2] =	stream.indirect.scatter.add.f32 @!p0 [tilespmem:s11], [sflag:$0x5], $0x40, s9, s10, $0xb8;
	[tilespmem:$0x16B40] =	vst v63  }
0xd6: {  	s9 =	sshra.s32 @!p1 s6, $0x2;
	s10 =	simm.s32 @!p1 $0x8F00;
	_ =	swait.ge @!p0 [sflag:s1], $0x2000  }
0xd7: {  	s11 =	simm.s32 @!p1 $0x80;
	s9 =	sadd.s32 @!p1 $0x300, s9;
	[sflag:s1] =	ssyncset.done @!p0 $0x0  }
0xd8: {  	s12 =	sshra.s32 @!p3 s6, $0x2;
	[sflag:s1] =	ssyncadd.s32 @!p0 $0xFFFFE000;
	s1 =	simm.s32 @!p3 $0x4  }
0xd9: {  	[tilespmem:s10], [sflag:$0x3] =	stream.indirect.gather @!p1 [hbm4b:s5+s11], $0x40, s9, s11, $0xb8;
	[tilespmem:$0x16B40] =	vst v63  }
.Ltmp3:
0xda: {  	_ = 	snop;
	(pc) =	sbr.rel @p2 .LBB2_4-.Ltmp3, $4  }
0xdb: {  	s8 =	sadd.s32 @!p3 $0x4, s8;
	s9 =	sadd.s32 @!p3 $0x2900, s12;
	_ =	swait.ge @!p3 [sflag:s1], $0x2000  }
0xdc: {  	s10 =	simm.s32 @!p3 $0x80;
	s11 =	simm.s32 @!p3 $0xAF00;
	[sflag:s1] =	ssyncset.done @!p3 $0x0  }
0xdd: {  	p6 =	sge.u32 @!p3 s8, s7;
	[sflag:s1] =	ssyncadd.s32 @!p3 $0xFFFFE000;
	s1 =	simm.s32 @!p3 $0x5  }
0xde: {  	[spmem:s2] =	stream.indirect.scatter.add.f32 @!p3 [tilespmem:s11], [sflag:$0x5], $0x40, s9, s10, $0xb8;
	[tilespmem:$0x16B40] =	vst v63  }
.LBB2_5:
0xdf: {  	_ =	swait.ge @!p3 [sflag:s1], $0x2000;
	p0 =	por p6, p3  }
0xe0: {  	[sflag:s1] =	ssyncset.done @!p3 $0x0;
	s0 =	sshra.s32 @!p0 s6, $0x2;
	s3 =	simm.s32 @!p0 $0x80  }
0xe1: {  	[sflag:s1] =	ssyncadd.s32 @!p3 $0xFFFFE000;
	s0 =	sadd.s32 @!p0 $0x380, s0;
	s1 =	simm.s32 @!p0 $0xAF00  }
0xe2: {  	[tilespmem:s1], [sflag:$0x4] =	stream.indirect.gather @!p0 [hbm4b:s5+s3], $0x40, s0, s3, $0xb8;
	[tilespmem:$0x16B40] =	vst v63  }
0xe3: {  	[bflag:$0x0] =	sbarrier.arrive $0xFFFF  }
0xe4: {  	s25 =	simm.s32 $0x10;
	s28 =	simm.s32 $0x8;
	s24 =	rddreg [dreg:$0x9]  }
0xe5: {  	[hbm:s24@s25], [sflag:s16] =	dma.strided [spmem:s17@s28], $0x1388, s26, $0x8   }
0xe6: {  	_ =	swait.ge [sflag:s18], $0x1388  }
0xe7: {  	s30 =	sadd.s32 $0x1, s30;
	s29 =	rddreg [dreg:$0xa]  }
0xe8: {  	p0 =	sne.s32 s30, s29  }
.Ltmp4:
0xe9: {  	_ = 	snop;
	(pc) =	sbr.rel @p0 .LBB2_1-.Ltmp4, $3  }
0xea: {  	[sflag:s18] =	ssyncset.done $0x0  }
0xeb: {  	[sflag:s18] =	ssyncadd.s32 $0xFFFFEC78  }
0xec: {  	[bflag:$0x0] =	sbarrier.arrive $0xFFFF;
	_ =	sdelay $0x1  }
0xed: {  	_ =	sfence.sel $0x180000  }
0xee: {  	[bflag:$0x0] =	sbarrier.arrive $0xFFFF  }
0xef: {  	_ =	strace $0x9000004D  }
0xf0: {  	s0 =	stileid.u32;
	[bflag:$0x2] =	sbarrier.arrive $0xFFFF  }
0xf1: {  	p0 =	sne.s32 s0, $0x0;
	s0 =	rddreg [dreg:$0x3]  }
0xf2: {  	s0 =	sadd.s32 @!p0 $0x100000, s0  }
0xf3: {  	[sflag:s0] =	ssyncadd.tile.s32 @!p0 $0x1;
	_ =	shalt  }
.Lfunc_end2:
_tile_overlayer_lowered:
.L_overlay_start_2:
0xf4: {  	(tag) =	ssettag $0x2  }
0xf5: {  	s0 =	rddreg [dreg:$0x0];
	s2 =	stileid.u32  }
0xf6: {  	s1 =	rddreg [dreg:$0x1];
	p0 =	sne.s32 s2, $0x0  }
0xf7: {  	s3 =	rddreg [dreg:$0x2];
	[bflag:$0x3] =	sbarrier.arrive $0xFFFF;
	s2 =	simm.s32 @!p0 $0x1C05  }
0xf8: {  	[timem:s3], [sflag:s2] =	dma.local @!p0 [hbm:s0], s1  }
0xf9: {  	s0 =	simm.s32 @!p0 $0x5  }
0xfa: {  	_ =	swait.ge @!p0 [sflag:s0], s1  }
0xfb: {  	s1 =	ssub.s32 @!p0 $0x0, s1;
	[sflag:s0] =	ssyncset.done @!p0 $0x0  }
0xfc: {  	[sflag:s0] =	ssyncadd.s32 @!p0 s1  }
0xfd: {  	[bflag:$0x3] =	sbarrier.arrive $0xFFFF  }
0xfe: {  	_ =	shalt  }

// kernel: kernel.8.cloned.1.call-start
scs
__scs_entry_jumppad:
0x0: {  	(pc) =	sbr.rel $0x88, $3  }
0x1: {  	(tag) =	ssettag $0x0;
	lr =	simm.s32 $0x1  }
0x2: {  	[smem:$0x3F99] =	sst lr;
	_ =	strace $0xD0000000  }
0x3: {  	_ = 	snop  }
0x4: {  	_ = 	snop  }
0x5: {  	_ = 	snop  }
0x6: {  	_ = 	snop  }
0x7: {  	_ = 	snop  }
__scs_overlays_trampoline_lowered:
0x8: {  	[smem:$0x3FA8] =	sst s0  }
0x9: {  	[smem:$0x3FA9] =	sst s1  }
0xa: {  	[smem:$0x3FAA] =	sst s2  }
0xb: {  	[smem:$0x3FAB] =	sst s3  }
0xc: {  	[smem:$0x3FAC] =	sst s4  }
0xd: {  	[smem:$0x3FAD] =	sst s5  }
0xe: {  	[smem:$0x3FAE] =	sst s6  }
0xf: {  	[smem:$0x3FAF] =	sst s7  }
0x10: {  	[smem:$0x3FB0] =	sst s8  }
0x11: {  	[smem:$0x3FB1] =	sst s9;
	s0 =	simm.s32 @!p0 $0x0  }
0x12: {  	s1 =	sld [smem:$0x3F97];
	s0 =	simm.s32 @p0 $0x1  }
0x13: {  	[smem:$0x3FB2] =	sst s0;
	s0 =	simm.s32 @!p1 $0x0  }
0x14: {  	s2 =	sld [smem:$0x3F96];
	s0 =	simm.s32 @p1 $0x1  }
0x15: {  	[smem:$0x3FB3] =	sst s0;
	s0 =	simm.s32 @!p2 $0x0  }
0x16: {  	s3 =	sld [smem:$0x3FDB];
	s0 =	simm.s32 @p2 $0x1  }
0x17: {  	s4 =	simm.s32 $0x1BF5;
	[smem:$0x3FB5] =	sst s0  }
0x18: {  	s0 =	sld [smem:$0x3F98];
	_ =	swait.ge [sflag:s4], $0x0  }
0x19: {  	s7 =	sld [smem:$0x3F99]  }
0x1a: {  	s8 =	sadd.s32 $0xFFFFE003, lr  }
0x1b: {  	s9 =	sadd.s32 $0xFFFFFEF7, lr;
	s5 =	simm.s32 $0xFFFFFFFF;
	p2 =	slt.u32 s8, $0xFFFFF086  }
0x1c: {  	p1 =	slt.u32 s9, $0xF7A;
	s5 =	simm.s32 @!p2 $0x0  }
0x1d: {  	s5 =	simm.s32 @p1 $0x1;
	p0 =	seq.s32 s7, s2  }
0x1e: {  	s7 =	smul.u32 @!p0 $0xF7A, s2;
	p2 =	seq.s32 @!p0 s5, $0x0  }
0x1f: {  	s9 =	smul.u32 $0xF7A, s1;
	s8 =	simm.s32 @!p0 $0x1BF5;
	p2 =	por !p2, p0  }
0x20: {  	[sflag:s8] =	ssyncset.s32 @!p0 $0xFFFFF086;
	s6 =	sadd.s32 @!p0 s3, s7;
	s7 =	simm.s32 @!p0 $0x108  }
0x21: {  	s3 =	sadd.s32 s3, s9;
	s6 =	sadd.s32 @!p0 $0x88, s6;
	s7 =	simm.s32 @p2 $0x1082  }
0x22: {  	[simem:s7], [sflag:s8] =	dma.local @!p0 [hbm:s6], $0xF7A  }
0x23: {  	s9 =	sor.u32 $0xD0000000, s2;
	s6 =	simm.s32 $0x108;
	_ =	swait.ge @!p0 [sflag:s8], $0x0  }
0x24: {  	s3 =	sadd.s32 $0x88, s3;
	s6 =	simm.s32 @!p1 $0x1082;
	[sflag:s4] =	ssyncset.s32 $0xFFFFF086  }
0x25: {  	[simem:s6], [sflag:s4] =	dma.local [hbm:s3], $0xF7A  }
0x26: {  	[smem:$0x3F99] =	sst s1;
	(tag) =	ssettag s2;
	_ =	strace s9  }
0x27: {  	s1 =	sld [smem:$0x3FA9]  }
0x28: {  	s2 =	sld [smem:$0x3FAA]  }
0x29: {  	s4 =	sld [smem:$0x3FAC]  }
0x2a: {  	p0 =	seq.s32 s5, $0x0;
	s5 =	sld [smem:$0x3FAD]  }
0x2b: {  	s6 =	sld [smem:$0x3FAE]  }
0x2c: {  	s7 =	sld [smem:$0x3FAF]  }
0x2d: {  	s3 =	simm.s32 $0x108;
	s8 =	sld [smem:$0x3FB0]  }
0x2e: {  	s3 =	simm.s32 @!p0 $0x1082;
	s9 =	sld [smem:$0x3FB1]  }
0x2f: {  	lr =	sadd.s32 s0, s3;
	s0 =	sld [smem:$0x3FA8]  }
0x30: {  	s3 =	sld [smem:$0x3FAB]  }
0x31: {  	[smem:$0x3FB4] =	sst s10  }
0x32: {  	s10 =	sld [smem:$0x3FB2];
	_ =	sdelay $0x3  }
0x33: {  	p0 =	seq.s32 s10, $0x1;
	s10 =	sld [smem:$0x3FB4];
	_ =	sdelay $0x3  }
0x34: {  	[smem:$0x3FB4] =	sst s10  }
0x35: {  	s10 =	sld [smem:$0x3FB3];
	_ =	sdelay $0x3  }
0x36: {  	p1 =	seq.s32 s10, $0x1;
	s10 =	sld [smem:$0x3FB4];
	_ =	sdelay $0x3  }
0x37: {  	[smem:$0x3FB4] =	sst s10  }
0x38: {  	s10 =	sld [smem:$0x3FB5]  }
0x39: {  	_ = 	snop;
	(pc) =	sbr.ind lr, $3  }
0x3a: {  	_ = 	snop  }
0x3b: {  	_ = 	snop  }
0x3c: {  	p2 =	seq.s32 s10, $0x1;
	s10 =	sld [smem:$0x3FB4]  }
0x3d: {  	_ =	shalt  }
0x3e: {  	_ =	shalt  }
0x3f: {  	_ =	shalt  }
0x40: {  	_ =	shalt  }
0x41: {  	_ =	shalt  }
0x42: {  	_ =	shalt  }
0x43: {  	_ =	shalt  }
0x44: {  	_ =	shalt  }
0x45: {  	_ =	shalt  }
0x46: {  	_ =	shalt  }
0x47: {  	_ =	shalt  }
0x48: {  	_ =	shalt  }
0x49: {  	_ =	shalt  }
0x4a: {  	_ =	shalt  }
0x4b: {  	_ =	shalt  }
0x4c: {  	_ =	shalt  }
0x4d: {  	_ =	shalt  }
0x4e: {  	_ =	shalt  }
0x4f: {  	_ =	shalt  }
0x50: {  	_ =	shalt  }
0x51: {  	_ =	shalt  }
0x52: {  	_ =	shalt  }
0x53: {  	_ =	shalt  }
0x54: {  	_ =	shalt  }
0x55: {  	_ =	shalt  }
0x56: {  	_ =	shalt  }
0x57: {  	_ =	shalt  }
0x58: {  	_ =	shalt  }
0x59: {  	_ =	shalt  }
0x5a: {  	_ =	shalt  }
0x5b: {  	_ =	shalt  }
0x5c: {  	_ =	shalt  }
0x5d: {  	_ =	shalt  }
0x5e: {  	_ =	shalt  }
0x5f: {  	_ =	shalt  }
0x60: {  	_ =	shalt  }
0x61: {  	_ =	shalt  }
0x62: {  	_ =	shalt  }
0x63: {  	_ =	shalt  }
0x64: {  	_ =	shalt  }
0x65: {  	_ =	shalt  }
0x66: {  	_ =	shalt  }
0x67: {  	_ =	shalt  }
0x68: {  	_ =	shalt  }
0x69: {  	_ =	shalt  }
0x6a: {  	_ =	shalt  }
0x6b: {  	_ =	shalt  }
0x6c: {  	_ =	shalt  }
0x6d: {  	_ =	shalt  }
0x6e: {  	_ =	shalt  }
0x6f: {  	_ =	shalt  }
0x70: {  	_ =	shalt  }
0x71: {  	_ =	shalt  }
0x72: {  	_ =	shalt  }
0x73: {  	_ =	shalt  }
0x74: {  	_ =	shalt  }
0x75: {  	_ =	shalt  }
0x76: {  	_ =	shalt  }
0x77: {  	_ =	shalt  }
0x78: {  	_ =	shalt  }
0x79: {  	_ =	shalt  }
0x7a: {  	_ =	shalt  }
0x7b: {  	_ =	shalt  }
0x7c: {  	_ =	shalt  }
0x7d: {  	_ =	shalt  }
0x7e: {  	_ =	shalt  }
0x7f: {  	_ =	shalt  }
0x80: {  	_ =	shalt  }
0x81: {  	_ =	shalt  }
0x82: {  	_ =	shalt  }
0x83: {  	_ =	shalt  }
0x84: {  	_ =	shalt  }
0x85: {  	_ =	shalt  }
0x86: {  	_ =	shalt  }
0x87: {  	_ =	shalt  }
.Lfunc_end0:
.L_simem_size_0:
called_computation_lowered:
.L_overlay_start_0:
0x88: {  	s2 =	sld [smem:$0x3FD9]  }
0x89: {  	s3 =	sld [smem:$0x3FFE];
	_ =	sdelay $0x1  }
0x8a: {  	s1 =	srdreg.scid  }
0x8b: {  	s0 =	sand.u32 $0x1, s1  }
0x8c: {  	s16 =	sshll.u32 s0, $0xA;
	s2 =	sadd.s32 s3, s2  }
0x8d: {  	s2 =	sadd.s32 s2, s16  }
0x8e: {  	[smem:$0x3FC0] =	sst s2  }
0x8f: {  	_ = 	snop  }
0x90: {  	(tm) =	ssettm $0x1  }
0x91: {  	s17 =	sld [smem:$0x3FFB];
	_ =	sdelay $0x3  }
0x92: {  	_ =	strace s17  }
0x93: {  	s2 =	sld [smem:$0x3FFC];
	_ =	sdelay $0x3  }
0x94: {  	_ =	strace s2  }
0x95: {  	s2 =	sld [smem:$0x3FFD];
	_ =	sdelay $0x3  }
0x96: {  	_ =	strace s2  }
0x97: {  	_ =	strace $0x8FFFFFFF  }
0x98: {  	s18 =	sld [smem:$0x3FDB];
	_ =	sdelay $0x1  }
0x99: {  	s19 =	simm.s32 $_scs_section_size  }
0x9a: {  	s4 =	simm.s32 $_size__tile_overlayer_lowered;
	s5 =	simm.s32 $_tile_overlayer_lowered  }
0x9b: {  	s22 =	simm.s32 $0x1BFF;
	s21 =	sshll.u32 s5, $0x1;
	s2 =	sadd.s32 s19, s18  }
0x9c: {  	s6 =	simm.s32 $0x0;
	s20 =	sshll.u32 s4, $0x1;
	s4 =	sadd.s32 s21, s2  }
0x9d: {  	[timem:s6], [sflag:s22] =	dma.local [hbm:s4], s20  }
0x9e: {  	_ =	swait.ge [sflag:s22], s20  }
0x9f: {  	s3 =	ssub.s32 $0x0, s20;
	[sflag:s22] =	ssyncset.done $0x0  }
0xa0: {  	[sflag:s22] =	ssyncadd.s32 s3;
	_ =	sdelay $0x1  }
0xa1: {  	s23 =	simm.s32 $0x1B8B  }
0xa2: {  	_ =	swait.ge [sflag:s23], $0x1  }
0xa3: {  	[sflag:s23] =	ssyncset.done $0x0  }
0xa4: {  	s25 =	simm.s32 $0x1B8E;
	s24 =	sld [smem:$0x3FFE];
	[sflag:s23] =	ssyncadd.s32 $0xFFFFFFFF  }
0xa5: {  	s26 =	simm.s32 $execute0_lowered;
	[smem:$0x3FD2] =	sst s25  }
0xa6: {  	s4 =	sshll.u32 s26, $0x1;
	_ =	strace $0x80000046;
	[dreg:$0x1] =	wrdreg $0xFFFFFFFF  }
0xa7: {  	s28 =	simm.s32 $_size_execute0_lowered;
	s2 =	sadd.s32 s2, s4;
	[dreg:$0x0] =	wrdreg $0x0  }
0xa8: {  	s4 =	sshll.u32 s28, $0x1;
	[dreg:$0x2] =	wrdreg s2  }
0xa9: {  	[dreg:$0x3] =	wrdreg s4  }
0xaa: {  	[dreg:$0x4] =	wrdreg $0xC0  }
0xab: {  	_ =	task [dreg:s6], $0x5FFFF  }
0xac: {  	[dreg:$0x1] =	wrdreg $0xFFFFFFFF  }
0xad: {  	[dreg:$0x0] =	wrdreg $0x60  }
0xae: {  	[dreg:$0x2] =	wrdreg s24  }
0xaf: {  	[dreg:$0x3] =	wrdreg $0x2F800  }
0xb0: {  	[dreg:$0x4] =	wrdreg $0x9  }
0xb1: {  	_ =	task.clear_ibuf [dreg:s6], $0x5FFFF;
	_ =	strace $0x90000046  }
0xb2: {  	s29 =	simm.s32 $0x9;
	_ =	strace $0x80000048  }
0xb3: {  	_ =	swait.ge [sflag:s29], $0x1  }
0xb4: {  	[sflag:s29] =	ssyncadd.s32 $0xFFFFFFFF  }
0xb5: {  	_ =	strace $0x90000048  }
0xb6: {  	_ =	sfence  }
0xb7: {  	s30 =	sld [smem:$0x0];
	_ =	sdelay $0x2  }
0xb8: {  	s31 =	sshll.u32 s1, $0xD;
	s1 =	sshrl.u32 s1, $0x2  }
0xb9: {  	s3 =	sand.u32 $0x4000, s31;
	s1 =	sadd.s32 s1, s30  }
0xba: {  	s0 =	sor.u32 s3, s0;
	s1 =	sshll.u32 s1, $0x11  }
0xbb: {  	s0 =	sor.u32 s1, s0  }
0xbc: {  	s0 =	sadd.s32 $0x8F2B, s0  }
0xbd: {  	[sflag:s0] =	ssyncadd.remote.s32 $0x1  }
0xbe: {  	_ =	sfence.sel $0xFFFF  }
0xbf: {  	[dreg:$0x0] =	wrdreg $0xFFFFFFFF;
	(pc) =	sbr.abs _section_cstart, $3  }
0xc0: {  	[dreg:$0x1] =	wrdreg $0xFFFFFFFF  }
0xc1: {  	_ =	task.clear_ibuf [dreg:s6], $0x2FFFF;
	_ =	strace $0x9FFFFFFF  }
0xc2: {  	(tm) =	ssettm $0x7FFFFFFF  }
0xc3: {  	_ =	shalt  }
tec
execute0_lowered:
.L_overlay_start_1:
0x0: {  	(tag) =	ssettag $0x1  }
0x1: {  	s0 =	srdreg.scid;
	s9 =	rddreg [dreg:$0x0]  }
0x2: {  	s2 =	rddreg [dreg:$0x1];
	s3 =	simm.s32 $0x0;
	s14 =	simm.s32 $0x2780  }
0x3: {  	s15 =	simm.s32 $0x80;
	s4 =	sand.u32 $0x1, s0;
	s0 =	stileid.u32  }
0x4: {  	s16 =	simm.s32 $0x0;
	[smem:$0x7FF] =	sst s3;
	s7 =	smul.u32 $0x2710, s0  }
0x5: {  	s1 =	sshll.u32 s4, $0x4;
	s8 =	smul.u32 $0x27100, s4;
	s30 =	ssub.s32 $0x2, s4  }
0x6: {  	s4 =	sadd.s32 $0xC200, s9;
	s31 =	sshll.u32 s0, $0x6;
	s6 =	sor.u32 s0, s1  }
0x7: {  	s1 =	rddreg [dreg:$0x2];
	_ =	strace $0x80000047;
	s12 =	sshrl.u32 s30, $0x1  }
0x8: {  	s5 =	smul.u32 $0x4F0, s6;
	s29 =	sadd.s32 s7, s8;
	s12 =	ssub.s32 s30, s12  }
0x9: {  	p0 =	seq.s32 s6, $0x1F;
	s6 =	simm.s32 $0x33;
	s13 =	sadd.s32 s7, s2  }
0xa: {  	s7 =	sor.u32 $0x1C01, s31;
	s11 =	sshrl.u32 s29, $0x3;
	s6 =	simm.s32 @!p0 $0x4F  }
0xb: {  	s10 =	sadd.s32 s5, s9;
	s5 =	sadd.s32 $0xBC00, s9;
	s11 =	sadd.s32 s11, s9  }
0xc: {  	s9 =	sadd.s32 $0xB710, s9;
	s8 =	sadd.s32 $0x1E00, s10;
	s10 =	sadd.s32 $0xC400, s11  }
0xd: {  	s11 =	smax.u32 s12, $0x1;
	s12 =	sshrl.u32 s13, $0x3;
	s13 =	simm.s32 $0x1  }
.LBB2_1:
0xe: {  	[spmem:s12], [sflag:s7] =	dma.local [hbm:s5], $0x4E2  }
0xf: {  	_ =	swait.ge [sflag:s13], $0x4E2  }
0x10: {  	[sflag:s13] =	ssyncset.done $0x0  }
0x11: {  	[sflag:s13] =	ssyncadd.s32 $0xFFFFFB1E  }
0x12: {  	[tilespmem:s14], [sflag:$0x1] =	stream.linear.gather [hbm4b:s4+s3], $0x800, $0x38;
	[tilespmem:$0x5690] =	vst v63  }
0x13: {  	_ =	swait.ge [sflag:s13], $0x800  }
0x14: {  	[sflag:s13] =	ssyncset.done $0x0  }
0x15: {  	s17 =	simm.s32 @p0 $0x0;
	[sflag:s13] =	ssyncadd.s32 $0xFFFFF800  }
0x16: {  	[tilespmem:s17], [sflag:$0x1] =	stream.linear.gather @p0 [hbm4b:s9+s17], $0x1980, $0x38;
	[tilespmem:$0x5690] =	vst v63  }
0x17: {  	s17 =	simm.s32 @p0 $0x1  }
0x18: {  	_ =	swait.ge @p0 [sflag:s17], $0x1980  }
0x19: {  	[sflag:s17] =	ssyncset.done @p0 $0x0  }
0x1a: {  	[sflag:s17] =	ssyncadd.s32 @p0 $0xFFFFE680;
	s17 =	simm.s32 @!p0 $0x0  }
0x1b: {  	[tilespmem:s17], [sflag:$0x1] =	stream.linear.gather @!p0 [hbm4b:s8+s17], $0x2780, $0x38;
	[tilespmem:$0x5690] =	vst v63  }
0x1c: {  	s17 =	simm.s32 @!p0 $0x1  }
0x1d: {  	_ =	swait.ge @!p0 [sflag:s17], $0x2780  }
0x1e: {  	p1 =	sne.s32 s6, $0x1;
	[sflag:s17] =	ssyncset.done @!p0 $0x0  }
.Ltmp0:
0x1f: {  	[sflag:s17] =	ssyncadd.s32 @!p0 $0xFFFFD880;
	(pc) =	sbr.rel @!p1 .LBB2_3-.Ltmp0, $4  }
0x20: {  	[bflag:$0x0] =	sbarrier.arrive $0xFFFF  }
0x21: {  	[spmem:s2] =	stream.indirect.scatter.add.f32 [tilespmem:s14], [sflag:$0x1], $0x10, s3, s15, $0xb8;
	[tilespmem:$0x5690] =	vst v63  }
0x22: {  	_ =	swait.ge [sflag:s13], $0x800  }
0x23: {  	s18 =	simm.s32 $0x0;
	s17 =	sadd.s32 $0xFFFFFFFF, s6;
	[sflag:s13] =	ssyncset.done $0x0  }
.LBB2_2:
0x24: {  	p1 =	sne.s32 s17, $0x1;
	[sflag:s13] =	ssyncadd.s32 $0xFFFFF800;
	s18 =	sadd.s32 $0x80, s18  }
.Ltmp1:
0x25: {  	s17 =	sadd.s32 $0xFFFFFFFF, s17;
	(pc) =	sbr.rel @p1 .LBB2_2-.Ltmp1, $4  }
0x26: {  	_ = 	snop  }
0x27: {  	[spmem:s2] =	stream.indirect.scatter.add.f32 [tilespmem:s14], [sflag:$0x1], $0x10, s18, s15, $0xb8;
	[tilespmem:$0x5690] =	vst v63  }
0x28: {  	_ =	swait.ge [sflag:s13], $0x800  }
0x29: {  	[sflag:s13] =	ssyncset.done $0x0  }
.LBB2_3:
0x2a: {  	s16 =	sadd.s32 $0x1, s16  }
0x2b: {  	[sflag:s13] =	ssyncadd.s32 $0xFFFFF800;
	p1 =	sne.s32 s16, s11  }
.Ltmp2:
0x2c: {  	[bflag:$0x0] =	sbarrier.arrive $0xFFFF;
	(pc) =	sbr.rel @p1 .LBB2_1-.Ltmp2, $4  }
0x2d: {  	[hbm:s10], [sflag:s7] =	dma.local [spmem:s12], $0x4E2  }
0x2e: {  	_ =	swait.ge [sflag:s13], $0x4E2  }
0x2f: {  	[sflag:s13] =	ssyncset.done $0x0  }
0x30: {  	[sflag:s13] =	ssyncadd.s32 $0xFFFFFB1E  }
0x31: {  	_ =	sfence.sel $0x180000  }
0x32: {  	[bflag:$0x0] =	sbarrier.arrive $0xFFFF  }
0x33: {  	p0 =	sne.s32 s0, $0x0;
	_ =	strace $0x90000047  }
0x34: {  	s0 =	sadd.s32 @!p0 $0x100000, s1;
	[bflag:$0x2] =	sbarrier.arrive $0xFFFF  }
0x35: {  	[sflag:s0] =	ssyncadd.tile.s32 @!p0 $0x1;
	_ =	shalt  }
.Lfunc_end2:
_tile_overlayer_lowered:
.L_overlay_start_2:
0x36: {  	(tag) =	ssettag $0x2  }
0x37: {  	s0 =	rddreg [dreg:$0x0];
	s2 =	stileid.u32  }
0x38: {  	s1 =	rddreg [dreg:$0x1];
	p0 =	sne.s32 s2, $0x0  }
0x39: {  	s3 =	rddreg [dreg:$0x2];
	[bflag:$0x3] =	sbarrier.arrive $0xFFFF;
	s2 =	simm.s32 @!p0 $0x1C01  }
0x3a: {  	[timem:s3], [sflag:s2] =	dma.local @!p0 [hbm:s0], s1  }
0x3b: {  	s0 =	simm.s32 @!p0 $0x1  }
0x3c: {  	_ =	swait.ge @!p0 [sflag:s0], s1  }
0x3d: {  	s1 =	ssub.s32 @!p0 $0x0, s1;
	[sflag:s0] =	ssyncset.done @!p0 $0x0  }
0x3e: {  	[sflag:s0] =	ssyncadd.s32 @!p0 s1  }
0x3f: {  	[bflag:$0x3] =	sbarrier.arrive $0xFFFF  }
0x40: {  	_ =	shalt  }

</sc_bundles>
